<compile_context>
chip_gen: v7x
topology: tpu7x:2x2x1
jax: 0.10.2.dev20260603
libtpu: 0.0.44.dev20260713+nightly
codegen_flags: <defaults>
</compile_context>

<pallas_src>
import jax
import jax.numpy as jnp
from jax import lax
from jax.experimental import pallas as pl
from jax.experimental.pallas import tpu as pltpu
from jax.experimental.pallas import tpu_sc as plsc

N_COLS = 26
N_CAT = 1000
DIM = 77
DIM_PAD = 80
B = 16384
D_DENSE = 13
D_OUT = D_DENSE + N_COLS * DIM

NC = 2
NS = 16
NW = NC * NS
ROWS_PER_W = B // NW
CB = 16
NCHUNK = ROWS_PER_W // CB
NIDX = N_COLS * CB
_GBATCH = ((0, 128), (128, 128), (256, 128), (384, 32))

_SEG_OFFS = (0, 16, 32, 48, DIM - 16)


def _sc_body(x1_hbm, embp_hbm, tabf_hbm, out1_hbm, etmp_v, stg_v, idx_v,
             gall_v, xbuf_v, sbuf_v, sem_ld, sem_g, sem_w):
    wid = lax.axis_index("s") * NC + lax.axis_index("c")
    wbase = wid * ROWS_PER_W

    def ld_descs(ci):
        sl = lax.rem(ci, 2)
        sl3 = lax.rem(ci, 3)
        base = wbase + ci * CB
        return (
            pltpu.make_async_copy(embp_hbm.at[pl.ds(base, CB), :],
                                  etmp_v.at[sl], sem_ld),
            pltpu.make_async_copy(
                x1_hbm.at[pl.ds(base * D_DENSE, CB * D_DENSE)],
                xbuf_v.at[sl3, pl.ds(0, CB * D_DENSE)], sem_ld),
        )

    def fire_loads(ci):
        for d in ld_descs(ci):
            d.start()

    def wait_loads(ci):
        for d in ld_descs(ci):
            d.wait()

    def g_descs(sl):
        return [
            pltpu.make_async_copy(
                tabf_hbm.at[idx_v.at[sl, j, pl.ds(0, cnt)]],
                gall_v.at[sl, pl.ds(off, cnt)], sem_g)
            for j, (off, cnt) in enumerate(_GBATCH)
        ]

    def fire_gathers(ci):
        sl = lax.rem(ci, 2)

        def rowrep(r, c2):
            stg_v[sl, pl.ds(r * N_COLS, 16)] = etmp_v[sl, r, pl.ds(0, 16)]
            stg_v[sl, pl.ds(r * N_COLS + 16, 16)] = (
                etmp_v[sl, r, pl.ds(16, 16)])
            return c2

        lax.fori_loop(0, CB, rowrep, 0)
        for m in range(NIDX // 16):
            idx_v[sl, m // 8, pl.ds((m % 8) * 16, 16)] = (
                stg_v[sl, pl.ds(16 * m, 16)])
        for d in g_descs(sl):
            d.start()

    def drain_gathers(ci):
        sl = lax.rem(ci, 2)
        for d in g_descs(sl):
            d.wait()

    def wr_desc(ci):
        base = wbase + ci * CB
        return pltpu.make_async_copy(
            sbuf_v, out1_hbm.at[pl.ds(base * D_OUT, CB * D_OUT)], sem_w)

    def assemble(ci):
        sl = lax.rem(ci, 2)
        sl3 = lax.rem(ci, 3)

        def row_asm(r, c2):
            b0 = r * D_OUT
            sbuf_v[pl.ds(b0, 16)] = xbuf_v[sl3, pl.ds(r * D_DENSE, 16)]
            for i0 in range(0, N_COLS, 2):
                vals = [gall_v[sl, r * N_COLS + i, pl.ds(o, 16)]
                        for i in (i0, i0 + 1) for o in _SEG_OFFS]
                k = 0
                for i in (i0, i0 + 1):
                    for o in _SEG_OFFS:
                        sbuf_v[pl.ds(b0 + D_DENSE + i * DIM + o, 16)] = vals[k]
                        k += 1
            return c2

        lax.fori_loop(0, CB, row_asm, 0)

    fire_loads(0)
    wait_loads(0)
    fire_gathers(0)
    fire_loads(1)

    def body(ci, carry):
        drain_gathers(ci)

        @pl.when(ci + 1 < NCHUNK)
        def _():
            wait_loads(ci + 1)
            fire_gathers(ci + 1)

        @pl.when(ci + 2 < NCHUNK)
        def _():
            fire_loads(ci + 2)

        @pl.when(ci > 0)
        def _():
            wr_desc(ci - 1).wait()

        assemble(ci)
        wr_desc(ci).start()
        return carry

    lax.fori_loop(0, NCHUNK, body, 0)
    wr_desc(NCHUNK - 1).wait()


@jax.jit
def _sc_concat_embed(x1, emb1, tabf):
    mesh = plsc.VectorSubcoreMesh(core_axis_name="c", subcore_axis_name="s",
                                  num_cores=NC, num_subcores=NS)
    return pl.kernel(
        _sc_body,
        out_type=jax.ShapeDtypeStruct((B * D_OUT,), jnp.float32),
        mesh=mesh,
        scratch_types=[
            pltpu.VMEM((2, CB, 128), jnp.int32),
            pltpu.VMEM((2, NIDX + 32), jnp.int32),
            pltpu.VMEM((2, 4, 128), jnp.int32),
            pltpu.VMEM((2, 512, DIM_PAD), jnp.float32),
            pltpu.VMEM((3, CB * D_DENSE + 16), jnp.float32),
            pltpu.VMEM((CB * D_OUT,), jnp.float32),
            pltpu.SemaphoreType.DMA,
            pltpu.SemaphoreType.DMA,
            pltpu.SemaphoreType.DMA,
        ],
        compiler_params=pltpu.CompilerParams(use_tc_tiling_on_sc=False),
    )(x1, emb1, tabf)


def kernel(x, emb_data, tables):
    embp = jnp.pad(emb_data + jnp.arange(N_COLS, dtype=jnp.int32) * N_CAT,
                   ((0, 0), (0, 128 - N_COLS)))
    tabf = jnp.pad(tables.reshape(N_COLS * N_CAT, DIM),
                   ((0, 0), (0, DIM_PAD - DIM)))
    out1 = _sc_concat_embed(x.reshape(B * D_DENSE), embp, tabf)
    return out1.reshape(B, D_OUT)

# --- scband reference (transcript-rebuilt; emitter-appended) ---
"""Pipeline reference for scband-concat-embeddings-layer-4028679324087 (READ-ONLY COPY).

The authoritative reference and input builder live on the scoring server;
editing this copy changes nothing except your own understanding.
"""

import jax, jax.numpy as jnp
import numpy as np

N_COLS = 26
N_CAT = 1000
DIM = max(round(1.6 * N_CAT ** 0.56), 3)  # 77, matches torch module formula
B = 16384
D_DENSE = 13


def setup_inputs(seed: int = 0) -> dict:
    key = jax.random.key(seed)
    k1, k2, k3 = jax.random.split(key, 3)
    x = jax.random.normal(k1, (B, D_DENSE), dtype=jnp.float32)
    # index dtype int32 in jax (int64 requires x64 mode); values in [0, N_CAT)
    emb_data = jax.random.randint(k2, (B, N_COLS), 0, N_CAT, dtype=jnp.int32)
    # 26 embedding tables, all [N_CAT, DIM] (same vocab per column) stacked into one array
    tables = jax.random.normal(k3, (N_COLS, N_CAT, DIM), dtype=jnp.float32)
    return {"x": x, "emb_data": emb_data, "tables": tables}


def reference(x, emb_data, tables):
    # For each sparse column idx: embedding lookup table_idx[emb_data[..., idx]]
    embs = [jnp.take(tables[i], emb_data[:, i], axis=0) for i in range(N_COLS)]
    # concat dense features with all embeddings along dim 1
    return jnp.concatenate((x, *embs), axis=1)

if __name__ == "__main__":
    import jax
    _d = setup_inputs()
    print(jax.jit(kernel)(*tuple(_d.values())))

</pallas_src>

<mosaic_0001>
#map = affine_map<(d0, d1) -> (0)>
#map1 = affine_map<(d0, d1) -> (0, 0)>
module attributes {stable_mosaic.version = 14 : i64} {
  func.func @_sc_body(%arg0: i32, %arg1: i32, %arg2: memref<212992xf32, #tpu.memory_space<hbm>>, %arg3: memref<16384x128xi32, #tpu.memory_space<hbm>>, %arg4: memref<26000x80xf32, #tpu.memory_space<hbm>>, %arg5: memref<33013760xf32, #tpu.memory_space<hbm>>, %arg6: memref<2x16x128xi32, #tpu.memory_space<vmem>>, %arg7: memref<2x448xi32, #tpu.memory_space<vmem>>, %arg8: memref<2x4x128xi32, #tpu.memory_space<vmem>>, %arg9: memref<2x512x80xf32, #tpu.memory_space<vmem>>, %arg10: memref<3x224xf32, #tpu.memory_space<vmem>>, %arg11: memref<32240xf32, #tpu.memory_space<vmem>>, %arg12: memref<!tpu.dma_semaphore, #tpu.memory_space<semaphore_mem>>, %arg13: memref<!tpu.dma_semaphore, #tpu.memory_space<semaphore_mem>>, %arg14: memref<!tpu.dma_semaphore, #tpu.memory_space<semaphore_mem>>) attributes {dimension_semantics = [#tpu.dimension_semantics<core_parallel>, #tpu.dimension_semantics<subcore_parallel>], iteration_bounds = array<i64: 2, 16>, scalar_prefetch = 0 : i64, scratch_operands = 9 : i64, tpu.core_type = #tpu.core_type<sc_vector_subcore>, window_params = [{transform_indices = #map}, {transform_indices = #map1}, {transform_indices = #map1}, {transform_indices = #map}]} {
    %mul3A = arith.constant 2 : i32
    %mul3A_0 = arith.muli %arg1, %mul3A : i32
    %add3A = arith.addi %mul3A_0, %arg0 : i32
    %mul3A_1 = arith.constant 512 : i32
    %mul3A_2 = arith.muli %add3A, %mul3A_1 : i32
    %rem3A = arith.constant 0 : i32
    %rem3A_3 = arith.constant 2 : i32
    %rem3A_4 = arith.remsi %rem3A, %rem3A_3 : i32
    %rem3A_5 = arith.constant 0 : i32
    %rem3A_6 = arith.constant 3 : i32
    %rem3A_7 = arith.remsi %rem3A_5, %rem3A_6 : i32
    %add3A_8 = arith.constant 0 : i32
    %add3A_9 = arith.addi %mul3A_2, %add3A_8 : i32
    %mul3A_10 = arith.constant 13 : i32
    %mul3A_11 = arith.muli %add3A_9, %mul3A_10 : i32
    %dma_start3A = arith.constant 0 : i32
    %dma_start3A_12 = arith.constant 0 : i32
    %dma_start3A_13 = tpu.memref_slice %arg6[%rem3A_4, %dma_start3A, %dma_start3A_12] : memref<2x16x128xi32, #tpu.memory_space<vmem>> -> memref<1x16x128xi32, #tpu.memory_space<vmem>>
    %dma_start3A_14 = tpu.memref_squeeze %dma_start3A_13 : memref<1x16x128xi32, #tpu.memory_space<vmem>> -> memref<16x128xi32, #tpu.memory_space<vmem>>
    %dma_start3A_15 = arith.constant 0 : i32
    %dma_start3A_16 = tpu.memref_slice %arg3[%add3A_9, %dma_start3A_15] : memref<16384x128xi32, #tpu.memory_space<hbm>> -> memref<16x128xi32, #tpu.memory_space<hbm>>
    %dma_start3A_17 = arith.constant 0 : i32
    %dma_start3A_18 = arith.constant 0 : i32
    %dma_start3A_19 = tpu.memref_slice %arg6[%rem3A_4, %dma_start3A_17, %dma_start3A_18] : memref<2x16x128xi32, #tpu.memory_space<vmem>> -> memref<1x16x128xi32, #tpu.memory_space<vmem>>
    %dma_start3A_20 = tpu.memref_squeeze %dma_start3A_19 : memref<1x16x128xi32, #tpu.memory_space<vmem>> -> memref<16x128xi32, #tpu.memory_space<vmem>>
    %dma_start3A_21 = arith.constant 0 : i32
    %dma_start3A_22 = tpu.memref_slice %arg3[%add3A_9, %dma_start3A_21] : memref<16384x128xi32, #tpu.memory_space<hbm>> -> memref<16x128xi32, #tpu.memory_space<hbm>>
    tpu.enqueue_dma source(%dma_start3A_22 : memref<16x128xi32, #tpu.memory_space<hbm>>) target(%dma_start3A_20 : memref<16x128xi32, #tpu.memory_space<vmem>>) target_semaphore(%arg12 : memref<!tpu.dma_semaphore, #tpu.memory_space<semaphore_mem>>)
    %dma_start3A_23 = arith.constant 0 : i32
    %dma_start3A_24 = tpu.memref_slice %arg10[%rem3A_7, %dma_start3A_23] : memref<3x224xf32, #tpu.memory_space<vmem>> -> memref<1x208xf32, #tpu.memory_space<vmem>>
    %dma_start3A_25 = tpu.memref_squeeze %dma_start3A_24 : memref<1x208xf32, #tpu.memory_space<vmem>> -> memref<208xf32, #tpu.memory_space<vmem>>
    %dma_start3A_26 = tpu.memref_slice %arg2[%mul3A_11] : memref<212992xf32, #tpu.memory_space<hbm>> -> memref<208xf32, #tpu.memory_space<hbm>>
    %dma_start3A_27 = arith.constant 0 : i32
    %dma_start3A_28 = tpu.memref_slice %arg10[%rem3A_7, %dma_start3A_27] : memref<3x224xf32, #tpu.memory_space<vmem>> -> memref<1x208xf32, #tpu.memory_space<vmem>>
    %dma_start3A_29 = tpu.memref_squeeze %dma_start3A_28 : memref<1x208xf32, #tpu.memory_space<vmem>> -> memref<208xf32, #tpu.memory_space<vmem>>
    %dma_start3A_30 = tpu.memref_slice %arg2[%mul3A_11] : memref<212992xf32, #tpu.memory_space<hbm>> -> memref<208xf32, #tpu.memory_space<hbm>>
    tpu.enqueue_dma source(%dma_start3A_30 : memref<208xf32, #tpu.memory_space<hbm>>) target(%dma_start3A_29 : memref<208xf32, #tpu.memory_space<vmem>>) target_semaphore(%arg12 : memref<!tpu.dma_semaphore, #tpu.memory_space<semaphore_mem>>)
    %rem3A_31 = arith.constant 0 : i32
    %rem3A_32 = arith.constant 2 : i32
    %rem3A_33 = arith.remsi %rem3A_31, %rem3A_32 : i32
    %rem3A_34 = arith.constant 0 : i32
    %rem3A_35 = arith.constant 3 : i32
    %rem3A_36 = arith.remsi %rem3A_34, %rem3A_35 : i32
    %add3A_37 = arith.constant 0 : i32
    %add3A_38 = arith.addi %mul3A_2, %add3A_37 : i32
    %mul3A_39 = arith.constant 13 : i32
    %mul3A_40 = arith.muli %add3A_38, %mul3A_39 : i32
    %dma_wait3A = arith.constant 0 : i32
    %dma_wait3A_41 = arith.constant 0 : i32
    %dma_wait3A_42 = tpu.memref_slice %arg6[%rem3A_33, %dma_wait3A, %dma_wait3A_41] : memref<2x16x128xi32, #tpu.memory_space<vmem>> -> memref<1x16x128xi32, #tpu.memory_space<vmem>>
    %dma_wait3A_43 = tpu.memref_squeeze %dma_wait3A_42 : memref<1x16x128xi32, #tpu.memory_space<vmem>> -> memref<16x128xi32, #tpu.memory_space<vmem>>
    %dma_wait3A_44 = arith.constant 0 : i32
    %dma_wait3A_45 = tpu.memref_slice %arg3[%add3A_38, %dma_wait3A_44] : memref<16384x128xi32, #tpu.memory_space<hbm>> -> memref<16x128xi32, #tpu.memory_space<hbm>>
    %dma_wait3A_46 = arith.constant 0 : i32
    %dma_wait3A_47 = arith.constant 0 : i32
    %dma_wait3A_48 = tpu.memref_slice %arg6[%rem3A_33, %dma_wait3A_46, %dma_wait3A_47] : memref<2x16x128xi32, #tpu.memory_space<vmem>> -> memref<1x16x128xi32, #tpu.memory_space<vmem>>
    %dma_wait3A_49 = tpu.memref_squeeze %dma_wait3A_48 : memref<1x16x128xi32, #tpu.memory_space<vmem>> -> memref<16x128xi32, #tpu.memory_space<vmem>>
    %dma_wait3A_50 = arith.constant 0 : i32
    %dma_wait3A_51 = tpu.memref_slice %arg3[%add3A_38, %dma_wait3A_50] : memref<16384x128xi32, #tpu.memory_space<hbm>> -> memref<16x128xi32, #tpu.memory_space<hbm>>
    tpu.wait_dma2 semaphore(%arg12 : memref<!tpu.dma_semaphore, #tpu.memory_space<semaphore_mem>>) src(%dma_wait3A_51 : memref<16x128xi32, #tpu.memory_space<hbm>>) dst(%dma_wait3A_49 : memref<16x128xi32, #tpu.memory_space<vmem>>)
    %dma_wait3A_52 = arith.constant 0 : i32
    %dma_wait3A_53 = tpu.memref_slice %arg10[%rem3A_36, %dma_wait3A_52] : memref<3x224xf32, #tpu.memory_space<vmem>> -> memref<1x208xf32, #tpu.memory_space<vmem>>
    %dma_wait3A_54 = tpu.memref_squeeze %dma_wait3A_53 : memref<1x208xf32, #tpu.memory_space<vmem>> -> memref<208xf32, #tpu.memory_space<vmem>>
    %dma_wait3A_55 = tpu.memref_slice %arg2[%mul3A_40] : memref<212992xf32, #tpu.memory_space<hbm>> -> memref<208xf32, #tpu.memory_space<hbm>>
    %dma_wait3A_56 = arith.constant 0 : i32
    %dma_wait3A_57 = tpu.memref_slice %arg10[%rem3A_36, %dma_wait3A_56] : memref<3x224xf32, #tpu.memory_space<vmem>> -> memref<1x208xf32, #tpu.memory_space<vmem>>
    %dma_wait3A_58 = tpu.memref_squeeze %dma_wait3A_57 : memref<1x208xf32, #tpu.memory_space<vmem>> -> memref<208xf32, #tpu.memory_space<vmem>>
    %dma_wait3A_59 = tpu.memref_slice %arg2[%mul3A_40] : memref<212992xf32, #tpu.memory_space<hbm>> -> memref<208xf32, #tpu.memory_space<hbm>>
    tpu.wait_dma2 semaphore(%arg12 : memref<!tpu.dma_semaphore, #tpu.memory_space<semaphore_mem>>) src(%dma_wait3A_59 : memref<208xf32, #tpu.memory_space<hbm>>) dst(%dma_wait3A_58 : memref<208xf32, #tpu.memory_space<vmem>>)
    %rem3A_60 = arith.constant 0 : i32
    %rem3A_61 = arith.constant 2 : i32
    %rem3A_62 = arith.remsi %rem3A_60, %rem3A_61 : i32
    %scan3A = arith.constant 0 : i32
    %scan3A_63 = arith.constant 0 : i32
    %scan3A_64 = arith.constant 16 : i32
    %scan3A_65 = arith.addi %scan3A_63, %scan3A_64 : i32
    %scan3A_66 = arith.constant 1 : i32
    scf.for %scan3A_438 = %scan3A_63 to %scan3A_65 step %scan3A_66  : i32 {
      %get3A_439 = arith.index_cast %rem3A_62 : i32 to index
      %get3A_440 = arith.index_cast %scan3A_438 : i32 to index
      %get3A_441 = arith.constant 0 : index
      %get3A_442 = tpu.vector_load %arg6[%get3A_439, %get3A_440, %get3A_441] {strides = array<i32>} : memref<2x16x128xi32, #tpu.memory_space<vmem>>, vector<1x1x16xi32>,
      %get3A_443 = vector.shape_cast %get3A_442 : vector<1x1x16xi32> to vector<16xi32>
      %mul3A_444 = arith.constant 26 : i32
      %mul3A_445 = arith.muli %scan3A_438, %mul3A_444 : i32
      %swap3A_446 = arith.index_cast %rem3A_62 : i32 to index
      %swap3A_447 = arith.index_cast %mul3A_445 : i32 to index
      %swap3A_448 = tpu.vector_load %arg7[%swap3A_446, %swap3A_447] {strides = array<i32>} : memref<2x448xi32, #tpu.memory_space<vmem>>, vector<1x16xi32>,
      %swap3A_449 = vector.shape_cast %swap3A_448 : vector<1x16xi32> to vector<16xi32>
      %swap3A_450 = vector.shape_cast %get3A_443 : vector<16xi32> to vector<1x16xi32>
      tpu.vector_store %arg7[%swap3A_446, %swap3A_447], %swap3A_450 {strides = array<i32>} : memref<2x448xi32, #tpu.memory_space<vmem>>, vector<1x16xi32>,
      %get3A_451 = arith.index_cast %rem3A_62 : i32 to index
      %get3A_452 = arith.index_cast %scan3A_438 : i32 to index
      %get3A_453 = arith.constant 16 : index
      %get3A_454 = tpu.vector_load %arg6[%get3A_451, %get3A_452, %get3A_453] {strides = array<i32>} : memref<2x16x128xi32, #tpu.memory_space<vmem>>, vector<1x1x16xi32>,
      %get3A_455 = vector.shape_cast %get3A_454 : vector<1x1x16xi32> to vector<16xi32>
      %mul3A_456 = arith.constant 26 : i32
      %mul3A_457 = arith.muli %scan3A_438, %mul3A_456 : i32
      %add3A_458 = arith.constant 16 : i32
      %add3A_459 = arith.addi %mul3A_457, %add3A_458 : i32
      %swap3A_460 = arith.index_cast %rem3A_62 : i32 to index
      %swap3A_461 = arith.index_cast %add3A_459 : i32 to index
      %swap3A_462 = tpu.vector_load %arg7[%swap3A_460, %swap3A_461] {strides = array<i32>} : memref<2x448xi32, #tpu.memory_space<vmem>>, vector<1x16xi32>,
      %swap3A_463 = vector.shape_cast %swap3A_462 : vector<1x16xi32> to vector<16xi32>
      %swap3A_464 = vector.shape_cast %get3A_455 : vector<16xi32> to vector<1x16xi32>
      tpu.vector_store %arg7[%swap3A_460, %swap3A_461], %swap3A_464 {strides = array<i32>} : memref<2x448xi32, #tpu.memory_space<vmem>>, vector<1x16xi32>,
    }
    %scan3A_67 = arith.constant 16 : i32
    %get3A = arith.index_cast %rem3A_62 : i32 to index
    %get3A_68 = arith.constant 0 : index
    %get3A_69 = tpu.vector_load %arg7[%get3A, %get3A_68] {strides = array<i32>} : memref<2x448xi32, #tpu.memory_space<vmem>>, vector<1x16xi32>,
    %get3A_70 = vector.shape_cast %get3A_69 : vector<1x16xi32> to vector<16xi32>
    %swap3A = arith.constant 0 : i32
    %swap3A_71 = arith.index_cast %rem3A_62 : i32 to index
    %swap3A_72 = arith.index_cast %swap3A : i32 to index
    %swap3A_73 = arith.constant 0 : index
    %swap3A_74 = tpu.vector_load %arg8[%swap3A_71, %swap3A_72, %swap3A_73] {strides = array<i32>} : memref<2x4x128xi32, #tpu.memory_space<vmem>>, vector<1x1x16xi32>,
    %swap3A_75 = vector.shape_cast %swap3A_74 : vector<1x1x16xi32> to vector<16xi32>
    %swap3A_76 = vector.shape_cast %get3A_70 : vector<16xi32> to vector<1x1x16xi32>
    tpu.vector_store %arg8[%swap3A_71, %swap3A_72, %swap3A_73], %swap3A_76 {strides = array<i32>} : memref<2x4x128xi32, #tpu.memory_space<vmem>>, vector<1x1x16xi32>,
    %get3A_77 = arith.index_cast %rem3A_62 : i32 to index
    %get3A_78 = arith.constant 16 : index
    %get3A_79 = tpu.vector_load %arg7[%get3A_77, %get3A_78] {strides = array<i32>} : memref<2x448xi32, #tpu.memory_space<vmem>>, vector<1x16xi32>,
    %get3A_80 = vector.shape_cast %get3A_79 : vector<1x16xi32> to vector<16xi32>
    %swap3A_81 = arith.constant 0 : i32
    %swap3A_82 = arith.index_cast %rem3A_62 : i32 to index
    %swap3A_83 = arith.index_cast %swap3A_81 : i32 to index
    %swap3A_84 = arith.constant 16 : index
    %swap3A_85 = tpu.vector_load %arg8[%swap3A_82, %swap3A_83, %swap3A_84] {strides = array<i32>} : memref<2x4x128xi32, #tpu.memory_space<vmem>>, vector<1x1x16xi32>,
    %swap3A_86 = vector.shape_cast %swap3A_85 : vector<1x1x16xi32> to vector<16xi32>
    %swap3A_87 = vector.shape_cast %get3A_80 : vector<16xi32> to vector<1x1x16xi32>
    tpu.vector_store %arg8[%swap3A_82, %swap3A_83, %swap3A_84], %swap3A_87 {strides = array<i32>} : memref<2x4x128xi32, #tpu.memory_space<vmem>>, vector<1x1x16xi32>,
    %get3A_88 = arith.index_cast %rem3A_62 : i32 to index
    %get3A_89 = arith.constant 32 : index
    %get3A_90 = tpu.vector_load %arg7[%get3A_88, %get3A_89] {strides = array<i32>} : memref<2x448xi32, #tpu.memory_space<vmem>>, vector<1x16xi32>,
    %get3A_91 = vector.shape_cast %get3A_90 : vector<1x16xi32> to vector<16xi32>
    %swap3A_92 = arith.constant 0 : i32
    %swap3A_93 = arith.index_cast %rem3A_62 : i32 to index
    %swap3A_94 = arith.index_cast %swap3A_92 : i32 to index
    %swap3A_95 = arith.constant 32 : index
    %swap3A_96 = tpu.vector_load %arg8[%swap3A_93, %swap3A_94, %swap3A_95] {strides = array<i32>} : memref<2x4x128xi32, #tpu.memory_space<vmem>>, vector<1x1x16xi32>,
    %swap3A_97 = vector.shape_cast %swap3A_96 : vector<1x1x16xi32> to vector<16xi32>
    %swap3A_98 = vector.shape_cast %get3A_91 : vector<16xi32> to vector<1x1x16xi32>
    tpu.vector_store %arg8[%swap3A_93, %swap3A_94, %swap3A_95], %swap3A_98 {strides = array<i32>} : memref<2x4x128xi32, #tpu.memory_space<vmem>>, vector<1x1x16xi32>,
    %get3A_99 = arith.index_cast %rem3A_62 : i32 to index
    %get3A_100 = arith.constant 48 : index
    %get3A_101 = tpu.vector_load %arg7[%get3A_99, %get3A_100] {strides = array<i32>} : memref<2x448xi32, #tpu.memory_space<vmem>>, vector<1x16xi32>,
    %get3A_102 = vector.shape_cast %get3A_101 : vector<1x16xi32> to vector<16xi32>
    %swap3A_103 = arith.constant 0 : i32
    %swap3A_104 = arith.index_cast %rem3A_62 : i32 to index
    %swap3A_105 = arith.index_cast %swap3A_103 : i32 to index
    %swap3A_106 = arith.constant 48 : index
    %swap3A_107 = tpu.vector_load %arg8[%swap3A_104, %swap3A_105, %swap3A_106] {strides = array<i32>} : memref<2x4x128xi32, #tpu.memory_space<vmem>>, vector<1x1x16xi32>,
    %swap3A_108 = vector.shape_cast %swap3A_107 : vector<1x1x16xi32> to vector<16xi32>
    %swap3A_109 = vector.shape_cast %get3A_102 : vector<16xi32> to vector<1x1x16xi32>
    tpu.vector_store %arg8[%swap3A_104, %swap3A_105, %swap3A_106], %swap3A_109 {strides = array<i32>} : memref<2x4x128xi32, #tpu.memory_space<vmem>>, vector<1x1x16xi32>,
    %get3A_110 = arith.index_cast %rem3A_62 : i32 to index
    %get3A_111 = arith.constant 64 : index
    %get3A_112 = tpu.vector_load %arg7[%get3A_110, %get3A_111] {strides = array<i32>} : memref<2x448xi32, #tpu.memory_space<vmem>>, vector<1x16xi32>,
    %get3A_113 = vector.shape_cast %get3A_112 : vector<1x16xi32> to vector<16xi32>
    %swap3A_114 = arith.constant 0 : i32
    %swap3A_115 = arith.index_cast %rem3A_62 : i32 to index
    %swap3A_116 = arith.index_cast %swap3A_114 : i32 to index
    %swap3A_117 = arith.constant 64 : index
    %swap3A_118 = tpu.vector_load %arg8[%swap3A_115, %swap3A_116, %swap3A_117] {strides = array<i32>} : memref<2x4x128xi32, #tpu.memory_space<vmem>>, vector<1x1x16xi32>,
    %swap3A_119 = vector.shape_cast %swap3A_118 : vector<1x1x16xi32> to vector<16xi32>
    %swap3A_120 = vector.shape_cast %get3A_113 : vector<16xi32> to vector<1x1x16xi32>
    tpu.vector_store %arg8[%swap3A_115, %swap3A_116, %swap3A_117], %swap3A_120 {strides = array<i32>} : memref<2x4x128xi32, #tpu.memory_space<vmem>>, vector<1x1x16xi32>,
    %get3A_121 = arith.index_cast %rem3A_62 : i32 to index
    %get3A_122 = arith.constant 80 : index
    %get3A_123 = tpu.vector_load %arg7[%get3A_121, %get3A_122] {strides = array<i32>} : memref<2x448xi32, #tpu.memory_space<vmem>>, vector<1x16xi32>,
    %get3A_124 = vector.shape_cast %get3A_123 : vector<1x16xi32> to vector<16xi32>
    %swap3A_125 = arith.constant 0 : i32
    %swap3A_126 = arith.index_cast %rem3A_62 : i32 to index
    %swap3A_127 = arith.index_cast %swap3A_125 : i32 to index
    %swap3A_128 = arith.constant 80 : index
    %swap3A_129 = tpu.vector_load %arg8[%swap3A_126, %swap3A_127, %swap3A_128] {strides = array<i32>} : memref<2x4x128xi32, #tpu.memory_space<vmem>>, vector<1x1x16xi32>,
    %swap3A_130 = vector.shape_cast %swap3A_129 : vector<1x1x16xi32> to vector<16xi32>
    %swap3A_131 = vector.shape_cast %get3A_124 : vector<16xi32> to vector<1x1x16xi32>
    tpu.vector_store %arg8[%swap3A_126, %swap3A_127, %swap3A_128], %swap3A_131 {strides = array<i32>} : memref<2x4x128xi32, #tpu.memory_space<vmem>>, vector<1x1x16xi32>,
    %get3A_132 = arith.index_cast %rem3A_62 : i32 to index
    %get3A_133 = arith.constant 96 : index
    %get3A_134 = tpu.vector_load %arg7[%get3A_132, %get3A_133] {strides = array<i32>} : memref<2x448xi32, #tpu.memory_space<vmem>>, vector<1x16xi32>,
    %get3A_135 = vector.shape_cast %get3A_134 : vector<1x16xi32> to vector<16xi32>
    %swap3A_136 = arith.constant 0 : i32
    %swap3A_137 = arith.index_cast %rem3A_62 : i32 to index
    %swap3A_138 = arith.index_cast %swap3A_136 : i32 to index
    %swap3A_139 = arith.constant 96 : index
    %swap3A_140 = tpu.vector_load %arg8[%swap3A_137, %swap3A_138, %swap3A_139] {strides = array<i32>} : memref<2x4x128xi32, #tpu.memory_space<vmem>>, vector<1x1x16xi32>,
    %swap3A_141 = vector.shape_cast %swap3A_140 : vector<1x1x16xi32> to vector<16xi32>
    %swap3A_142 = vector.shape_cast %get3A_135 : vector<16xi32> to vector<1x1x16xi32>
    tpu.vector_store %arg8[%swap3A_137, %swap3A_138, %swap3A_139], %swap3A_142 {strides = array<i32>} : memref<2x4x128xi32, #tpu.memory_space<vmem>>, vector<1x1x16xi32>,
    %get3A_143 = arith.index_cast %rem3A_62 : i32 to index
    %get3A_144 = arith.constant 112 : index
    %get3A_145 = tpu.vector_load %arg7[%get3A_143, %get3A_144] {strides = array<i32>} : memref<2x448xi32, #tpu.memory_space<vmem>>, vector<1x16xi32>,
    %get3A_146 = vector.shape_cast %get3A_145 : vector<1x16xi32> to vector<16xi32>
    %swap3A_147 = arith.constant 0 : i32
    %swap3A_148 = arith.index_cast %rem3A_62 : i32 to index
    %swap3A_149 = arith.index_cast %swap3A_147 : i32 to index
    %swap3A_150 = arith.constant 112 : index
    %swap3A_151 = tpu.vector_load %arg8[%swap3A_148, %swap3A_149, %swap3A_150] {strides = array<i32>} : memref<2x4x128xi32, #tpu.memory_space<vmem>>, vector<1x1x16xi32>,
    %swap3A_152 = vector.shape_cast %swap3A_151 : vector<1x1x16xi32> to vector<16xi32>
    %swap3A_153 = vector.shape_cast %get3A_146 : vector<16xi32> to vector<1x1x16xi32>
    tpu.vector_store %arg8[%swap3A_148, %swap3A_149, %swap3A_150], %swap3A_153 {strides = array<i32>} : memref<2x4x128xi32, #tpu.memory_space<vmem>>, vector<1x1x16xi32>,
    %get3A_154 = arith.index_cast %rem3A_62 : i32 to index
    %get3A_155 = arith.constant 128 : index
    %get3A_156 = tpu.vector_load %arg7[%get3A_154, %get3A_155] {strides = array<i32>} : memref<2x448xi32, #tpu.memory_space<vmem>>, vector<1x16xi32>,
    %get3A_157 = vector.shape_cast %get3A_156 : vector<1x16xi32> to vector<16xi32>
    %swap3A_158 = arith.constant 1 : i32
    %swap3A_159 = arith.index_cast %rem3A_62 : i32 to index
    %swap3A_160 = arith.index_cast %swap3A_158 : i32 to index
    %swap3A_161 = arith.constant 0 : index
    %swap3A_162 = tpu.vector_load %arg8[%swap3A_159, %swap3A_160, %swap3A_161] {strides = array<i32>} : memref<2x4x128xi32, #tpu.memory_space<vmem>>, vector<1x1x16xi32>,
    %swap3A_163 = vector.shape_cast %swap3A_162 : vector<1x1x16xi32> to vector<16xi32>
    %swap3A_164 = vector.shape_cast %get3A_157 : vector<16xi32> to vector<1x1x16xi32>
    tpu.vector_store %arg8[%swap3A_159, %swap3A_160, %swap3A_161], %swap3A_164 {strides = array<i32>} : memref<2x4x128xi32, #tpu.memory_space<vmem>>, vector<1x1x16xi32>,
    %get3A_165 = arith.index_cast %rem3A_62 : i32 to index
    %get3A_166 = arith.constant 144 : index
    %get3A_167 = tpu.vector_load %arg7[%get3A_165, %get3A_166] {strides = array<i32>} : memref<2x448xi32, #tpu.memory_space<vmem>>, vector<1x16xi32>,
    %get3A_168 = vector.shape_cast %get3A_167 : vector<1x16xi32> to vector<16xi32>
    %swap3A_169 = arith.constant 1 : i32
    %swap3A_170 = arith.index_cast %rem3A_62 : i32 to index
    %swap3A_171 = arith.index_cast %swap3A_169 : i32 to index
    %swap3A_172 = arith.constant 16 : index
    %swap3A_173 = tpu.vector_load %arg8[%swap3A_170, %swap3A_171, %swap3A_172] {strides = array<i32>} : memref<2x4x128xi32, #tpu.memory_space<vmem>>, vector<1x1x16xi32>,
    %swap3A_174 = vector.shape_cast %swap3A_173 : vector<1x1x16xi32> to vector<16xi32>
    %swap3A_175 = vector.shape_cast %get3A_168 : vector<16xi32> to vector<1x1x16xi32>
    tpu.vector_store %arg8[%swap3A_170, %swap3A_171, %swap3A_172], %swap3A_175 {strides = array<i32>} : memref<2x4x128xi32, #tpu.memory_space<vmem>>, vector<1x1x16xi32>,
    %get3A_176 = arith.index_cast %rem3A_62 : i32 to index
    %get3A_177 = arith.constant 160 : index
    %get3A_178 = tpu.vector_load %arg7[%get3A_176, %get3A_177] {strides = array<i32>} : memref<2x448xi32, #tpu.memory_space<vmem>>, vector<1x16xi32>,
    %get3A_179 = vector.shape_cast %get3A_178 : vector<1x16xi32> to vector<16xi32>
    %swap3A_180 = arith.constant 1 : i32
    %swap3A_181 = arith.index_cast %rem3A_62 : i32 to index
    %swap3A_182 = arith.index_cast %swap3A_180 : i32 to index
    %swap3A_183 = arith.constant 32 : index
    %swap3A_184 = tpu.vector_load %arg8[%swap3A_181, %swap3A_182, %swap3A_183] {strides = array<i32>} : memref<2x4x128xi32, #tpu.memory_space<vmem>>, vector<1x1x16xi32>,
    %swap3A_185 = vector.shape_cast %swap3A_184 : vector<1x1x16xi32> to vector<16xi32>
    %swap3A_186 = vector.shape_cast %get3A_179 : vector<16xi32> to vector<1x1x16xi32>
    tpu.vector_store %arg8[%swap3A_181, %swap3A_182, %swap3A_183], %swap3A_186 {strides = array<i32>} : memref<2x4x128xi32, #tpu.memory_space<vmem>>, vector<1x1x16xi32>,
    %get3A_187 = arith.index_cast %rem3A_62 : i32 to index
    %get3A_188 = arith.constant 176 : index
    %get3A_189 = tpu.vector_load %arg7[%get3A_187, %get3A_188] {strides = array<i32>} : memref<2x448xi32, #tpu.memory_space<vmem>>, vector<1x16xi32>,
    %get3A_190 = vector.shape_cast %get3A_189 : vector<1x16xi32> to vector<16xi32>
    %swap3A_191 = arith.constant 1 : i32
    %swap3A_192 = arith.index_cast %rem3A_62 : i32 to index
    %swap3A_193 = arith.index_cast %swap3A_191 : i32 to index
    %swap3A_194 = arith.constant 48 : index
    %swap3A_195 = tpu.vector_load %arg8[%swap3A_192, %swap3A_193, %swap3A_194] {strides = array<i32>} : memref<2x4x128xi32, #tpu.memory_space<vmem>>, vector<1x1x16xi32>,
    %swap3A_196 = vector.shape_cast %swap3A_195 : vector<1x1x16xi32> to vector<16xi32>
    %swap3A_197 = vector.shape_cast %get3A_190 : vector<16xi32> to vector<1x1x16xi32>
    tpu.vector_store %arg8[%swap3A_192, %swap3A_193, %swap3A_194], %swap3A_197 {strides = array<i32>} : memref<2x4x128xi32, #tpu.memory_space<vmem>>, vector<1x1x16xi32>,
    %get3A_198 = arith.index_cast %rem3A_62 : i32 to index
    %get3A_199 = arith.constant 192 : index
    %get3A_200 = tpu.vector_load %arg7[%get3A_198, %get3A_199] {strides = array<i32>} : memref<2x448xi32, #tpu.memory_space<vmem>>, vector<1x16xi32>,
    %get3A_201 = vector.shape_cast %get3A_200 : vector<1x16xi32> to vector<16xi32>
    %swap3A_202 = arith.constant 1 : i32
    %swap3A_203 = arith.index_cast %rem3A_62 : i32 to index
    %swap3A_204 = arith.index_cast %swap3A_202 : i32 to index
    %swap3A_205 = arith.constant 64 : index
    %swap3A_206 = tpu.vector_load %arg8[%swap3A_203, %swap3A_204, %swap3A_205] {strides = array<i32>} : memref<2x4x128xi32, #tpu.memory_space<vmem>>, vector<1x1x16xi32>,
    %swap3A_207 = vector.shape_cast %swap3A_206 : vector<1x1x16xi32> to vector<16xi32>
    %swap3A_208 = vector.shape_cast %get3A_201 : vector<16xi32> to vector<1x1x16xi32>
    tpu.vector_store %arg8[%swap3A_203, %swap3A_204, %swap3A_205], %swap3A_208 {strides = array<i32>} : memref<2x4x128xi32, #tpu.memory_space<vmem>>, vector<1x1x16xi32>,
    %get3A_209 = arith.index_cast %rem3A_62 : i32 to index
    %get3A_210 = arith.constant 208 : index
    %get3A_211 = tpu.vector_load %arg7[%get3A_209, %get3A_210] {strides = array<i32>} : memref<2x448xi32, #tpu.memory_space<vmem>>, vector<1x16xi32>,
    %get3A_212 = vector.shape_cast %get3A_211 : vector<1x16xi32> to vector<16xi32>
    %swap3A_213 = arith.constant 1 : i32
    %swap3A_214 = arith.index_cast %rem3A_62 : i32 to index
    %swap3A_215 = arith.index_cast %swap3A_213 : i32 to index
    %swap3A_216 = arith.constant 80 : index
    %swap3A_217 = tpu.vector_load %arg8[%swap3A_214, %swap3A_215, %swap3A_216] {strides = array<i32>} : memref<2x4x128xi32, #tpu.memory_space<vmem>>, vector<1x1x16xi32>,
    %swap3A_218 = vector.shape_cast %swap3A_217 : vector<1x1x16xi32> to vector<16xi32>
    %swap3A_219 = vector.shape_cast %get3A_212 : vector<16xi32> to vector<1x1x16xi32>
    tpu.vector_store %arg8[%swap3A_214, %swap3A_215, %swap3A_216], %swap3A_219 {strides = array<i32>} : memref<2x4x128xi32, #tpu.memory_space<vmem>>, vector<1x1x16xi32>,
    %get3A_220 = arith.index_cast %rem3A_62 : i32 to index
    %get3A_221 = arith.constant 224 : index
    %get3A_222 = tpu.vector_load %arg7[%get3A_220, %get3A_221] {strides = array<i32>} : memref<2x448xi32, #tpu.memory_space<vmem>>, vector<1x16xi32>,
    %get3A_223 = vector.shape_cast %get3A_222 : vector<1x16xi32> to vector<16xi32>
    %swap3A_224 = arith.constant 1 : i32
    %swap3A_225 = arith.index_cast %rem3A_62 : i32 to index
    %swap3A_226 = arith.index_cast %swap3A_224 : i32 to index
    %swap3A_227 = arith.constant 96 : index
    %swap3A_228 = tpu.vector_load %arg8[%swap3A_225, %swap3A_226, %swap3A_227] {strides = array<i32>} : memref<2x4x128xi32, #tpu.memory_space<vmem>>, vector<1x1x16xi32>,
    %swap3A_229 = vector.shape_cast %swap3A_228 : vector<1x1x16xi32> to vector<16xi32>
    %swap3A_230 = vector.shape_cast %get3A_223 : vector<16xi32> to vector<1x1x16xi32>
    tpu.vector_store %arg8[%swap3A_225, %swap3A_226, %swap3A_227], %swap3A_230 {strides = array<i32>} : memref<2x4x128xi32, #tpu.memory_space<vmem>>, vector<1x1x16xi32>,
    %get3A_231 = arith.index_cast %rem3A_62 : i32 to index
    %get3A_232 = arith.constant 240 : index
    %get3A_233 = tpu.vector_load %arg7[%get3A_231, %get3A_232] {strides = array<i32>} : memref<2x448xi32, #tpu.memory_space<vmem>>, vector<1x16xi32>,
    %get3A_234 = vector.shape_cast %get3A_233 : vector<1x16xi32> to vector<16xi32>
    %swap3A_235 = arith.constant 1 : i32
    %swap3A_236 = arith.index_cast %rem3A_62 : i32 to index
    %swap3A_237 = arith.index_cast %swap3A_235 : i32 to index
    %swap3A_238 = arith.constant 112 : index
    %swap3A_239 = tpu.vector_load %arg8[%swap3A_236, %swap3A_237, %swap3A_238] {strides = array<i32>} : memref<2x4x128xi32, #tpu.memory_space<vmem>>, vector<1x1x16xi32>,
    %swap3A_240 = vector.shape_cast %swap3A_239 : vector<1x1x16xi32> to vector<16xi32>
    %swap3A_241 = vector.shape_cast %get3A_234 : vector<16xi32> to vector<1x1x16xi32>
    tpu.vector_store %arg8[%swap3A_236, %swap3A_237, %swap3A_238], %swap3A_241 {strides = array<i32>} : memref<2x4x128xi32, #tpu.memory_space<vmem>>, vector<1x1x16xi32>,
    %get3A_242 = arith.index_cast %rem3A_62 : i32 to index
    %get3A_243 = arith.constant 256 : index
    %get3A_244 = tpu.vector_load %arg7[%get3A_242, %get3A_243] {strides = array<i32>} : memref<2x448xi32, #tpu.memory_space<vmem>>, vector<1x16xi32>,
    %get3A_245 = vector.shape_cast %get3A_244 : vector<1x16xi32> to vector<16xi32>
    %swap3A_246 = arith.constant 2 : i32
    %swap3A_247 = arith.index_cast %rem3A_62 : i32 to index
    %swap3A_248 = arith.index_cast %swap3A_246 : i32 to index
    %swap3A_249 = arith.constant 0 : index
    %swap3A_250 = tpu.vector_load %arg8[%swap3A_247, %swap3A_248, %swap3A_249] {strides = array<i32>} : memref<2x4x128xi32, #tpu.memory_space<vmem>>, vector<1x1x16xi32>,
    %swap3A_251 = vector.shape_cast %swap3A_250 : vector<1x1x16xi32> to vector<16xi32>
    %swap3A_252 = vector.shape_cast %get3A_245 : vector<16xi32> to vector<1x1x16xi32>
    tpu.vector_store %arg8[%swap3A_247, %swap3A_248, %swap3A_249], %swap3A_252 {strides = array<i32>} : memref<2x4x128xi32, #tpu.memory_space<vmem>>, vector<1x1x16xi32>,
    %get3A_253 = arith.index_cast %rem3A_62 : i32 to index
    %get3A_254 = arith.constant 272 : index
    %get3A_255 = tpu.vector_load %arg7[%get3A_253, %get3A_254] {strides = array<i32>} : memref<2x448xi32, #tpu.memory_space<vmem>>, vector<1x16xi32>,
    %get3A_256 = vector.shape_cast %get3A_255 : vector<1x16xi32> to vector<16xi32>
    %swap3A_257 = arith.constant 2 : i32
    %swap3A_258 = arith.index_cast %rem3A_62 : i32 to index
    %swap3A_259 = arith.index_cast %swap3A_257 : i32 to index
    %swap3A_260 = arith.constant 16 : index
    %swap3A_261 = tpu.vector_load %arg8[%swap3A_258, %swap3A_259, %swap3A_260] {strides = array<i32>} : memref<2x4x128xi32, #tpu.memory_space<vmem>>, vector<1x1x16xi32>,
    %swap3A_262 = vector.shape_cast %swap3A_261 : vector<1x1x16xi32> to vector<16xi32>
    %swap3A_263 = vector.shape_cast %get3A_256 : vector<16xi32> to vector<1x1x16xi32>
    tpu.vector_store %arg8[%swap3A_258, %swap3A_259, %swap3A_260], %swap3A_263 {strides = array<i32>} : memref<2x4x128xi32, #tpu.memory_space<vmem>>, vector<1x1x16xi32>,
    %get3A_264 = arith.index_cast %rem3A_62 : i32 to index
    %get3A_265 = arith.constant 288 : index
    %get3A_266 = tpu.vector_load %arg7[%get3A_264, %get3A_265] {strides = array<i32>} : memref<2x448xi32, #tpu.memory_space<vmem>>, vector<1x16xi32>,
    %get3A_267 = vector.shape_cast %get3A_266 : vector<1x16xi32> to vector<16xi32>
    %swap3A_268 = arith.constant 2 : i32
    %swap3A_269 = arith.index_cast %rem3A_62 : i32 to index
    %swap3A_270 = arith.index_cast %swap3A_268 : i32 to index
    %swap3A_271 = arith.constant 32 : index
    %swap3A_272 = tpu.vector_load %arg8[%swap3A_269, %swap3A_270, %swap3A_271] {strides = array<i32>} : memref<2x4x128xi32, #tpu.memory_space<vmem>>, vector<1x1x16xi32>,
    %swap3A_273 = vector.shape_cast %swap3A_272 : vector<1x1x16xi32> to vector<16xi32>
    %swap3A_274 = vector.shape_cast %get3A_267 : vector<16xi32> to vector<1x1x16xi32>
    tpu.vector_store %arg8[%swap3A_269, %swap3A_270, %swap3A_271], %swap3A_274 {strides = array<i32>} : memref<2x4x128xi32, #tpu.memory_space<vmem>>, vector<1x1x16xi32>,
    %get3A_275 = arith.index_cast %rem3A_62 : i32 to index
    %get3A_276 = arith.constant 304 : index
    %get3A_277 = tpu.vector_load %arg7[%get3A_275, %get3A_276] {strides = array<i32>} : memref<2x448xi32, #tpu.memory_space<vmem>>, vector<1x16xi32>,
    %get3A_278 = vector.shape_cast %get3A_277 : vector<1x16xi32> to vector<16xi32>
    %swap3A_279 = arith.constant 2 : i32
    %swap3A_280 = arith.index_cast %rem3A_62 : i32 to index
    %swap3A_281 = arith.index_cast %swap3A_279 : i32 to index
    %swap3A_282 = arith.constant 48 : index
    %swap3A_283 = tpu.vector_load %arg8[%swap3A_280, %swap3A_281, %swap3A_282] {strides = array<i32>} : memref<2x4x128xi32, #tpu.memory_space<vmem>>, vector<1x1x16xi32>,
    %swap3A_284 = vector.shape_cast %swap3A_283 : vector<1x1x16xi32> to vector<16xi32>
    %swap3A_285 = vector.shape_cast %get3A_278 : vector<16xi32> to vector<1x1x16xi32>
    tpu.vector_store %arg8[%swap3A_280, %swap3A_281, %swap3A_282], %swap3A_285 {strides = array<i32>} : memref<2x4x128xi32, #tpu.memory_space<vmem>>, vector<1x1x16xi32>,
    %get3A_286 = arith.index_cast %rem3A_62 : i32 to index
    %get3A_287 = arith.constant 320 : index
    %get3A_288 = tpu.vector_load %arg7[%get3A_286, %get3A_287] {strides = array<i32>} : memref<2x448xi32, #tpu.memory_space<vmem>>, vector<1x16xi32>,
    %get3A_289 = vector.shape_cast %get3A_288 : vector<1x16xi32> to vector<16xi32>
    %swap3A_290 = arith.constant 2 : i32
    %swap3A_291 = arith.index_cast %rem3A_62 : i32 to index
    %swap3A_292 = arith.index_cast %swap3A_290 : i32 to index
    %swap3A_293 = arith.constant 64 : index
    %swap3A_294 = tpu.vector_load %arg8[%swap3A_291, %swap3A_292, %swap3A_293] {strides = array<i32>} : memref<2x4x128xi32, #tpu.memory_space<vmem>>, vector<1x1x16xi32>,
    %swap3A_295 = vector.shape_cast %swap3A_294 : vector<1x1x16xi32> to vector<16xi32>
    %swap3A_296 = vector.shape_cast %get3A_289 : vector<16xi32> to vector<1x1x16xi32>
    tpu.vector_store %arg8[%swap3A_291, %swap3A_292, %swap3A_293], %swap3A_296 {strides = array<i32>} : memref<2x4x128xi32, #tpu.memory_space<vmem>>, vector<1x1x16xi32>,
    %get3A_297 = arith.index_cast %rem3A_62 : i32 to index
    %get3A_298 = arith.constant 336 : index
    %get3A_299 = tpu.vector_load %arg7[%get3A_297, %get3A_298] {strides = array<i32>} : memref<2x448xi32, #tpu.memory_space<vmem>>, vector<1x16xi32>,
    %get3A_300 = vector.shape_cast %get3A_299 : vector<1x16xi32> to vector<16xi32>
    %swap3A_301 = arith.constant 2 : i32
    %swap3A_302 = arith.index_cast %rem3A_62 : i32 to index
    %swap3A_303 = arith.index_cast %swap3A_301 : i32 to index
    %swap3A_304 = arith.constant 80 : index
    %swap3A_305 = tpu.vector_load %arg8[%swap3A_302, %swap3A_303, %swap3A_304] {strides = array<i32>} : memref<2x4x128xi32, #tpu.memory_space<vmem>>, vector<1x1x16xi32>,
    %swap3A_306 = vector.shape_cast %swap3A_305 : vector<1x1x16xi32> to vector<16xi32>
    %swap3A_307 = vector.shape_cast %get3A_300 : vector<16xi32> to vector<1x1x16xi32>
    tpu.vector_store %arg8[%swap3A_302, %swap3A_303, %swap3A_304], %swap3A_307 {strides = array<i32>} : memref<2x4x128xi32, #tpu.memory_space<vmem>>, vector<1x1x16xi32>,
    %get3A_308 = arith.index_cast %rem3A_62 : i32 to index
    %get3A_309 = arith.constant 352 : index
    %get3A_310 = tpu.vector_load %arg7[%get3A_308, %get3A_309] {strides = array<i32>} : memref<2x448xi32, #tpu.memory_space<vmem>>, vector<1x16xi32>,
    %get3A_311 = vector.shape_cast %get3A_310 : vector<1x16xi32> to vector<16xi32>
    %swap3A_312 = arith.constant 2 : i32
    %swap3A_313 = arith.index_cast %rem3A_62 : i32 to index
    %swap3A_314 = arith.index_cast %swap3A_312 : i32 to index
    %swap3A_315 = arith.constant 96 : index
    %swap3A_316 = tpu.vector_load %arg8[%swap3A_313, %swap3A_314, %swap3A_315] {strides = array<i32>} : memref<2x4x128xi32, #tpu.memory_space<vmem>>, vector<1x1x16xi32>,
    %swap3A_317 = vector.shape_cast %swap3A_316 : vector<1x1x16xi32> to vector<16xi32>
    %swap3A_318 = vector.shape_cast %get3A_311 : vector<16xi32> to vector<1x1x16xi32>
    tpu.vector_store %arg8[%swap3A_313, %swap3A_314, %swap3A_315], %swap3A_318 {strides = array<i32>} : memref<2x4x128xi32, #tpu.memory_space<vmem>>, vector<1x1x16xi32>,
    %get3A_319 = arith.index_cast %rem3A_62 : i32 to index
    %get3A_320 = arith.constant 368 : index
    %get3A_321 = tpu.vector_load %arg7[%get3A_319, %get3A_320] {strides = array<i32>} : memref<2x448xi32, #tpu.memory_space<vmem>>, vector<1x16xi32>,
    %get3A_322 = vector.shape_cast %get3A_321 : vector<1x16xi32> to vector<16xi32>
    %swap3A_323 = arith.constant 2 : i32
    %swap3A_324 = arith.index_cast %rem3A_62 : i32 to index
    %swap3A_325 = arith.index_cast %swap3A_323 : i32 to index
    %swap3A_326 = arith.constant 112 : index
    %swap3A_327 = tpu.vector_load %arg8[%swap3A_324, %swap3A_325, %swap3A_326] {strides = array<i32>} : memref<2x4x128xi32, #tpu.memory_space<vmem>>, vector<1x1x16xi32>,
    %swap3A_328 = vector.shape_cast %swap3A_327 : vector<1x1x16xi32> to vector<16xi32>
    %swap3A_329 = vector.shape_cast %get3A_322 : vector<16xi32> to vector<1x1x16xi32>
    tpu.vector_store %arg8[%swap3A_324, %swap3A_325, %swap3A_326], %swap3A_329 {strides = array<i32>} : memref<2x4x128xi32, #tpu.memory_space<vmem>>, vector<1x1x16xi32>,
    %get3A_330 = arith.index_cast %rem3A_62 : i32 to index
    %get3A_331 = arith.constant 384 : index
    %get3A_332 = tpu.vector_load %arg7[%get3A_330, %get3A_331] {strides = array<i32>} : memref<2x448xi32, #tpu.memory_space<vmem>>, vector<1x16xi32>,
    %get3A_333 = vector.shape_cast %get3A_332 : vector<1x16xi32> to vector<16xi32>
    %swap3A_334 = arith.constant 3 : i32
    %swap3A_335 = arith.index_cast %rem3A_62 : i32 to index
    %swap3A_336 = arith.index_cast %swap3A_334 : i32 to index
    %swap3A_337 = arith.constant 0 : index
    %swap3A_338 = tpu.vector_load %arg8[%swap3A_335, %swap3A_336, %swap3A_337] {strides = array<i32>} : memref<2x4x128xi32, #tpu.memory_space<vmem>>, vector<1x1x16xi32>,
    %swap3A_339 = vector.shape_cast %swap3A_338 : vector<1x1x16xi32> to vector<16xi32>
    %swap3A_340 = vector.shape_cast %get3A_333 : vector<16xi32> to vector<1x1x16xi32>
    tpu.vector_store %arg8[%swap3A_335, %swap3A_336, %swap3A_337], %swap3A_340 {strides = array<i32>} : memref<2x4x128xi32, #tpu.memory_space<vmem>>, vector<1x1x16xi32>,
    %get3A_341 = arith.index_cast %rem3A_62 : i32 to index
    %get3A_342 = arith.constant 400 : index
    %get3A_343 = tpu.vector_load %arg7[%get3A_341, %get3A_342] {strides = array<i32>} : memref<2x448xi32, #tpu.memory_space<vmem>>, vector<1x16xi32>,
    %get3A_344 = vector.shape_cast %get3A_343 : vector<1x16xi32> to vector<16xi32>
    %swap3A_345 = arith.constant 3 : i32
    %swap3A_346 = arith.index_cast %rem3A_62 : i32 to index
    %swap3A_347 = arith.index_cast %swap3A_345 : i32 to index
    %swap3A_348 = arith.constant 16 : index
    %swap3A_349 = tpu.vector_load %arg8[%swap3A_346, %swap3A_347, %swap3A_348] {strides = array<i32>} : memref<2x4x128xi32, #tpu.memory_space<vmem>>, vector<1x1x16xi32>,
    %swap3A_350 = vector.shape_cast %swap3A_349 : vector<1x1x16xi32> to vector<16xi32>
    %swap3A_351 = vector.shape_cast %get3A_344 : vector<16xi32> to vector<1x1x16xi32>
    tpu.vector_store %arg8[%swap3A_346, %swap3A_347, %swap3A_348], %swap3A_351 {strides = array<i32>} : memref<2x4x128xi32, #tpu.memory_space<vmem>>, vector<1x1x16xi32>,
    %dma_start3A_352 = arith.constant 0 : i32
    %dma_start3A_353 = arith.constant 0 : i32
    %dma_start3A_354 = arith.constant 0 : i32
    %dma_start3A_355 = tpu.memref_slice %arg9[%rem3A_62, %dma_start3A_353, %dma_start3A_354] : memref<2x512x80xf32, #tpu.memory_space<vmem>> -> memref<1x128x80xf32, #tpu.memory_space<vmem>>
    %dma_start3A_356 = tpu.memref_squeeze %dma_start3A_355 : memref<1x128x80xf32, #tpu.memory_space<vmem>> -> memref<128x80xf32, #tpu.memory_space<vmem>>
    %dma_start3A_357 = arith.constant 0 : i32
    %dma_start3A_358 = tpu.memref_slice %arg8[%rem3A_62, %dma_start3A_352, %dma_start3A_357] : memref<2x4x128xi32, #tpu.memory_space<vmem>> -> memref<1x1x128xi32, #tpu.memory_space<vmem>>
    %dma_start3A_359 = tpu.memref_squeeze %dma_start3A_358 : memref<1x1x128xi32, #tpu.memory_space<vmem>> -> memref<128xi32, #tpu.memory_space<vmem>>
    %dma_start3A_360 = arith.constant 0 : i32
    %dma_start3A_361 = arith.constant 0 : i32
    %dma_start3A_362 = tpu.memref_slice %arg4[%dma_start3A_360, %dma_start3A_361] : memref<26000x80xf32, #tpu.memory_space<hbm>> -> memref<26000x80xf32, #tpu.memory_space<hbm>>
    tpu.enqueue_indirect_dma source(%dma_start3A_362 : memref<26000x80xf32, #tpu.memory_space<hbm>>) target(%dma_start3A_356 : memref<128x80xf32, #tpu.memory_space<vmem>>) offsets(%dma_start3A_359 : memref<128xi32, #tpu.memory_space<vmem>>) semaphore(%arg13 : memref<!tpu.dma_semaphore, #tpu.memory_space<semaphore_mem>>)
    %dma_start3A_363 = arith.constant 1 : i32
    %dma_start3A_364 = arith.constant 128 : i32
    %dma_start3A_365 = arith.constant 0 : i32
    %dma_start3A_366 = tpu.memref_slice %arg9[%rem3A_62, %dma_start3A_364, %dma_start3A_365] : memref<2x512x80xf32, #tpu.memory_space<vmem>> -> memref<1x128x80xf32, #tpu.memory_space<vmem>>
    %dma_start3A_367 = tpu.memref_squeeze %dma_start3A_366 : memref<1x128x80xf32, #tpu.memory_space<vmem>> -> memref<128x80xf32, #tpu.memory_space<vmem>>
    %dma_start3A_368 = arith.constant 0 : i32
    %dma_start3A_369 = tpu.memref_slice %arg8[%rem3A_62, %dma_start3A_363, %dma_start3A_368] : memref<2x4x128xi32, #tpu.memory_space<vmem>> -> memref<1x1x128xi32, #tpu.memory_space<vmem>>
    %dma_start3A_370 = tpu.memref_squeeze %dma_start3A_369 : memref<1x1x128xi32, #tpu.memory_space<vmem>> -> memref<128xi32, #tpu.memory_space<vmem>>
    %dma_start3A_371 = arith.constant 0 : i32
    %dma_start3A_372 = arith.constant 0 : i32
    %dma_start3A_373 = tpu.memref_slice %arg4[%dma_start3A_371, %dma_start3A_372] : memref<26000x80xf32, #tpu.memory_space<hbm>> -> memref<26000x80xf32, #tpu.memory_space<hbm>>
    tpu.enqueue_indirect_dma source(%dma_start3A_373 : memref<26000x80xf32, #tpu.memory_space<hbm>>) target(%dma_start3A_367 : memref<128x80xf32, #tpu.memory_space<vmem>>) offsets(%dma_start3A_370 : memref<128xi32, #tpu.memory_space<vmem>>) semaphore(%arg13 : memref<!tpu.dma_semaphore, #tpu.memory_space<semaphore_mem>>)
    %dma_start3A_374 = arith.constant 2 : i32
    %dma_start3A_375 = arith.constant 256 : i32
    %dma_start3A_376 = arith.constant 0 : i32
    %dma_start3A_377 = tpu.memref_slice %arg9[%rem3A_62, %dma_start3A_375, %dma_start3A_376] : memref<2x512x80xf32, #tpu.memory_space<vmem>> -> memref<1x128x80xf32, #tpu.memory_space<vmem>>
    %dma_start3A_378 = tpu.memref_squeeze %dma_start3A_377 : memref<1x128x80xf32, #tpu.memory_space<vmem>> -> memref<128x80xf32, #tpu.memory_space<vmem>>
    %dma_start3A_379 = arith.constant 0 : i32
    %dma_start3A_380 = tpu.memref_slice %arg8[%rem3A_62, %dma_start3A_374, %dma_start3A_379] : memref<2x4x128xi32, #tpu.memory_space<vmem>> -> memref<1x1x128xi32, #tpu.memory_space<vmem>>
    %dma_start3A_381 = tpu.memref_squeeze %dma_start3A_380 : memref<1x1x128xi32, #tpu.memory_space<vmem>> -> memref<128xi32, #tpu.memory_space<vmem>>
    %dma_start3A_382 = arith.constant 0 : i32
    %dma_start3A_383 = arith.constant 0 : i32
    %dma_start3A_384 = tpu.memref_slice %arg4[%dma_start3A_382, %dma_start3A_383] : memref<26000x80xf32, #tpu.memory_space<hbm>> -> memref<26000x80xf32, #tpu.memory_space<hbm>>
    tpu.enqueue_indirect_dma source(%dma_start3A_384 : memref<26000x80xf32, #tpu.memory_space<hbm>>) target(%dma_start3A_378 : memref<128x80xf32, #tpu.memory_space<vmem>>) offsets(%dma_start3A_381 : memref<128xi32, #tpu.memory_space<vmem>>) semaphore(%arg13 : memref<!tpu.dma_semaphore, #tpu.memory_space<semaphore_mem>>)
    %dma_start3A_385 = arith.constant 3 : i32
    %dma_start3A_386 = arith.constant 384 : i32
    %dma_start3A_387 = arith.constant 0 : i32
    %dma_start3A_388 = tpu.memref_slice %arg9[%rem3A_62, %dma_start3A_386, %dma_start3A_387] : memref<2x512x80xf32, #tpu.memory_space<vmem>> -> memref<1x32x80xf32, #tpu.memory_space<vmem>>
    %dma_start3A_389 = tpu.memref_squeeze %dma_start3A_388 : memref<1x32x80xf32, #tpu.memory_space<vmem>> -> memref<32x80xf32, #tpu.memory_space<vmem>>
    %dma_start3A_390 = arith.constant 0 : i32
    %dma_start3A_391 = tpu.memref_slice %arg8[%rem3A_62, %dma_start3A_385, %dma_start3A_390] : memref<2x4x128xi32, #tpu.memory_space<vmem>> -> memref<1x1x32xi32, #tpu.memory_space<vmem>>
    %dma_start3A_392 = tpu.memref_squeeze %dma_start3A_391 : memref<1x1x32xi32, #tpu.memory_space<vmem>> -> memref<32xi32, #tpu.memory_space<vmem>>
    %dma_start3A_393 = arith.constant 0 : i32
    %dma_start3A_394 = arith.constant 0 : i32
    %dma_start3A_395 = tpu.memref_slice %arg4[%dma_start3A_393, %dma_start3A_394] : memref<26000x80xf32, #tpu.memory_space<hbm>> -> memref<26000x80xf32, #tpu.memory_space<hbm>>
    tpu.enqueue_indirect_dma source(%dma_start3A_395 : memref<26000x80xf32, #tpu.memory_space<hbm>>) target(%dma_start3A_389 : memref<32x80xf32, #tpu.memory_space<vmem>>) offsets(%dma_start3A_392 : memref<32xi32, #tpu.memory_space<vmem>>) semaphore(%arg13 : memref<!tpu.dma_semaphore, #tpu.memory_space<semaphore_mem>>)
    %rem3A_396 = arith.constant 1 : i32
    %rem3A_397 = arith.constant 2 : i32
    %rem3A_398 = arith.remsi %rem3A_396, %rem3A_397 : i32
    %rem3A_399 = arith.constant 1 : i32
    %rem3A_400 = arith.constant 3 : i32
    %rem3A_401 = arith.remsi %rem3A_399, %rem3A_400 : i32
    %add3A_402 = arith.constant 16 : i32
    %add3A_403 = arith.addi %mul3A_2, %add3A_402 : i32
    %mul3A_404 = arith.constant 13 : i32
    %mul3A_405 = arith.muli %add3A_403, %mul3A_404 : i32
    %dma_start3A_406 = arith.constant 0 : i32
    %dma_start3A_407 = arith.constant 0 : i32
    %dma_start3A_408 = tpu.memref_slice %arg6[%rem3A_398, %dma_start3A_406, %dma_start3A_407] : memref<2x16x128xi32, #tpu.memory_space<vmem>> -> memref<1x16x128xi32, #tpu.memory_space<vmem>>
    %dma_start3A_409 = tpu.memref_squeeze %dma_start3A_408 : memref<1x16x128xi32, #tpu.memory_space<vmem>> -> memref<16x128xi32, #tpu.memory_space<vmem>>
    %dma_start3A_410 = arith.constant 0 : i32
    %dma_start3A_411 = tpu.memref_slice %arg3[%add3A_403, %dma_start3A_410] : memref<16384x128xi32, #tpu.memory_space<hbm>> -> memref<16x128xi32, #tpu.memory_space<hbm>>
    %dma_start3A_412 = arith.constant 0 : i32
    %dma_start3A_413 = arith.constant 0 : i32
    %dma_start3A_414 = tpu.memref_slice %arg6[%rem3A_398, %dma_start3A_412, %dma_start3A_413] : memref<2x16x128xi32, #tpu.memory_space<vmem>> -> memref<1x16x128xi32, #tpu.memory_space<vmem>>
    %dma_start3A_415 = tpu.memref_squeeze %dma_start3A_414 : memref<1x16x128xi32, #tpu.memory_space<vmem>> -> memref<16x128xi32, #tpu.memory_space<vmem>>
    %dma_start3A_416 = arith.constant 0 : i32
    %dma_start3A_417 = tpu.memref_slice %arg3[%add3A_403, %dma_start3A_416] : memref<16384x128xi32, #tpu.memory_space<hbm>> -> memref<16x128xi32, #tpu.memory_space<hbm>>
    tpu.enqueue_dma source(%dma_start3A_417 : memref<16x128xi32, #tpu.memory_space<hbm>>) target(%dma_start3A_415 : memref<16x128xi32, #tpu.memory_space<vmem>>) target_semaphore(%arg12 : memref<!tpu.dma_semaphore, #tpu.memory_space<semaphore_mem>>)
    %dma_start3A_418 = arith.constant 0 : i32
    %dma_start3A_419 = tpu.memref_slice %arg10[%rem3A_401, %dma_start3A_418] : memref<3x224xf32, #tpu.memory_space<vmem>> -> memref<1x208xf32, #tpu.memory_space<vmem>>
    %dma_start3A_420 = tpu.memref_squeeze %dma_start3A_419 : memref<1x208xf32, #tpu.memory_space<vmem>> -> memref<208xf32, #tpu.memory_space<vmem>>
    %dma_start3A_421 = tpu.memref_slice %arg2[%mul3A_405] : memref<212992xf32, #tpu.memory_space<hbm>> -> memref<208xf32, #tpu.memory_space<hbm>>
    %dma_start3A_422 = arith.constant 0 : i32
    %dma_start3A_423 = tpu.memref_slice %arg10[%rem3A_401, %dma_start3A_422] : memref<3x224xf32, #tpu.memory_space<vmem>> -> memref<1x208xf32, #tpu.memory_space<vmem>>
    %dma_start3A_424 = tpu.memref_squeeze %dma_start3A_423 : memref<1x208xf32, #tpu.memory_space<vmem>> -> memref<208xf32, #tpu.memory_space<vmem>>
    %dma_start3A_425 = tpu.memref_slice %arg2[%mul3A_405] : memref<212992xf32, #tpu.memory_space<hbm>> -> memref<208xf32, #tpu.memory_space<hbm>>
    tpu.enqueue_dma source(%dma_start3A_425 : memref<208xf32, #tpu.memory_space<hbm>>) target(%dma_start3A_424 : memref<208xf32, #tpu.memory_space<vmem>>) target_semaphore(%arg12 : memref<!tpu.dma_semaphore, #tpu.memory_space<semaphore_mem>>)
    %scan3A_426 = arith.constant 0 : i32
    %scan3A_427 = arith.constant 0 : i32
    %scan3A_428 = arith.constant 32 : i32
    %scan3A_429 = arith.addi %scan3A_427, %scan3A_428 : i32
    %scan3A_430 = arith.constant 1 : i32
    scf.for %scan3A_438 = %scan3A_427 to %scan3A_429 step %scan3A_430  : i32 {
      %rem3A_439 = arith.constant 2 : i32
      %rem3A_440 = arith.remsi %scan3A_438, %rem3A_439 : i32
      %dma_wait3A_441 = arith.constant 0 : i32
      %dma_wait3A_442 = arith.constant 0 : i32
      %dma_wait3A_443 = arith.constant 0 : i32
      %dma_wait3A_444 = tpu.memref_slice %arg9[%rem3A_440, %dma_wait3A_442, %dma_wait3A_443] : memref<2x512x80xf32, #tpu.memory_space<vmem>> -> memref<1x128x80xf32, #tpu.memory_space<vmem>>
      %dma_wait3A_445 = tpu.memref_squeeze %dma_wait3A_444 : memref<1x128x80xf32, #tpu.memory_space<vmem>> -> memref<128x80xf32, #tpu.memory_space<vmem>>
      %dma_wait3A_446 = arith.constant 0 : i32
      %dma_wait3A_447 = tpu.memref_slice %arg8[%rem3A_440, %dma_wait3A_441, %dma_wait3A_446] : memref<2x4x128xi32, #tpu.memory_space<vmem>> -> memref<1x1x128xi32, #tpu.memory_space<vmem>>
      %dma_wait3A_448 = tpu.memref_squeeze %dma_wait3A_447 : memref<1x1x128xi32, #tpu.memory_space<vmem>> -> memref<128xi32, #tpu.memory_space<vmem>>
      %dma_wait3A_449 = arith.constant 0 : i32
      %dma_wait3A_450 = arith.constant 0 : i32
      %dma_wait3A_451 = tpu.memref_slice %arg4[%dma_wait3A_449, %dma_wait3A_450] : memref<26000x80xf32, #tpu.memory_space<hbm>> -> memref<26000x80xf32, #tpu.memory_space<hbm>>
      tpu.wait_indirect_dma semaphore(%arg13 : memref<!tpu.dma_semaphore, #tpu.memory_space<semaphore_mem>>) src(%dma_wait3A_451 : memref<26000x80xf32, #tpu.memory_space<hbm>>) dst(%dma_wait3A_445 : memref<128x80xf32, #tpu.memory_space<vmem>>)
      %dma_wait3A_452 = arith.constant 1 : i32
      %dma_wait3A_453 = arith.constant 128 : i32
      %dma_wait3A_454 = arith.constant 0 : i32
      %dma_wait3A_455 = tpu.memref_slice %arg9[%rem3A_440, %dma_wait3A_453, %dma_wait3A_454] : memref<2x512x80xf32, #tpu.memory_space<vmem>> -> memref<1x128x80xf32, #tpu.memory_space<vmem>>
      %dma_wait3A_456 = tpu.memref_squeeze %dma_wait3A_455 : memref<1x128x80xf32, #tpu.memory_space<vmem>> -> memref<128x80xf32, #tpu.memory_space<vmem>>
      %dma_wait3A_457 = arith.constant 0 : i32
      %dma_wait3A_458 = tpu.memref_slice %arg8[%rem3A_440, %dma_wait3A_452, %dma_wait3A_457] : memref<2x4x128xi32, #tpu.memory_space<vmem>> -> memref<1x1x128xi32, #tpu.memory_space<vmem>>
      %dma_wait3A_459 = tpu.memref_squeeze %dma_wait3A_458 : memref<1x1x128xi32, #tpu.memory_space<vmem>> -> memref<128xi32, #tpu.memory_space<vmem>>
      %dma_wait3A_460 = arith.constant 0 : i32
      %dma_wait3A_461 = arith.constant 0 : i32
      %dma_wait3A_462 = tpu.memref_slice %arg4[%dma_wait3A_460, %dma_wait3A_461] : memref<26000x80xf32, #tpu.memory_space<hbm>> -> memref<26000x80xf32, #tpu.memory_space<hbm>>
      tpu.wait_indirect_dma semaphore(%arg13 : memref<!tpu.dma_semaphore, #tpu.memory_space<semaphore_mem>>) src(%dma_wait3A_462 : memref<26000x80xf32, #tpu.memory_space<hbm>>) dst(%dma_wait3A_456 : memref<128x80xf32, #tpu.memory_space<vmem>>)
      %dma_wait3A_463 = arith.constant 2 : i32
      %dma_wait3A_464 = arith.constant 256 : i32
      %dma_wait3A_465 = arith.constant 0 : i32
      %dma_wait3A_466 = tpu.memref_slice %arg9[%rem3A_440, %dma_wait3A_464, %dma_wait3A_465] : memref<2x512x80xf32, #tpu.memory_space<vmem>> -> memref<1x128x80xf32, #tpu.memory_space<vmem>>
      %dma_wait3A_467 = tpu.memref_squeeze %dma_wait3A_466 : memref<1x128x80xf32, #tpu.memory_space<vmem>> -> memref<128x80xf32, #tpu.memory_space<vmem>>
      %dma_wait3A_468 = arith.constant 0 : i32
      %dma_wait3A_469 = tpu.memref_slice %arg8[%rem3A_440, %dma_wait3A_463, %dma_wait3A_468] : memref<2x4x128xi32, #tpu.memory_space<vmem>> -> memref<1x1x128xi32, #tpu.memory_space<vmem>>
      %dma_wait3A_470 = tpu.memref_squeeze %dma_wait3A_469 : memref<1x1x128xi32, #tpu.memory_space<vmem>> -> memref<128xi32, #tpu.memory_space<vmem>>
      %dma_wait3A_471 = arith.constant 0 : i32
      %dma_wait3A_472 = arith.constant 0 : i32
      %dma_wait3A_473 = tpu.memref_slice %arg4[%dma_wait3A_471, %dma_wait3A_472] : memref<26000x80xf32, #tpu.memory_space<hbm>> -> memref<26000x80xf32, #tpu.memory_space<hbm>>
      tpu.wait_indirect_dma semaphore(%arg13 : memref<!tpu.dma_semaphore, #tpu.memory_space<semaphore_mem>>) src(%dma_wait3A_473 : memref<26000x80xf32, #tpu.memory_space<hbm>>) dst(%dma_wait3A_467 : memref<128x80xf32, #tpu.memory_space<vmem>>)
      %dma_wait3A_474 = arith.constant 3 : i32
      %dma_wait3A_475 = arith.constant 384 : i32
      %dma_wait3A_476 = arith.constant 0 : i32
      %dma_wait3A_477 = tpu.memref_slice %arg9[%rem3A_440, %dma_wait3A_475, %dma_wait3A_476] : memref<2x512x80xf32, #tpu.memory_space<vmem>> -> memref<1x32x80xf32, #tpu.memory_space<vmem>>
      %dma_wait3A_478 = tpu.memref_squeeze %dma_wait3A_477 : memref<1x32x80xf32, #tpu.memory_space<vmem>> -> memref<32x80xf32, #tpu.memory_space<vmem>>
      %dma_wait3A_479 = arith.constant 0 : i32
      %dma_wait3A_480 = tpu.memref_slice %arg8[%rem3A_440, %dma_wait3A_474, %dma_wait3A_479] : memref<2x4x128xi32, #tpu.memory_space<vmem>> -> memref<1x1x32xi32, #tpu.memory_space<vmem>>
      %dma_wait3A_481 = tpu.memref_squeeze %dma_wait3A_480 : memref<1x1x32xi32, #tpu.memory_space<vmem>> -> memref<32xi32, #tpu.memory_space<vmem>>
      %dma_wait3A_482 = arith.constant 0 : i32
      %dma_wait3A_483 = arith.constant 0 : i32
      %dma_wait3A_484 = tpu.memref_slice %arg4[%dma_wait3A_482, %dma_wait3A_483] : memref<26000x80xf32, #tpu.memory_space<hbm>> -> memref<26000x80xf32, #tpu.memory_space<hbm>>
      tpu.wait_indirect_dma semaphore(%arg13 : memref<!tpu.dma_semaphore, #tpu.memory_space<semaphore_mem>>) src(%dma_wait3A_484 : memref<26000x80xf32, #tpu.memory_space<hbm>>) dst(%dma_wait3A_478 : memref<32x80xf32, #tpu.memory_space<vmem>>)
      %add3A_485 = arith.constant 1 : i32
      %add3A_486 = arith.addi %scan3A_438, %add3A_485 : i32
      %lt3A = arith.constant 32 : i32
      %lt3A_487 = arith.cmpi slt, %add3A_486, %lt3A : i32
      %convert_element_type3A = arith.extui %lt3A_487 : i1 to i32
      %cond3A = arith.constant 0 : i32
      %cond3A_488 = arith.cmpi ne, %convert_element_type3A, %cond3A : i32
      scf.if %cond3A_488 {
        %add3A_517 = arith.constant 1 : i32
        %add3A_518 = arith.addi %scan3A_438, %add3A_517 : i32
        %rem3A_519 = arith.constant 2 : i32
        %rem3A_520 = arith.remsi %add3A_518, %rem3A_519 : i32
        %rem3A_521 = arith.constant 3 : i32
        %rem3A_522 = arith.remsi %add3A_518, %rem3A_521 : i32
        %mul3A_523 = arith.constant 16 : i32
        %mul3A_524 = arith.muli %add3A_518, %mul3A_523 : i32
        %add3A_525 = arith.addi %mul3A_2, %mul3A_524 : i32
        %mul3A_526 = arith.constant 13 : i32
        %mul3A_527 = arith.muli %add3A_525, %mul3A_526 : i32
        %dma_wait3A_528 = arith.constant 0 : i32
        %dma_wait3A_529 = arith.constant 0 : i32
        %dma_wait3A_530 = tpu.memref_slice %arg6[%rem3A_520, %dma_wait3A_528, %dma_wait3A_529] : memref<2x16x128xi32, #tpu.memory_space<vmem>> -> memref<1x16x128xi32, #tpu.memory_space<vmem>>
        %dma_wait3A_531 = tpu.memref_squeeze %dma_wait3A_530 : memref<1x16x128xi32, #tpu.memory_space<vmem>> -> memref<16x128xi32, #tpu.memory_space<vmem>>
        %dma_wait3A_532 = arith.constant 0 : i32
        %dma_wait3A_533 = tpu.memref_slice %arg3[%add3A_525, %dma_wait3A_532] : memref<16384x128xi32, #tpu.memory_space<hbm>> -> memref<16x128xi32, #tpu.memory_space<hbm>>
        %dma_wait3A_534 = arith.constant 0 : i32
        %dma_wait3A_535 = arith.constant 0 : i32
        %dma_wait3A_536 = tpu.memref_slice %arg6[%rem3A_520, %dma_wait3A_534, %dma_wait3A_535] : memref<2x16x128xi32, #tpu.memory_space<vmem>> -> memref<1x16x128xi32, #tpu.memory_space<vmem>>
        %dma_wait3A_537 = tpu.memref_squeeze %dma_wait3A_536 : memref<1x16x128xi32, #tpu.memory_space<vmem>> -> memref<16x128xi32, #tpu.memory_space<vmem>>
        %dma_wait3A_538 = arith.constant 0 : i32
        %dma_wait3A_539 = tpu.memref_slice %arg3[%add3A_525, %dma_wait3A_538] : memref<16384x128xi32, #tpu.memory_space<hbm>> -> memref<16x128xi32, #tpu.memory_space<hbm>>
        tpu.wait_dma2 semaphore(%arg12 : memref<!tpu.dma_semaphore, #tpu.memory_space<semaphore_mem>>) src(%dma_wait3A_539 : memref<16x128xi32, #tpu.memory_space<hbm>>) dst(%dma_wait3A_537 : memref<16x128xi32, #tpu.memory_space<vmem>>)
        %dma_wait3A_540 = arith.constant 0 : i32
        %dma_wait3A_541 = tpu.memref_slice %arg10[%rem3A_522, %dma_wait3A_540] : memref<3x224xf32, #tpu.memory_space<vmem>> -> memref<1x208xf32, #tpu.memory_space<vmem>>
        %dma_wait3A_542 = tpu.memref_squeeze %dma_wait3A_541 : memref<1x208xf32, #tpu.memory_space<vmem>> -> memref<208xf32, #tpu.memory_space<vmem>>
        %dma_wait3A_543 = tpu.memref_slice %arg2[%mul3A_527] : memref<212992xf32, #tpu.memory_space<hbm>> -> memref<208xf32, #tpu.memory_space<hbm>>
        %dma_wait3A_544 = arith.constant 0 : i32
        %dma_wait3A_545 = tpu.memref_slice %arg10[%rem3A_522, %dma_wait3A_544] : memref<3x224xf32, #tpu.memory_space<vmem>> -> memref<1x208xf32, #tpu.memory_space<vmem>>
        %dma_wait3A_546 = tpu.memref_squeeze %dma_wait3A_545 : memref<1x208xf32, #tpu.memory_space<vmem>> -> memref<208xf32, #tpu.memory_space<vmem>>
        %dma_wait3A_547 = tpu.memref_slice %arg2[%mul3A_527] : memref<212992xf32, #tpu.memory_space<hbm>> -> memref<208xf32, #tpu.memory_space<hbm>>
        tpu.wait_dma2 semaphore(%arg12 : memref<!tpu.dma_semaphore, #tpu.memory_space<semaphore_mem>>) src(%dma_wait3A_547 : memref<208xf32, #tpu.memory_space<hbm>>) dst(%dma_wait3A_546 : memref<208xf32, #tpu.memory_space<vmem>>)
        %add3A_548 = arith.constant 1 : i32
        %add3A_549 = arith.addi %scan3A_438, %add3A_548 : i32
        %rem3A_550 = arith.constant 2 : i32
        %rem3A_551 = arith.remsi %add3A_549, %rem3A_550 : i32
        %scan3A_552 = arith.constant 0 : i32
        %scan3A_553 = arith.constant 0 : i32
        %scan3A_554 = arith.constant 16 : i32
        %scan3A_555 = arith.addi %scan3A_553, %scan3A_554 : i32
        %scan3A_556 = arith.constant 1 : i32
        scf.for %scan3A_888 = %scan3A_553 to %scan3A_555 step %scan3A_556  : i32 {
          %get3A_889 = arith.index_cast %rem3A_551 : i32 to index
          %get3A_890 = arith.index_cast %scan3A_888 : i32 to index
          %get3A_891 = arith.constant 0 : index
          %get3A_892 = tpu.vector_load %arg6[%get3A_889, %get3A_890, %get3A_891] {strides = array<i32>} : memref<2x16x128xi32, #tpu.memory_space<vmem>>, vector<1x1x16xi32>,
          %get3A_893 = vector.shape_cast %get3A_892 : vector<1x1x16xi32> to vector<16xi32>
          %mul3A_894 = arith.constant 26 : i32
          %mul3A_895 = arith.muli %scan3A_888, %mul3A_894 : i32
          %swap3A_896 = arith.index_cast %rem3A_551 : i32 to index
          %swap3A_897 = arith.index_cast %mul3A_895 : i32 to index
          %swap3A_898 = tpu.vector_load %arg7[%swap3A_896, %swap3A_897] {strides = array<i32>} : memref<2x448xi32, #tpu.memory_space<vmem>>, vector<1x16xi32>,
          %swap3A_899 = vector.shape_cast %swap3A_898 : vector<1x16xi32> to vector<16xi32>
          %swap3A_900 = vector.shape_cast %get3A_893 : vector<16xi32> to vector<1x16xi32>
          tpu.vector_store %arg7[%swap3A_896, %swap3A_897], %swap3A_900 {strides = array<i32>} : memref<2x448xi32, #tpu.memory_space<vmem>>, vector<1x16xi32>,
          %get3A_901 = arith.index_cast %rem3A_551 : i32 to index
          %get3A_902 = arith.index_cast %scan3A_888 : i32 to index
          %get3A_903 = arith.constant 16 : index
          %get3A_904 = tpu.vector_load %arg6[%get3A_901, %get3A_902, %get3A_903] {strides = array<i32>} : memref<2x16x128xi32, #tpu.memory_space<vmem>>, vector<1x1x16xi32>,
          %get3A_905 = vector.shape_cast %get3A_904 : vector<1x1x16xi32> to vector<16xi32>
          %mul3A_906 = arith.constant 26 : i32
          %mul3A_907 = arith.muli %scan3A_888, %mul3A_906 : i32
          %add3A_908 = arith.constant 16 : i32
          %add3A_909 = arith.addi %mul3A_907, %add3A_908 : i32
          %swap3A_910 = arith.index_cast %rem3A_551 : i32 to index
          %swap3A_911 = arith.index_cast %add3A_909 : i32 to index
          %swap3A_912 = tpu.vector_load %arg7[%swap3A_910, %swap3A_911] {strides = array<i32>} : memref<2x448xi32, #tpu.memory_space<vmem>>, vector<1x16xi32>,
          %swap3A_913 = vector.shape_cast %swap3A_912 : vector<1x16xi32> to vector<16xi32>
          %swap3A_914 = vector.shape_cast %get3A_905 : vector<16xi32> to vector<1x16xi32>
          tpu.vector_store %arg7[%swap3A_910, %swap3A_911], %swap3A_914 {strides = array<i32>} : memref<2x448xi32, #tpu.memory_space<vmem>>, vector<1x16xi32>,
        }
        %scan3A_557 = arith.constant 16 : i32
        %get3A_558 = arith.index_cast %rem3A_551 : i32 to index
        %get3A_559 = arith.constant 0 : index
        %get3A_560 = tpu.vector_load %arg7[%get3A_558, %get3A_559] {strides = array<i32>} : memref<2x448xi32, #tpu.memory_space<vmem>>, vector<1x16xi32>,
        %get3A_561 = vector.shape_cast %get3A_560 : vector<1x16xi32> to vector<16xi32>
        %swap3A_562 = arith.constant 0 : i32
        %swap3A_563 = arith.index_cast %rem3A_551 : i32 to index
        %swap3A_564 = arith.index_cast %swap3A_562 : i32 to index
        %swap3A_565 = arith.constant 0 : index
        %swap3A_566 = tpu.vector_load %arg8[%swap3A_563, %swap3A_564, %swap3A_565] {strides = array<i32>} : memref<2x4x128xi32, #tpu.memory_space<vmem>>, vector<1x1x16xi32>,
        %swap3A_567 = vector.shape_cast %swap3A_566 : vector<1x1x16xi32> to vector<16xi32>
        %swap3A_568 = vector.shape_cast %get3A_561 : vector<16xi32> to vector<1x1x16xi32>
        tpu.vector_store %arg8[%swap3A_563, %swap3A_564, %swap3A_565], %swap3A_568 {strides = array<i32>} : memref<2x4x128xi32, #tpu.memory_space<vmem>>, vector<1x1x16xi32>,
        %get3A_569 = arith.index_cast %rem3A_551 : i32 to index
        %get3A_570 = arith.constant 16 : index
        %get3A_571 = tpu.vector_load %arg7[%get3A_569, %get3A_570] {strides = array<i32>} : memref<2x448xi32, #tpu.memory_space<vmem>>, vector<1x16xi32>,
        %get3A_572 = vector.shape_cast %get3A_571 : vector<1x16xi32> to vector<16xi32>
        %swap3A_573 = arith.constant 0 : i32
        %swap3A_574 = arith.index_cast %rem3A_551 : i32 to index
        %swap3A_575 = arith.index_cast %swap3A_573 : i32 to index
        %swap3A_576 = arith.constant 16 : index
        %swap3A_577 = tpu.vector_load %arg8[%swap3A_574, %swap3A_575, %swap3A_576] {strides = array<i32>} : memref<2x4x128xi32, #tpu.memory_space<vmem>>, vector<1x1x16xi32>,
        %swap3A_578 = vector.shape_cast %swap3A_577 : vector<1x1x16xi32> to vector<16xi32>
        %swap3A_579 = vector.shape_cast %get3A_572 : vector<16xi32> to vector<1x1x16xi32>
        tpu.vector_store %arg8[%swap3A_574, %swap3A_575, %swap3A_576], %swap3A_579 {strides = array<i32>} : memref<2x4x128xi32, #tpu.memory_space<vmem>>, vector<1x1x16xi32>,
        %get3A_580 = arith.index_cast %rem3A_551 : i32 to index
        %get3A_581 = arith.constant 32 : index
        %get3A_582 = tpu.vector_load %arg7[%get3A_580, %get3A_581] {strides = array<i32>} : memref<2x448xi32, #tpu.memory_space<vmem>>, vector<1x16xi32>,
        %get3A_583 = vector.shape_cast %get3A_582 : vector<1x16xi32> to vector<16xi32>
        %swap3A_584 = arith.constant 0 : i32
        %swap3A_585 = arith.index_cast %rem3A_551 : i32 to index
        %swap3A_586 = arith.index_cast %swap3A_584 : i32 to index
        %swap3A_587 = arith.constant 32 : index
        %swap3A_588 = tpu.vector_load %arg8[%swap3A_585, %swap3A_586, %swap3A_587] {strides = array<i32>} : memref<2x4x128xi32, #tpu.memory_space<vmem>>, vector<1x1x16xi32>,
        %swap3A_589 = vector.shape_cast %swap3A_588 : vector<1x1x16xi32> to vector<16xi32>
        %swap3A_590 = vector.shape_cast %get3A_583 : vector<16xi32> to vector<1x1x16xi32>
        tpu.vector_store %arg8[%swap3A_585, %swap3A_586, %swap3A_587], %swap3A_590 {strides = array<i32>} : memref<2x4x128xi32, #tpu.memory_space<vmem>>, vector<1x1x16xi32>,
        %get3A_591 = arith.index_cast %rem3A_551 : i32 to index
        %get3A_592 = arith.constant 48 : index
        %get3A_593 = tpu.vector_load %arg7[%get3A_591, %get3A_592] {strides = array<i32>} : memref<2x448xi32, #tpu.memory_space<vmem>>, vector<1x16xi32>,
        %get3A_594 = vector.shape_cast %get3A_593 : vector<1x16xi32> to vector<16xi32>
        %swap3A_595 = arith.constant 0 : i32
        %swap3A_596 = arith.index_cast %rem3A_551 : i32 to index
        %swap3A_597 = arith.index_cast %swap3A_595 : i32 to index
        %swap3A_598 = arith.constant 48 : index
        %swap3A_599 = tpu.vector_load %arg8[%swap3A_596, %swap3A_597, %swap3A_598] {strides = array<i32>} : memref<2x4x128xi32, #tpu.memory_space<vmem>>, vector<1x1x16xi32>,
        %swap3A_600 = vector.shape_cast %swap3A_599 : vector<1x1x16xi32> to vector<16xi32>
        %swap3A_601 = vector.shape_cast %get3A_594 : vector<16xi32> to vector<1x1x16xi32>
        tpu.vector_store %arg8[%swap3A_596, %swap3A_597, %swap3A_598], %swap3A_601 {strides = array<i32>} : memref<2x4x128xi32, #tpu.memory_space<vmem>>, vector<1x1x16xi32>,
        %get3A_602 = arith.index_cast %rem3A_551 : i32 to index
        %get3A_603 = arith.constant 64 : index
        %get3A_604 = tpu.vector_load %arg7[%get3A_602, %get3A_603] {strides = array<i32>} : memref<2x448xi32, #tpu.memory_space<vmem>>, vector<1x16xi32>,
        %get3A_605 = vector.shape_cast %get3A_604 : vector<1x16xi32> to vector<16xi32>
        %swap3A_606 = arith.constant 0 : i32
        %swap3A_607 = arith.index_cast %rem3A_551 : i32 to index
        %swap3A_608 = arith.index_cast %swap3A_606 : i32 to index
        %swap3A_609 = arith.constant 64 : index
        %swap3A_610 = tpu.vector_load %arg8[%swap3A_607, %swap3A_608, %swap3A_609] {strides = array<i32>} : memref<2x4x128xi32, #tpu.memory_space<vmem>>, vector<1x1x16xi32>,
        %swap3A_611 = vector.shape_cast %swap3A_610 : vector<1x1x16xi32> to vector<16xi32>
        %swap3A_612 = vector.shape_cast %get3A_605 : vector<16xi32> to vector<1x1x16xi32>
        tpu.vector_store %arg8[%swap3A_607, %swap3A_608, %swap3A_609], %swap3A_612 {strides = array<i32>} : memref<2x4x128xi32, #tpu.memory_space<vmem>>, vector<1x1x16xi32>,
        %get3A_613 = arith.index_cast %rem3A_551 : i32 to index
        %get3A_614 = arith.constant 80 : index
        %get3A_615 = tpu.vector_load %arg7[%get3A_613, %get3A_614] {strides = array<i32>} : memref<2x448xi32, #tpu.memory_space<vmem>>, vector<1x16xi32>,
        %get3A_616 = vector.shape_cast %get3A_615 : vector<1x16xi32> to vector<16xi32>
        %swap3A_617 = arith.constant 0 : i32
        %swap3A_618 = arith.index_cast %rem3A_551 : i32 to index
        %swap3A_619 = arith.index_cast %swap3A_617 : i32 to index
        %swap3A_620 = arith.constant 80 : index
        %swap3A_621 = tpu.vector_load %arg8[%swap3A_618, %swap3A_619, %swap3A_620] {strides = array<i32>} : memref<2x4x128xi32, #tpu.memory_space<vmem>>, vector<1x1x16xi32>,
        %swap3A_622 = vector.shape_cast %swap3A_621 : vector<1x1x16xi32> to vector<16xi32>
        %swap3A_623 = vector.shape_cast %get3A_616 : vector<16xi32> to vector<1x1x16xi32>
        tpu.vector_store %arg8[%swap3A_618, %swap3A_619, %swap3A_620], %swap3A_623 {strides = array<i32>} : memref<2x4x128xi32, #tpu.memory_space<vmem>>, vector<1x1x16xi32>,
        %get3A_624 = arith.index_cast %rem3A_551 : i32 to index
        %get3A_625 = arith.constant 96 : index
        %get3A_626 = tpu.vector_load %arg7[%get3A_624, %get3A_625] {strides = array<i32>} : memref<2x448xi32, #tpu.memory_space<vmem>>, vector<1x16xi32>,
        %get3A_627 = vector.shape_cast %get3A_626 : vector<1x16xi32> to vector<16xi32>
        %swap3A_628 = arith.constant 0 : i32
        %swap3A_629 = arith.index_cast %rem3A_551 : i32 to index
        %swap3A_630 = arith.index_cast %swap3A_628 : i32 to index
        %swap3A_631 = arith.constant 96 : index
        %swap3A_632 = tpu.vector_load %arg8[%swap3A_629, %swap3A_630, %swap3A_631] {strides = array<i32>} : memref<2x4x128xi32, #tpu.memory_space<vmem>>, vector<1x1x16xi32>,
        %swap3A_633 = vector.shape_cast %swap3A_632 : vector<1x1x16xi32> to vector<16xi32>
        %swap3A_634 = vector.shape_cast %get3A_627 : vector<16xi32> to vector<1x1x16xi32>
        tpu.vector_store %arg8[%swap3A_629, %swap3A_630, %swap3A_631], %swap3A_634 {strides = array<i32>} : memref<2x4x128xi32, #tpu.memory_space<vmem>>, vector<1x1x16xi32>,
        %get3A_635 = arith.index_cast %rem3A_551 : i32 to index
        %get3A_636 = arith.constant 112 : index
        %get3A_637 = tpu.vector_load %arg7[%get3A_635, %get3A_636] {strides = array<i32>} : memref<2x448xi32, #tpu.memory_space<vmem>>, vector<1x16xi32>,
        %get3A_638 = vector.shape_cast %get3A_637 : vector<1x16xi32> to vector<16xi32>
        %swap3A_639 = arith.constant 0 : i32
        %swap3A_640 = arith.index_cast %rem3A_551 : i32 to index
        %swap3A_641 = arith.index_cast %swap3A_639 : i32 to index
        %swap3A_642 = arith.constant 112 : index
        %swap3A_643 = tpu.vector_load %arg8[%swap3A_640, %swap3A_641, %swap3A_642] {strides = array<i32>} : memref<2x4x128xi32, #tpu.memory_space<vmem>>, vector<1x1x16xi32>,
        %swap3A_644 = vector.shape_cast %swap3A_643 : vector<1x1x16xi32> to vector<16xi32>
        %swap3A_645 = vector.shape_cast %get3A_638 : vector<16xi32> to vector<1x1x16xi32>
        tpu.vector_store %arg8[%swap3A_640, %swap3A_641, %swap3A_642], %swap3A_645 {strides = array<i32>} : memref<2x4x128xi32, #tpu.memory_space<vmem>>, vector<1x1x16xi32>,
        %get3A_646 = arith.index_cast %rem3A_551 : i32 to index
        %get3A_647 = arith.constant 128 : index
        %get3A_648 = tpu.vector_load %arg7[%get3A_646, %get3A_647] {strides = array<i32>} : memref<2x448xi32, #tpu.memory_space<vmem>>, vector<1x16xi32>,
        %get3A_649 = vector.shape_cast %get3A_648 : vector<1x16xi32> to vector<16xi32>
        %swap3A_650 = arith.constant 1 : i32
        %swap3A_651 = arith.index_cast %rem3A_551 : i32 to index
        %swap3A_652 = arith.index_cast %swap3A_650 : i32 to index
        %swap3A_653 = arith.constant 0 : index
        %swap3A_654 = tpu.vector_load %arg8[%swap3A_651, %swap3A_652, %swap3A_653] {strides = array<i32>} : memref<2x4x128xi32, #tpu.memory_space<vmem>>, vector<1x1x16xi32>,
        %swap3A_655 = vector.shape_cast %swap3A_654 : vector<1x1x16xi32> to vector<16xi32>
        %swap3A_656 = vector.shape_cast %get3A_649 : vector<16xi32> to vector<1x1x16xi32>
        tpu.vector_store %arg8[%swap3A_651, %swap3A_652, %swap3A_653], %swap3A_656 {strides = array<i32>} : memref<2x4x128xi32, #tpu.memory_space<vmem>>, vector<1x1x16xi32>,
        %get3A_657 = arith.index_cast %rem3A_551 : i32 to index
        %get3A_658 = arith.constant 144 : index
        %get3A_659 = tpu.vector_load %arg7[%get3A_657, %get3A_658] {strides = array<i32>} : memref<2x448xi32, #tpu.memory_space<vmem>>, vector<1x16xi32>,
        %get3A_660 = vector.shape_cast %get3A_659 : vector<1x16xi32> to vector<16xi32>
        %swap3A_661 = arith.constant 1 : i32
        %swap3A_662 = arith.index_cast %rem3A_551 : i32 to index
        %swap3A_663 = arith.index_cast %swap3A_661 : i32 to index
        %swap3A_664 = arith.constant 16 : index
        %swap3A_665 = tpu.vector_load %arg8[%swap3A_662, %swap3A_663, %swap3A_664] {strides = array<i32>} : memref<2x4x128xi32, #tpu.memory_space<vmem>>, vector<1x1x16xi32>,
        %swap3A_666 = vector.shape_cast %swap3A_665 : vector<1x1x16xi32> to vector<16xi32>
        %swap3A_667 = vector.shape_cast %get3A_660 : vector<16xi32> to vector<1x1x16xi32>
        tpu.vector_store %arg8[%swap3A_662, %swap3A_663, %swap3A_664], %swap3A_667 {strides = array<i32>} : memref<2x4x128xi32, #tpu.memory_space<vmem>>, vector<1x1x16xi32>,
        %get3A_668 = arith.index_cast %rem3A_551 : i32 to index
        %get3A_669 = arith.constant 160 : index
        %get3A_670 = tpu.vector_load %arg7[%get3A_668, %get3A_669] {strides = array<i32>} : memref<2x448xi32, #tpu.memory_space<vmem>>, vector<1x16xi32>,
        %get3A_671 = vector.shape_cast %get3A_670 : vector<1x16xi32> to vector<16xi32>
        %swap3A_672 = arith.constant 1 : i32
        %swap3A_673 = arith.index_cast %rem3A_551 : i32 to index
        %swap3A_674 = arith.index_cast %swap3A_672 : i32 to index
        %swap3A_675 = arith.constant 32 : index
        %swap3A_676 = tpu.vector_load %arg8[%swap3A_673, %swap3A_674, %swap3A_675] {strides = array<i32>} : memref<2x4x128xi32, #tpu.memory_space<vmem>>, vector<1x1x16xi32>,
        %swap3A_677 = vector.shape_cast %swap3A_676 : vector<1x1x16xi32> to vector<16xi32>
        %swap3A_678 = vector.shape_cast %get3A_671 : vector<16xi32> to vector<1x1x16xi32>
        tpu.vector_store %arg8[%swap3A_673, %swap3A_674, %swap3A_675], %swap3A_678 {strides = array<i32>} : memref<2x4x128xi32, #tpu.memory_space<vmem>>, vector<1x1x16xi32>,
        %get3A_679 = arith.index_cast %rem3A_551 : i32 to index
        %get3A_680 = arith.constant 176 : index
        %get3A_681 = tpu.vector_load %arg7[%get3A_679, %get3A_680] {strides = array<i32>} : memref<2x448xi32, #tpu.memory_space<vmem>>, vector<1x16xi32>,
        %get3A_682 = vector.shape_cast %get3A_681 : vector<1x16xi32> to vector<16xi32>
        %swap3A_683 = arith.constant 1 : i32
        %swap3A_684 = arith.index_cast %rem3A_551 : i32 to index
        %swap3A_685 = arith.index_cast %swap3A_683 : i32 to index
        %swap3A_686 = arith.constant 48 : index
        %swap3A_687 = tpu.vector_load %arg8[%swap3A_684, %swap3A_685, %swap3A_686] {strides = array<i32>} : memref<2x4x128xi32, #tpu.memory_space<vmem>>, vector<1x1x16xi32>,
        %swap3A_688 = vector.shape_cast %swap3A_687 : vector<1x1x16xi32> to vector<16xi32>
        %swap3A_689 = vector.shape_cast %get3A_682 : vector<16xi32> to vector<1x1x16xi32>
        tpu.vector_store %arg8[%swap3A_684, %swap3A_685, %swap3A_686], %swap3A_689 {strides = array<i32>} : memref<2x4x128xi32, #tpu.memory_space<vmem>>, vector<1x1x16xi32>,
        %get3A_690 = arith.index_cast %rem3A_551 : i32 to index
        %get3A_691 = arith.constant 192 : index
        %get3A_692 = tpu.vector_load %arg7[%get3A_690, %get3A_691] {strides = array<i32>} : memref<2x448xi32, #tpu.memory_space<vmem>>, vector<1x16xi32>,
        %get3A_693 = vector.shape_cast %get3A_692 : vector<1x16xi32> to vector<16xi32>
        %swap3A_694 = arith.constant 1 : i32
        %swap3A_695 = arith.index_cast %rem3A_551 : i32 to index
        %swap3A_696 = arith.index_cast %swap3A_694 : i32 to index
        %swap3A_697 = arith.constant 64 : index
        %swap3A_698 = tpu.vector_load %arg8[%swap3A_695, %swap3A_696, %swap3A_697] {strides = array<i32>} : memref<2x4x128xi32, #tpu.memory_space<vmem>>, vector<1x1x16xi32>,
        %swap3A_699 = vector.shape_cast %swap3A_698 : vector<1x1x16xi32> to vector<16xi32>
        %swap3A_700 = vector.shape_cast %get3A_693 : vector<16xi32> to vector<1x1x16xi32>
        tpu.vector_store %arg8[%swap3A_695, %swap3A_696, %swap3A_697], %swap3A_700 {strides = array<i32>} : memref<2x4x128xi32, #tpu.memory_space<vmem>>, vector<1x1x16xi32>,
        %get3A_701 = arith.index_cast %rem3A_551 : i32 to index
        %get3A_702 = arith.constant 208 : index
        %get3A_703 = tpu.vector_load %arg7[%get3A_701, %get3A_702] {strides = array<i32>} : memref<2x448xi32, #tpu.memory_space<vmem>>, vector<1x16xi32>,
        %get3A_704 = vector.shape_cast %get3A_703 : vector<1x16xi32> to vector<16xi32>
        %swap3A_705 = arith.constant 1 : i32
        %swap3A_706 = arith.index_cast %rem3A_551 : i32 to index
        %swap3A_707 = arith.index_cast %swap3A_705 : i32 to index
        %swap3A_708 = arith.constant 80 : index
        %swap3A_709 = tpu.vector_load %arg8[%swap3A_706, %swap3A_707, %swap3A_708] {strides = array<i32>} : memref<2x4x128xi32, #tpu.memory_space<vmem>>, vector<1x1x16xi32>,
        %swap3A_710 = vector.shape_cast %swap3A_709 : vector<1x1x16xi32> to vector<16xi32>
        %swap3A_711 = vector.shape_cast %get3A_704 : vector<16xi32> to vector<1x1x16xi32>
        tpu.vector_store %arg8[%swap3A_706, %swap3A_707, %swap3A_708], %swap3A_711 {strides = array<i32>} : memref<2x4x128xi32, #tpu.memory_space<vmem>>, vector<1x1x16xi32>,
        %get3A_712 = arith.index_cast %rem3A_551 : i32 to index
        %get3A_713 = arith.constant 224 : index
        %get3A_714 = tpu.vector_load %arg7[%get3A_712, %get3A_713] {strides = array<i32>} : memref<2x448xi32, #tpu.memory_space<vmem>>, vector<1x16xi32>,
        %get3A_715 = vector.shape_cast %get3A_714 : vector<1x16xi32> to vector<16xi32>
        %swap3A_716 = arith.constant 1 : i32
        %swap3A_717 = arith.index_cast %rem3A_551 : i32 to index
        %swap3A_718 = arith.index_cast %swap3A_716 : i32 to index
        %swap3A_719 = arith.constant 96 : index
        %swap3A_720 = tpu.vector_load %arg8[%swap3A_717, %swap3A_718, %swap3A_719] {strides = array<i32>} : memref<2x4x128xi32, #tpu.memory_space<vmem>>, vector<1x1x16xi32>,
        %swap3A_721 = vector.shape_cast %swap3A_720 : vector<1x1x16xi32> to vector<16xi32>
        %swap3A_722 = vector.shape_cast %get3A_715 : vector<16xi32> to vector<1x1x16xi32>
        tpu.vector_store %arg8[%swap3A_717, %swap3A_718, %swap3A_719], %swap3A_722 {strides = array<i32>} : memref<2x4x128xi32, #tpu.memory_space<vmem>>, vector<1x1x16xi32>,
        %get3A_723 = arith.index_cast %rem3A_551 : i32 to index
        %get3A_724 = arith.constant 240 : index
        %get3A_725 = tpu.vector_load %arg7[%get3A_723, %get3A_724] {strides = array<i32>} : memref<2x448xi32, #tpu.memory_space<vmem>>, vector<1x16xi32>,
        %get3A_726 = vector.shape_cast %get3A_725 : vector<1x16xi32> to vector<16xi32>
        %swap3A_727 = arith.constant 1 : i32
        %swap3A_728 = arith.index_cast %rem3A_551 : i32 to index
        %swap3A_729 = arith.index_cast %swap3A_727 : i32 to index
        %swap3A_730 = arith.constant 112 : index
        %swap3A_731 = tpu.vector_load %arg8[%swap3A_728, %swap3A_729, %swap3A_730] {strides = array<i32>} : memref<2x4x128xi32, #tpu.memory_space<vmem>>, vector<1x1x16xi32>,
        %swap3A_732 = vector.shape_cast %swap3A_731 : vector<1x1x16xi32> to vector<16xi32>
        %swap3A_733 = vector.shape_cast %get3A_726 : vector<16xi32> to vector<1x1x16xi32>
        tpu.vector_store %arg8[%swap3A_728, %swap3A_729, %swap3A_730], %swap3A_733 {strides = array<i32>} : memref<2x4x128xi32, #tpu.memory_space<vmem>>, vector<1x1x16xi32>,
        %get3A_734 = arith.index_cast %rem3A_551 : i32 to index
        %get3A_735 = arith.constant 256 : index
        %get3A_736 = tpu.vector_load %arg7[%get3A_734, %get3A_735] {strides = array<i32>} : memref<2x448xi32, #tpu.memory_space<vmem>>, vector<1x16xi32>,
        %get3A_737 = vector.shape_cast %get3A_736 : vector<1x16xi32> to vector<16xi32>
        %swap3A_738 = arith.constant 2 : i32
        %swap3A_739 = arith.index_cast %rem3A_551 : i32 to index
        %swap3A_740 = arith.index_cast %swap3A_738 : i32 to index
        %swap3A_741 = arith.constant 0 : index
        %swap3A_742 = tpu.vector_load %arg8[%swap3A_739, %swap3A_740, %swap3A_741] {strides = array<i32>} : memref<2x4x128xi32, #tpu.memory_space<vmem>>, vector<1x1x16xi32>,
        %swap3A_743 = vector.shape_cast %swap3A_742 : vector<1x1x16xi32> to vector<16xi32>
        %swap3A_744 = vector.shape_cast %get3A_737 : vector<16xi32> to vector<1x1x16xi32>
        tpu.vector_store %arg8[%swap3A_739, %swap3A_740, %swap3A_741], %swap3A_744 {strides = array<i32>} : memref<2x4x128xi32, #tpu.memory_space<vmem>>, vector<1x1x16xi32>,
        %get3A_745 = arith.index_cast %rem3A_551 : i32 to index
        %get3A_746 = arith.constant 272 : index
        %get3A_747 = tpu.vector_load %arg7[%get3A_745, %get3A_746] {strides = array<i32>} : memref<2x448xi32, #tpu.memory_space<vmem>>, vector<1x16xi32>,
        %get3A_748 = vector.shape_cast %get3A_747 : vector<1x16xi32> to vector<16xi32>
        %swap3A_749 = arith.constant 2 : i32
        %swap3A_750 = arith.index_cast %rem3A_551 : i32 to index
        %swap3A_751 = arith.index_cast %swap3A_749 : i32 to index
        %swap3A_752 = arith.constant 16 : index
        %swap3A_753 = tpu.vector_load %arg8[%swap3A_750, %swap3A_751, %swap3A_752] {strides = array<i32>} : memref<2x4x128xi32, #tpu.memory_space<vmem>>, vector<1x1x16xi32>,
        %swap3A_754 = vector.shape_cast %swap3A_753 : vector<1x1x16xi32> to vector<16xi32>
        %swap3A_755 = vector.shape_cast %get3A_748 : vector<16xi32> to vector<1x1x16xi32>
        tpu.vector_store %arg8[%swap3A_750, %swap3A_751, %swap3A_752], %swap3A_755 {strides = array<i32>} : memref<2x4x128xi32, #tpu.memory_space<vmem>>, vector<1x1x16xi32>,
        %get3A_756 = arith.index_cast %rem3A_551 : i32 to index
        %get3A_757 = arith.constant 288 : index
        %get3A_758 = tpu.vector_load %arg7[%get3A_756, %get3A_757] {strides = array<i32>} : memref<2x448xi32, #tpu.memory_space<vmem>>, vector<1x16xi32>,
        %get3A_759 = vector.shape_cast %get3A_758 : vector<1x16xi32> to vector<16xi32>
        %swap3A_760 = arith.constant 2 : i32
        %swap3A_761 = arith.index_cast %rem3A_551 : i32 to index
        %swap3A_762 = arith.index_cast %swap3A_760 : i32 to index
        %swap3A_763 = arith.constant 32 : index
        %swap3A_764 = tpu.vector_load %arg8[%swap3A_761, %swap3A_762, %swap3A_763] {strides = array<i32>} : memref<2x4x128xi32, #tpu.memory_space<vmem>>, vector<1x1x16xi32>,
        %swap3A_765 = vector.shape_cast %swap3A_764 : vector<1x1x16xi32> to vector<16xi32>
        %swap3A_766 = vector.shape_cast %get3A_759 : vector<16xi32> to vector<1x1x16xi32>
        tpu.vector_store %arg8[%swap3A_761, %swap3A_762, %swap3A_763], %swap3A_766 {strides = array<i32>} : memref<2x4x128xi32, #tpu.memory_space<vmem>>, vector<1x1x16xi32>,
        %get3A_767 = arith.index_cast %rem3A_551 : i32 to index
        %get3A_768 = arith.constant 304 : index
        %get3A_769 = tpu.vector_load %arg7[%get3A_767, %get3A_768] {strides = array<i32>} : memref<2x448xi32, #tpu.memory_space<vmem>>, vector<1x16xi32>,
        %get3A_770 = vector.shape_cast %get3A_769 : vector<1x16xi32> to vector<16xi32>
        %swap3A_771 = arith.constant 2 : i32
        %swap3A_772 = arith.index_cast %rem3A_551 : i32 to index
        %swap3A_773 = arith.index_cast %swap3A_771 : i32 to index
        %swap3A_774 = arith.constant 48 : index
        %swap3A_775 = tpu.vector_load %arg8[%swap3A_772, %swap3A_773, %swap3A_774] {strides = array<i32>} : memref<2x4x128xi32, #tpu.memory_space<vmem>>, vector<1x1x16xi32>,
        %swap3A_776 = vector.shape_cast %swap3A_775 : vector<1x1x16xi32> to vector<16xi32>
        %swap3A_777 = vector.shape_cast %get3A_770 : vector<16xi32> to vector<1x1x16xi32>
        tpu.vector_store %arg8[%swap3A_772, %swap3A_773, %swap3A_774], %swap3A_777 {strides = array<i32>} : memref<2x4x128xi32, #tpu.memory_space<vmem>>, vector<1x1x16xi32>,
        %get3A_778 = arith.index_cast %rem3A_551 : i32 to index
        %get3A_779 = arith.constant 320 : index
        %get3A_780 = tpu.vector_load %arg7[%get3A_778, %get3A_779] {strides = array<i32>} : memref<2x448xi32, #tpu.memory_space<vmem>>, vector<1x16xi32>,
        %get3A_781 = vector.shape_cast %get3A_780 : vector<1x16xi32> to vector<16xi32>
        %swap3A_782 = arith.constant 2 : i32
        %swap3A_783 = arith.index_cast %rem3A_551 : i32 to index
        %swap3A_784 = arith.index_cast %swap3A_782 : i32 to index
        %swap3A_785 = arith.constant 64 : index
        %swap3A_786 = tpu.vector_load %arg8[%swap3A_783, %swap3A_784, %swap3A_785] {strides = array<i32>} : memref<2x4x128xi32, #tpu.memory_space<vmem>>, vector<1x1x16xi32>,
        %swap3A_787 = vector.shape_cast %swap3A_786 : vector<1x1x16xi32> to vector<16xi32>
        %swap3A_788 = vector.shape_cast %get3A_781 : vector<16xi32> to vector<1x1x16xi32>
        tpu.vector_store %arg8[%swap3A_783, %swap3A_784, %swap3A_785], %swap3A_788 {strides = array<i32>} : memref<2x4x128xi32, #tpu.memory_space<vmem>>, vector<1x1x16xi32>,
        %get3A_789 = arith.index_cast %rem3A_551 : i32 to index
        %get3A_790 = arith.constant 336 : index
        %get3A_791 = tpu.vector_load %arg7[%get3A_789, %get3A_790] {strides = array<i32>} : memref<2x448xi32, #tpu.memory_space<vmem>>, vector<1x16xi32>,
        %get3A_792 = vector.shape_cast %get3A_791 : vector<1x16xi32> to vector<16xi32>
        %swap3A_793 = arith.constant 2 : i32
        %swap3A_794 = arith.index_cast %rem3A_551 : i32 to index
        %swap3A_795 = arith.index_cast %swap3A_793 : i32 to index
        %swap3A_796 = arith.constant 80 : index
        %swap3A_797 = tpu.vector_load %arg8[%swap3A_794, %swap3A_795, %swap3A_796] {strides = array<i32>} : memref<2x4x128xi32, #tpu.memory_space<vmem>>, vector<1x1x16xi32>,
        %swap3A_798 = vector.shape_cast %swap3A_797 : vector<1x1x16xi32> to vector<16xi32>
        %swap3A_799 = vector.shape_cast %get3A_792 : vector<16xi32> to vector<1x1x16xi32>
        tpu.vector_store %arg8[%swap3A_794, %swap3A_795, %swap3A_796], %swap3A_799 {strides = array<i32>} : memref<2x4x128xi32, #tpu.memory_space<vmem>>, vector<1x1x16xi32>,
        %get3A_800 = arith.index_cast %rem3A_551 : i32 to index
        %get3A_801 = arith.constant 352 : index
        %get3A_802 = tpu.vector_load %arg7[%get3A_800, %get3A_801] {strides = array<i32>} : memref<2x448xi32, #tpu.memory_space<vmem>>, vector<1x16xi32>,
        %get3A_803 = vector.shape_cast %get3A_802 : vector<1x16xi32> to vector<16xi32>
        %swap3A_804 = arith.constant 2 : i32
        %swap3A_805 = arith.index_cast %rem3A_551 : i32 to index
        %swap3A_806 = arith.index_cast %swap3A_804 : i32 to index
        %swap3A_807 = arith.constant 96 : index
        %swap3A_808 = tpu.vector_load %arg8[%swap3A_805, %swap3A_806, %swap3A_807] {strides = array<i32>} : memref<2x4x128xi32, #tpu.memory_space<vmem>>, vector<1x1x16xi32>,
        %swap3A_809 = vector.shape_cast %swap3A_808 : vector<1x1x16xi32> to vector<16xi32>
        %swap3A_810 = vector.shape_cast %get3A_803 : vector<16xi32> to vector<1x1x16xi32>
        tpu.vector_store %arg8[%swap3A_805, %swap3A_806, %swap3A_807], %swap3A_810 {strides = array<i32>} : memref<2x4x128xi32, #tpu.memory_space<vmem>>, vector<1x1x16xi32>,
        %get3A_811 = arith.index_cast %rem3A_551 : i32 to index
        %get3A_812 = arith.constant 368 : index
        %get3A_813 = tpu.vector_load %arg7[%get3A_811, %get3A_812] {strides = array<i32>} : memref<2x448xi32, #tpu.memory_space<vmem>>, vector<1x16xi32>,
        %get3A_814 = vector.shape_cast %get3A_813 : vector<1x16xi32> to vector<16xi32>
        %swap3A_815 = arith.constant 2 : i32
        %swap3A_816 = arith.index_cast %rem3A_551 : i32 to index
        %swap3A_817 = arith.index_cast %swap3A_815 : i32 to index
        %swap3A_818 = arith.constant 112 : index
        %swap3A_819 = tpu.vector_load %arg8[%swap3A_816, %swap3A_817, %swap3A_818] {strides = array<i32>} : memref<2x4x128xi32, #tpu.memory_space<vmem>>, vector<1x1x16xi32>,
        %swap3A_820 = vector.shape_cast %swap3A_819 : vector<1x1x16xi32> to vector<16xi32>
        %swap3A_821 = vector.shape_cast %get3A_814 : vector<16xi32> to vector<1x1x16xi32>
        tpu.vector_store %arg8[%swap3A_816, %swap3A_817, %swap3A_818], %swap3A_821 {strides = array<i32>} : memref<2x4x128xi32, #tpu.memory_space<vmem>>, vector<1x1x16xi32>,
        %get3A_822 = arith.index_cast %rem3A_551 : i32 to index
        %get3A_823 = arith.constant 384 : index
        %get3A_824 = tpu.vector_load %arg7[%get3A_822, %get3A_823] {strides = array<i32>} : memref<2x448xi32, #tpu.memory_space<vmem>>, vector<1x16xi32>,
        %get3A_825 = vector.shape_cast %get3A_824 : vector<1x16xi32> to vector<16xi32>
        %swap3A_826 = arith.constant 3 : i32
        %swap3A_827 = arith.index_cast %rem3A_551 : i32 to index
        %swap3A_828 = arith.index_cast %swap3A_826 : i32 to index
        %swap3A_829 = arith.constant 0 : index
        %swap3A_830 = tpu.vector_load %arg8[%swap3A_827, %swap3A_828, %swap3A_829] {strides = array<i32>} : memref<2x4x128xi32, #tpu.memory_space<vmem>>, vector<1x1x16xi32>,
        %swap3A_831 = vector.shape_cast %swap3A_830 : vector<1x1x16xi32> to vector<16xi32>
        %swap3A_832 = vector.shape_cast %get3A_825 : vector<16xi32> to vector<1x1x16xi32>
        tpu.vector_store %arg8[%swap3A_827, %swap3A_828, %swap3A_829], %swap3A_832 {strides = array<i32>} : memref<2x4x128xi32, #tpu.memory_space<vmem>>, vector<1x1x16xi32>,
        %get3A_833 = arith.index_cast %rem3A_551 : i32 to index
        %get3A_834 = arith.constant 400 : index
        %get3A_835 = tpu.vector_load %arg7[%get3A_833, %get3A_834] {strides = array<i32>} : memref<2x448xi32, #tpu.memory_space<vmem>>, vector<1x16xi32>,
        %get3A_836 = vector.shape_cast %get3A_835 : vector<1x16xi32> to vector<16xi32>
        %swap3A_837 = arith.constant 3 : i32
        %swap3A_838 = arith.index_cast %rem3A_551 : i32 to index
        %swap3A_839 = arith.index_cast %swap3A_837 : i32 to index
        %swap3A_840 = arith.constant 16 : index
        %swap3A_841 = tpu.vector_load %arg8[%swap3A_838, %swap3A_839, %swap3A_840] {strides = array<i32>} : memref<2x4x128xi32, #tpu.memory_space<vmem>>, vector<1x1x16xi32>,
        %swap3A_842 = vector.shape_cast %swap3A_841 : vector<1x1x16xi32> to vector<16xi32>
        %swap3A_843 = vector.shape_cast %get3A_836 : vector<16xi32> to vector<1x1x16xi32>
        tpu.vector_store %arg8[%swap3A_838, %swap3A_839, %swap3A_840], %swap3A_843 {strides = array<i32>} : memref<2x4x128xi32, #tpu.memory_space<vmem>>, vector<1x1x16xi32>,
        %dma_start3A_844 = arith.constant 0 : i32
        %dma_start3A_845 = arith.constant 0 : i32
        %dma_start3A_846 = arith.constant 0 : i32
        %dma_start3A_847 = tpu.memref_slice %arg9[%rem3A_551, %dma_start3A_845, %dma_start3A_846] : memref<2x512x80xf32, #tpu.memory_space<vmem>> -> memref<1x128x80xf32, #tpu.memory_space<vmem>>
        %dma_start3A_848 = tpu.memref_squeeze %dma_start3A_847 : memref<1x128x80xf32, #tpu.memory_space<vmem>> -> memref<128x80xf32, #tpu.memory_space<vmem>>
        %dma_start3A_849 = arith.constant 0 : i32
        %dma_start3A_850 = tpu.memref_slice %arg8[%rem3A_551, %dma_start3A_844, %dma_start3A_849] : memref<2x4x128xi32, #tpu.memory_space<vmem>> -> memref<1x1x128xi32, #tpu.memory_space<vmem>>
        %dma_start3A_851 = tpu.memref_squeeze %dma_start3A_850 : memref<1x1x128xi32, #tpu.memory_space<vmem>> -> memref<128xi32, #tpu.memory_space<vmem>>
        %dma_start3A_852 = arith.constant 0 : i32
        %dma_start3A_853 = arith.constant 0 : i32
        %dma_start3A_854 = tpu.memref_slice %arg4[%dma_start3A_852, %dma_start3A_853] : memref<26000x80xf32, #tpu.memory_space<hbm>> -> memref<26000x80xf32, #tpu.memory_space<hbm>>
        tpu.enqueue_indirect_dma source(%dma_start3A_854 : memref<26000x80xf32, #tpu.memory_space<hbm>>) target(%dma_start3A_848 : memref<128x80xf32, #tpu.memory_space<vmem>>) offsets(%dma_start3A_851 : memref<128xi32, #tpu.memory_space<vmem>>) semaphore(%arg13 : memref<!tpu.dma_semaphore, #tpu.memory_space<semaphore_mem>>)
        %dma_start3A_855 = arith.constant 1 : i32
        %dma_start3A_856 = arith.constant 128 : i32
        %dma_start3A_857 = arith.constant 0 : i32
        %dma_start3A_858 = tpu.memref_slice %arg9[%rem3A_551, %dma_start3A_856, %dma_start3A_857] : memref<2x512x80xf32, #tpu.memory_space<vmem>> -> memref<1x128x80xf32, #tpu.memory_space<vmem>>
        %dma_start3A_859 = tpu.memref_squeeze %dma_start3A_858 : memref<1x128x80xf32, #tpu.memory_space<vmem>> -> memref<128x80xf32, #tpu.memory_space<vmem>>
        %dma_start3A_860 = arith.constant 0 : i32
        %dma_start3A_861 = tpu.memref_slice %arg8[%rem3A_551, %dma_start3A_855, %dma_start3A_860] : memref<2x4x128xi32, #tpu.memory_space<vmem>> -> memref<1x1x128xi32, #tpu.memory_space<vmem>>
        %dma_start3A_862 = tpu.memref_squeeze %dma_start3A_861 : memref<1x1x128xi32, #tpu.memory_space<vmem>> -> memref<128xi32, #tpu.memory_space<vmem>>
        %dma_start3A_863 = arith.constant 0 : i32
        %dma_start3A_864 = arith.constant 0 : i32
        %dma_start3A_865 = tpu.memref_slice %arg4[%dma_start3A_863, %dma_start3A_864] : memref<26000x80xf32, #tpu.memory_space<hbm>> -> memref<26000x80xf32, #tpu.memory_space<hbm>>
        tpu.enqueue_indirect_dma source(%dma_start3A_865 : memref<26000x80xf32, #tpu.memory_space<hbm>>) target(%dma_start3A_859 : memref<128x80xf32, #tpu.memory_space<vmem>>) offsets(%dma_start3A_862 : memref<128xi32, #tpu.memory_space<vmem>>) semaphore(%arg13 : memref<!tpu.dma_semaphore, #tpu.memory_space<semaphore_mem>>)
        %dma_start3A_866 = arith.constant 2 : i32
        %dma_start3A_867 = arith.constant 256 : i32
        %dma_start3A_868 = arith.constant 0 : i32
        %dma_start3A_869 = tpu.memref_slice %arg9[%rem3A_551, %dma_start3A_867, %dma_start3A_868] : memref<2x512x80xf32, #tpu.memory_space<vmem>> -> memref<1x128x80xf32, #tpu.memory_space<vmem>>
        %dma_start3A_870 = tpu.memref_squeeze %dma_start3A_869 : memref<1x128x80xf32, #tpu.memory_space<vmem>> -> memref<128x80xf32, #tpu.memory_space<vmem>>
        %dma_start3A_871 = arith.constant 0 : i32
        %dma_start3A_872 = tpu.memref_slice %arg8[%rem3A_551, %dma_start3A_866, %dma_start3A_871] : memref<2x4x128xi32, #tpu.memory_space<vmem>> -> memref<1x1x128xi32, #tpu.memory_space<vmem>>
        %dma_start3A_873 = tpu.memref_squeeze %dma_start3A_872 : memref<1x1x128xi32, #tpu.memory_space<vmem>> -> memref<128xi32, #tpu.memory_space<vmem>>
        %dma_start3A_874 = arith.constant 0 : i32
        %dma_start3A_875 = arith.constant 0 : i32
        %dma_start3A_876 = tpu.memref_slice %arg4[%dma_start3A_874, %dma_start3A_875] : memref<26000x80xf32, #tpu.memory_space<hbm>> -> memref<26000x80xf32, #tpu.memory_space<hbm>>
        tpu.enqueue_indirect_dma source(%dma_start3A_876 : memref<26000x80xf32, #tpu.memory_space<hbm>>) target(%dma_start3A_870 : memref<128x80xf32, #tpu.memory_space<vmem>>) offsets(%dma_start3A_873 : memref<128xi32, #tpu.memory_space<vmem>>) semaphore(%arg13 : memref<!tpu.dma_semaphore, #tpu.memory_space<semaphore_mem>>)
        %dma_start3A_877 = arith.constant 3 : i32
        %dma_start3A_878 = arith.constant 384 : i32
        %dma_start3A_879 = arith.constant 0 : i32
        %dma_start3A_880 = tpu.memref_slice %arg9[%rem3A_551, %dma_start3A_878, %dma_start3A_879] : memref<2x512x80xf32, #tpu.memory_space<vmem>> -> memref<1x32x80xf32, #tpu.memory_space<vmem>>
        %dma_start3A_881 = tpu.memref_squeeze %dma_start3A_880 : memref<1x32x80xf32, #tpu.memory_space<vmem>> -> memref<32x80xf32, #tpu.memory_space<vmem>>
        %dma_start3A_882 = arith.constant 0 : i32
        %dma_start3A_883 = tpu.memref_slice %arg8[%rem3A_551, %dma_start3A_877, %dma_start3A_882] : memref<2x4x128xi32, #tpu.memory_space<vmem>> -> memref<1x1x32xi32, #tpu.memory_space<vmem>>
        %dma_start3A_884 = tpu.memref_squeeze %dma_start3A_883 : memref<1x1x32xi32, #tpu.memory_space<vmem>> -> memref<32xi32, #tpu.memory_space<vmem>>
        %dma_start3A_885 = arith.constant 0 : i32
        %dma_start3A_886 = arith.constant 0 : i32
        %dma_start3A_887 = tpu.memref_slice %arg4[%dma_start3A_885, %dma_start3A_886] : memref<26000x80xf32, #tpu.memory_space<hbm>> -> memref<26000x80xf32, #tpu.memory_space<hbm>>
        tpu.enqueue_indirect_dma source(%dma_start3A_887 : memref<26000x80xf32, #tpu.memory_space<hbm>>) target(%dma_start3A_881 : memref<32x80xf32, #tpu.memory_space<vmem>>) offsets(%dma_start3A_884 : memref<32xi32, #tpu.memory_space<vmem>>) semaphore(%arg13 : memref<!tpu.dma_semaphore, #tpu.memory_space<semaphore_mem>>)
      } else {
      }
      %add3A_489 = arith.constant 2 : i32
      %add3A_490 = arith.addi %scan3A_438, %add3A_489 : i32
      %lt3A_491 = arith.constant 32 : i32
      %lt3A_492 = arith.cmpi slt, %add3A_490, %lt3A_491 : i32
      %convert_element_type3A_493 = arith.extui %lt3A_492 : i1 to i32
      %cond3A_494 = arith.constant 0 : i32
      %cond3A_495 = arith.cmpi ne, %convert_element_type3A_493, %cond3A_494 : i32
      scf.if %cond3A_495 {
        %add3A_517 = arith.constant 2 : i32
        %add3A_518 = arith.addi %scan3A_438, %add3A_517 : i32
        %rem3A_519 = arith.constant 2 : i32
        %rem3A_520 = arith.remsi %add3A_518, %rem3A_519 : i32
        %rem3A_521 = arith.constant 3 : i32
        %rem3A_522 = arith.remsi %add3A_518, %rem3A_521 : i32
        %mul3A_523 = arith.constant 16 : i32
        %mul3A_524 = arith.muli %add3A_518, %mul3A_523 : i32
        %add3A_525 = arith.addi %mul3A_2, %mul3A_524 : i32
        %mul3A_526 = arith.constant 13 : i32
        %mul3A_527 = arith.muli %add3A_525, %mul3A_526 : i32
        %dma_start3A_528 = arith.constant 0 : i32
        %dma_start3A_529 = arith.constant 0 : i32
        %dma_start3A_530 = tpu.memref_slice %arg6[%rem3A_520, %dma_start3A_528, %dma_start3A_529] : memref<2x16x128xi32, #tpu.memory_space<vmem>> -> memref<1x16x128xi32, #tpu.memory_space<vmem>>
        %dma_start3A_531 = tpu.memref_squeeze %dma_start3A_530 : memref<1x16x128xi32, #tpu.memory_space<vmem>> -> memref<16x128xi32, #tpu.memory_space<vmem>>
        %dma_start3A_532 = arith.constant 0 : i32
        %dma_start3A_533 = tpu.memref_slice %arg3[%add3A_525, %dma_start3A_532] : memref<16384x128xi32, #tpu.memory_space<hbm>> -> memref<16x128xi32, #tpu.memory_space<hbm>>
        %dma_start3A_534 = arith.constant 0 : i32
        %dma_start3A_535 = arith.constant 0 : i32
        %dma_start3A_536 = tpu.memref_slice %arg6[%rem3A_520, %dma_start3A_534, %dma_start3A_535] : memref<2x16x128xi32, #tpu.memory_space<vmem>> -> memref<1x16x128xi32, #tpu.memory_space<vmem>>
        %dma_start3A_537 = tpu.memref_squeeze %dma_start3A_536 : memref<1x16x128xi32, #tpu.memory_space<vmem>> -> memref<16x128xi32, #tpu.memory_space<vmem>>
        %dma_start3A_538 = arith.constant 0 : i32
        %dma_start3A_539 = tpu.memref_slice %arg3[%add3A_525, %dma_start3A_538] : memref<16384x128xi32, #tpu.memory_space<hbm>> -> memref<16x128xi32, #tpu.memory_space<hbm>>
        tpu.enqueue_dma source(%dma_start3A_539 : memref<16x128xi32, #tpu.memory_space<hbm>>) target(%dma_start3A_537 : memref<16x128xi32, #tpu.memory_space<vmem>>) target_semaphore(%arg12 : memref<!tpu.dma_semaphore, #tpu.memory_space<semaphore_mem>>)
        %dma_start3A_540 = arith.constant 0 : i32
        %dma_start3A_541 = tpu.memref_slice %arg10[%rem3A_522, %dma_start3A_540] : memref<3x224xf32, #tpu.memory_space<vmem>> -> memref<1x208xf32, #tpu.memory_space<vmem>>
        %dma_start3A_542 = tpu.memref_squeeze %dma_start3A_541 : memref<1x208xf32, #tpu.memory_space<vmem>> -> memref<208xf32, #tpu.memory_space<vmem>>
        %dma_start3A_543 = tpu.memref_slice %arg2[%mul3A_527] : memref<212992xf32, #tpu.memory_space<hbm>> -> memref<208xf32, #tpu.memory_space<hbm>>
        %dma_start3A_544 = arith.constant 0 : i32
        %dma_start3A_545 = tpu.memref_slice %arg10[%rem3A_522, %dma_start3A_544] : memref<3x224xf32, #tpu.memory_space<vmem>> -> memref<1x208xf32, #tpu.memory_space<vmem>>
        %dma_start3A_546 = tpu.memref_squeeze %dma_start3A_545 : memref<1x208xf32, #tpu.memory_space<vmem>> -> memref<208xf32, #tpu.memory_space<vmem>>
        %dma_start3A_547 = tpu.memref_slice %arg2[%mul3A_527] : memref<212992xf32, #tpu.memory_space<hbm>> -> memref<208xf32, #tpu.memory_space<hbm>>
        tpu.enqueue_dma source(%dma_start3A_547 : memref<208xf32, #tpu.memory_space<hbm>>) target(%dma_start3A_546 : memref<208xf32, #tpu.memory_space<vmem>>) target_semaphore(%arg12 : memref<!tpu.dma_semaphore, #tpu.memory_space<semaphore_mem>>)
      } else {
      }
      %gt3A = arith.constant 0 : i32
      %gt3A_496 = arith.cmpi sgt, %scan3A_438, %gt3A : i32
      %convert_element_type3A_497 = arith.extui %gt3A_496 : i1 to i32
      %cond3A_498 = arith.constant 0 : i32
      %cond3A_499 = arith.cmpi ne, %convert_element_type3A_497, %cond3A_498 : i32
      scf.if %cond3A_499 {
        %sub3A = arith.constant 1 : i32
        %sub3A_517 = arith.subi %scan3A_438, %sub3A : i32
        %mul3A_518 = arith.constant 16 : i32
        %mul3A_519 = arith.muli %sub3A_517, %mul3A_518 : i32
        %add3A_520 = arith.addi %mul3A_2, %mul3A_519 : i32
        %mul3A_521 = arith.constant 2015 : i32
        %mul3A_522 = arith.muli %add3A_520, %mul3A_521 : i32
        %dma_wait3A_523 = tpu.memref_slice %arg5[%mul3A_522] : memref<33013760xf32, #tpu.memory_space<hbm>> -> memref<32240xf32, #tpu.memory_space<hbm>>
        %dma_wait3A_524 = tpu.memref_slice %arg5[%mul3A_522] : memref<33013760xf32, #tpu.memory_space<hbm>> -> memref<32240xf32, #tpu.memory_space<hbm>>
        tpu.wait_dma2 semaphore(%arg14 : memref<!tpu.dma_semaphore, #tpu.memory_space<semaphore_mem>>) src(%arg11 : memref<32240xf32, #tpu.memory_space<vmem>>) dst(%dma_wait3A_524 : memref<32240xf32, #tpu.memory_space<hbm>>)
      } else {
      }
      %rem3A_500 = arith.constant 2 : i32
      %rem3A_501 = arith.remsi %scan3A_438, %rem3A_500 : i32
      %rem3A_502 = arith.constant 3 : i32
      %rem3A_503 = arith.remsi %scan3A_438, %rem3A_502 : i32
      %scan3A_504 = arith.constant 0 : i32
      %scan3A_505 = arith.constant 0 : i32
      %scan3A_506 = arith.constant 16 : i32
      %scan3A_507 = arith.addi %scan3A_505, %scan3A_506 : i32
      %scan3A_508 = arith.constant 1 : i32
      scf.for %scan3A_517 = %scan3A_505 to %scan3A_507 step %scan3A_508  : i32 {
        %mul3A_518 = arith.constant 2015 : i32
        %mul3A_519 = arith.muli %scan3A_517, %mul3A_518 : i32
        %mul3A_520 = arith.constant 13 : i32
        %mul3A_521 = arith.muli %scan3A_517, %mul3A_520 : i32
        %get3A_522 = arith.index_cast %rem3A_503 : i32 to index
        %get3A_523 = arith.index_cast %mul3A_521 : i32 to index
        %get3A_524 = tpu.vector_load %arg10[%get3A_522, %get3A_523] {strides = array<i32>} : memref<3x224xf32, #tpu.memory_space<vmem>>, vector<1x16xf32>,
        %get3A_525 = vector.shape_cast %get3A_524 : vector<1x16xf32> to vector<16xf32>
        %swap3A_526 = arith.index_cast %mul3A_519 : i32 to index
        %swap3A_527 = tpu.vector_load %arg11[%swap3A_526] {strides = array<i32>} : memref<32240xf32, #tpu.memory_space<vmem>>, vector<16xf32>,
        %swap3A_528 = vector.shape_cast %swap3A_527 : vector<16xf32> to vector<16xf32>
        %swap3A_529 = vector.shape_cast %get3A_525 : vector<16xf32> to vector<16xf32>
        tpu.vector_store %arg11[%swap3A_526], %swap3A_529 {strides = array<i32>} : memref<32240xf32, #tpu.memory_space<vmem>>, vector<16xf32>,
        %mul3A_530 = arith.constant 26 : i32
        %mul3A_531 = arith.muli %scan3A_517, %mul3A_530 : i32
        %add3A_532 = arith.constant 0 : i32
        %add3A_533 = arith.addi %mul3A_531, %add3A_532 : i32
        %get3A_534 = arith.index_cast %rem3A_501 : i32 to index
        %get3A_535 = arith.index_cast %add3A_533 : i32 to index
        %get3A_536 = arith.constant 0 : index
        %get3A_537 = tpu.vector_load %arg9[%get3A_534, %get3A_535, %get3A_536] {strides = array<i32>} : memref<2x512x80xf32, #tpu.memory_space<vmem>>, vector<1x1x16xf32>,
        %get3A_538 = vector.shape_cast %get3A_537 : vector<1x1x16xf32> to vector<16xf32>
        %mul3A_539 = arith.constant 26 : i32
        %mul3A_540 = arith.muli %scan3A_517, %mul3A_539 : i32
        %add3A_541 = arith.constant 0 : i32
        %add3A_542 = arith.addi %mul3A_540, %add3A_541 : i32
        %get3A_543 = arith.index_cast %rem3A_501 : i32 to index
        %get3A_544 = arith.index_cast %add3A_542 : i32 to index
        %get3A_545 = arith.constant 16 : index
        %get3A_546 = tpu.vector_load %arg9[%get3A_543, %get3A_544, %get3A_545] {strides = array<i32>} : memref<2x512x80xf32, #tpu.memory_space<vmem>>, vector<1x1x16xf32>,
        %get3A_547 = vector.shape_cast %get3A_546 : vector<1x1x16xf32> to vector<16xf32>
        %mul3A_548 = arith.constant 26 : i32
        %mul3A_549 = arith.muli %scan3A_517, %mul3A_548 : i32
        %add3A_550 = arith.constant 0 : i32
        %add3A_551 = arith.addi %mul3A_549, %add3A_550 : i32
        %get3A_552 = arith.index_cast %rem3A_501 : i32 to index
        %get3A_553 = arith.index_cast %add3A_551 : i32 to index
        %get3A_554 = arith.constant 32 : index
        %get3A_555 = tpu.vector_load %arg9[%get3A_552, %get3A_553, %get3A_554] {strides = array<i32>} : memref<2x512x80xf32, #tpu.memory_space<vmem>>, vector<1x1x16xf32>,
        %get3A_556 = vector.shape_cast %get3A_555 : vector<1x1x16xf32> to vector<16xf32>
        %mul3A_557 = arith.constant 26 : i32
        %mul3A_558 = arith.muli %scan3A_517, %mul3A_557 : i32
        %add3A_559 = arith.constant 0 : i32
        %add3A_560 = arith.addi %mul3A_558, %add3A_559 : i32
        %get3A_561 = arith.index_cast %rem3A_501 : i32 to index
        %get3A_562 = arith.index_cast %add3A_560 : i32 to index
        %get3A_563 = arith.constant 48 : index
        %get3A_564 = tpu.vector_load %arg9[%get3A_561, %get3A_562, %get3A_563] {strides = array<i32>} : memref<2x512x80xf32, #tpu.memory_space<vmem>>, vector<1x1x16xf32>,
        %get3A_565 = vector.shape_cast %get3A_564 : vector<1x1x16xf32> to vector<16xf32>
        %mul3A_566 = arith.constant 26 : i32
        %mul3A_567 = arith.muli %scan3A_517, %mul3A_566 : i32
        %add3A_568 = arith.constant 0 : i32
        %add3A_569 = arith.addi %mul3A_567, %add3A_568 : i32
        %get3A_570 = arith.index_cast %rem3A_501 : i32 to index
        %get3A_571 = arith.index_cast %add3A_569 : i32 to index
        %get3A_572 = arith.constant 61 : index
        %get3A_573 = tpu.vector_load %arg9[%get3A_570, %get3A_571, %get3A_572] {strides = array<i32>} : memref<2x512x80xf32, #tpu.memory_space<vmem>>, vector<1x1x16xf32>,
        %get3A_574 = vector.shape_cast %get3A_573 : vector<1x1x16xf32> to vector<16xf32>
        %mul3A_575 = arith.constant 26 : i32
        %mul3A_576 = arith.muli %scan3A_517, %mul3A_575 : i32
        %add3A_577 = arith.constant 1 : i32
        %add3A_578 = arith.addi %mul3A_576, %add3A_577 : i32
        %get3A_579 = arith.index_cast %rem3A_501 : i32 to index
        %get3A_580 = arith.index_cast %add3A_578 : i32 to index
        %get3A_581 = arith.constant 0 : index
        %get3A_582 = tpu.vector_load %arg9[%get3A_579, %get3A_580, %get3A_581] {strides = array<i32>} : memref<2x512x80xf32, #tpu.memory_space<vmem>>, vector<1x1x16xf32>,
        %get3A_583 = vector.shape_cast %get3A_582 : vector<1x1x16xf32> to vector<16xf32>
        %mul3A_584 = arith.constant 26 : i32
        %mul3A_585 = arith.muli %scan3A_517, %mul3A_584 : i32
        %add3A_586 = arith.constant 1 : i32
        %add3A_587 = arith.addi %mul3A_585, %add3A_586 : i32
        %get3A_588 = arith.index_cast %rem3A_501 : i32 to index
        %get3A_589 = arith.index_cast %add3A_587 : i32 to index
        %get3A_590 = arith.constant 16 : index
        %get3A_591 = tpu.vector_load %arg9[%get3A_588, %get3A_589, %get3A_590] {strides = array<i32>} : memref<2x512x80xf32, #tpu.memory_space<vmem>>, vector<1x1x16xf32>,
        %get3A_592 = vector.shape_cast %get3A_591 : vector<1x1x16xf32> to vector<16xf32>
        %mul3A_593 = arith.constant 26 : i32
        %mul3A_594 = arith.muli %scan3A_517, %mul3A_593 : i32
        %add3A_595 = arith.constant 1 : i32
        %add3A_596 = arith.addi %mul3A_594, %add3A_595 : i32
        %get3A_597 = arith.index_cast %rem3A_501 : i32 to index
        %get3A_598 = arith.index_cast %add3A_596 : i32 to index
        %get3A_599 = arith.constant 32 : index
        %get3A_600 = tpu.vector_load %arg9[%get3A_597, %get3A_598, %get3A_599] {strides = array<i32>} : memref<2x512x80xf32, #tpu.memory_space<vmem>>, vector<1x1x16xf32>,
        %get3A_601 = vector.shape_cast %get3A_600 : vector<1x1x16xf32> to vector<16xf32>
        %mul3A_602 = arith.constant 26 : i32
        %mul3A_603 = arith.muli %scan3A_517, %mul3A_602 : i32
        %add3A_604 = arith.constant 1 : i32
        %add3A_605 = arith.addi %mul3A_603, %add3A_604 : i32
        %get3A_606 = arith.index_cast %rem3A_501 : i32 to index
        %get3A_607 = arith.index_cast %add3A_605 : i32 to index
        %get3A_608 = arith.constant 48 : index
        %get3A_609 = tpu.vector_load %arg9[%get3A_606, %get3A_607, %get3A_608] {strides = array<i32>} : memref<2x512x80xf32, #tpu.memory_space<vmem>>, vector<1x1x16xf32>,
        %get3A_610 = vector.shape_cast %get3A_609 : vector<1x1x16xf32> to vector<16xf32>
        %mul3A_611 = arith.constant 26 : i32
        %mul3A_612 = arith.muli %scan3A_517, %mul3A_611 : i32
        %add3A_613 = arith.constant 1 : i32
        %add3A_614 = arith.addi %mul3A_612, %add3A_613 : i32
        %get3A_615 = arith.index_cast %rem3A_501 : i32 to index
        %get3A_616 = arith.index_cast %add3A_614 : i32 to index
        %get3A_617 = arith.constant 61 : index
        %get3A_618 = tpu.vector_load %arg9[%get3A_615, %get3A_616, %get3A_617] {strides = array<i32>} : memref<2x512x80xf32, #tpu.memory_space<vmem>>, vector<1x1x16xf32>,
        %get3A_619 = vector.shape_cast %get3A_618 : vector<1x1x16xf32> to vector<16xf32>
        %add3A_620 = arith.constant 13 : i32
        %add3A_621 = arith.addi %mul3A_519, %add3A_620 : i32
        %add3A_622 = arith.constant 0 : i32
        %add3A_623 = arith.addi %add3A_621, %add3A_622 : i32
        %add3A_624 = arith.constant 0 : i32
        %add3A_625 = arith.addi %add3A_623, %add3A_624 : i32
        %swap3A_626 = arith.index_cast %add3A_625 : i32 to index
        %swap3A_627 = tpu.vector_load %arg11[%swap3A_626] {strides = array<i32>} : memref<32240xf32, #tpu.memory_space<vmem>>, vector<16xf32>,
        %swap3A_628 = vector.shape_cast %swap3A_627 : vector<16xf32> to vector<16xf32>
        %swap3A_629 = vector.shape_cast %get3A_538 : vector<16xf32> to vector<16xf32>
        tpu.vector_store %arg11[%swap3A_626], %swap3A_629 {strides = array<i32>} : memref<32240xf32, #tpu.memory_space<vmem>>, vector<16xf32>,
        %add3A_630 = arith.constant 13 : i32
        %add3A_631 = arith.addi %mul3A_519, %add3A_630 : i32
        %add3A_632 = arith.constant 0 : i32
        %add3A_633 = arith.addi %add3A_631, %add3A_632 : i32
        %add3A_634 = arith.constant 16 : i32
        %add3A_635 = arith.addi %add3A_633, %add3A_634 : i32
        %swap3A_636 = arith.index_cast %add3A_635 : i32 to index
        %swap3A_637 = tpu.vector_load %arg11[%swap3A_636] {strides = array<i32>} : memref<32240xf32, #tpu.memory_space<vmem>>, vector<16xf32>,
        %swap3A_638 = vector.shape_cast %swap3A_637 : vector<16xf32> to vector<16xf32>
        %swap3A_639 = vector.shape_cast %get3A_547 : vector<16xf32> to vector<16xf32>
        tpu.vector_store %arg11[%swap3A_636], %swap3A_639 {strides = array<i32>} : memref<32240xf32, #tpu.memory_space<vmem>>, vector<16xf32>,
        %add3A_640 = arith.constant 13 : i32
        %add3A_641 = arith.addi %mul3A_519, %add3A_640 : i32
        %add3A_642 = arith.constant 0 : i32
        %add3A_643 = arith.addi %add3A_641, %add3A_642 : i32
        %add3A_644 = arith.constant 32 : i32
        %add3A_645 = arith.addi %add3A_643, %add3A_644 : i32
        %swap3A_646 = arith.index_cast %add3A_645 : i32 to index
        %swap3A_647 = tpu.vector_load %arg11[%swap3A_646] {strides = array<i32>} : memref<32240xf32, #tpu.memory_space<vmem>>, vector<16xf32>,
        %swap3A_648 = vector.shape_cast %swap3A_647 : vector<16xf32> to vector<16xf32>
        %swap3A_649 = vector.shape_cast %get3A_556 : vector<16xf32> to vector<16xf32>
        tpu.vector_store %arg11[%swap3A_646], %swap3A_649 {strides = array<i32>} : memref<32240xf32, #tpu.memory_space<vmem>>, vector<16xf32>,
        %add3A_650 = arith.constant 13 : i32
        %add3A_651 = arith.addi %mul3A_519, %add3A_650 : i32
        %add3A_652 = arith.constant 0 : i32
        %add3A_653 = arith.addi %add3A_651, %add3A_652 : i32
        %add3A_654 = arith.constant 48 : i32
        %add3A_655 = arith.addi %add3A_653, %add3A_654 : i32
        %swap3A_656 = arith.index_cast %add3A_655 : i32 to index
        %swap3A_657 = tpu.vector_load %arg11[%swap3A_656] {strides = array<i32>} : memref<32240xf32, #tpu.memory_space<vmem>>, vector<16xf32>,
        %swap3A_658 = vector.shape_cast %swap3A_657 : vector<16xf32> to vector<16xf32>
        %swap3A_659 = vector.shape_cast %get3A_565 : vector<16xf32> to vector<16xf32>
        tpu.vector_store %arg11[%swap3A_656], %swap3A_659 {strides = array<i32>} : memref<32240xf32, #tpu.memory_space<vmem>>, vector<16xf32>,
        %add3A_660 = arith.constant 13 : i32
        %add3A_661 = arith.addi %mul3A_519, %add3A_660 : i32
        %add3A_662 = arith.constant 0 : i32
        %add3A_663 = arith.addi %add3A_661, %add3A_662 : i32
        %add3A_664 = arith.constant 61 : i32
        %add3A_665 = arith.addi %add3A_663, %add3A_664 : i32
        %swap3A_666 = arith.index_cast %add3A_665 : i32 to index
        %swap3A_667 = tpu.vector_load %arg11[%swap3A_666] {strides = array<i32>} : memref<32240xf32, #tpu.memory_space<vmem>>, vector<16xf32>,
        %swap3A_668 = vector.shape_cast %swap3A_667 : vector<16xf32> to vector<16xf32>
        %swap3A_669 = vector.shape_cast %get3A_574 : vector<16xf32> to vector<16xf32>
        tpu.vector_store %arg11[%swap3A_666], %swap3A_669 {strides = array<i32>} : memref<32240xf32, #tpu.memory_space<vmem>>, vector<16xf32>,
        %add3A_670 = arith.constant 13 : i32
        %add3A_671 = arith.addi %mul3A_519, %add3A_670 : i32
        %add3A_672 = arith.constant 77 : i32
        %add3A_673 = arith.addi %add3A_671, %add3A_672 : i32
        %add3A_674 = arith.constant 0 : i32
        %add3A_675 = arith.addi %add3A_673, %add3A_674 : i32
        %swap3A_676 = arith.index_cast %add3A_675 : i32 to index
        %swap3A_677 = tpu.vector_load %arg11[%swap3A_676] {strides = array<i32>} : memref<32240xf32, #tpu.memory_space<vmem>>, vector<16xf32>,
        %swap3A_678 = vector.shape_cast %swap3A_677 : vector<16xf32> to vector<16xf32>
        %swap3A_679 = vector.shape_cast %get3A_583 : vector<16xf32> to vector<16xf32>
        tpu.vector_store %arg11[%swap3A_676], %swap3A_679 {strides = array<i32>} : memref<32240xf32, #tpu.memory_space<vmem>>, vector<16xf32>,
        %add3A_680 = arith.constant 13 : i32
        %add3A_681 = arith.addi %mul3A_519, %add3A_680 : i32
        %add3A_682 = arith.constant 77 : i32
        %add3A_683 = arith.addi %add3A_681, %add3A_682 : i32
        %add3A_684 = arith.constant 16 : i32
        %add3A_685 = arith.addi %add3A_683, %add3A_684 : i32
        %swap3A_686 = arith.index_cast %add3A_685 : i32 to index
        %swap3A_687 = tpu.vector_load %arg11[%swap3A_686] {strides = array<i32>} : memref<32240xf32, #tpu.memory_space<vmem>>, vector<16xf32>,
        %swap3A_688 = vector.shape_cast %swap3A_687 : vector<16xf32> to vector<16xf32>
        %swap3A_689 = vector.shape_cast %get3A_592 : vector<16xf32> to vector<16xf32>
        tpu.vector_store %arg11[%swap3A_686], %swap3A_689 {strides = array<i32>} : memref<32240xf32, #tpu.memory_space<vmem>>, vector<16xf32>,
        %add3A_690 = arith.constant 13 : i32
        %add3A_691 = arith.addi %mul3A_519, %add3A_690 : i32
        %add3A_692 = arith.constant 77 : i32
        %add3A_693 = arith.addi %add3A_691, %add3A_692 : i32
        %add3A_694 = arith.constant 32 : i32
        %add3A_695 = arith.addi %add3A_693, %add3A_694 : i32
        %swap3A_696 = arith.index_cast %add3A_695 : i32 to index
        %swap3A_697 = tpu.vector_load %arg11[%swap3A_696] {strides = array<i32>} : memref<32240xf32, #tpu.memory_space<vmem>>, vector<16xf32>,
        %swap3A_698 = vector.shape_cast %swap3A_697 : vector<16xf32> to vector<16xf32>
        %swap3A_699 = vector.shape_cast %get3A_601 : vector<16xf32> to vector<16xf32>
        tpu.vector_store %arg11[%swap3A_696], %swap3A_699 {strides = array<i32>} : memref<32240xf32, #tpu.memory_space<vmem>>, vector<16xf32>,
        %add3A_700 = arith.constant 13 : i32
        %add3A_701 = arith.addi %mul3A_519, %add3A_700 : i32
        %add3A_702 = arith.constant 77 : i32
        %add3A_703 = arith.addi %add3A_701, %add3A_702 : i32
        %add3A_704 = arith.constant 48 : i32
        %add3A_705 = arith.addi %add3A_703, %add3A_704 : i32
        %swap3A_706 = arith.index_cast %add3A_705 : i32 to index
        %swap3A_707 = tpu.vector_load %arg11[%swap3A_706] {strides = array<i32>} : memref<32240xf32, #tpu.memory_space<vmem>>, vector<16xf32>,
        %swap3A_708 = vector.shape_cast %swap3A_707 : vector<16xf32> to vector<16xf32>
        %swap3A_709 = vector.shape_cast %get3A_610 : vector<16xf32> to vector<16xf32>
        tpu.vector_store %arg11[%swap3A_706], %swap3A_709 {strides = array<i32>} : memref<32240xf32, #tpu.memory_space<vmem>>, vector<16xf32>,
        %add3A_710 = arith.constant 13 : i32
        %add3A_711 = arith.addi %mul3A_519, %add3A_710 : i32
        %add3A_712 = arith.constant 77 : i32
        %add3A_713 = arith.addi %add3A_711, %add3A_712 : i32
        %add3A_714 = arith.constant 61 : i32
        %add3A_715 = arith.addi %add3A_713, %add3A_714 : i32
        %swap3A_716 = arith.index_cast %add3A_715 : i32 to index
        %swap3A_717 = tpu.vector_load %arg11[%swap3A_716] {strides = array<i32>} : memref<32240xf32, #tpu.memory_space<vmem>>, vector<16xf32>,
        %swap3A_718 = vector.shape_cast %swap3A_717 : vector<16xf32> to vector<16xf32>
        %swap3A_719 = vector.shape_cast %get3A_619 : vector<16xf32> to vector<16xf32>
        tpu.vector_store %arg11[%swap3A_716], %swap3A_719 {strides = array<i32>} : memref<32240xf32, #tpu.memory_space<vmem>>, vector<16xf32>,
        %mul3A_720 = arith.constant 26 : i32
        %mul3A_721 = arith.muli %scan3A_517, %mul3A_720 : i32
        %add3A_722 = arith.constant 2 : i32
        %add3A_723 = arith.addi %mul3A_721, %add3A_722 : i32
        %get3A_724 = arith.index_cast %rem3A_501 : i32 to index
        %get3A_725 = arith.index_cast %add3A_723 : i32 to index
        %get3A_726 = arith.constant 0 : index
        %get3A_727 = tpu.vector_load %arg9[%get3A_724, %get3A_725, %get3A_726] {strides = array<i32>} : memref<2x512x80xf32, #tpu.memory_space<vmem>>, vector<1x1x16xf32>,
        %get3A_728 = vector.shape_cast %get3A_727 : vector<1x1x16xf32> to vector<16xf32>
        %mul3A_729 = arith.constant 26 : i32
        %mul3A_730 = arith.muli %scan3A_517, %mul3A_729 : i32
        %add3A_731 = arith.constant 2 : i32
        %add3A_732 = arith.addi %mul3A_730, %add3A_731 : i32
        %get3A_733 = arith.index_cast %rem3A_501 : i32 to index
        %get3A_734 = arith.index_cast %add3A_732 : i32 to index
        %get3A_735 = arith.constant 16 : index
        %get3A_736 = tpu.vector_load %arg9[%get3A_733, %get3A_734, %get3A_735] {strides = array<i32>} : memref<2x512x80xf32, #tpu.memory_space<vmem>>, vector<1x1x16xf32>,
        %get3A_737 = vector.shape_cast %get3A_736 : vector<1x1x16xf32> to vector<16xf32>
        %mul3A_738 = arith.constant 26 : i32
        %mul3A_739 = arith.muli %scan3A_517, %mul3A_738 : i32
        %add3A_740 = arith.constant 2 : i32
        %add3A_741 = arith.addi %mul3A_739, %add3A_740 : i32
        %get3A_742 = arith.index_cast %rem3A_501 : i32 to index
        %get3A_743 = arith.index_cast %add3A_741 : i32 to index
        %get3A_744 = arith.constant 32 : index
        %get3A_745 = tpu.vector_load %arg9[%get3A_742, %get3A_743, %get3A_744] {strides = array<i32>} : memref<2x512x80xf32, #tpu.memory_space<vmem>>, vector<1x1x16xf32>,
        %get3A_746 = vector.shape_cast %get3A_745 : vector<1x1x16xf32> to vector<16xf32>
        %mul3A_747 = arith.constant 26 : i32
        %mul3A_748 = arith.muli %scan3A_517, %mul3A_747 : i32
        %add3A_749 = arith.constant 2 : i32
        %add3A_750 = arith.addi %mul3A_748, %add3A_749 : i32
        %get3A_751 = arith.index_cast %rem3A_501 : i32 to index
        %get3A_752 = arith.index_cast %add3A_750 : i32 to index
        %get3A_753 = arith.constant 48 : index
        %get3A_754 = tpu.vector_load %arg9[%get3A_751, %get3A_752, %get3A_753] {strides = array<i32>} : memref<2x512x80xf32, #tpu.memory_space<vmem>>, vector<1x1x16xf32>,
        %get3A_755 = vector.shape_cast %get3A_754 : vector<1x1x16xf32> to vector<16xf32>
        %mul3A_756 = arith.constant 26 : i32
        %mul3A_757 = arith.muli %scan3A_517, %mul3A_756 : i32
        %add3A_758 = arith.constant 2 : i32
        %add3A_759 = arith.addi %mul3A_757, %add3A_758 : i32
        %get3A_760 = arith.index_cast %rem3A_501 : i32 to index
        %get3A_761 = arith.index_cast %add3A_759 : i32 to index
        %get3A_762 = arith.constant 61 : index
        %get3A_763 = tpu.vector_load %arg9[%get3A_760, %get3A_761, %get3A_762] {strides = array<i32>} : memref<2x512x80xf32, #tpu.memory_space<vmem>>, vector<1x1x16xf32>,
        %get3A_764 = vector.shape_cast %get3A_763 : vector<1x1x16xf32> to vector<16xf32>
        %mul3A_765 = arith.constant 26 : i32
        %mul3A_766 = arith.muli %scan3A_517, %mul3A_765 : i32
        %add3A_767 = arith.constant 3 : i32
        %add3A_768 = arith.addi %mul3A_766, %add3A_767 : i32
        %get3A_769 = arith.index_cast %rem3A_501 : i32 to index
        %get3A_770 = arith.index_cast %add3A_768 : i32 to index
        %get3A_771 = arith.constant 0 : index
        %get3A_772 = tpu.vector_load %arg9[%get3A_769, %get3A_770, %get3A_771] {strides = array<i32>} : memref<2x512x80xf32, #tpu.memory_space<vmem>>, vector<1x1x16xf32>,
        %get3A_773 = vector.shape_cast %get3A_772 : vector<1x1x16xf32> to vector<16xf32>
        %mul3A_774 = arith.constant 26 : i32
        %mul3A_775 = arith.muli %scan3A_517, %mul3A_774 : i32
        %add3A_776 = arith.constant 3 : i32
        %add3A_777 = arith.addi %mul3A_775, %add3A_776 : i32
        %get3A_778 = arith.index_cast %rem3A_501 : i32 to index
        %get3A_779 = arith.index_cast %add3A_777 : i32 to index
        %get3A_780 = arith.constant 16 : index
        %get3A_781 = tpu.vector_load %arg9[%get3A_778, %get3A_779, %get3A_780] {strides = array<i32>} : memref<2x512x80xf32, #tpu.memory_space<vmem>>, vector<1x1x16xf32>,
        %get3A_782 = vector.shape_cast %get3A_781 : vector<1x1x16xf32> to vector<16xf32>
        %mul3A_783 = arith.constant 26 : i32
        %mul3A_784 = arith.muli %scan3A_517, %mul3A_783 : i32
        %add3A_785 = arith.constant 3 : i32
        %add3A_786 = arith.addi %mul3A_784, %add3A_785 : i32
        %get3A_787 = arith.index_cast %rem3A_501 : i32 to index
        %get3A_788 = arith.index_cast %add3A_786 : i32 to index
        %get3A_789 = arith.constant 32 : index
        %get3A_790 = tpu.vector_load %arg9[%get3A_787, %get3A_788, %get3A_789] {strides = array<i32>} : memref<2x512x80xf32, #tpu.memory_space<vmem>>, vector<1x1x16xf32>,
        %get3A_791 = vector.shape_cast %get3A_790 : vector<1x1x16xf32> to vector<16xf32>
        %mul3A_792 = arith.constant 26 : i32
        %mul3A_793 = arith.muli %scan3A_517, %mul3A_792 : i32
        %add3A_794 = arith.constant 3 : i32
        %add3A_795 = arith.addi %mul3A_793, %add3A_794 : i32
        %get3A_796 = arith.index_cast %rem3A_501 : i32 to index
        %get3A_797 = arith.index_cast %add3A_795 : i32 to index
        %get3A_798 = arith.constant 48 : index
        %get3A_799 = tpu.vector_load %arg9[%get3A_796, %get3A_797, %get3A_798] {strides = array<i32>} : memref<2x512x80xf32, #tpu.memory_space<vmem>>, vector<1x1x16xf32>,
        %get3A_800 = vector.shape_cast %get3A_799 : vector<1x1x16xf32> to vector<16xf32>
        %mul3A_801 = arith.constant 26 : i32
        %mul3A_802 = arith.muli %scan3A_517, %mul3A_801 : i32
        %add3A_803 = arith.constant 3 : i32
        %add3A_804 = arith.addi %mul3A_802, %add3A_803 : i32
        %get3A_805 = arith.index_cast %rem3A_501 : i32 to index
        %get3A_806 = arith.index_cast %add3A_804 : i32 to index
        %get3A_807 = arith.constant 61 : index
        %get3A_808 = tpu.vector_load %arg9[%get3A_805, %get3A_806, %get3A_807] {strides = array<i32>} : memref<2x512x80xf32, #tpu.memory_space<vmem>>, vector<1x1x16xf32>,
        %get3A_809 = vector.shape_cast %get3A_808 : vector<1x1x16xf32> to vector<16xf32>
        %add3A_810 = arith.constant 13 : i32
        %add3A_811 = arith.addi %mul3A_519, %add3A_810 : i32
        %add3A_812 = arith.constant 154 : i32
        %add3A_813 = arith.addi %add3A_811, %add3A_812 : i32
        %add3A_814 = arith.constant 0 : i32
        %add3A_815 = arith.addi %add3A_813, %add3A_814 : i32
        %swap3A_816 = arith.index_cast %add3A_815 : i32 to index
        %swap3A_817 = tpu.vector_load %arg11[%swap3A_816] {strides = array<i32>} : memref<32240xf32, #tpu.memory_space<vmem>>, vector<16xf32>,
        %swap3A_818 = vector.shape_cast %swap3A_817 : vector<16xf32> to vector<16xf32>
        %swap3A_819 = vector.shape_cast %get3A_728 : vector<16xf32> to vector<16xf32>
        tpu.vector_store %arg11[%swap3A_816], %swap3A_819 {strides = array<i32>} : memref<32240xf32, #tpu.memory_space<vmem>>, vector<16xf32>,
        %add3A_820 = arith.constant 13 : i32
        %add3A_821 = arith.addi %mul3A_519, %add3A_820 : i32
        %add3A_822 = arith.constant 154 : i32
        %add3A_823 = arith.addi %add3A_821, %add3A_822 : i32
        %add3A_824 = arith.constant 16 : i32
        %add3A_825 = arith.addi %add3A_823, %add3A_824 : i32
        %swap3A_826 = arith.index_cast %add3A_825 : i32 to index
        %swap3A_827 = tpu.vector_load %arg11[%swap3A_826] {strides = array<i32>} : memref<32240xf32, #tpu.memory_space<vmem>>, vector<16xf32>,
        %swap3A_828 = vector.shape_cast %swap3A_827 : vector<16xf32> to vector<16xf32>
        %swap3A_829 = vector.shape_cast %get3A_737 : vector<16xf32> to vector<16xf32>
        tpu.vector_store %arg11[%swap3A_826], %swap3A_829 {strides = array<i32>} : memref<32240xf32, #tpu.memory_space<vmem>>, vector<16xf32>,
        %add3A_830 = arith.constant 13 : i32
        %add3A_831 = arith.addi %mul3A_519, %add3A_830 : i32
        %add3A_832 = arith.constant 154 : i32
        %add3A_833 = arith.addi %add3A_831, %add3A_832 : i32
        %add3A_834 = arith.constant 32 : i32
        %add3A_835 = arith.addi %add3A_833, %add3A_834 : i32
        %swap3A_836 = arith.index_cast %add3A_835 : i32 to index
        %swap3A_837 = tpu.vector_load %arg11[%swap3A_836] {strides = array<i32>} : memref<32240xf32, #tpu.memory_space<vmem>>, vector<16xf32>,
        %swap3A_838 = vector.shape_cast %swap3A_837 : vector<16xf32> to vector<16xf32>
        %swap3A_839 = vector.shape_cast %get3A_746 : vector<16xf32> to vector<16xf32>
        tpu.vector_store %arg11[%swap3A_836], %swap3A_839 {strides = array<i32>} : memref<32240xf32, #tpu.memory_space<vmem>>, vector<16xf32>,
        %add3A_840 = arith.constant 13 : i32
        %add3A_841 = arith.addi %mul3A_519, %add3A_840 : i32
        %add3A_842 = arith.constant 154 : i32
        %add3A_843 = arith.addi %add3A_841, %add3A_842 : i32
        %add3A_844 = arith.constant 48 : i32
        %add3A_845 = arith.addi %add3A_843, %add3A_844 : i32
        %swap3A_846 = arith.index_cast %add3A_845 : i32 to index
        %swap3A_847 = tpu.vector_load %arg11[%swap3A_846] {strides = array<i32>} : memref<32240xf32, #tpu.memory_space<vmem>>, vector<16xf32>,
        %swap3A_848 = vector.shape_cast %swap3A_847 : vector<16xf32> to vector<16xf32>
        %swap3A_849 = vector.shape_cast %get3A_755 : vector<16xf32> to vector<16xf32>
        tpu.vector_store %arg11[%swap3A_846], %swap3A_849 {strides = array<i32>} : memref<32240xf32, #tpu.memory_space<vmem>>, vector<16xf32>,
        %add3A_850 = arith.constant 13 : i32
        %add3A_851 = arith.addi %mul3A_519, %add3A_850 : i32
        %add3A_852 = arith.constant 154 : i32
        %add3A_853 = arith.addi %add3A_851, %add3A_852 : i32
        %add3A_854 = arith.constant 61 : i32
        %add3A_855 = arith.addi %add3A_853, %add3A_854 : i32
        %swap3A_856 = arith.index_cast %add3A_855 : i32 to index
        %swap3A_857 = tpu.vector_load %arg11[%swap3A_856] {strides = array<i32>} : memref<32240xf32, #tpu.memory_space<vmem>>, vector<16xf32>,
        %swap3A_858 = vector.shape_cast %swap3A_857 : vector<16xf32> to vector<16xf32>
        %swap3A_859 = vector.shape_cast %get3A_764 : vector<16xf32> to vector<16xf32>
        tpu.vector_store %arg11[%swap3A_856], %swap3A_859 {strides = array<i32>} : memref<32240xf32, #tpu.memory_space<vmem>>, vector<16xf32>,
        %add3A_860 = arith.constant 13 : i32
        %add3A_861 = arith.addi %mul3A_519, %add3A_860 : i32
        %add3A_862 = arith.constant 231 : i32
        %add3A_863 = arith.addi %add3A_861, %add3A_862 : i32
        %add3A_864 = arith.constant 0 : i32
        %add3A_865 = arith.addi %add3A_863, %add3A_864 : i32
        %swap3A_866 = arith.index_cast %add3A_865 : i32 to index
        %swap3A_867 = tpu.vector_load %arg11[%swap3A_866] {strides = array<i32>} : memref<32240xf32, #tpu.memory_space<vmem>>, vector<16xf32>,
        %swap3A_868 = vector.shape_cast %swap3A_867 : vector<16xf32> to vector<16xf32>
        %swap3A_869 = vector.shape_cast %get3A_773 : vector<16xf32> to vector<16xf32>
        tpu.vector_store %arg11[%swap3A_866], %swap3A_869 {strides = array<i32>} : memref<32240xf32, #tpu.memory_space<vmem>>, vector<16xf32>,
        %add3A_870 = arith.constant 13 : i32
        %add3A_871 = arith.addi %mul3A_519, %add3A_870 : i32
        %add3A_872 = arith.constant 231 : i32
        %add3A_873 = arith.addi %add3A_871, %add3A_872 : i32
        %add3A_874 = arith.constant 16 : i32
        %add3A_875 = arith.addi %add3A_873, %add3A_874 : i32
        %swap3A_876 = arith.index_cast %add3A_875 : i32 to index
        %swap3A_877 = tpu.vector_load %arg11[%swap3A_876] {strides = array<i32>} : memref<32240xf32, #tpu.memory_space<vmem>>, vector<16xf32>,
        %swap3A_878 = vector.shape_cast %swap3A_877 : vector<16xf32> to vector<16xf32>
        %swap3A_879 = vector.shape_cast %get3A_782 : vector<16xf32> to vector<16xf32>
        tpu.vector_store %arg11[%swap3A_876], %swap3A_879 {strides = array<i32>} : memref<32240xf32, #tpu.memory_space<vmem>>, vector<16xf32>,
        %add3A_880 = arith.constant 13 : i32
        %add3A_881 = arith.addi %mul3A_519, %add3A_880 : i32
        %add3A_882 = arith.constant 231 : i32
        %add3A_883 = arith.addi %add3A_881, %add3A_882 : i32
        %add3A_884 = arith.constant 32 : i32
        %add3A_885 = arith.addi %add3A_883, %add3A_884 : i32
        %swap3A_886 = arith.index_cast %add3A_885 : i32 to index
        %swap3A_887 = tpu.vector_load %arg11[%swap3A_886] {strides = array<i32>} : memref<32240xf32, #tpu.memory_space<vmem>>, vector<16xf32>,
        %swap3A_888 = vector.shape_cast %swap3A_887 : vector<16xf32> to vector<16xf32>
        %swap3A_889 = vector.shape_cast %get3A_791 : vector<16xf32> to vector<16xf32>
        tpu.vector_store %arg11[%swap3A_886], %swap3A_889 {strides = array<i32>} : memref<32240xf32, #tpu.memory_space<vmem>>, vector<16xf32>,
        %add3A_890 = arith.constant 13 : i32
        %add3A_891 = arith.addi %mul3A_519, %add3A_890 : i32
        %add3A_892 = arith.constant 231 : i32
        %add3A_893 = arith.addi %add3A_891, %add3A_892 : i32
        %add3A_894 = arith.constant 48 : i32
        %add3A_895 = arith.addi %add3A_893, %add3A_894 : i32
        %swap3A_896 = arith.index_cast %add3A_895 : i32 to index
        %swap3A_897 = tpu.vector_load %arg11[%swap3A_896] {strides = array<i32>} : memref<32240xf32, #tpu.memory_space<vmem>>, vector<16xf32>,
        %swap3A_898 = vector.shape_cast %swap3A_897 : vector<16xf32> to vector<16xf32>
        %swap3A_899 = vector.shape_cast %get3A_800 : vector<16xf32> to vector<16xf32>
        tpu.vector_store %arg11[%swap3A_896], %swap3A_899 {strides = array<i32>} : memref<32240xf32, #tpu.memory_space<vmem>>, vector<16xf32>,
        %add3A_900 = arith.constant 13 : i32
        %add3A_901 = arith.addi %mul3A_519, %add3A_900 : i32
        %add3A_902 = arith.constant 231 : i32
        %add3A_903 = arith.addi %add3A_901, %add3A_902 : i32
        %add3A_904 = arith.constant 61 : i32
        %add3A_905 = arith.addi %add3A_903, %add3A_904 : i32
        %swap3A_906 = arith.index_cast %add3A_905 : i32 to index
        %swap3A_907 = tpu.vector_load %arg11[%swap3A_906] {strides = array<i32>} : memref<32240xf32, #tpu.memory_space<vmem>>, vector<16xf32>,
        %swap3A_908 = vector.shape_cast %swap3A_907 : vector<16xf32> to vector<16xf32>
        %swap3A_909 = vector.shape_cast %get3A_809 : vector<16xf32> to vector<16xf32>
        tpu.vector_store %arg11[%swap3A_906], %swap3A_909 {strides = array<i32>} : memref<32240xf32, #tpu.memory_space<vmem>>, vector<16xf32>,
        %mul3A_910 = arith.constant 26 : i32
        %mul3A_911 = arith.muli %scan3A_517, %mul3A_910 : i32
        %add3A_912 = arith.constant 4 : i32
        %add3A_913 = arith.addi %mul3A_911, %add3A_912 : i32
        %get3A_914 = arith.index_cast %rem3A_501 : i32 to index
        %get3A_915 = arith.index_cast %add3A_913 : i32 to index
        %get3A_916 = arith.constant 0 : index
        %get3A_917 = tpu.vector_load %arg9[%get3A_914, %get3A_915, %get3A_916] {strides = array<i32>} : memref<2x512x80xf32, #tpu.memory_space<vmem>>, vector<1x1x16xf32>,
        %get3A_918 = vector.shape_cast %get3A_917 : vector<1x1x16xf32> to vector<16xf32>
        %mul3A_919 = arith.constant 26 : i32
        %mul3A_920 = arith.muli %scan3A_517, %mul3A_919 : i32
        %add3A_921 = arith.constant 4 : i32
        %add3A_922 = arith.addi %mul3A_920, %add3A_921 : i32
        %get3A_923 = arith.index_cast %rem3A_501 : i32 to index
        %get3A_924 = arith.index_cast %add3A_922 : i32 to index
        %get3A_925 = arith.constant 16 : index
        %get3A_926 = tpu.vector_load %arg9[%get3A_923, %get3A_924, %get3A_925] {strides = array<i32>} : memref<2x512x80xf32, #tpu.memory_space<vmem>>, vector<1x1x16xf32>,
        %get3A_927 = vector.shape_cast %get3A_926 : vector<1x1x16xf32> to vector<16xf32>
        %mul3A_928 = arith.constant 26 : i32
        %mul3A_929 = arith.muli %scan3A_517, %mul3A_928 : i32
        %add3A_930 = arith.constant 4 : i32
        %add3A_931 = arith.addi %mul3A_929, %add3A_930 : i32
        %get3A_932 = arith.index_cast %rem3A_501 : i32 to index
        %get3A_933 = arith.index_cast %add3A_931 : i32 to index
        %get3A_934 = arith.constant 32 : index
        %get3A_935 = tpu.vector_load %arg9[%get3A_932, %get3A_933, %get3A_934] {strides = array<i32>} : memref<2x512x80xf32, #tpu.memory_space<vmem>>, vector<1x1x16xf32>,
        %get3A_936 = vector.shape_cast %get3A_935 : vector<1x1x16xf32> to vector<16xf32>
        %mul3A_937 = arith.constant 26 : i32
        %mul3A_938 = arith.muli %scan3A_517, %mul3A_937 : i32
        %add3A_939 = arith.constant 4 : i32
        %add3A_940 = arith.addi %mul3A_938, %add3A_939 : i32
        %get3A_941 = arith.index_cast %rem3A_501 : i32 to index
        %get3A_942 = arith.index_cast %add3A_940 : i32 to index
        %get3A_943 = arith.constant 48 : index
        %get3A_944 = tpu.vector_load %arg9[%get3A_941, %get3A_942, %get3A_943] {strides = array<i32>} : memref<2x512x80xf32, #tpu.memory_space<vmem>>, vector<1x1x16xf32>,
        %get3A_945 = vector.shape_cast %get3A_944 : vector<1x1x16xf32> to vector<16xf32>
        %mul3A_946 = arith.constant 26 : i32
        %mul3A_947 = arith.muli %scan3A_517, %mul3A_946 : i32
        %add3A_948 = arith.constant 4 : i32
        %add3A_949 = arith.addi %mul3A_947, %add3A_948 : i32
        %get3A_950 = arith.index_cast %rem3A_501 : i32 to index
        %get3A_951 = arith.index_cast %add3A_949 : i32 to index
        %get3A_952 = arith.constant 61 : index
        %get3A_953 = tpu.vector_load %arg9[%get3A_950, %get3A_951, %get3A_952] {strides = array<i32>} : memref<2x512x80xf32, #tpu.memory_space<vmem>>, vector<1x1x16xf32>,
        %get3A_954 = vector.shape_cast %get3A_953 : vector<1x1x16xf32> to vector<16xf32>
        %mul3A_955 = arith.constant 26 : i32
        %mul3A_956 = arith.muli %scan3A_517, %mul3A_955 : i32
        %add3A_957 = arith.constant 5 : i32
        %add3A_958 = arith.addi %mul3A_956, %add3A_957 : i32
        %get3A_959 = arith.index_cast %rem3A_501 : i32 to index
        %get3A_960 = arith.index_cast %add3A_958 : i32 to index
        %get3A_961 = arith.constant 0 : index
        %get3A_962 = tpu.vector_load %arg9[%get3A_959, %get3A_960, %get3A_961] {strides = array<i32>} : memref<2x512x80xf32, #tpu.memory_space<vmem>>, vector<1x1x16xf32>,
        %get3A_963 = vector.shape_cast %get3A_962 : vector<1x1x16xf32> to vector<16xf32>
        %mul3A_964 = arith.constant 26 : i32
        %mul3A_965 = arith.muli %scan3A_517, %mul3A_964 : i32
        %add3A_966 = arith.constant 5 : i32
        %add3A_967 = arith.addi %mul3A_965, %add3A_966 : i32
        %get3A_968 = arith.index_cast %rem3A_501 : i32 to index
        %get3A_969 = arith.index_cast %add3A_967 : i32 to index
        %get3A_970 = arith.constant 16 : index
        %get3A_971 = tpu.vector_load %arg9[%get3A_968, %get3A_969, %get3A_970] {strides = array<i32>} : memref<2x512x80xf32, #tpu.memory_space<vmem>>, vector<1x1x16xf32>,
        %get3A_972 = vector.shape_cast %get3A_971 : vector<1x1x16xf32> to vector<16xf32>
        %mul3A_973 = arith.constant 26 : i32
        %mul3A_974 = arith.muli %scan3A_517, %mul3A_973 : i32
        %add3A_975 = arith.constant 5 : i32
        %add3A_976 = arith.addi %mul3A_974, %add3A_975 : i32
        %get3A_977 = arith.index_cast %rem3A_501 : i32 to index
        %get3A_978 = arith.index_cast %add3A_976 : i32 to index
        %get3A_979 = arith.constant 32 : index
        %get3A_980 = tpu.vector_load %arg9[%get3A_977, %get3A_978, %get3A_979] {strides = array<i32>} : memref<2x512x80xf32, #tpu.memory_space<vmem>>, vector<1x1x16xf32>,
        %get3A_981 = vector.shape_cast %get3A_980 : vector<1x1x16xf32> to vector<16xf32>
        %mul3A_982 = arith.constant 26 : i32
        %mul3A_983 = arith.muli %scan3A_517, %mul3A_982 : i32
        %add3A_984 = arith.constant 5 : i32
        %add3A_985 = arith.addi %mul3A_983, %add3A_984 : i32
        %get3A_986 = arith.index_cast %rem3A_501 : i32 to index
        %get3A_987 = arith.index_cast %add3A_985 : i32 to index
        %get3A_988 = arith.constant 48 : index
        %get3A_989 = tpu.vector_load %arg9[%get3A_986, %get3A_987, %get3A_988] {strides = array<i32>} : memref<2x512x80xf32, #tpu.memory_space<vmem>>, vector<1x1x16xf32>,
        %get3A_990 = vector.shape_cast %get3A_989 : vector<1x1x16xf32> to vector<16xf32>
        %mul3A_991 = arith.constant 26 : i32
        %mul3A_992 = arith.muli %scan3A_517, %mul3A_991 : i32
        %add3A_993 = arith.constant 5 : i32
        %add3A_994 = arith.addi %mul3A_992, %add3A_993 : i32
        %get3A_995 = arith.index_cast %rem3A_501 : i32 to index
        %get3A_996 = arith.index_cast %add3A_994 : i32 to index
        %get3A_997 = arith.constant 61 : index
        %get3A_998 = tpu.vector_load %arg9[%get3A_995, %get3A_996, %get3A_997] {strides = array<i32>} : memref<2x512x80xf32, #tpu.memory_space<vmem>>, vector<1x1x16xf32>,
        %get3A_999 = vector.shape_cast %get3A_998 : vector<1x1x16xf32> to vector<16xf32>
        %add3A_1000 = arith.constant 13 : i32
        %add3A_1001 = arith.addi %mul3A_519, %add3A_1000 : i32
        %add3A_1002 = arith.constant 308 : i32
        %add3A_1003 = arith.addi %add3A_1001, %add3A_1002 : i32
        %add3A_1004 = arith.constant 0 : i32
        %add3A_1005 = arith.addi %add3A_1003, %add3A_1004 : i32
        %swap3A_1006 = arith.index_cast %add3A_1005 : i32 to index
        %swap3A_1007 = tpu.vector_load %arg11[%swap3A_1006] {strides = array<i32>} : memref<32240xf32, #tpu.memory_space<vmem>>, vector<16xf32>,
        %swap3A_1008 = vector.shape_cast %swap3A_1007 : vector<16xf32> to vector<16xf32>
        %swap3A_1009 = vector.shape_cast %get3A_918 : vector<16xf32> to vector<16xf32>
        tpu.vector_store %arg11[%swap3A_1006], %swap3A_1009 {strides = array<i32>} : memref<32240xf32, #tpu.memory_space<vmem>>, vector<16xf32>,
        %add3A_1010 = arith.constant 13 : i32
        %add3A_1011 = arith.addi %mul3A_519, %add3A_1010 : i32
        %add3A_1012 = arith.constant 308 : i32
        %add3A_1013 = arith.addi %add3A_1011, %add3A_1012 : i32
        %add3A_1014 = arith.constant 16 : i32
        %add3A_1015 = arith.addi %add3A_1013, %add3A_1014 : i32
        %swap3A_1016 = arith.index_cast %add3A_1015 : i32 to index
        %swap3A_1017 = tpu.vector_load %arg11[%swap3A_1016] {strides = array<i32>} : memref<32240xf32, #tpu.memory_space<vmem>>, vector<16xf32>,
        %swap3A_1018 = vector.shape_cast %swap3A_1017 : vector<16xf32> to vector<16xf32>
        %swap3A_1019 = vector.shape_cast %get3A_927 : vector<16xf32> to vector<16xf32>
        tpu.vector_store %arg11[%swap3A_1016], %swap3A_1019 {strides = array<i32>} : memref<32240xf32, #tpu.memory_space<vmem>>, vector<16xf32>,
        %add3A_1020 = arith.constant 13 : i32
        %add3A_1021 = arith.addi %mul3A_519, %add3A_1020 : i32
        %add3A_1022 = arith.constant 308 : i32
        %add3A_1023 = arith.addi %add3A_1021, %add3A_1022 : i32
        %add3A_1024 = arith.constant 32 : i32
        %add3A_1025 = arith.addi %add3A_1023, %add3A_1024 : i32
        %swap3A_1026 = arith.index_cast %add3A_1025 : i32 to index
        %swap3A_1027 = tpu.vector_load %arg11[%swap3A_1026] {strides = array<i32>} : memref<32240xf32, #tpu.memory_space<vmem>>, vector<16xf32>,
        %swap3A_1028 = vector.shape_cast %swap3A_1027 : vector<16xf32> to vector<16xf32>
        %swap3A_1029 = vector.shape_cast %get3A_936 : vector<16xf32> to vector<16xf32>
        tpu.vector_store %arg11[%swap3A_1026], %swap3A_1029 {strides = array<i32>} : memref<32240xf32, #tpu.memory_space<vmem>>, vector<16xf32>,
        %add3A_1030 = arith.constant 13 : i32
        %add3A_1031 = arith.addi %mul3A_519, %add3A_1030 : i32
        %add3A_1032 = arith.constant 308 : i32
        %add3A_1033 = arith.addi %add3A_1031, %add3A_1032 : i32
        %add3A_1034 = arith.constant 48 : i32
        %add3A_1035 = arith.addi %add3A_1033, %add3A_1034 : i32
        %swap3A_1036 = arith.index_cast %add3A_1035 : i32 to index
        %swap3A_1037 = tpu.vector_load %arg11[%swap3A_1036] {strides = array<i32>} : memref<32240xf32, #tpu.memory_space<vmem>>, vector<16xf32>,
        %swap3A_1038 = vector.shape_cast %swap3A_1037 : vector<16xf32> to vector<16xf32>
        %swap3A_1039 = vector.shape_cast %get3A_945 : vector<16xf32> to vector<16xf32>
        tpu.vector_store %arg11[%swap3A_1036], %swap3A_1039 {strides = array<i32>} : memref<32240xf32, #tpu.memory_space<vmem>>, vector<16xf32>,
        %add3A_1040 = arith.constant 13 : i32
        %add3A_1041 = arith.addi %mul3A_519, %add3A_1040 : i32
        %add3A_1042 = arith.constant 308 : i32
        %add3A_1043 = arith.addi %add3A_1041, %add3A_1042 : i32
        %add3A_1044 = arith.constant 61 : i32
        %add3A_1045 = arith.addi %add3A_1043, %add3A_1044 : i32
        %swap3A_1046 = arith.index_cast %add3A_1045 : i32 to index
        %swap3A_1047 = tpu.vector_load %arg11[%swap3A_1046] {strides = array<i32>} : memref<32240xf32, #tpu.memory_space<vmem>>, vector<16xf32>,
        %swap3A_1048 = vector.shape_cast %swap3A_1047 : vector<16xf32> to vector<16xf32>
        %swap3A_1049 = vector.shape_cast %get3A_954 : vector<16xf32> to vector<16xf32>
        tpu.vector_store %arg11[%swap3A_1046], %swap3A_1049 {strides = array<i32>} : memref<32240xf32, #tpu.memory_space<vmem>>, vector<16xf32>,
        %add3A_1050 = arith.constant 13 : i32
        %add3A_1051 = arith.addi %mul3A_519, %add3A_1050 : i32
        %add3A_1052 = arith.constant 385 : i32
        %add3A_1053 = arith.addi %add3A_1051, %add3A_1052 : i32
        %add3A_1054 = arith.constant 0 : i32
        %add3A_1055 = arith.addi %add3A_1053, %add3A_1054 : i32
        %swap3A_1056 = arith.index_cast %add3A_1055 : i32 to index
        %swap3A_1057 = tpu.vector_load %arg11[%swap3A_1056] {strides = array<i32>} : memref<32240xf32, #tpu.memory_space<vmem>>, vector<16xf32>,
        %swap3A_1058 = vector.shape_cast %swap3A_1057 : vector<16xf32> to vector<16xf32>
        %swap3A_1059 = vector.shape_cast %get3A_963 : vector<16xf32> to vector<16xf32>
        tpu.vector_store %arg11[%swap3A_1056], %swap3A_1059 {strides = array<i32>} : memref<32240xf32, #tpu.memory_space<vmem>>, vector<16xf32>,
        %add3A_1060 = arith.constant 13 : i32
        %add3A_1061 = arith.addi %mul3A_519, %add3A_1060 : i32
        %add3A_1062 = arith.constant 385 : i32
        %add3A_1063 = arith.addi %add3A_1061, %add3A_1062 : i32
        %add3A_1064 = arith.constant 16 : i32
        %add3A_1065 = arith.addi %add3A_1063, %add3A_1064 : i32
        %swap3A_1066 = arith.index_cast %add3A_1065 : i32 to index
        %swap3A_1067 = tpu.vector_load %arg11[%swap3A_1066] {strides = array<i32>} : memref<32240xf32, #tpu.memory_space<vmem>>, vector<16xf32>,
        %swap3A_1068 = vector.shape_cast %swap3A_1067 : vector<16xf32> to vector<16xf32>
        %swap3A_1069 = vector.shape_cast %get3A_972 : vector<16xf32> to vector<16xf32>
        tpu.vector_store %arg11[%swap3A_1066], %swap3A_1069 {strides = array<i32>} : memref<32240xf32, #tpu.memory_space<vmem>>, vector<16xf32>,
        %add3A_1070 = arith.constant 13 : i32
        %add3A_1071 = arith.addi %mul3A_519, %add3A_1070 : i32
        %add3A_1072 = arith.constant 385 : i32
        %add3A_1073 = arith.addi %add3A_1071, %add3A_1072 : i32
        %add3A_1074 = arith.constant 32 : i32
        %add3A_1075 = arith.addi %add3A_1073, %add3A_1074 : i32
        %swap3A_1076 = arith.index_cast %add3A_1075 : i32 to index
        %swap3A_1077 = tpu.vector_load %arg11[%swap3A_1076] {strides = array<i32>} : memref<32240xf32, #tpu.memory_space<vmem>>, vector<16xf32>,
        %swap3A_1078 = vector.shape_cast %swap3A_1077 : vector<16xf32> to vector<16xf32>
        %swap3A_1079 = vector.shape_cast %get3A_981 : vector<16xf32> to vector<16xf32>
        tpu.vector_store %arg11[%swap3A_1076], %swap3A_1079 {strides = array<i32>} : memref<32240xf32, #tpu.memory_space<vmem>>, vector<16xf32>,
        %add3A_1080 = arith.constant 13 : i32
        %add3A_1081 = arith.addi %mul3A_519, %add3A_1080 : i32
        %add3A_1082 = arith.constant 385 : i32
        %add3A_1083 = arith.addi %add3A_1081, %add3A_1082 : i32
        %add3A_1084 = arith.constant 48 : i32
        %add3A_1085 = arith.addi %add3A_1083, %add3A_1084 : i32
        %swap3A_1086 = arith.index_cast %add3A_1085 : i32 to index
        %swap3A_1087 = tpu.vector_load %arg11[%swap3A_1086] {strides = array<i32>} : memref<32240xf32, #tpu.memory_space<vmem>>, vector<16xf32>,
        %swap3A_1088 = vector.shape_cast %swap3A_1087 : vector<16xf32> to vector<16xf32>
        %swap3A_1089 = vector.shape_cast %get3A_990 : vector<16xf32> to vector<16xf32>
        tpu.vector_store %arg11[%swap3A_1086], %swap3A_1089 {strides = array<i32>} : memref<32240xf32, #tpu.memory_space<vmem>>, vector<16xf32>,
        %add3A_1090 = arith.constant 13 : i32
        %add3A_1091 = arith.addi %mul3A_519, %add3A_1090 : i32
        %add3A_1092 = arith.constant 385 : i32
        %add3A_1093 = arith.addi %add3A_1091, %add3A_1092 : i32
        %add3A_1094 = arith.constant 61 : i32
        %add3A_1095 = arith.addi %add3A_1093, %add3A_1094 : i32
        %swap3A_1096 = arith.index_cast %add3A_1095 : i32 to index
        %swap3A_1097 = tpu.vector_load %arg11[%swap3A_1096] {strides = array<i32>} : memref<32240xf32, #tpu.memory_space<vmem>>, vector<16xf32>,
        %swap3A_1098 = vector.shape_cast %swap3A_1097 : vector<16xf32> to vector<16xf32>
        %swap3A_1099 = vector.shape_cast %get3A_999 : vector<16xf32> to vector<16xf32>
        tpu.vector_store %arg11[%swap3A_1096], %swap3A_1099 {strides = array<i32>} : memref<32240xf32, #tpu.memory_space<vmem>>, vector<16xf32>,
        %mul3A_1100 = arith.constant 26 : i32
        %mul3A_1101 = arith.muli %scan3A_517, %mul3A_1100 : i32
        %add3A_1102 = arith.constant 6 : i32
        %add3A_1103 = arith.addi %mul3A_1101, %add3A_1102 : i32
        %get3A_1104 = arith.index_cast %rem3A_501 : i32 to index
        %get3A_1105 = arith.index_cast %add3A_1103 : i32 to index
        %get3A_1106 = arith.constant 0 : index
        %get3A_1107 = tpu.vector_load %arg9[%get3A_1104, %get3A_1105, %get3A_1106] {strides = array<i32>} : memref<2x512x80xf32, #tpu.memory_space<vmem>>, vector<1x1x16xf32>,
        %get3A_1108 = vector.shape_cast %get3A_1107 : vector<1x1x16xf32> to vector<16xf32>
        %mul3A_1109 = arith.constant 26 : i32
        %mul3A_1110 = arith.muli %scan3A_517, %mul3A_1109 : i32
        %add3A_1111 = arith.constant 6 : i32
        %add3A_1112 = arith.addi %mul3A_1110, %add3A_1111 : i32
        %get3A_1113 = arith.index_cast %rem3A_501 : i32 to index
        %get3A_1114 = arith.index_cast %add3A_1112 : i32 to index
        %get3A_1115 = arith.constant 16 : index
        %get3A_1116 = tpu.vector_load %arg9[%get3A_1113, %get3A_1114, %get3A_1115] {strides = array<i32>} : memref<2x512x80xf32, #tpu.memory_space<vmem>>, vector<1x1x16xf32>,
        %get3A_1117 = vector.shape_cast %get3A_1116 : vector<1x1x16xf32> to vector<16xf32>
        %mul3A_1118 = arith.constant 26 : i32
        %mul3A_1119 = arith.muli %scan3A_517, %mul3A_1118 : i32
        %add3A_1120 = arith.constant 6 : i32
        %add3A_1121 = arith.addi %mul3A_1119, %add3A_1120 : i32
        %get3A_1122 = arith.index_cast %rem3A_501 : i32 to index
        %get3A_1123 = arith.index_cast %add3A_1121 : i32 to index
        %get3A_1124 = arith.constant 32 : index
        %get3A_1125 = tpu.vector_load %arg9[%get3A_1122, %get3A_1123, %get3A_1124] {strides = array<i32>} : memref<2x512x80xf32, #tpu.memory_space<vmem>>, vector<1x1x16xf32>,
        %get3A_1126 = vector.shape_cast %get3A_1125 : vector<1x1x16xf32> to vector<16xf32>
        %mul3A_1127 = arith.constant 26 : i32
        %mul3A_1128 = arith.muli %scan3A_517, %mul3A_1127 : i32
        %add3A_1129 = arith.constant 6 : i32
        %add3A_1130 = arith.addi %mul3A_1128, %add3A_1129 : i32
        %get3A_1131 = arith.index_cast %rem3A_501 : i32 to index
        %get3A_1132 = arith.index_cast %add3A_1130 : i32 to index
        %get3A_1133 = arith.constant 48 : index
        %get3A_1134 = tpu.vector_load %arg9[%get3A_1131, %get3A_1132, %get3A_1133] {strides = array<i32>} : memref<2x512x80xf32, #tpu.memory_space<vmem>>, vector<1x1x16xf32>,
        %get3A_1135 = vector.shape_cast %get3A_1134 : vector<1x1x16xf32> to vector<16xf32>
        %mul3A_1136 = arith.constant 26 : i32
        %mul3A_1137 = arith.muli %scan3A_517, %mul3A_1136 : i32
        %add3A_1138 = arith.constant 6 : i32
        %add3A_1139 = arith.addi %mul3A_1137, %add3A_1138 : i32
        %get3A_1140 = arith.index_cast %rem3A_501 : i32 to index
        %get3A_1141 = arith.index_cast %add3A_1139 : i32 to index
        %get3A_1142 = arith.constant 61 : index
        %get3A_1143 = tpu.vector_load %arg9[%get3A_1140, %get3A_1141, %get3A_1142] {strides = array<i32>} : memref<2x512x80xf32, #tpu.memory_space<vmem>>, vector<1x1x16xf32>,
        %get3A_1144 = vector.shape_cast %get3A_1143 : vector<1x1x16xf32> to vector<16xf32>
        %mul3A_1145 = arith.constant 26 : i32
        %mul3A_1146 = arith.muli %scan3A_517, %mul3A_1145 : i32
        %add3A_1147 = arith.constant 7 : i32
        %add3A_1148 = arith.addi %mul3A_1146, %add3A_1147 : i32
        %get3A_1149 = arith.index_cast %rem3A_501 : i32 to index
        %get3A_1150 = arith.index_cast %add3A_1148 : i32 to index
        %get3A_1151 = arith.constant 0 : index
        %get3A_1152 = tpu.vector_load %arg9[%get3A_1149, %get3A_1150, %get3A_1151] {strides = array<i32>} : memref<2x512x80xf32, #tpu.memory_space<vmem>>, vector<1x1x16xf32>,
        %get3A_1153 = vector.shape_cast %get3A_1152 : vector<1x1x16xf32> to vector<16xf32>
        %mul3A_1154 = arith.constant 26 : i32
        %mul3A_1155 = arith.muli %scan3A_517, %mul3A_1154 : i32
        %add3A_1156 = arith.constant 7 : i32
        %add3A_1157 = arith.addi %mul3A_1155, %add3A_1156 : i32
        %get3A_1158 = arith.index_cast %rem3A_501 : i32 to index
        %get3A_1159 = arith.index_cast %add3A_1157 : i32 to index
        %get3A_1160 = arith.constant 16 : index
        %get3A_1161 = tpu.vector_load %arg9[%get3A_1158, %get3A_1159, %get3A_1160] {strides = array<i32>} : memref<2x512x80xf32, #tpu.memory_space<vmem>>, vector<1x1x16xf32>,
        %get3A_1162 = vector.shape_cast %get3A_1161 : vector<1x1x16xf32> to vector<16xf32>
        %mul3A_1163 = arith.constant 26 : i32
        %mul3A_1164 = arith.muli %scan3A_517, %mul3A_1163 : i32
        %add3A_1165 = arith.constant 7 : i32
        %add3A_1166 = arith.addi %mul3A_1164, %add3A_1165 : i32
        %get3A_1167 = arith.index_cast %rem3A_501 : i32 to index
        %get3A_1168 = arith.index_cast %add3A_1166 : i32 to index
        %get3A_1169 = arith.constant 32 : index
        %get3A_1170 = tpu.vector_load %arg9[%get3A_1167, %get3A_1168, %get3A_1169] {strides = array<i32>} : memref<2x512x80xf32, #tpu.memory_space<vmem>>, vector<1x1x16xf32>,
        %get3A_1171 = vector.shape_cast %get3A_1170 : vector<1x1x16xf32> to vector<16xf32>
        %mul3A_1172 = arith.constant 26 : i32
        %mul3A_1173 = arith.muli %scan3A_517, %mul3A_1172 : i32
        %add3A_1174 = arith.constant 7 : i32
        %add3A_1175 = arith.addi %mul3A_1173, %add3A_1174 : i32
        %get3A_1176 = arith.index_cast %rem3A_501 : i32 to index
        %get3A_1177 = arith.index_cast %add3A_1175 : i32 to index
        %get3A_1178 = arith.constant 48 : index
        %get3A_1179 = tpu.vector_load %arg9[%get3A_1176, %get3A_1177, %get3A_1178] {strides = array<i32>} : memref<2x512x80xf32, #tpu.memory_space<vmem>>, vector<1x1x16xf32>,
        %get3A_1180 = vector.shape_cast %get3A_1179 : vector<1x1x16xf32> to vector<16xf32>
        %mul3A_1181 = arith.constant 26 : i32
        %mul3A_1182 = arith.muli %scan3A_517, %mul3A_1181 : i32
        %add3A_1183 = arith.constant 7 : i32
        %add3A_1184 = arith.addi %mul3A_1182, %add3A_1183 : i32
        %get3A_1185 = arith.index_cast %rem3A_501 : i32 to index
        %get3A_1186 = arith.index_cast %add3A_1184 : i32 to index
        %get3A_1187 = arith.constant 61 : index
        %get3A_1188 = tpu.vector_load %arg9[%get3A_1185, %get3A_1186, %get3A_1187] {strides = array<i32>} : memref<2x512x80xf32, #tpu.memory_space<vmem>>, vector<1x1x16xf32>,
        %get3A_1189 = vector.shape_cast %get3A_1188 : vector<1x1x16xf32> to vector<16xf32>
        %add3A_1190 = arith.constant 13 : i32
        %add3A_1191 = arith.addi %mul3A_519, %add3A_1190 : i32
        %add3A_1192 = arith.constant 462 : i32
        %add3A_1193 = arith.addi %add3A_1191, %add3A_1192 : i32
        %add3A_1194 = arith.constant 0 : i32
        %add3A_1195 = arith.addi %add3A_1193, %add3A_1194 : i32
        %swap3A_1196 = arith.index_cast %add3A_1195 : i32 to index
        %swap3A_1197 = tpu.vector_load %arg11[%swap3A_1196] {strides = array<i32>} : memref<32240xf32, #tpu.memory_space<vmem>>, vector<16xf32>,
        %swap3A_1198 = vector.shape_cast %swap3A_1197 : vector<16xf32> to vector<16xf32>
        %swap3A_1199 = vector.shape_cast %get3A_1108 : vector<16xf32> to vector<16xf32>
        tpu.vector_store %arg11[%swap3A_1196], %swap3A_1199 {strides = array<i32>} : memref<32240xf32, #tpu.memory_space<vmem>>, vector<16xf32>,
        %add3A_1200 = arith.constant 13 : i32
        %add3A_1201 = arith.addi %mul3A_519, %add3A_1200 : i32
        %add3A_1202 = arith.constant 462 : i32
        %add3A_1203 = arith.addi %add3A_1201, %add3A_1202 : i32
        %add3A_1204 = arith.constant 16 : i32
        %add3A_1205 = arith.addi %add3A_1203, %add3A_1204 : i32
        %swap3A_1206 = arith.index_cast %add3A_1205 : i32 to index
        %swap3A_1207 = tpu.vector_load %arg11[%swap3A_1206] {strides = array<i32>} : memref<32240xf32, #tpu.memory_space<vmem>>, vector<16xf32>,
        %swap3A_1208 = vector.shape_cast %swap3A_1207 : vector<16xf32> to vector<16xf32>
        %swap3A_1209 = vector.shape_cast %get3A_1117 : vector<16xf32> to vector<16xf32>
        tpu.vector_store %arg11[%swap3A_1206], %swap3A_1209 {strides = array<i32>} : memref<32240xf32, #tpu.memory_space<vmem>>, vector<16xf32>,
        %add3A_1210 = arith.constant 13 : i32
        %add3A_1211 = arith.addi %mul3A_519, %add3A_1210 : i32
        %add3A_1212 = arith.constant 462 : i32
        %add3A_1213 = arith.addi %add3A_1211, %add3A_1212 : i32
        %add3A_1214 = arith.constant 32 : i32
        %add3A_1215 = arith.addi %add3A_1213, %add3A_1214 : i32
        %swap3A_1216 = arith.index_cast %add3A_1215 : i32 to index
        %swap3A_1217 = tpu.vector_load %arg11[%swap3A_1216] {strides = array<i32>} : memref<32240xf32, #tpu.memory_space<vmem>>, vector<16xf32>,
        %swap3A_1218 = vector.shape_cast %swap3A_1217 : vector<16xf32> to vector<16xf32>
        %swap3A_1219 = vector.shape_cast %get3A_1126 : vector<16xf32> to vector<16xf32>
        tpu.vector_store %arg11[%swap3A_1216], %swap3A_1219 {strides = array<i32>} : memref<32240xf32, #tpu.memory_space<vmem>>, vector<16xf32>,
        %add3A_1220 = arith.constant 13 : i32
        %add3A_1221 = arith.addi %mul3A_519, %add3A_1220 : i32
        %add3A_1222 = arith.constant 462 : i32
        %add3A_1223 = arith.addi %add3A_1221, %add3A_1222 : i32
        %add3A_1224 = arith.constant 48 : i32
        %add3A_1225 = arith.addi %add3A_1223, %add3A_1224 : i32
        %swap3A_1226 = arith.index_cast %add3A_1225 : i32 to index
        %swap3A_1227 = tpu.vector_load %arg11[%swap3A_1226] {strides = array<i32>} : memref<32240xf32, #tpu.memory_space<vmem>>, vector<16xf32>,
        %swap3A_1228 = vector.shape_cast %swap3A_1227 : vector<16xf32> to vector<16xf32>
        %swap3A_1229 = vector.shape_cast %get3A_1135 : vector<16xf32> to vector<16xf32>
        tpu.vector_store %arg11[%swap3A_1226], %swap3A_1229 {strides = array<i32>} : memref<32240xf32, #tpu.memory_space<vmem>>, vector<16xf32>,
        %add3A_1230 = arith.constant 13 : i32
        %add3A_1231 = arith.addi %mul3A_519, %add3A_1230 : i32
        %add3A_1232 = arith.constant 462 : i32
        %add3A_1233 = arith.addi %add3A_1231, %add3A_1232 : i32
        %add3A_1234 = arith.constant 61 : i32
        %add3A_1235 = arith.addi %add3A_1233, %add3A_1234 : i32
        %swap3A_1236 = arith.index_cast %add3A_1235 : i32 to index
        %swap3A_1237 = tpu.vector_load %arg11[%swap3A_1236] {strides = array<i32>} : memref<32240xf32, #tpu.memory_space<vmem>>, vector<16xf32>,
        %swap3A_1238 = vector.shape_cast %swap3A_1237 : vector<16xf32> to vector<16xf32>
        %swap3A_1239 = vector.shape_cast %get3A_1144 : vector<16xf32> to vector<16xf32>
        tpu.vector_store %arg11[%swap3A_1236], %swap3A_1239 {strides = array<i32>} : memref<32240xf32, #tpu.memory_space<vmem>>, vector<16xf32>,
        %add3A_1240 = arith.constant 13 : i32
        %add3A_1241 = arith.addi %mul3A_519, %add3A_1240 : i32
        %add3A_1242 = arith.constant 539 : i32
        %add3A_1243 = arith.addi %add3A_1241, %add3A_1242 : i32
        %add3A_1244 = arith.constant 0 : i32
        %add3A_1245 = arith.addi %add3A_1243, %add3A_1244 : i32
        %swap3A_1246 = arith.index_cast %add3A_1245 : i32 to index
        %swap3A_1247 = tpu.vector_load %arg11[%swap3A_1246] {strides = array<i32>} : memref<32240xf32, #tpu.memory_space<vmem>>, vector<16xf32>,
        %swap3A_1248 = vector.shape_cast %swap3A_1247 : vector<16xf32> to vector<16xf32>
        %swap3A_1249 = vector.shape_cast %get3A_1153 : vector<16xf32> to vector<16xf32>
        tpu.vector_store %arg11[%swap3A_1246], %swap3A_1249 {strides = array<i32>} : memref<32240xf32, #tpu.memory_space<vmem>>, vector<16xf32>,
        %add3A_1250 = arith.constant 13 : i32
        %add3A_1251 = arith.addi %mul3A_519, %add3A_1250 : i32
        %add3A_1252 = arith.constant 539 : i32
        %add3A_1253 = arith.addi %add3A_1251, %add3A_1252 : i32
        %add3A_1254 = arith.constant 16 : i32
        %add3A_1255 = arith.addi %add3A_1253, %add3A_1254 : i32
        %swap3A_1256 = arith.index_cast %add3A_1255 : i32 to index
        %swap3A_1257 = tpu.vector_load %arg11[%swap3A_1256] {strides = array<i32>} : memref<32240xf32, #tpu.memory_space<vmem>>, vector<16xf32>,
        %swap3A_1258 = vector.shape_cast %swap3A_1257 : vector<16xf32> to vector<16xf32>
        %swap3A_1259 = vector.shape_cast %get3A_1162 : vector<16xf32> to vector<16xf32>
        tpu.vector_store %arg11[%swap3A_1256], %swap3A_1259 {strides = array<i32>} : memref<32240xf32, #tpu.memory_space<vmem>>, vector<16xf32>,
        %add3A_1260 = arith.constant 13 : i32
        %add3A_1261 = arith.addi %mul3A_519, %add3A_1260 : i32
        %add3A_1262 = arith.constant 539 : i32
        %add3A_1263 = arith.addi %add3A_1261, %add3A_1262 : i32
        %add3A_1264 = arith.constant 32 : i32
        %add3A_1265 = arith.addi %add3A_1263, %add3A_1264 : i32
        %swap3A_1266 = arith.index_cast %add3A_1265 : i32 to index
        %swap3A_1267 = tpu.vector_load %arg11[%swap3A_1266] {strides = array<i32>} : memref<32240xf32, #tpu.memory_space<vmem>>, vector<16xf32>,
        %swap3A_1268 = vector.shape_cast %swap3A_1267 : vector<16xf32> to vector<16xf32>
        %swap3A_1269 = vector.shape_cast %get3A_1171 : vector<16xf32> to vector<16xf32>
        tpu.vector_store %arg11[%swap3A_1266], %swap3A_1269 {strides = array<i32>} : memref<32240xf32, #tpu.memory_space<vmem>>, vector<16xf32>,
        %add3A_1270 = arith.constant 13 : i32
        %add3A_1271 = arith.addi %mul3A_519, %add3A_1270 : i32
        %add3A_1272 = arith.constant 539 : i32
        %add3A_1273 = arith.addi %add3A_1271, %add3A_1272 : i32
        %add3A_1274 = arith.constant 48 : i32
        %add3A_1275 = arith.addi %add3A_1273, %add3A_1274 : i32
        %swap3A_1276 = arith.index_cast %add3A_1275 : i32 to index
        %swap3A_1277 = tpu.vector_load %arg11[%swap3A_1276] {strides = array<i32>} : memref<32240xf32, #tpu.memory_space<vmem>>, vector<16xf32>,
        %swap3A_1278 = vector.shape_cast %swap3A_1277 : vector<16xf32> to vector<16xf32>
        %swap3A_1279 = vector.shape_cast %get3A_1180 : vector<16xf32> to vector<16xf32>
        tpu.vector_store %arg11[%swap3A_1276], %swap3A_1279 {strides = array<i32>} : memref<32240xf32, #tpu.memory_space<vmem>>, vector<16xf32>,
        %add3A_1280 = arith.constant 13 : i32
        %add3A_1281 = arith.addi %mul3A_519, %add3A_1280 : i32
        %add3A_1282 = arith.constant 539 : i32
        %add3A_1283 = arith.addi %add3A_1281, %add3A_1282 : i32
        %add3A_1284 = arith.constant 61 : i32
        %add3A_1285 = arith.addi %add3A_1283, %add3A_1284 : i32
        %swap3A_1286 = arith.index_cast %add3A_1285 : i32 to index
        %swap3A_1287 = tpu.vector_load %arg11[%swap3A_1286] {strides = array<i32>} : memref<32240xf32, #tpu.memory_space<vmem>>, vector<16xf32>,
        %swap3A_1288 = vector.shape_cast %swap3A_1287 : vector<16xf32> to vector<16xf32>
        %swap3A_1289 = vector.shape_cast %get3A_1189 : vector<16xf32> to vector<16xf32>
        tpu.vector_store %arg11[%swap3A_1286], %swap3A_1289 {strides = array<i32>} : memref<32240xf32, #tpu.memory_space<vmem>>, vector<16xf32>,
        %mul3A_1290 = arith.constant 26 : i32
        %mul3A_1291 = arith.muli %scan3A_517, %mul3A_1290 : i32
        %add3A_1292 = arith.constant 8 : i32
        %add3A_1293 = arith.addi %mul3A_1291, %add3A_1292 : i32
        %get3A_1294 = arith.index_cast %rem3A_501 : i32 to index
        %get3A_1295 = arith.index_cast %add3A_1293 : i32 to index
        %get3A_1296 = arith.constant 0 : index
        %get3A_1297 = tpu.vector_load %arg9[%get3A_1294, %get3A_1295, %get3A_1296] {strides = array<i32>} : memref<2x512x80xf32, #tpu.memory_space<vmem>>, vector<1x1x16xf32>,
        %get3A_1298 = vector.shape_cast %get3A_1297 : vector<1x1x16xf32> to vector<16xf32>
        %mul3A_1299 = arith.constant 26 : i32
        %mul3A_1300 = arith.muli %scan3A_517, %mul3A_1299 : i32
        %add3A_1301 = arith.constant 8 : i32
        %add3A_1302 = arith.addi %mul3A_1300, %add3A_1301 : i32
        %get3A_1303 = arith.index_cast %rem3A_501 : i32 to index
        %get3A_1304 = arith.index_cast %add3A_1302 : i32 to index
        %get3A_1305 = arith.constant 16 : index
        %get3A_1306 = tpu.vector_load %arg9[%get3A_1303, %get3A_1304, %get3A_1305] {strides = array<i32>} : memref<2x512x80xf32, #tpu.memory_space<vmem>>, vector<1x1x16xf32>,
        %get3A_1307 = vector.shape_cast %get3A_1306 : vector<1x1x16xf32> to vector<16xf32>
        %mul3A_1308 = arith.constant 26 : i32
        %mul3A_1309 = arith.muli %scan3A_517, %mul3A_1308 : i32
        %add3A_1310 = arith.constant 8 : i32
        %add3A_1311 = arith.addi %mul3A_1309, %add3A_1310 : i32
        %get3A_1312 = arith.index_cast %rem3A_501 : i32 to index
        %get3A_1313 = arith.index_cast %add3A_1311 : i32 to index
        %get3A_1314 = arith.constant 32 : index
        %get3A_1315 = tpu.vector_load %arg9[%get3A_1312, %get3A_1313, %get3A_1314] {strides = array<i32>} : memref<2x512x80xf32, #tpu.memory_space<vmem>>, vector<1x1x16xf32>,
        %get3A_1316 = vector.shape_cast %get3A_1315 : vector<1x1x16xf32> to vector<16xf32>
        %mul3A_1317 = arith.constant 26 : i32
        %mul3A_1318 = arith.muli %scan3A_517, %mul3A_1317 : i32
        %add3A_1319 = arith.constant 8 : i32
        %add3A_1320 = arith.addi %mul3A_1318, %add3A_1319 : i32
        %get3A_1321 = arith.index_cast %rem3A_501 : i32 to index
        %get3A_1322 = arith.index_cast %add3A_1320 : i32 to index
        %get3A_1323 = arith.constant 48 : index
        %get3A_1324 = tpu.vector_load %arg9[%get3A_1321, %get3A_1322, %get3A_1323] {strides = array<i32>} : memref<2x512x80xf32, #tpu.memory_space<vmem>>, vector<1x1x16xf32>,
        %get3A_1325 = vector.shape_cast %get3A_1324 : vector<1x1x16xf32> to vector<16xf32>
        %mul3A_1326 = arith.constant 26 : i32
        %mul3A_1327 = arith.muli %scan3A_517, %mul3A_1326 : i32
        %add3A_1328 = arith.constant 8 : i32
        %add3A_1329 = arith.addi %mul3A_1327, %add3A_1328 : i32
        %get3A_1330 = arith.index_cast %rem3A_501 : i32 to index
        %get3A_1331 = arith.index_cast %add3A_1329 : i32 to index
        %get3A_1332 = arith.constant 61 : index
        %get3A_1333 = tpu.vector_load %arg9[%get3A_1330, %get3A_1331, %get3A_1332] {strides = array<i32>} : memref<2x512x80xf32, #tpu.memory_space<vmem>>, vector<1x1x16xf32>,
        %get3A_1334 = vector.shape_cast %get3A_1333 : vector<1x1x16xf32> to vector<16xf32>
        %mul3A_1335 = arith.constant 26 : i32
        %mul3A_1336 = arith.muli %scan3A_517, %mul3A_1335 : i32
        %add3A_1337 = arith.constant 9 : i32
        %add3A_1338 = arith.addi %mul3A_1336, %add3A_1337 : i32
        %get3A_1339 = arith.index_cast %rem3A_501 : i32 to index
        %get3A_1340 = arith.index_cast %add3A_1338 : i32 to index
        %get3A_1341 = arith.constant 0 : index
        %get3A_1342 = tpu.vector_load %arg9[%get3A_1339, %get3A_1340, %get3A_1341] {strides = array<i32>} : memref<2x512x80xf32, #tpu.memory_space<vmem>>, vector<1x1x16xf32>,
        %get3A_1343 = vector.shape_cast %get3A_1342 : vector<1x1x16xf32> to vector<16xf32>
        %mul3A_1344 = arith.constant 26 : i32
        %mul3A_1345 = arith.muli %scan3A_517, %mul3A_1344 : i32
        %add3A_1346 = arith.constant 9 : i32
        %add3A_1347 = arith.addi %mul3A_1345, %add3A_1346 : i32
        %get3A_1348 = arith.index_cast %rem3A_501 : i32 to index
        %get3A_1349 = arith.index_cast %add3A_1347 : i32 to index
        %get3A_1350 = arith.constant 16 : index
        %get3A_1351 = tpu.vector_load %arg9[%get3A_1348, %get3A_1349, %get3A_1350] {strides = array<i32>} : memref<2x512x80xf32, #tpu.memory_space<vmem>>, vector<1x1x16xf32>,
        %get3A_1352 = vector.shape_cast %get3A_1351 : vector<1x1x16xf32> to vector<16xf32>
        %mul3A_1353 = arith.constant 26 : i32
        %mul3A_1354 = arith.muli %scan3A_517, %mul3A_1353 : i32
        %add3A_1355 = arith.constant 9 : i32
        %add3A_1356 = arith.addi %mul3A_1354, %add3A_1355 : i32
        %get3A_1357 = arith.index_cast %rem3A_501 : i32 to index
        %get3A_1358 = arith.index_cast %add3A_1356 : i32 to index
        %get3A_1359 = arith.constant 32 : index
        %get3A_1360 = tpu.vector_load %arg9[%get3A_1357, %get3A_1358, %get3A_1359] {strides = array<i32>} : memref<2x512x80xf32, #tpu.memory_space<vmem>>, vector<1x1x16xf32>,
        %get3A_1361 = vector.shape_cast %get3A_1360 : vector<1x1x16xf32> to vector<16xf32>
        %mul3A_1362 = arith.constant 26 : i32
        %mul3A_1363 = arith.muli %scan3A_517, %mul3A_1362 : i32
        %add3A_1364 = arith.constant 9 : i32
        %add3A_1365 = arith.addi %mul3A_1363, %add3A_1364 : i32
        %get3A_1366 = arith.index_cast %rem3A_501 : i32 to index
        %get3A_1367 = arith.index_cast %add3A_1365 : i32 to index
        %get3A_1368 = arith.constant 48 : index
        %get3A_1369 = tpu.vector_load %arg9[%get3A_1366, %get3A_1367, %get3A_1368] {strides = array<i32>} : memref<2x512x80xf32, #tpu.memory_space<vmem>>, vector<1x1x16xf32>,
        %get3A_1370 = vector.shape_cast %get3A_1369 : vector<1x1x16xf32> to vector<16xf32>
        %mul3A_1371 = arith.constant 26 : i32
        %mul3A_1372 = arith.muli %scan3A_517, %mul3A_1371 : i32
        %add3A_1373 = arith.constant 9 : i32
        %add3A_1374 = arith.addi %mul3A_1372, %add3A_1373 : i32
        %get3A_1375 = arith.index_cast %rem3A_501 : i32 to index
        %get3A_1376 = arith.index_cast %add3A_1374 : i32 to index
        %get3A_1377 = arith.constant 61 : index
        %get3A_1378 = tpu.vector_load %arg9[%get3A_1375, %get3A_1376, %get3A_1377] {strides = array<i32>} : memref<2x512x80xf32, #tpu.memory_space<vmem>>, vector<1x1x16xf32>,
        %get3A_1379 = vector.shape_cast %get3A_1378 : vector<1x1x16xf32> to vector<16xf32>
        %add3A_1380 = arith.constant 13 : i32
        %add3A_1381 = arith.addi %mul3A_519, %add3A_1380 : i32
        %add3A_1382 = arith.constant 616 : i32
        %add3A_1383 = arith.addi %add3A_1381, %add3A_1382 : i32
        %add3A_1384 = arith.constant 0 : i32
        %add3A_1385 = arith.addi %add3A_1383, %add3A_1384 : i32
        %swap3A_1386 = arith.index_cast %add3A_1385 : i32 to index
        %swap3A_1387 = tpu.vector_load %arg11[%swap3A_1386] {strides = array<i32>} : memref<32240xf32, #tpu.memory_space<vmem>>, vector<16xf32>,
        %swap3A_1388 = vector.shape_cast %swap3A_1387 : vector<16xf32> to vector<16xf32>
        %swap3A_1389 = vector.shape_cast %get3A_1298 : vector<16xf32> to vector<16xf32>
        tpu.vector_store %arg11[%swap3A_1386], %swap3A_1389 {strides = array<i32>} : memref<32240xf32, #tpu.memory_space<vmem>>, vector<16xf32>,
        %add3A_1390 = arith.constant 13 : i32
        %add3A_1391 = arith.addi %mul3A_519, %add3A_1390 : i32
        %add3A_1392 = arith.constant 616 : i32
        %add3A_1393 = arith.addi %add3A_1391, %add3A_1392 : i32
        %add3A_1394 = arith.constant 16 : i32
        %add3A_1395 = arith.addi %add3A_1393, %add3A_1394 : i32
        %swap3A_1396 = arith.index_cast %add3A_1395 : i32 to index
        %swap3A_1397 = tpu.vector_load %arg11[%swap3A_1396] {strides = array<i32>} : memref<32240xf32, #tpu.memory_space<vmem>>, vector<16xf32>,
        %swap3A_1398 = vector.shape_cast %swap3A_1397 : vector<16xf32> to vector<16xf32>
        %swap3A_1399 = vector.shape_cast %get3A_1307 : vector<16xf32> to vector<16xf32>
        tpu.vector_store %arg11[%swap3A_1396], %swap3A_1399 {strides = array<i32>} : memref<32240xf32, #tpu.memory_space<vmem>>, vector<16xf32>,
        %add3A_1400 = arith.constant 13 : i32
        %add3A_1401 = arith.addi %mul3A_519, %add3A_1400 : i32
        %add3A_1402 = arith.constant 616 : i32
        %add3A_1403 = arith.addi %add3A_1401, %add3A_1402 : i32
        %add3A_1404 = arith.constant 32 : i32
        %add3A_1405 = arith.addi %add3A_1403, %add3A_1404 : i32
        %swap3A_1406 = arith.index_cast %add3A_1405 : i32 to index
        %swap3A_1407 = tpu.vector_load %arg11[%swap3A_1406] {strides = array<i32>} : memref<32240xf32, #tpu.memory_space<vmem>>, vector<16xf32>,
        %swap3A_1408 = vector.shape_cast %swap3A_1407 : vector<16xf32> to vector<16xf32>
        %swap3A_1409 = vector.shape_cast %get3A_1316 : vector<16xf32> to vector<16xf32>
        tpu.vector_store %arg11[%swap3A_1406], %swap3A_1409 {strides = array<i32>} : memref<32240xf32, #tpu.memory_space<vmem>>, vector<16xf32>,
        %add3A_1410 = arith.constant 13 : i32
        %add3A_1411 = arith.addi %mul3A_519, %add3A_1410 : i32
        %add3A_1412 = arith.constant 616 : i32
        %add3A_1413 = arith.addi %add3A_1411, %add3A_1412 : i32
        %add3A_1414 = arith.constant 48 : i32
        %add3A_1415 = arith.addi %add3A_1413, %add3A_1414 : i32
        %swap3A_1416 = arith.index_cast %add3A_1415 : i32 to index
        %swap3A_1417 = tpu.vector_load %arg11[%swap3A_1416] {strides = array<i32>} : memref<32240xf32, #tpu.memory_space<vmem>>, vector<16xf32>,
        %swap3A_1418 = vector.shape_cast %swap3A_1417 : vector<16xf32> to vector<16xf32>
        %swap3A_1419 = vector.shape_cast %get3A_1325 : vector<16xf32> to vector<16xf32>
        tpu.vector_store %arg11[%swap3A_1416], %swap3A_1419 {strides = array<i32>} : memref<32240xf32, #tpu.memory_space<vmem>>, vector<16xf32>,
        %add3A_1420 = arith.constant 13 : i32
        %add3A_1421 = arith.addi %mul3A_519, %add3A_1420 : i32
        %add3A_1422 = arith.constant 616 : i32
        %add3A_1423 = arith.addi %add3A_1421, %add3A_1422 : i32
        %add3A_1424 = arith.constant 61 : i32
        %add3A_1425 = arith.addi %add3A_1423, %add3A_1424 : i32
        %swap3A_1426 = arith.index_cast %add3A_1425 : i32 to index
        %swap3A_1427 = tpu.vector_load %arg11[%swap3A_1426] {strides = array<i32>} : memref<32240xf32, #tpu.memory_space<vmem>>, vector<16xf32>,
        %swap3A_1428 = vector.shape_cast %swap3A_1427 : vector<16xf32> to vector<16xf32>
        %swap3A_1429 = vector.shape_cast %get3A_1334 : vector<16xf32> to vector<16xf32>
        tpu.vector_store %arg11[%swap3A_1426], %swap3A_1429 {strides = array<i32>} : memref<32240xf32, #tpu.memory_space<vmem>>, vector<16xf32>,
        %add3A_1430 = arith.constant 13 : i32
        %add3A_1431 = arith.addi %mul3A_519, %add3A_1430 : i32
        %add3A_1432 = arith.constant 693 : i32
        %add3A_1433 = arith.addi %add3A_1431, %add3A_1432 : i32
        %add3A_1434 = arith.constant 0 : i32
        %add3A_1435 = arith.addi %add3A_1433, %add3A_1434 : i32
        %swap3A_1436 = arith.index_cast %add3A_1435 : i32 to index
        %swap3A_1437 = tpu.vector_load %arg11[%swap3A_1436] {strides = array<i32>} : memref<32240xf32, #tpu.memory_space<vmem>>, vector<16xf32>,
        %swap3A_1438 = vector.shape_cast %swap3A_1437 : vector<16xf32> to vector<16xf32>
        %swap3A_1439 = vector.shape_cast %get3A_1343 : vector<16xf32> to vector<16xf32>
        tpu.vector_store %arg11[%swap3A_1436], %swap3A_1439 {strides = array<i32>} : memref<32240xf32, #tpu.memory_space<vmem>>, vector<16xf32>,
        %add3A_1440 = arith.constant 13 : i32
        %add3A_1441 = arith.addi %mul3A_519, %add3A_1440 : i32
        %add3A_1442 = arith.constant 693 : i32
        %add3A_1443 = arith.addi %add3A_1441, %add3A_1442 : i32
        %add3A_1444 = arith.constant 16 : i32
        %add3A_1445 = arith.addi %add3A_1443, %add3A_1444 : i32
        %swap3A_1446 = arith.index_cast %add3A_1445 : i32 to index
        %swap3A_1447 = tpu.vector_load %arg11[%swap3A_1446] {strides = array<i32>} : memref<32240xf32, #tpu.memory_space<vmem>>, vector<16xf32>,
        %swap3A_1448 = vector.shape_cast %swap3A_1447 : vector<16xf32> to vector<16xf32>
        %swap3A_1449 = vector.shape_cast %get3A_1352 : vector<16xf32> to vector<16xf32>
        tpu.vector_store %arg11[%swap3A_1446], %swap3A_1449 {strides = array<i32>} : memref<32240xf32, #tpu.memory_space<vmem>>, vector<16xf32>,
        %add3A_1450 = arith.constant 13 : i32
        %add3A_1451 = arith.addi %mul3A_519, %add3A_1450 : i32
        %add3A_1452 = arith.constant 693 : i32
        %add3A_1453 = arith.addi %add3A_1451, %add3A_1452 : i32
        %add3A_1454 = arith.constant 32 : i32
        %add3A_1455 = arith.addi %add3A_1453, %add3A_1454 : i32
        %swap3A_1456 = arith.index_cast %add3A_1455 : i32 to index
        %swap3A_1457 = tpu.vector_load %arg11[%swap3A_1456] {strides = array<i32>} : memref<32240xf32, #tpu.memory_space<vmem>>, vector<16xf32>,
        %swap3A_1458 = vector.shape_cast %swap3A_1457 : vector<16xf32> to vector<16xf32>
        %swap3A_1459 = vector.shape_cast %get3A_1361 : vector<16xf32> to vector<16xf32>
        tpu.vector_store %arg11[%swap3A_1456], %swap3A_1459 {strides = array<i32>} : memref<32240xf32, #tpu.memory_space<vmem>>, vector<16xf32>,
        %add3A_1460 = arith.constant 13 : i32
        %add3A_1461 = arith.addi %mul3A_519, %add3A_1460 : i32
        %add3A_1462 = arith.constant 693 : i32
        %add3A_1463 = arith.addi %add3A_1461, %add3A_1462 : i32
        %add3A_1464 = arith.constant 48 : i32
        %add3A_1465 = arith.addi %add3A_1463, %add3A_1464 : i32
        %swap3A_1466 = arith.index_cast %add3A_1465 : i32 to index
        %swap3A_1467 = tpu.vector_load %arg11[%swap3A_1466] {strides = array<i32>} : memref<32240xf32, #tpu.memory_space<vmem>>, vector<16xf32>,
        %swap3A_1468 = vector.shape_cast %swap3A_1467 : vector<16xf32> to vector<16xf32>
        %swap3A_1469 = vector.shape_cast %get3A_1370 : vector<16xf32> to vector<16xf32>
        tpu.vector_store %arg11[%swap3A_1466], %swap3A_1469 {strides = array<i32>} : memref<32240xf32, #tpu.memory_space<vmem>>, vector<16xf32>,
        %add3A_1470 = arith.constant 13 : i32
        %add3A_1471 = arith.addi %mul3A_519, %add3A_1470 : i32
        %add3A_1472 = arith.constant 693 : i32
        %add3A_1473 = arith.addi %add3A_1471, %add3A_1472 : i32
        %add3A_1474 = arith.constant 61 : i32
        %add3A_1475 = arith.addi %add3A_1473, %add3A_1474 : i32
        %swap3A_1476 = arith.index_cast %add3A_1475 : i32 to index
        %swap3A_1477 = tpu.vector_load %arg11[%swap3A_1476] {strides = array<i32>} : memref<32240xf32, #tpu.memory_space<vmem>>, vector<16xf32>,
        %swap3A_1478 = vector.shape_cast %swap3A_1477 : vector<16xf32> to vector<16xf32>
        %swap3A_1479 = vector.shape_cast %get3A_1379 : vector<16xf32> to vector<16xf32>
        tpu.vector_store %arg11[%swap3A_1476], %swap3A_1479 {strides = array<i32>} : memref<32240xf32, #tpu.memory_space<vmem>>, vector<16xf32>,
        %mul3A_1480 = arith.constant 26 : i32
        %mul3A_1481 = arith.muli %scan3A_517, %mul3A_1480 : i32
        %add3A_1482 = arith.constant 10 : i32
        %add3A_1483 = arith.addi %mul3A_1481, %add3A_1482 : i32
        %get3A_1484 = arith.index_cast %rem3A_501 : i32 to index
        %get3A_1485 = arith.index_cast %add3A_1483 : i32 to index
        %get3A_1486 = arith.constant 0 : index
        %get3A_1487 = tpu.vector_load %arg9[%get3A_1484, %get3A_1485, %get3A_1486] {strides = array<i32>} : memref<2x512x80xf32, #tpu.memory_space<vmem>>, vector<1x1x16xf32>,
        %get3A_1488 = vector.shape_cast %get3A_1487 : vector<1x1x16xf32> to vector<16xf32>
        %mul3A_1489 = arith.constant 26 : i32
        %mul3A_1490 = arith.muli %scan3A_517, %mul3A_1489 : i32
        %add3A_1491 = arith.constant 10 : i32
        %add3A_1492 = arith.addi %mul3A_1490, %add3A_1491 : i32
        %get3A_1493 = arith.index_cast %rem3A_501 : i32 to index
        %get3A_1494 = arith.index_cast %add3A_1492 : i32 to index
        %get3A_1495 = arith.constant 16 : index
        %get3A_1496 = tpu.vector_load %arg9[%get3A_1493, %get3A_1494, %get3A_1495] {strides = array<i32>} : memref<2x512x80xf32, #tpu.memory_space<vmem>>, vector<1x1x16xf32>,
        %get3A_1497 = vector.shape_cast %get3A_1496 : vector<1x1x16xf32> to vector<16xf32>
        %mul3A_1498 = arith.constant 26 : i32
        %mul3A_1499 = arith.muli %scan3A_517, %mul3A_1498 : i32
        %add3A_1500 = arith.constant 10 : i32
        %add3A_1501 = arith.addi %mul3A_1499, %add3A_1500 : i32
        %get3A_1502 = arith.index_cast %rem3A_501 : i32 to index
        %get3A_1503 = arith.index_cast %add3A_1501 : i32 to index
        %get3A_1504 = arith.constant 32 : index
        %get3A_1505 = tpu.vector_load %arg9[%get3A_1502, %get3A_1503, %get3A_1504] {strides = array<i32>} : memref<2x512x80xf32, #tpu.memory_space<vmem>>, vector<1x1x16xf32>,
        %get3A_1506 = vector.shape_cast %get3A_1505 : vector<1x1x16xf32> to vector<16xf32>
        %mul3A_1507 = arith.constant 26 : i32
        %mul3A_1508 = arith.muli %scan3A_517, %mul3A_1507 : i32
        %add3A_1509 = arith.constant 10 : i32
        %add3A_1510 = arith.addi %mul3A_1508, %add3A_1509 : i32
        %get3A_1511 = arith.index_cast %rem3A_501 : i32 to index
        %get3A_1512 = arith.index_cast %add3A_1510 : i32 to index
        %get3A_1513 = arith.constant 48 : index
        %get3A_1514 = tpu.vector_load %arg9[%get3A_1511, %get3A_1512, %get3A_1513] {strides = array<i32>} : memref<2x512x80xf32, #tpu.memory_space<vmem>>, vector<1x1x16xf32>,
        %get3A_1515 = vector.shape_cast %get3A_1514 : vector<1x1x16xf32> to vector<16xf32>
        %mul3A_1516 = arith.constant 26 : i32
        %mul3A_1517 = arith.muli %scan3A_517, %mul3A_1516 : i32
        %add3A_1518 = arith.constant 10 : i32
        %add3A_1519 = arith.addi %mul3A_1517, %add3A_1518 : i32
        %get3A_1520 = arith.index_cast %rem3A_501 : i32 to index
        %get3A_1521 = arith.index_cast %add3A_1519 : i32 to index
        %get3A_1522 = arith.constant 61 : index
        %get3A_1523 = tpu.vector_load %arg9[%get3A_1520, %get3A_1521, %get3A_1522] {strides = array<i32>} : memref<2x512x80xf32, #tpu.memory_space<vmem>>, vector<1x1x16xf32>,
        %get3A_1524 = vector.shape_cast %get3A_1523 : vector<1x1x16xf32> to vector<16xf32>
        %mul3A_1525 = arith.constant 26 : i32
        %mul3A_1526 = arith.muli %scan3A_517, %mul3A_1525 : i32
        %add3A_1527 = arith.constant 11 : i32
        %add3A_1528 = arith.addi %mul3A_1526, %add3A_1527 : i32
        %get3A_1529 = arith.index_cast %rem3A_501 : i32 to index
        %get3A_1530 = arith.index_cast %add3A_1528 : i32 to index
        %get3A_1531 = arith.constant 0 : index
        %get3A_1532 = tpu.vector_load %arg9[%get3A_1529, %get3A_1530, %get3A_1531] {strides = array<i32>} : memref<2x512x80xf32, #tpu.memory_space<vmem>>, vector<1x1x16xf32>,
        %get3A_1533 = vector.shape_cast %get3A_1532 : vector<1x1x16xf32> to vector<16xf32>
        %mul3A_1534 = arith.constant 26 : i32
        %mul3A_1535 = arith.muli %scan3A_517, %mul3A_1534 : i32
        %add3A_1536 = arith.constant 11 : i32
        %add3A_1537 = arith.addi %mul3A_1535, %add3A_1536 : i32
        %get3A_1538 = arith.index_cast %rem3A_501 : i32 to index
        %get3A_1539 = arith.index_cast %add3A_1537 : i32 to index
        %get3A_1540 = arith.constant 16 : index
        %get3A_1541 = tpu.vector_load %arg9[%get3A_1538, %get3A_1539, %get3A_1540] {strides = array<i32>} : memref<2x512x80xf32, #tpu.memory_space<vmem>>, vector<1x1x16xf32>,
        %get3A_1542 = vector.shape_cast %get3A_1541 : vector<1x1x16xf32> to vector<16xf32>
        %mul3A_1543 = arith.constant 26 : i32
        %mul3A_1544 = arith.muli %scan3A_517, %mul3A_1543 : i32
        %add3A_1545 = arith.constant 11 : i32
        %add3A_1546 = arith.addi %mul3A_1544, %add3A_1545 : i32
        %get3A_1547 = arith.index_cast %rem3A_501 : i32 to index
        %get3A_1548 = arith.index_cast %add3A_1546 : i32 to index
        %get3A_1549 = arith.constant 32 : index
        %get3A_1550 = tpu.vector_load %arg9[%get3A_1547, %get3A_1548, %get3A_1549] {strides = array<i32>} : memref<2x512x80xf32, #tpu.memory_space<vmem>>, vector<1x1x16xf32>,
        %get3A_1551 = vector.shape_cast %get3A_1550 : vector<1x1x16xf32> to vector<16xf32>
        %mul3A_1552 = arith.constant 26 : i32
        %mul3A_1553 = arith.muli %scan3A_517, %mul3A_1552 : i32
        %add3A_1554 = arith.constant 11 : i32
        %add3A_1555 = arith.addi %mul3A_1553, %add3A_1554 : i32
        %get3A_1556 = arith.index_cast %rem3A_501 : i32 to index
        %get3A_1557 = arith.index_cast %add3A_1555 : i32 to index
        %get3A_1558 = arith.constant 48 : index
        %get3A_1559 = tpu.vector_load %arg9[%get3A_1556, %get3A_1557, %get3A_1558] {strides = array<i32>} : memref<2x512x80xf32, #tpu.memory_space<vmem>>, vector<1x1x16xf32>,
        %get3A_1560 = vector.shape_cast %get3A_1559 : vector<1x1x16xf32> to vector<16xf32>
        %mul3A_1561 = arith.constant 26 : i32
        %mul3A_1562 = arith.muli %scan3A_517, %mul3A_1561 : i32
        %add3A_1563 = arith.constant 11 : i32
        %add3A_1564 = arith.addi %mul3A_1562, %add3A_1563 : i32
        %get3A_1565 = arith.index_cast %rem3A_501 : i32 to index
        %get3A_1566 = arith.index_cast %add3A_1564 : i32 to index
        %get3A_1567 = arith.constant 61 : index
        %get3A_1568 = tpu.vector_load %arg9[%get3A_1565, %get3A_1566, %get3A_1567] {strides = array<i32>} : memref<2x512x80xf32, #tpu.memory_space<vmem>>, vector<1x1x16xf32>,
        %get3A_1569 = vector.shape_cast %get3A_1568 : vector<1x1x16xf32> to vector<16xf32>
        %add3A_1570 = arith.constant 13 : i32
        %add3A_1571 = arith.addi %mul3A_519, %add3A_1570 : i32
        %add3A_1572 = arith.constant 770 : i32
        %add3A_1573 = arith.addi %add3A_1571, %add3A_1572 : i32
        %add3A_1574 = arith.constant 0 : i32
        %add3A_1575 = arith.addi %add3A_1573, %add3A_1574 : i32
        %swap3A_1576 = arith.index_cast %add3A_1575 : i32 to index
        %swap3A_1577 = tpu.vector_load %arg11[%swap3A_1576] {strides = array<i32>} : memref<32240xf32, #tpu.memory_space<vmem>>, vector<16xf32>,
        %swap3A_1578 = vector.shape_cast %swap3A_1577 : vector<16xf32> to vector<16xf32>
        %swap3A_1579 = vector.shape_cast %get3A_1488 : vector<16xf32> to vector<16xf32>
        tpu.vector_store %arg11[%swap3A_1576], %swap3A_1579 {strides = array<i32>} : memref<32240xf32, #tpu.memory_space<vmem>>, vector<16xf32>,
        %add3A_1580 = arith.constant 13 : i32
        %add3A_1581 = arith.addi %mul3A_519, %add3A_1580 : i32
        %add3A_1582 = arith.constant 770 : i32
        %add3A_1583 = arith.addi %add3A_1581, %add3A_1582 : i32
        %add3A_1584 = arith.constant 16 : i32
        %add3A_1585 = arith.addi %add3A_1583, %add3A_1584 : i32
        %swap3A_1586 = arith.index_cast %add3A_1585 : i32 to index
        %swap3A_1587 = tpu.vector_load %arg11[%swap3A_1586] {strides = array<i32>} : memref<32240xf32, #tpu.memory_space<vmem>>, vector<16xf32>,
        %swap3A_1588 = vector.shape_cast %swap3A_1587 : vector<16xf32> to vector<16xf32>
        %swap3A_1589 = vector.shape_cast %get3A_1497 : vector<16xf32> to vector<16xf32>
        tpu.vector_store %arg11[%swap3A_1586], %swap3A_1589 {strides = array<i32>} : memref<32240xf32, #tpu.memory_space<vmem>>, vector<16xf32>,
        %add3A_1590 = arith.constant 13 : i32
        %add3A_1591 = arith.addi %mul3A_519, %add3A_1590 : i32
        %add3A_1592 = arith.constant 770 : i32
        %add3A_1593 = arith.addi %add3A_1591, %add3A_1592 : i32
        %add3A_1594 = arith.constant 32 : i32
        %add3A_1595 = arith.addi %add3A_1593, %add3A_1594 : i32
        %swap3A_1596 = arith.index_cast %add3A_1595 : i32 to index
        %swap3A_1597 = tpu.vector_load %arg11[%swap3A_1596] {strides = array<i32>} : memref<32240xf32, #tpu.memory_space<vmem>>, vector<16xf32>,
        %swap3A_1598 = vector.shape_cast %swap3A_1597 : vector<16xf32> to vector<16xf32>
        %swap3A_1599 = vector.shape_cast %get3A_1506 : vector<16xf32> to vector<16xf32>
        tpu.vector_store %arg11[%swap3A_1596], %swap3A_1599 {strides = array<i32>} : memref<32240xf32, #tpu.memory_space<vmem>>, vector<16xf32>,
        %add3A_1600 = arith.constant 13 : i32
        %add3A_1601 = arith.addi %mul3A_519, %add3A_1600 : i32
        %add3A_1602 = arith.constant 770 : i32
        %add3A_1603 = arith.addi %add3A_1601, %add3A_1602 : i32
        %add3A_1604 = arith.constant 48 : i32
        %add3A_1605 = arith.addi %add3A_1603, %add3A_1604 : i32
        %swap3A_1606 = arith.index_cast %add3A_1605 : i32 to index
        %swap3A_1607 = tpu.vector_load %arg11[%swap3A_1606] {strides = array<i32>} : memref<32240xf32, #tpu.memory_space<vmem>>, vector<16xf32>,
        %swap3A_1608 = vector.shape_cast %swap3A_1607 : vector<16xf32> to vector<16xf32>
        %swap3A_1609 = vector.shape_cast %get3A_1515 : vector<16xf32> to vector<16xf32>
        tpu.vector_store %arg11[%swap3A_1606], %swap3A_1609 {strides = array<i32>} : memref<32240xf32, #tpu.memory_space<vmem>>, vector<16xf32>,
        %add3A_1610 = arith.constant 13 : i32
        %add3A_1611 = arith.addi %mul3A_519, %add3A_1610 : i32
        %add3A_1612 = arith.constant 770 : i32
        %add3A_1613 = arith.addi %add3A_1611, %add3A_1612 : i32
        %add3A_1614 = arith.constant 61 : i32
        %add3A_1615 = arith.addi %add3A_1613, %add3A_1614 : i32
        %swap3A_1616 = arith.index_cast %add3A_1615 : i32 to index
        %swap3A_1617 = tpu.vector_load %arg11[%swap3A_1616] {strides = array<i32>} : memref<32240xf32, #tpu.memory_space<vmem>>, vector<16xf32>,
        %swap3A_1618 = vector.shape_cast %swap3A_1617 : vector<16xf32> to vector<16xf32>
        %swap3A_1619 = vector.shape_cast %get3A_1524 : vector<16xf32> to vector<16xf32>
        tpu.vector_store %arg11[%swap3A_1616], %swap3A_1619 {strides = array<i32>} : memref<32240xf32, #tpu.memory_space<vmem>>, vector<16xf32>,
        %add3A_1620 = arith.constant 13 : i32
        %add3A_1621 = arith.addi %mul3A_519, %add3A_1620 : i32
        %add3A_1622 = arith.constant 847 : i32
        %add3A_1623 = arith.addi %add3A_1621, %add3A_1622 : i32
        %add3A_1624 = arith.constant 0 : i32
        %add3A_1625 = arith.addi %add3A_1623, %add3A_1624 : i32
        %swap3A_1626 = arith.index_cast %add3A_1625 : i32 to index
        %swap3A_1627 = tpu.vector_load %arg11[%swap3A_1626] {strides = array<i32>} : memref<32240xf32, #tpu.memory_space<vmem>>, vector<16xf32>,
        %swap3A_1628 = vector.shape_cast %swap3A_1627 : vector<16xf32> to vector<16xf32>
        %swap3A_1629 = vector.shape_cast %get3A_1533 : vector<16xf32> to vector<16xf32>
        tpu.vector_store %arg11[%swap3A_1626], %swap3A_1629 {strides = array<i32>} : memref<32240xf32, #tpu.memory_space<vmem>>, vector<16xf32>,
        %add3A_1630 = arith.constant 13 : i32
        %add3A_1631 = arith.addi %mul3A_519, %add3A_1630 : i32
        %add3A_1632 = arith.constant 847 : i32
        %add3A_1633 = arith.addi %add3A_1631, %add3A_1632 : i32
        %add3A_1634 = arith.constant 16 : i32
        %add3A_1635 = arith.addi %add3A_1633, %add3A_1634 : i32
        %swap3A_1636 = arith.index_cast %add3A_1635 : i32 to index
        %swap3A_1637 = tpu.vector_load %arg11[%swap3A_1636] {strides = array<i32>} : memref<32240xf32, #tpu.memory_space<vmem>>, vector<16xf32>,
        %swap3A_1638 = vector.shape_cast %swap3A_1637 : vector<16xf32> to vector<16xf32>
        %swap3A_1639 = vector.shape_cast %get3A_1542 : vector<16xf32> to vector<16xf32>
        tpu.vector_store %arg11[%swap3A_1636], %swap3A_1639 {strides = array<i32>} : memref<32240xf32, #tpu.memory_space<vmem>>, vector<16xf32>,
        %add3A_1640 = arith.constant 13 : i32
        %add3A_1641 = arith.addi %mul3A_519, %add3A_1640 : i32
        %add3A_1642 = arith.constant 847 : i32
        %add3A_1643 = arith.addi %add3A_1641, %add3A_1642 : i32
        %add3A_1644 = arith.constant 32 : i32
        %add3A_1645 = arith.addi %add3A_1643, %add3A_1644 : i32
        %swap3A_1646 = arith.index_cast %add3A_1645 : i32 to index
        %swap3A_1647 = tpu.vector_load %arg11[%swap3A_1646] {strides = array<i32>} : memref<32240xf32, #tpu.memory_space<vmem>>, vector<16xf32>,
        %swap3A_1648 = vector.shape_cast %swap3A_1647 : vector<16xf32> to vector<16xf32>
        %swap3A_1649 = vector.shape_cast %get3A_1551 : vector<16xf32> to vector<16xf32>
        tpu.vector_store %arg11[%swap3A_1646], %swap3A_1649 {strides = array<i32>} : memref<32240xf32, #tpu.memory_space<vmem>>, vector<16xf32>,
        %add3A_1650 = arith.constant 13 : i32
        %add3A_1651 = arith.addi %mul3A_519, %add3A_1650 : i32
        %add3A_1652 = arith.constant 847 : i32
        %add3A_1653 = arith.addi %add3A_1651, %add3A_1652 : i32
        %add3A_1654 = arith.constant 48 : i32
        %add3A_1655 = arith.addi %add3A_1653, %add3A_1654 : i32
        %swap3A_1656 = arith.index_cast %add3A_1655 : i32 to index
        %swap3A_1657 = tpu.vector_load %arg11[%swap3A_1656] {strides = array<i32>} : memref<32240xf32, #tpu.memory_space<vmem>>, vector<16xf32>,
        %swap3A_1658 = vector.shape_cast %swap3A_1657 : vector<16xf32> to vector<16xf32>
        %swap3A_1659 = vector.shape_cast %get3A_1560 : vector<16xf32> to vector<16xf32>
        tpu.vector_store %arg11[%swap3A_1656], %swap3A_1659 {strides = array<i32>} : memref<32240xf32, #tpu.memory_space<vmem>>, vector<16xf32>,
        %add3A_1660 = arith.constant 13 : i32
        %add3A_1661 = arith.addi %mul3A_519, %add3A_1660 : i32
        %add3A_1662 = arith.constant 847 : i32
        %add3A_1663 = arith.addi %add3A_1661, %add3A_1662 : i32
        %add3A_1664 = arith.constant 61 : i32
        %add3A_1665 = arith.addi %add3A_1663, %add3A_1664 : i32
        %swap3A_1666 = arith.index_cast %add3A_1665 : i32 to index
        %swap3A_1667 = tpu.vector_load %arg11[%swap3A_1666] {strides = array<i32>} : memref<32240xf32, #tpu.memory_space<vmem>>, vector<16xf32>,
        %swap3A_1668 = vector.shape_cast %swap3A_1667 : vector<16xf32> to vector<16xf32>
        %swap3A_1669 = vector.shape_cast %get3A_1569 : vector<16xf32> to vector<16xf32>
        tpu.vector_store %arg11[%swap3A_1666], %swap3A_1669 {strides = array<i32>} : memref<32240xf32, #tpu.memory_space<vmem>>, vector<16xf32>,
        %mul3A_1670 = arith.constant 26 : i32
        %mul3A_1671 = arith.muli %scan3A_517, %mul3A_1670 : i32
        %add3A_1672 = arith.constant 12 : i32
        %add3A_1673 = arith.addi %mul3A_1671, %add3A_1672 : i32
        %get3A_1674 = arith.index_cast %rem3A_501 : i32 to index
        %get3A_1675 = arith.index_cast %add3A_1673 : i32 to index
        %get3A_1676 = arith.constant 0 : index
        %get3A_1677 = tpu.vector_load %arg9[%get3A_1674, %get3A_1675, %get3A_1676] {strides = array<i32>} : memref<2x512x80xf32, #tpu.memory_space<vmem>>, vector<1x1x16xf32>,
        %get3A_1678 = vector.shape_cast %get3A_1677 : vector<1x1x16xf32> to vector<16xf32>
        %mul3A_1679 = arith.constant 26 : i32
        %mul3A_1680 = arith.muli %scan3A_517, %mul3A_1679 : i32
        %add3A_1681 = arith.constant 12 : i32
        %add3A_1682 = arith.addi %mul3A_1680, %add3A_1681 : i32
        %get3A_1683 = arith.index_cast %rem3A_501 : i32 to index
        %get3A_1684 = arith.index_cast %add3A_1682 : i32 to index
        %get3A_1685 = arith.constant 16 : index
        %get3A_1686 = tpu.vector_load %arg9[%get3A_1683, %get3A_1684, %get3A_1685] {strides = array<i32>} : memref<2x512x80xf32, #tpu.memory_space<vmem>>, vector<1x1x16xf32>,
        %get3A_1687 = vector.shape_cast %get3A_1686 : vector<1x1x16xf32> to vector<16xf32>
        %mul3A_1688 = arith.constant 26 : i32
        %mul3A_1689 = arith.muli %scan3A_517, %mul3A_1688 : i32
        %add3A_1690 = arith.constant 12 : i32
        %add3A_1691 = arith.addi %mul3A_1689, %add3A_1690 : i32
        %get3A_1692 = arith.index_cast %rem3A_501 : i32 to index
        %get3A_1693 = arith.index_cast %add3A_1691 : i32 to index
        %get3A_1694 = arith.constant 32 : index
        %get3A_1695 = tpu.vector_load %arg9[%get3A_1692, %get3A_1693, %get3A_1694] {strides = array<i32>} : memref<2x512x80xf32, #tpu.memory_space<vmem>>, vector<1x1x16xf32>,
        %get3A_1696 = vector.shape_cast %get3A_1695 : vector<1x1x16xf32> to vector<16xf32>
        %mul3A_1697 = arith.constant 26 : i32
        %mul3A_1698 = arith.muli %scan3A_517, %mul3A_1697 : i32
        %add3A_1699 = arith.constant 12 : i32
        %add3A_1700 = arith.addi %mul3A_1698, %add3A_1699 : i32
        %get3A_1701 = arith.index_cast %rem3A_501 : i32 to index
        %get3A_1702 = arith.index_cast %add3A_1700 : i32 to index
        %get3A_1703 = arith.constant 48 : index
        %get3A_1704 = tpu.vector_load %arg9[%get3A_1701, %get3A_1702, %get3A_1703] {strides = array<i32>} : memref<2x512x80xf32, #tpu.memory_space<vmem>>, vector<1x1x16xf32>,
        %get3A_1705 = vector.shape_cast %get3A_1704 : vector<1x1x16xf32> to vector<16xf32>
        %mul3A_1706 = arith.constant 26 : i32
        %mul3A_1707 = arith.muli %scan3A_517, %mul3A_1706 : i32
        %add3A_1708 = arith.constant 12 : i32
        %add3A_1709 = arith.addi %mul3A_1707, %add3A_1708 : i32
        %get3A_1710 = arith.index_cast %rem3A_501 : i32 to index
        %get3A_1711 = arith.index_cast %add3A_1709 : i32 to index
        %get3A_1712 = arith.constant 61 : index
        %get3A_1713 = tpu.vector_load %arg9[%get3A_1710, %get3A_1711, %get3A_1712] {strides = array<i32>} : memref<2x512x80xf32, #tpu.memory_space<vmem>>, vector<1x1x16xf32>,
        %get3A_1714 = vector.shape_cast %get3A_1713 : vector<1x1x16xf32> to vector<16xf32>
        %mul3A_1715 = arith.constant 26 : i32
        %mul3A_1716 = arith.muli %scan3A_517, %mul3A_1715 : i32
        %add3A_1717 = arith.constant 13 : i32
        %add3A_1718 = arith.addi %mul3A_1716, %add3A_1717 : i32
        %get3A_1719 = arith.index_cast %rem3A_501 : i32 to index
        %get3A_1720 = arith.index_cast %add3A_1718 : i32 to index
        %get3A_1721 = arith.constant 0 : index
        %get3A_1722 = tpu.vector_load %arg9[%get3A_1719, %get3A_1720, %get3A_1721] {strides = array<i32>} : memref<2x512x80xf32, #tpu.memory_space<vmem>>, vector<1x1x16xf32>,
        %get3A_1723 = vector.shape_cast %get3A_1722 : vector<1x1x16xf32> to vector<16xf32>
        %mul3A_1724 = arith.constant 26 : i32
        %mul3A_1725 = arith.muli %scan3A_517, %mul3A_1724 : i32
        %add3A_1726 = arith.constant 13 : i32
        %add3A_1727 = arith.addi %mul3A_1725, %add3A_1726 : i32
        %get3A_1728 = arith.index_cast %rem3A_501 : i32 to index
        %get3A_1729 = arith.index_cast %add3A_1727 : i32 to index
        %get3A_1730 = arith.constant 16 : index
        %get3A_1731 = tpu.vector_load %arg9[%get3A_1728, %get3A_1729, %get3A_1730] {strides = array<i32>} : memref<2x512x80xf32, #tpu.memory_space<vmem>>, vector<1x1x16xf32>,
        %get3A_1732 = vector.shape_cast %get3A_1731 : vector<1x1x16xf32> to vector<16xf32>
        %mul3A_1733 = arith.constant 26 : i32
        %mul3A_1734 = arith.muli %scan3A_517, %mul3A_1733 : i32
        %add3A_1735 = arith.constant 13 : i32
        %add3A_1736 = arith.addi %mul3A_1734, %add3A_1735 : i32
        %get3A_1737 = arith.index_cast %rem3A_501 : i32 to index
        %get3A_1738 = arith.index_cast %add3A_1736 : i32 to index
        %get3A_1739 = arith.constant 32 : index
        %get3A_1740 = tpu.vector_load %arg9[%get3A_1737, %get3A_1738, %get3A_1739] {strides = array<i32>} : memref<2x512x80xf32, #tpu.memory_space<vmem>>, vector<1x1x16xf32>,
        %get3A_1741 = vector.shape_cast %get3A_1740 : vector<1x1x16xf32> to vector<16xf32>
        %mul3A_1742 = arith.constant 26 : i32
        %mul3A_1743 = arith.muli %scan3A_517, %mul3A_1742 : i32
        %add3A_1744 = arith.constant 13 : i32
        %add3A_1745 = arith.addi %mul3A_1743, %add3A_1744 : i32
        %get3A_1746 = arith.index_cast %rem3A_501 : i32 to index
        %get3A_1747 = arith.index_cast %add3A_1745 : i32 to index
        %get3A_1748 = arith.constant 48 : index
        %get3A_1749 = tpu.vector_load %arg9[%get3A_1746, %get3A_1747, %get3A_1748] {strides = array<i32>} : memref<2x512x80xf32, #tpu.memory_space<vmem>>, vector<1x1x16xf32>,
        %get3A_1750 = vector.shape_cast %get3A_1749 : vector<1x1x16xf32> to vector<16xf32>
        %mul3A_1751 = arith.constant 26 : i32
        %mul3A_1752 = arith.muli %scan3A_517, %mul3A_1751 : i32
        %add3A_1753 = arith.constant 13 : i32
        %add3A_1754 = arith.addi %mul3A_1752, %add3A_1753 : i32
        %get3A_1755 = arith.index_cast %rem3A_501 : i32 to index
        %get3A_1756 = arith.index_cast %add3A_1754 : i32 to index
        %get3A_1757 = arith.constant 61 : index
        %get3A_1758 = tpu.vector_load %arg9[%get3A_1755, %get3A_1756, %get3A_1757] {strides = array<i32>} : memref<2x512x80xf32, #tpu.memory_space<vmem>>, vector<1x1x16xf32>,
        %get3A_1759 = vector.shape_cast %get3A_1758 : vector<1x1x16xf32> to vector<16xf32>
        %add3A_1760 = arith.constant 13 : i32
        %add3A_1761 = arith.addi %mul3A_519, %add3A_1760 : i32
        %add3A_1762 = arith.constant 924 : i32
        %add3A_1763 = arith.addi %add3A_1761, %add3A_1762 : i32
        %add3A_1764 = arith.constant 0 : i32
        %add3A_1765 = arith.addi %add3A_1763, %add3A_1764 : i32
        %swap3A_1766 = arith.index_cast %add3A_1765 : i32 to index
        %swap3A_1767 = tpu.vector_load %arg11[%swap3A_1766] {strides = array<i32>} : memref<32240xf32, #tpu.memory_space<vmem>>, vector<16xf32>,
        %swap3A_1768 = vector.shape_cast %swap3A_1767 : vector<16xf32> to vector<16xf32>
        %swap3A_1769 = vector.shape_cast %get3A_1678 : vector<16xf32> to vector<16xf32>
        tpu.vector_store %arg11[%swap3A_1766], %swap3A_1769 {strides = array<i32>} : memref<32240xf32, #tpu.memory_space<vmem>>, vector<16xf32>,
        %add3A_1770 = arith.constant 13 : i32
        %add3A_1771 = arith.addi %mul3A_519, %add3A_1770 : i32
        %add3A_1772 = arith.constant 924 : i32
        %add3A_1773 = arith.addi %add3A_1771, %add3A_1772 : i32
        %add3A_1774 = arith.constant 16 : i32
        %add3A_1775 = arith.addi %add3A_1773, %add3A_1774 : i32
        %swap3A_1776 = arith.index_cast %add3A_1775 : i32 to index
        %swap3A_1777 = tpu.vector_load %arg11[%swap3A_1776] {strides = array<i32>} : memref<32240xf32, #tpu.memory_space<vmem>>, vector<16xf32>,
        %swap3A_1778 = vector.shape_cast %swap3A_1777 : vector<16xf32> to vector<16xf32>
        %swap3A_1779 = vector.shape_cast %get3A_1687 : vector<16xf32> to vector<16xf32>
        tpu.vector_store %arg11[%swap3A_1776], %swap3A_1779 {strides = array<i32>} : memref<32240xf32, #tpu.memory_space<vmem>>, vector<16xf32>,
        %add3A_1780 = arith.constant 13 : i32
        %add3A_1781 = arith.addi %mul3A_519, %add3A_1780 : i32
        %add3A_1782 = arith.constant 924 : i32
        %add3A_1783 = arith.addi %add3A_1781, %add3A_1782 : i32
        %add3A_1784 = arith.constant 32 : i32
        %add3A_1785 = arith.addi %add3A_1783, %add3A_1784 : i32
        %swap3A_1786 = arith.index_cast %add3A_1785 : i32 to index
        %swap3A_1787 = tpu.vector_load %arg11[%swap3A_1786] {strides = array<i32>} : memref<32240xf32, #tpu.memory_space<vmem>>, vector<16xf32>,
        %swap3A_1788 = vector.shape_cast %swap3A_1787 : vector<16xf32> to vector<16xf32>
        %swap3A_1789 = vector.shape_cast %get3A_1696 : vector<16xf32> to vector<16xf32>
        tpu.vector_store %arg11[%swap3A_1786], %swap3A_1789 {strides = array<i32>} : memref<32240xf32, #tpu.memory_space<vmem>>, vector<16xf32>,
        %add3A_1790 = arith.constant 13 : i32
        %add3A_1791 = arith.addi %mul3A_519, %add3A_1790 : i32
        %add3A_1792 = arith.constant 924 : i32
        %add3A_1793 = arith.addi %add3A_1791, %add3A_1792 : i32
        %add3A_1794 = arith.constant 48 : i32
        %add3A_1795 = arith.addi %add3A_1793, %add3A_1794 : i32
        %swap3A_1796 = arith.index_cast %add3A_1795 : i32 to index
        %swap3A_1797 = tpu.vector_load %arg11[%swap3A_1796] {strides = array<i32>} : memref<32240xf32, #tpu.memory_space<vmem>>, vector<16xf32>,
        %swap3A_1798 = vector.shape_cast %swap3A_1797 : vector<16xf32> to vector<16xf32>
        %swap3A_1799 = vector.shape_cast %get3A_1705 : vector<16xf32> to vector<16xf32>
        tpu.vector_store %arg11[%swap3A_1796], %swap3A_1799 {strides = array<i32>} : memref<32240xf32, #tpu.memory_space<vmem>>, vector<16xf32>,
        %add3A_1800 = arith.constant 13 : i32
        %add3A_1801 = arith.addi %mul3A_519, %add3A_1800 : i32
        %add3A_1802 = arith.constant 924 : i32
        %add3A_1803 = arith.addi %add3A_1801, %add3A_1802 : i32
        %add3A_1804 = arith.constant 61 : i32
        %add3A_1805 = arith.addi %add3A_1803, %add3A_1804 : i32
        %swap3A_1806 = arith.index_cast %add3A_1805 : i32 to index
        %swap3A_1807 = tpu.vector_load %arg11[%swap3A_1806] {strides = array<i32>} : memref<32240xf32, #tpu.memory_space<vmem>>, vector<16xf32>,
        %swap3A_1808 = vector.shape_cast %swap3A_1807 : vector<16xf32> to vector<16xf32>
        %swap3A_1809 = vector.shape_cast %get3A_1714 : vector<16xf32> to vector<16xf32>
        tpu.vector_store %arg11[%swap3A_1806], %swap3A_1809 {strides = array<i32>} : memref<32240xf32, #tpu.memory_space<vmem>>, vector<16xf32>,
        %add3A_1810 = arith.constant 13 : i32
        %add3A_1811 = arith.addi %mul3A_519, %add3A_1810 : i32
        %add3A_1812 = arith.constant 1001 : i32
        %add3A_1813 = arith.addi %add3A_1811, %add3A_1812 : i32
        %add3A_1814 = arith.constant 0 : i32
        %add3A_1815 = arith.addi %add3A_1813, %add3A_1814 : i32
        %swap3A_1816 = arith.index_cast %add3A_1815 : i32 to index
        %swap3A_1817 = tpu.vector_load %arg11[%swap3A_1816] {strides = array<i32>} : memref<32240xf32, #tpu.memory_space<vmem>>, vector<16xf32>,
        %swap3A_1818 = vector.shape_cast %swap3A_1817 : vector<16xf32> to vector<16xf32>
        %swap3A_1819 = vector.shape_cast %get3A_1723 : vector<16xf32> to vector<16xf32>
        tpu.vector_store %arg11[%swap3A_1816], %swap3A_1819 {strides = array<i32>} : memref<32240xf32, #tpu.memory_space<vmem>>, vector<16xf32>,
        %add3A_1820 = arith.constant 13 : i32
        %add3A_1821 = arith.addi %mul3A_519, %add3A_1820 : i32
        %add3A_1822 = arith.constant 1001 : i32
        %add3A_1823 = arith.addi %add3A_1821, %add3A_1822 : i32
        %add3A_1824 = arith.constant 16 : i32
        %add3A_1825 = arith.addi %add3A_1823, %add3A_1824 : i32
        %swap3A_1826 = arith.index_cast %add3A_1825 : i32 to index
        %swap3A_1827 = tpu.vector_load %arg11[%swap3A_1826] {strides = array<i32>} : memref<32240xf32, #tpu.memory_space<vmem>>, vector<16xf32>,
        %swap3A_1828 = vector.shape_cast %swap3A_1827 : vector<16xf32> to vector<16xf32>
        %swap3A_1829 = vector.shape_cast %get3A_1732 : vector<16xf32> to vector<16xf32>
        tpu.vector_store %arg11[%swap3A_1826], %swap3A_1829 {strides = array<i32>} : memref<32240xf32, #tpu.memory_space<vmem>>, vector<16xf32>,
        %add3A_1830 = arith.constant 13 : i32
        %add3A_1831 = arith.addi %mul3A_519, %add3A_1830 : i32
        %add3A_1832 = arith.constant 1001 : i32
        %add3A_1833 = arith.addi %add3A_1831, %add3A_1832 : i32
        %add3A_1834 = arith.constant 32 : i32
        %add3A_1835 = arith.addi %add3A_1833, %add3A_1834 : i32
        %swap3A_1836 = arith.index_cast %add3A_1835 : i32 to index
        %swap3A_1837 = tpu.vector_load %arg11[%swap3A_1836] {strides = array<i32>} : memref<32240xf32, #tpu.memory_space<vmem>>, vector<16xf32>,
        %swap3A_1838 = vector.shape_cast %swap3A_1837 : vector<16xf32> to vector<16xf32>
        %swap3A_1839 = vector.shape_cast %get3A_1741 : vector<16xf32> to vector<16xf32>
        tpu.vector_store %arg11[%swap3A_1836], %swap3A_1839 {strides = array<i32>} : memref<32240xf32, #tpu.memory_space<vmem>>, vector<16xf32>,
        %add3A_1840 = arith.constant 13 : i32
        %add3A_1841 = arith.addi %mul3A_519, %add3A_1840 : i32
        %add3A_1842 = arith.constant 1001 : i32
        %add3A_1843 = arith.addi %add3A_1841, %add3A_1842 : i32
        %add3A_1844 = arith.constant 48 : i32
        %add3A_1845 = arith.addi %add3A_1843, %add3A_1844 : i32
        %swap3A_1846 = arith.index_cast %add3A_1845 : i32 to index
        %swap3A_1847 = tpu.vector_load %arg11[%swap3A_1846] {strides = array<i32>} : memref<32240xf32, #tpu.memory_space<vmem>>, vector<16xf32>,
        %swap3A_1848 = vector.shape_cast %swap3A_1847 : vector<16xf32> to vector<16xf32>
        %swap3A_1849 = vector.shape_cast %get3A_1750 : vector<16xf32> to vector<16xf32>
        tpu.vector_store %arg11[%swap3A_1846], %swap3A_1849 {strides = array<i32>} : memref<32240xf32, #tpu.memory_space<vmem>>, vector<16xf32>,
        %add3A_1850 = arith.constant 13 : i32
        %add3A_1851 = arith.addi %mul3A_519, %add3A_1850 : i32
        %add3A_1852 = arith.constant 1001 : i32
        %add3A_1853 = arith.addi %add3A_1851, %add3A_1852 : i32
        %add3A_1854 = arith.constant 61 : i32
        %add3A_1855 = arith.addi %add3A_1853, %add3A_1854 : i32
        %swap3A_1856 = arith.index_cast %add3A_1855 : i32 to index
        %swap3A_1857 = tpu.vector_load %arg11[%swap3A_1856] {strides = array<i32>} : memref<32240xf32, #tpu.memory_space<vmem>>, vector<16xf32>,
        %swap3A_1858 = vector.shape_cast %swap3A_1857 : vector<16xf32> to vector<16xf32>
        %swap3A_1859 = vector.shape_cast %get3A_1759 : vector<16xf32> to vector<16xf32>
        tpu.vector_store %arg11[%swap3A_1856], %swap3A_1859 {strides = array<i32>} : memref<32240xf32, #tpu.memory_space<vmem>>, vector<16xf32>,
        %mul3A_1860 = arith.constant 26 : i32
        %mul3A_1861 = arith.muli %scan3A_517, %mul3A_1860 : i32
        %add3A_1862 = arith.constant 14 : i32
        %add3A_1863 = arith.addi %mul3A_1861, %add3A_1862 : i32
        %get3A_1864 = arith.index_cast %rem3A_501 : i32 to index
        %get3A_1865 = arith.index_cast %add3A_1863 : i32 to index
        %get3A_1866 = arith.constant 0 : index
        %get3A_1867 = tpu.vector_load %arg9[%get3A_1864, %get3A_1865, %get3A_1866] {strides = array<i32>} : memref<2x512x80xf32, #tpu.memory_space<vmem>>, vector<1x1x16xf32>,
        %get3A_1868 = vector.shape_cast %get3A_1867 : vector<1x1x16xf32> to vector<16xf32>
        %mul3A_1869 = arith.constant 26 : i32
        %mul3A_1870 = arith.muli %scan3A_517, %mul3A_1869 : i32
        %add3A_1871 = arith.constant 14 : i32
        %add3A_1872 = arith.addi %mul3A_1870, %add3A_1871 : i32
        %get3A_1873 = arith.index_cast %rem3A_501 : i32 to index
        %get3A_1874 = arith.index_cast %add3A_1872 : i32 to index
        %get3A_1875 = arith.constant 16 : index
        %get3A_1876 = tpu.vector_load %arg9[%get3A_1873, %get3A_1874, %get3A_1875] {strides = array<i32>} : memref<2x512x80xf32, #tpu.memory_space<vmem>>, vector<1x1x16xf32>,
        %get3A_1877 = vector.shape_cast %get3A_1876 : vector<1x1x16xf32> to vector<16xf32>
        %mul3A_1878 = arith.constant 26 : i32
        %mul3A_1879 = arith.muli %scan3A_517, %mul3A_1878 : i32
        %add3A_1880 = arith.constant 14 : i32
        %add3A_1881 = arith.addi %mul3A_1879, %add3A_1880 : i32
        %get3A_1882 = arith.index_cast %rem3A_501 : i32 to index
        %get3A_1883 = arith.index_cast %add3A_1881 : i32 to index
        %get3A_1884 = arith.constant 32 : index
        %get3A_1885 = tpu.vector_load %arg9[%get3A_1882, %get3A_1883, %get3A_1884] {strides = array<i32>} : memref<2x512x80xf32, #tpu.memory_space<vmem>>, vector<1x1x16xf32>,
        %get3A_1886 = vector.shape_cast %get3A_1885 : vector<1x1x16xf32> to vector<16xf32>
        %mul3A_1887 = arith.constant 26 : i32
        %mul3A_1888 = arith.muli %scan3A_517, %mul3A_1887 : i32
        %add3A_1889 = arith.constant 14 : i32
        %add3A_1890 = arith.addi %mul3A_1888, %add3A_1889 : i32
        %get3A_1891 = arith.index_cast %rem3A_501 : i32 to index
        %get3A_1892 = arith.index_cast %add3A_1890 : i32 to index
        %get3A_1893 = arith.constant 48 : index
        %get3A_1894 = tpu.vector_load %arg9[%get3A_1891, %get3A_1892, %get3A_1893] {strides = array<i32>} : memref<2x512x80xf32, #tpu.memory_space<vmem>>, vector<1x1x16xf32>,
        %get3A_1895 = vector.shape_cast %get3A_1894 : vector<1x1x16xf32> to vector<16xf32>
        %mul3A_1896 = arith.constant 26 : i32
        %mul3A_1897 = arith.muli %scan3A_517, %mul3A_1896 : i32
        %add3A_1898 = arith.constant 14 : i32
        %add3A_1899 = arith.addi %mul3A_1897, %add3A_1898 : i32
        %get3A_1900 = arith.index_cast %rem3A_501 : i32 to index
        %get3A_1901 = arith.index_cast %add3A_1899 : i32 to index
        %get3A_1902 = arith.constant 61 : index
        %get3A_1903 = tpu.vector_load %arg9[%get3A_1900, %get3A_1901, %get3A_1902] {strides = array<i32>} : memref<2x512x80xf32, #tpu.memory_space<vmem>>, vector<1x1x16xf32>,
        %get3A_1904 = vector.shape_cast %get3A_1903 : vector<1x1x16xf32> to vector<16xf32>
        %mul3A_1905 = arith.constant 26 : i32
        %mul3A_1906 = arith.muli %scan3A_517, %mul3A_1905 : i32
        %add3A_1907 = arith.constant 15 : i32
        %add3A_1908 = arith.addi %mul3A_1906, %add3A_1907 : i32
        %get3A_1909 = arith.index_cast %rem3A_501 : i32 to index
        %get3A_1910 = arith.index_cast %add3A_1908 : i32 to index
        %get3A_1911 = arith.constant 0 : index
        %get3A_1912 = tpu.vector_load %arg9[%get3A_1909, %get3A_1910, %get3A_1911] {strides = array<i32>} : memref<2x512x80xf32, #tpu.memory_space<vmem>>, vector<1x1x16xf32>,
        %get3A_1913 = vector.shape_cast %get3A_1912 : vector<1x1x16xf32> to vector<16xf32>
        %mul3A_1914 = arith.constant 26 : i32
        %mul3A_1915 = arith.muli %scan3A_517, %mul3A_1914 : i32
        %add3A_1916 = arith.constant 15 : i32
        %add3A_1917 = arith.addi %mul3A_1915, %add3A_1916 : i32
        %get3A_1918 = arith.index_cast %rem3A_501 : i32 to index
        %get3A_1919 = arith.index_cast %add3A_1917 : i32 to index
        %get3A_1920 = arith.constant 16 : index
        %get3A_1921 = tpu.vector_load %arg9[%get3A_1918, %get3A_1919, %get3A_1920] {strides = array<i32>} : memref<2x512x80xf32, #tpu.memory_space<vmem>>, vector<1x1x16xf32>,
        %get3A_1922 = vector.shape_cast %get3A_1921 : vector<1x1x16xf32> to vector<16xf32>
        %mul3A_1923 = arith.constant 26 : i32
        %mul3A_1924 = arith.muli %scan3A_517, %mul3A_1923 : i32
        %add3A_1925 = arith.constant 15 : i32
        %add3A_1926 = arith.addi %mul3A_1924, %add3A_1925 : i32
        %get3A_1927 = arith.index_cast %rem3A_501 : i32 to index
        %get3A_1928 = arith.index_cast %add3A_1926 : i32 to index
        %get3A_1929 = arith.constant 32 : index
        %get3A_1930 = tpu.vector_load %arg9[%get3A_1927, %get3A_1928, %get3A_1929] {strides = array<i32>} : memref<2x512x80xf32, #tpu.memory_space<vmem>>, vector<1x1x16xf32>,
        %get3A_1931 = vector.shape_cast %get3A_1930 : vector<1x1x16xf32> to vector<16xf32>
        %mul3A_1932 = arith.constant 26 : i32
        %mul3A_1933 = arith.muli %scan3A_517, %mul3A_1932 : i32
        %add3A_1934 = arith.constant 15 : i32
        %add3A_1935 = arith.addi %mul3A_1933, %add3A_1934 : i32
        %get3A_1936 = arith.index_cast %rem3A_501 : i32 to index
        %get3A_1937 = arith.index_cast %add3A_1935 : i32 to index
        %get3A_1938 = arith.constant 48 : index
        %get3A_1939 = tpu.vector_load %arg9[%get3A_1936, %get3A_1937, %get3A_1938] {strides = array<i32>} : memref<2x512x80xf32, #tpu.memory_space<vmem>>, vector<1x1x16xf32>,
        %get3A_1940 = vector.shape_cast %get3A_1939 : vector<1x1x16xf32> to vector<16xf32>
        %mul3A_1941 = arith.constant 26 : i32
        %mul3A_1942 = arith.muli %scan3A_517, %mul3A_1941 : i32
        %add3A_1943 = arith.constant 15 : i32
        %add3A_1944 = arith.addi %mul3A_1942, %add3A_1943 : i32
        %get3A_1945 = arith.index_cast %rem3A_501 : i32 to index
        %get3A_1946 = arith.index_cast %add3A_1944 : i32 to index
        %get3A_1947 = arith.constant 61 : index
        %get3A_1948 = tpu.vector_load %arg9[%get3A_1945, %get3A_1946, %get3A_1947] {strides = array<i32>} : memref<2x512x80xf32, #tpu.memory_space<vmem>>, vector<1x1x16xf32>,
        %get3A_1949 = vector.shape_cast %get3A_1948 : vector<1x1x16xf32> to vector<16xf32>
        %add3A_1950 = arith.constant 13 : i32
        %add3A_1951 = arith.addi %mul3A_519, %add3A_1950 : i32
        %add3A_1952 = arith.constant 1078 : i32
        %add3A_1953 = arith.addi %add3A_1951, %add3A_1952 : i32
        %add3A_1954 = arith.constant 0 : i32
        %add3A_1955 = arith.addi %add3A_1953, %add3A_1954 : i32
        %swap3A_1956 = arith.index_cast %add3A_1955 : i32 to index
        %swap3A_1957 = tpu.vector_load %arg11[%swap3A_1956] {strides = array<i32>} : memref<32240xf32, #tpu.memory_space<vmem>>, vector<16xf32>,
        %swap3A_1958 = vector.shape_cast %swap3A_1957 : vector<16xf32> to vector<16xf32>
        %swap3A_1959 = vector.shape_cast %get3A_1868 : vector<16xf32> to vector<16xf32>
        tpu.vector_store %arg11[%swap3A_1956], %swap3A_1959 {strides = array<i32>} : memref<32240xf32, #tpu.memory_space<vmem>>, vector<16xf32>,
        %add3A_1960 = arith.constant 13 : i32
        %add3A_1961 = arith.addi %mul3A_519, %add3A_1960 : i32
        %add3A_1962 = arith.constant 1078 : i32
        %add3A_1963 = arith.addi %add3A_1961, %add3A_1962 : i32
        %add3A_1964 = arith.constant 16 : i32
        %add3A_1965 = arith.addi %add3A_1963, %add3A_1964 : i32
        %swap3A_1966 = arith.index_cast %add3A_1965 : i32 to index
        %swap3A_1967 = tpu.vector_load %arg11[%swap3A_1966] {strides = array<i32>} : memref<32240xf32, #tpu.memory_space<vmem>>, vector<16xf32>,
        %swap3A_1968 = vector.shape_cast %swap3A_1967 : vector<16xf32> to vector<16xf32>
        %swap3A_1969 = vector.shape_cast %get3A_1877 : vector<16xf32> to vector<16xf32>
        tpu.vector_store %arg11[%swap3A_1966], %swap3A_1969 {strides = array<i32>} : memref<32240xf32, #tpu.memory_space<vmem>>, vector<16xf32>,
        %add3A_1970 = arith.constant 13 : i32
        %add3A_1971 = arith.addi %mul3A_519, %add3A_1970 : i32
        %add3A_1972 = arith.constant 1078 : i32
        %add3A_1973 = arith.addi %add3A_1971, %add3A_1972 : i32
        %add3A_1974 = arith.constant 32 : i32
        %add3A_1975 = arith.addi %add3A_1973, %add3A_1974 : i32
        %swap3A_1976 = arith.index_cast %add3A_1975 : i32 to index
        %swap3A_1977 = tpu.vector_load %arg11[%swap3A_1976] {strides = array<i32>} : memref<32240xf32, #tpu.memory_space<vmem>>, vector<16xf32>,
        %swap3A_1978 = vector.shape_cast %swap3A_1977 : vector<16xf32> to vector<16xf32>
        %swap3A_1979 = vector.shape_cast %get3A_1886 : vector<16xf32> to vector<16xf32>
        tpu.vector_store %arg11[%swap3A_1976], %swap3A_1979 {strides = array<i32>} : memref<32240xf32, #tpu.memory_space<vmem>>, vector<16xf32>,
        %add3A_1980 = arith.constant 13 : i32
        %add3A_1981 = arith.addi %mul3A_519, %add3A_1980 : i32
        %add3A_1982 = arith.constant 1078 : i32
        %add3A_1983 = arith.addi %add3A_1981, %add3A_1982 : i32
        %add3A_1984 = arith.constant 48 : i32
        %add3A_1985 = arith.addi %add3A_1983, %add3A_1984 : i32
        %swap3A_1986 = arith.index_cast %add3A_1985 : i32 to index
        %swap3A_1987 = tpu.vector_load %arg11[%swap3A_1986] {strides = array<i32>} : memref<32240xf32, #tpu.memory_space<vmem>>, vector<16xf32>,
        %swap3A_1988 = vector.shape_cast %swap3A_1987 : vector<16xf32> to vector<16xf32>
        %swap3A_1989 = vector.shape_cast %get3A_1895 : vector<16xf32> to vector<16xf32>
        tpu.vector_store %arg11[%swap3A_1986], %swap3A_1989 {strides = array<i32>} : memref<32240xf32, #tpu.memory_space<vmem>>, vector<16xf32>,
        %add3A_1990 = arith.constant 13 : i32
        %add3A_1991 = arith.addi %mul3A_519, %add3A_1990 : i32
        %add3A_1992 = arith.constant 1078 : i32
        %add3A_1993 = arith.addi %add3A_1991, %add3A_1992 : i32
        %add3A_1994 = arith.constant 61 : i32
        %add3A_1995 = arith.addi %add3A_1993, %add3A_1994 : i32
        %swap3A_1996 = arith.index_cast %add3A_1995 : i32 to index
        %swap3A_1997 = tpu.vector_load %arg11[%swap3A_1996] {strides = array<i32>} : memref<32240xf32, #tpu.memory_space<vmem>>, vector<16xf32>,
        %swap3A_1998 = vector.shape_cast %swap3A_1997 : vector<16xf32> to vector<16xf32>
        %swap3A_1999 = vector.shape_cast %get3A_1904 : vector<16xf32> to vector<16xf32>
        tpu.vector_store %arg11[%swap3A_1996], %swap3A_1999 {strides = array<i32>} : memref<32240xf32, #tpu.memory_space<vmem>>, vector<16xf32>,
        %add3A_2000 = arith.constant 13 : i32
        %add3A_2001 = arith.addi %mul3A_519, %add3A_2000 : i32
        %add3A_2002 = arith.constant 1155 : i32
        %add3A_2003 = arith.addi %add3A_2001, %add3A_2002 : i32
        %add3A_2004 = arith.constant 0 : i32
        %add3A_2005 = arith.addi %add3A_2003, %add3A_2004 : i32
        %swap3A_2006 = arith.index_cast %add3A_2005 : i32 to index
        %swap3A_2007 = tpu.vector_load %arg11[%swap3A_2006] {strides = array<i32>} : memref<32240xf32, #tpu.memory_space<vmem>>, vector<16xf32>,
        %swap3A_2008 = vector.shape_cast %swap3A_2007 : vector<16xf32> to vector<16xf32>
        %swap3A_2009 = vector.shape_cast %get3A_1913 : vector<16xf32> to vector<16xf32>
        tpu.vector_store %arg11[%swap3A_2006], %swap3A_2009 {strides = array<i32>} : memref<32240xf32, #tpu.memory_space<vmem>>, vector<16xf32>,
        %add3A_2010 = arith.constant 13 : i32
        %add3A_2011 = arith.addi %mul3A_519, %add3A_2010 : i32
        %add3A_2012 = arith.constant 1155 : i32
        %add3A_2013 = arith.addi %add3A_2011, %add3A_2012 : i32
        %add3A_2014 = arith.constant 16 : i32
        %add3A_2015 = arith.addi %add3A_2013, %add3A_2014 : i32
        %swap3A_2016 = arith.index_cast %add3A_2015 : i32 to index
        %swap3A_2017 = tpu.vector_load %arg11[%swap3A_2016] {strides = array<i32>} : memref<32240xf32, #tpu.memory_space<vmem>>, vector<16xf32>,
        %swap3A_2018 = vector.shape_cast %swap3A_2017 : vector<16xf32> to vector<16xf32>
        %swap3A_2019 = vector.shape_cast %get3A_1922 : vector<16xf32> to vector<16xf32>
        tpu.vector_store %arg11[%swap3A_2016], %swap3A_2019 {strides = array<i32>} : memref<32240xf32, #tpu.memory_space<vmem>>, vector<16xf32>,
        %add3A_2020 = arith.constant 13 : i32
        %add3A_2021 = arith.addi %mul3A_519, %add3A_2020 : i32
        %add3A_2022 = arith.constant 1155 : i32
        %add3A_2023 = arith.addi %add3A_2021, %add3A_2022 : i32
        %add3A_2024 = arith.constant 32 : i32
        %add3A_2025 = arith.addi %add3A_2023, %add3A_2024 : i32
        %swap3A_2026 = arith.index_cast %add3A_2025 : i32 to index
        %swap3A_2027 = tpu.vector_load %arg11[%swap3A_2026] {strides = array<i32>} : memref<32240xf32, #tpu.memory_space<vmem>>, vector<16xf32>,
        %swap3A_2028 = vector.shape_cast %swap3A_2027 : vector<16xf32> to vector<16xf32>
        %swap3A_2029 = vector.shape_cast %get3A_1931 : vector<16xf32> to vector<16xf32>
        tpu.vector_store %arg11[%swap3A_2026], %swap3A_2029 {strides = array<i32>} : memref<32240xf32, #tpu.memory_space<vmem>>, vector<16xf32>,
        %add3A_2030 = arith.constant 13 : i32
        %add3A_2031 = arith.addi %mul3A_519, %add3A_2030 : i32
        %add3A_2032 = arith.constant 1155 : i32
        %add3A_2033 = arith.addi %add3A_2031, %add3A_2032 : i32
        %add3A_2034 = arith.constant 48 : i32
        %add3A_2035 = arith.addi %add3A_2033, %add3A_2034 : i32
        %swap3A_2036 = arith.index_cast %add3A_2035 : i32 to index
        %swap3A_2037 = tpu.vector_load %arg11[%swap3A_2036] {strides = array<i32>} : memref<32240xf32, #tpu.memory_space<vmem>>, vector<16xf32>,
        %swap3A_2038 = vector.shape_cast %swap3A_2037 : vector<16xf32> to vector<16xf32>
        %swap3A_2039 = vector.shape_cast %get3A_1940 : vector<16xf32> to vector<16xf32>
        tpu.vector_store %arg11[%swap3A_2036], %swap3A_2039 {strides = array<i32>} : memref<32240xf32, #tpu.memory_space<vmem>>, vector<16xf32>,
        %add3A_2040 = arith.constant 13 : i32
        %add3A_2041 = arith.addi %mul3A_519, %add3A_2040 : i32
        %add3A_2042 = arith.constant 1155 : i32
        %add3A_2043 = arith.addi %add3A_2041, %add3A_2042 : i32
        %add3A_2044 = arith.constant 61 : i32
        %add3A_2045 = arith.addi %add3A_2043, %add3A_2044 : i32
        %swap3A_2046 = arith.index_cast %add3A_2045 : i32 to index
        %swap3A_2047 = tpu.vector_load %arg11[%swap3A_2046] {strides = array<i32>} : memref<32240xf32, #tpu.memory_space<vmem>>, vector<16xf32>,
        %swap3A_2048 = vector.shape_cast %swap3A_2047 : vector<16xf32> to vector<16xf32>
        %swap3A_2049 = vector.shape_cast %get3A_1949 : vector<16xf32> to vector<16xf32>
        tpu.vector_store %arg11[%swap3A_2046], %swap3A_2049 {strides = array<i32>} : memref<32240xf32, #tpu.memory_space<vmem>>, vector<16xf32>,
        %mul3A_2050 = arith.constant 26 : i32
        %mul3A_2051 = arith.muli %scan3A_517, %mul3A_2050 : i32
        %add3A_2052 = arith.constant 16 : i32
        %add3A_2053 = arith.addi %mul3A_2051, %add3A_2052 : i32
        %get3A_2054 = arith.index_cast %rem3A_501 : i32 to index
        %get3A_2055 = arith.index_cast %add3A_2053 : i32 to index
        %get3A_2056 = arith.constant 0 : index
        %get3A_2057 = tpu.vector_load %arg9[%get3A_2054, %get3A_2055, %get3A_2056] {strides = array<i32>} : memref<2x512x80xf32, #tpu.memory_space<vmem>>, vector<1x1x16xf32>,
        %get3A_2058 = vector.shape_cast %get3A_2057 : vector<1x1x16xf32> to vector<16xf32>
        %mul3A_2059 = arith.constant 26 : i32
        %mul3A_2060 = arith.muli %scan3A_517, %mul3A_2059 : i32
        %add3A_2061 = arith.constant 16 : i32
        %add3A_2062 = arith.addi %mul3A_2060, %add3A_2061 : i32
        %get3A_2063 = arith.index_cast %rem3A_501 : i32 to index
        %get3A_2064 = arith.index_cast %add3A_2062 : i32 to index
        %get3A_2065 = arith.constant 16 : index
        %get3A_2066 = tpu.vector_load %arg9[%get3A_2063, %get3A_2064, %get3A_2065] {strides = array<i32>} : memref<2x512x80xf32, #tpu.memory_space<vmem>>, vector<1x1x16xf32>,
        %get3A_2067 = vector.shape_cast %get3A_2066 : vector<1x1x16xf32> to vector<16xf32>
        %mul3A_2068 = arith.constant 26 : i32
        %mul3A_2069 = arith.muli %scan3A_517, %mul3A_2068 : i32
        %add3A_2070 = arith.constant 16 : i32
        %add3A_2071 = arith.addi %mul3A_2069, %add3A_2070 : i32
        %get3A_2072 = arith.index_cast %rem3A_501 : i32 to index
        %get3A_2073 = arith.index_cast %add3A_2071 : i32 to index
        %get3A_2074 = arith.constant 32 : index
        %get3A_2075 = tpu.vector_load %arg9[%get3A_2072, %get3A_2073, %get3A_2074] {strides = array<i32>} : memref<2x512x80xf32, #tpu.memory_space<vmem>>, vector<1x1x16xf32>,
        %get3A_2076 = vector.shape_cast %get3A_2075 : vector<1x1x16xf32> to vector<16xf32>
        %mul3A_2077 = arith.constant 26 : i32
        %mul3A_2078 = arith.muli %scan3A_517, %mul3A_2077 : i32
        %add3A_2079 = arith.constant 16 : i32
        %add3A_2080 = arith.addi %mul3A_2078, %add3A_2079 : i32
        %get3A_2081 = arith.index_cast %rem3A_501 : i32 to index
        %get3A_2082 = arith.index_cast %add3A_2080 : i32 to index
        %get3A_2083 = arith.constant 48 : index
        %get3A_2084 = tpu.vector_load %arg9[%get3A_2081, %get3A_2082, %get3A_2083] {strides = array<i32>} : memref<2x512x80xf32, #tpu.memory_space<vmem>>, vector<1x1x16xf32>,
        %get3A_2085 = vector.shape_cast %get3A_2084 : vector<1x1x16xf32> to vector<16xf32>
        %mul3A_2086 = arith.constant 26 : i32
        %mul3A_2087 = arith.muli %scan3A_517, %mul3A_2086 : i32
        %add3A_2088 = arith.constant 16 : i32
        %add3A_2089 = arith.addi %mul3A_2087, %add3A_2088 : i32
        %get3A_2090 = arith.index_cast %rem3A_501 : i32 to index
        %get3A_2091 = arith.index_cast %add3A_2089 : i32 to index
        %get3A_2092 = arith.constant 61 : index
        %get3A_2093 = tpu.vector_load %arg9[%get3A_2090, %get3A_2091, %get3A_2092] {strides = array<i32>} : memref<2x512x80xf32, #tpu.memory_space<vmem>>, vector<1x1x16xf32>,
        %get3A_2094 = vector.shape_cast %get3A_2093 : vector<1x1x16xf32> to vector<16xf32>
        %mul3A_2095 = arith.constant 26 : i32
        %mul3A_2096 = arith.muli %scan3A_517, %mul3A_2095 : i32
        %add3A_2097 = arith.constant 17 : i32
        %add3A_2098 = arith.addi %mul3A_2096, %add3A_2097 : i32
        %get3A_2099 = arith.index_cast %rem3A_501 : i32 to index
        %get3A_2100 = arith.index_cast %add3A_2098 : i32 to index
        %get3A_2101 = arith.constant 0 : index
        %get3A_2102 = tpu.vector_load %arg9[%get3A_2099, %get3A_2100, %get3A_2101] {strides = array<i32>} : memref<2x512x80xf32, #tpu.memory_space<vmem>>, vector<1x1x16xf32>,
        %get3A_2103 = vector.shape_cast %get3A_2102 : vector<1x1x16xf32> to vector<16xf32>
        %mul3A_2104 = arith.constant 26 : i32
        %mul3A_2105 = arith.muli %scan3A_517, %mul3A_2104 : i32
        %add3A_2106 = arith.constant 17 : i32
        %add3A_2107 = arith.addi %mul3A_2105, %add3A_2106 : i32
        %get3A_2108 = arith.index_cast %rem3A_501 : i32 to index
        %get3A_2109 = arith.index_cast %add3A_2107 : i32 to index
        %get3A_2110 = arith.constant 16 : index
        %get3A_2111 = tpu.vector_load %arg9[%get3A_2108, %get3A_2109, %get3A_2110] {strides = array<i32>} : memref<2x512x80xf32, #tpu.memory_space<vmem>>, vector<1x1x16xf32>,
        %get3A_2112 = vector.shape_cast %get3A_2111 : vector<1x1x16xf32> to vector<16xf32>
        %mul3A_2113 = arith.constant 26 : i32
        %mul3A_2114 = arith.muli %scan3A_517, %mul3A_2113 : i32
        %add3A_2115 = arith.constant 17 : i32
        %add3A_2116 = arith.addi %mul3A_2114, %add3A_2115 : i32
        %get3A_2117 = arith.index_cast %rem3A_501 : i32 to index
        %get3A_2118 = arith.index_cast %add3A_2116 : i32 to index
        %get3A_2119 = arith.constant 32 : index
        %get3A_2120 = tpu.vector_load %arg9[%get3A_2117, %get3A_2118, %get3A_2119] {strides = array<i32>} : memref<2x512x80xf32, #tpu.memory_space<vmem>>, vector<1x1x16xf32>,
        %get3A_2121 = vector.shape_cast %get3A_2120 : vector<1x1x16xf32> to vector<16xf32>
        %mul3A_2122 = arith.constant 26 : i32
        %mul3A_2123 = arith.muli %scan3A_517, %mul3A_2122 : i32
        %add3A_2124 = arith.constant 17 : i32
        %add3A_2125 = arith.addi %mul3A_2123, %add3A_2124 : i32
        %get3A_2126 = arith.index_cast %rem3A_501 : i32 to index
        %get3A_2127 = arith.index_cast %add3A_2125 : i32 to index
        %get3A_2128 = arith.constant 48 : index
        %get3A_2129 = tpu.vector_load %arg9[%get3A_2126, %get3A_2127, %get3A_2128] {strides = array<i32>} : memref<2x512x80xf32, #tpu.memory_space<vmem>>, vector<1x1x16xf32>,
        %get3A_2130 = vector.shape_cast %get3A_2129 : vector<1x1x16xf32> to vector<16xf32>
        %mul3A_2131 = arith.constant 26 : i32
        %mul3A_2132 = arith.muli %scan3A_517, %mul3A_2131 : i32
        %add3A_2133 = arith.constant 17 : i32
        %add3A_2134 = arith.addi %mul3A_2132, %add3A_2133 : i32
        %get3A_2135 = arith.index_cast %rem3A_501 : i32 to index
        %get3A_2136 = arith.index_cast %add3A_2134 : i32 to index
        %get3A_2137 = arith.constant 61 : index
        %get3A_2138 = tpu.vector_load %arg9[%get3A_2135, %get3A_2136, %get3A_2137] {strides = array<i32>} : memref<2x512x80xf32, #tpu.memory_space<vmem>>, vector<1x1x16xf32>,
        %get3A_2139 = vector.shape_cast %get3A_2138 : vector<1x1x16xf32> to vector<16xf32>
        %add3A_2140 = arith.constant 13 : i32
        %add3A_2141 = arith.addi %mul3A_519, %add3A_2140 : i32
        %add3A_2142 = arith.constant 1232 : i32
        %add3A_2143 = arith.addi %add3A_2141, %add3A_2142 : i32
        %add3A_2144 = arith.constant 0 : i32
        %add3A_2145 = arith.addi %add3A_2143, %add3A_2144 : i32
        %swap3A_2146 = arith.index_cast %add3A_2145 : i32 to index
        %swap3A_2147 = tpu.vector_load %arg11[%swap3A_2146] {strides = array<i32>} : memref<32240xf32, #tpu.memory_space<vmem>>, vector<16xf32>,
        %swap3A_2148 = vector.shape_cast %swap3A_2147 : vector<16xf32> to vector<16xf32>
        %swap3A_2149 = vector.shape_cast %get3A_2058 : vector<16xf32> to vector<16xf32>
        tpu.vector_store %arg11[%swap3A_2146], %swap3A_2149 {strides = array<i32>} : memref<32240xf32, #tpu.memory_space<vmem>>, vector<16xf32>,
        %add3A_2150 = arith.constant 13 : i32
        %add3A_2151 = arith.addi %mul3A_519, %add3A_2150 : i32
        %add3A_2152 = arith.constant 1232 : i32
        %add3A_2153 = arith.addi %add3A_2151, %add3A_2152 : i32
        %add3A_2154 = arith.constant 16 : i32
        %add3A_2155 = arith.addi %add3A_2153, %add3A_2154 : i32
        %swap3A_2156 = arith.index_cast %add3A_2155 : i32 to index
        %swap3A_2157 = tpu.vector_load %arg11[%swap3A_2156] {strides = array<i32>} : memref<32240xf32, #tpu.memory_space<vmem>>, vector<16xf32>,
        %swap3A_2158 = vector.shape_cast %swap3A_2157 : vector<16xf32> to vector<16xf32>
        %swap3A_2159 = vector.shape_cast %get3A_2067 : vector<16xf32> to vector<16xf32>
        tpu.vector_store %arg11[%swap3A_2156], %swap3A_2159 {strides = array<i32>} : memref<32240xf32, #tpu.memory_space<vmem>>, vector<16xf32>,
        %add3A_2160 = arith.constant 13 : i32
        %add3A_2161 = arith.addi %mul3A_519, %add3A_2160 : i32
        %add3A_2162 = arith.constant 1232 : i32
        %add3A_2163 = arith.addi %add3A_2161, %add3A_2162 : i32
        %add3A_2164 = arith.constant 32 : i32
        %add3A_2165 = arith.addi %add3A_2163, %add3A_2164 : i32
        %swap3A_2166 = arith.index_cast %add3A_2165 : i32 to index
        %swap3A_2167 = tpu.vector_load %arg11[%swap3A_2166] {strides = array<i32>} : memref<32240xf32, #tpu.memory_space<vmem>>, vector<16xf32>,
        %swap3A_2168 = vector.shape_cast %swap3A_2167 : vector<16xf32> to vector<16xf32>
        %swap3A_2169 = vector.shape_cast %get3A_2076 : vector<16xf32> to vector<16xf32>
        tpu.vector_store %arg11[%swap3A_2166], %swap3A_2169 {strides = array<i32>} : memref<32240xf32, #tpu.memory_space<vmem>>, vector<16xf32>,
        %add3A_2170 = arith.constant 13 : i32
        %add3A_2171 = arith.addi %mul3A_519, %add3A_2170 : i32
        %add3A_2172 = arith.constant 1232 : i32
        %add3A_2173 = arith.addi %add3A_2171, %add3A_2172 : i32
        %add3A_2174 = arith.constant 48 : i32
        %add3A_2175 = arith.addi %add3A_2173, %add3A_2174 : i32
        %swap3A_2176 = arith.index_cast %add3A_2175 : i32 to index
        %swap3A_2177 = tpu.vector_load %arg11[%swap3A_2176] {strides = array<i32>} : memref<32240xf32, #tpu.memory_space<vmem>>, vector<16xf32>,
        %swap3A_2178 = vector.shape_cast %swap3A_2177 : vector<16xf32> to vector<16xf32>
        %swap3A_2179 = vector.shape_cast %get3A_2085 : vector<16xf32> to vector<16xf32>
        tpu.vector_store %arg11[%swap3A_2176], %swap3A_2179 {strides = array<i32>} : memref<32240xf32, #tpu.memory_space<vmem>>, vector<16xf32>,
        %add3A_2180 = arith.constant 13 : i32
        %add3A_2181 = arith.addi %mul3A_519, %add3A_2180 : i32
        %add3A_2182 = arith.constant 1232 : i32
        %add3A_2183 = arith.addi %add3A_2181, %add3A_2182 : i32
        %add3A_2184 = arith.constant 61 : i32
        %add3A_2185 = arith.addi %add3A_2183, %add3A_2184 : i32
        %swap3A_2186 = arith.index_cast %add3A_2185 : i32 to index
        %swap3A_2187 = tpu.vector_load %arg11[%swap3A_2186] {strides = array<i32>} : memref<32240xf32, #tpu.memory_space<vmem>>, vector<16xf32>,
        %swap3A_2188 = vector.shape_cast %swap3A_2187 : vector<16xf32> to vector<16xf32>
        %swap3A_2189 = vector.shape_cast %get3A_2094 : vector<16xf32> to vector<16xf32>
        tpu.vector_store %arg11[%swap3A_2186], %swap3A_2189 {strides = array<i32>} : memref<32240xf32, #tpu.memory_space<vmem>>, vector<16xf32>,
        %add3A_2190 = arith.constant 13 : i32
        %add3A_2191 = arith.addi %mul3A_519, %add3A_2190 : i32
        %add3A_2192 = arith.constant 1309 : i32
        %add3A_2193 = arith.addi %add3A_2191, %add3A_2192 : i32
        %add3A_2194 = arith.constant 0 : i32
        %add3A_2195 = arith.addi %add3A_2193, %add3A_2194 : i32
        %swap3A_2196 = arith.index_cast %add3A_2195 : i32 to index
        %swap3A_2197 = tpu.vector_load %arg11[%swap3A_2196] {strides = array<i32>} : memref<32240xf32, #tpu.memory_space<vmem>>, vector<16xf32>,
        %swap3A_2198 = vector.shape_cast %swap3A_2197 : vector<16xf32> to vector<16xf32>
        %swap3A_2199 = vector.shape_cast %get3A_2103 : vector<16xf32> to vector<16xf32>
        tpu.vector_store %arg11[%swap3A_2196], %swap3A_2199 {strides = array<i32>} : memref<32240xf32, #tpu.memory_space<vmem>>, vector<16xf32>,
        %add3A_2200 = arith.constant 13 : i32
        %add3A_2201 = arith.addi %mul3A_519, %add3A_2200 : i32
        %add3A_2202 = arith.constant 1309 : i32
        %add3A_2203 = arith.addi %add3A_2201, %add3A_2202 : i32
        %add3A_2204 = arith.constant 16 : i32
        %add3A_2205 = arith.addi %add3A_2203, %add3A_2204 : i32
        %swap3A_2206 = arith.index_cast %add3A_2205 : i32 to index
        %swap3A_2207 = tpu.vector_load %arg11[%swap3A_2206] {strides = array<i32>} : memref<32240xf32, #tpu.memory_space<vmem>>, vector<16xf32>,
        %swap3A_2208 = vector.shape_cast %swap3A_2207 : vector<16xf32> to vector<16xf32>
        %swap3A_2209 = vector.shape_cast %get3A_2112 : vector<16xf32> to vector<16xf32>
        tpu.vector_store %arg11[%swap3A_2206], %swap3A_2209 {strides = array<i32>} : memref<32240xf32, #tpu.memory_space<vmem>>, vector<16xf32>,
        %add3A_2210 = arith.constant 13 : i32
        %add3A_2211 = arith.addi %mul3A_519, %add3A_2210 : i32
        %add3A_2212 = arith.constant 1309 : i32
        %add3A_2213 = arith.addi %add3A_2211, %add3A_2212 : i32
        %add3A_2214 = arith.constant 32 : i32
        %add3A_2215 = arith.addi %add3A_2213, %add3A_2214 : i32
        %swap3A_2216 = arith.index_cast %add3A_2215 : i32 to index
        %swap3A_2217 = tpu.vector_load %arg11[%swap3A_2216] {strides = array<i32>} : memref<32240xf32, #tpu.memory_space<vmem>>, vector<16xf32>,
        %swap3A_2218 = vector.shape_cast %swap3A_2217 : vector<16xf32> to vector<16xf32>
        %swap3A_2219 = vector.shape_cast %get3A_2121 : vector<16xf32> to vector<16xf32>
        tpu.vector_store %arg11[%swap3A_2216], %swap3A_2219 {strides = array<i32>} : memref<32240xf32, #tpu.memory_space<vmem>>, vector<16xf32>,
        %add3A_2220 = arith.constant 13 : i32
        %add3A_2221 = arith.addi %mul3A_519, %add3A_2220 : i32
        %add3A_2222 = arith.constant 1309 : i32
        %add3A_2223 = arith.addi %add3A_2221, %add3A_2222 : i32
        %add3A_2224 = arith.constant 48 : i32
        %add3A_2225 = arith.addi %add3A_2223, %add3A_2224 : i32
        %swap3A_2226 = arith.index_cast %add3A_2225 : i32 to index
        %swap3A_2227 = tpu.vector_load %arg11[%swap3A_2226] {strides = array<i32>} : memref<32240xf32, #tpu.memory_space<vmem>>, vector<16xf32>,
        %swap3A_2228 = vector.shape_cast %swap3A_2227 : vector<16xf32> to vector<16xf32>
        %swap3A_2229 = vector.shape_cast %get3A_2130 : vector<16xf32> to vector<16xf32>
        tpu.vector_store %arg11[%swap3A_2226], %swap3A_2229 {strides = array<i32>} : memref<32240xf32, #tpu.memory_space<vmem>>, vector<16xf32>,
        %add3A_2230 = arith.constant 13 : i32
        %add3A_2231 = arith.addi %mul3A_519, %add3A_2230 : i32
        %add3A_2232 = arith.constant 1309 : i32
        %add3A_2233 = arith.addi %add3A_2231, %add3A_2232 : i32
        %add3A_2234 = arith.constant 61 : i32
        %add3A_2235 = arith.addi %add3A_2233, %add3A_2234 : i32
        %swap3A_2236 = arith.index_cast %add3A_2235 : i32 to index
        %swap3A_2237 = tpu.vector_load %arg11[%swap3A_2236] {strides = array<i32>} : memref<32240xf32, #tpu.memory_space<vmem>>, vector<16xf32>,
        %swap3A_2238 = vector.shape_cast %swap3A_2237 : vector<16xf32> to vector<16xf32>
        %swap3A_2239 = vector.shape_cast %get3A_2139 : vector<16xf32> to vector<16xf32>
        tpu.vector_store %arg11[%swap3A_2236], %swap3A_2239 {strides = array<i32>} : memref<32240xf32, #tpu.memory_space<vmem>>, vector<16xf32>,
        %mul3A_2240 = arith.constant 26 : i32
        %mul3A_2241 = arith.muli %scan3A_517, %mul3A_2240 : i32
        %add3A_2242 = arith.constant 18 : i32
        %add3A_2243 = arith.addi %mul3A_2241, %add3A_2242 : i32
        %get3A_2244 = arith.index_cast %rem3A_501 : i32 to index
        %get3A_2245 = arith.index_cast %add3A_2243 : i32 to index
        %get3A_2246 = arith.constant 0 : index
        %get3A_2247 = tpu.vector_load %arg9[%get3A_2244, %get3A_2245, %get3A_2246] {strides = array<i32>} : memref<2x512x80xf32, #tpu.memory_space<vmem>>, vector<1x1x16xf32>,
        %get3A_2248 = vector.shape_cast %get3A_2247 : vector<1x1x16xf32> to vector<16xf32>
        %mul3A_2249 = arith.constant 26 : i32
        %mul3A_2250 = arith.muli %scan3A_517, %mul3A_2249 : i32
        %add3A_2251 = arith.constant 18 : i32
        %add3A_2252 = arith.addi %mul3A_2250, %add3A_2251 : i32
        %get3A_2253 = arith.index_cast %rem3A_501 : i32 to index
        %get3A_2254 = arith.index_cast %add3A_2252 : i32 to index
        %get3A_2255 = arith.constant 16 : index
        %get3A_2256 = tpu.vector_load %arg9[%get3A_2253, %get3A_2254, %get3A_2255] {strides = array<i32>} : memref<2x512x80xf32, #tpu.memory_space<vmem>>, vector<1x1x16xf32>,
        %get3A_2257 = vector.shape_cast %get3A_2256 : vector<1x1x16xf32> to vector<16xf32>
        %mul3A_2258 = arith.constant 26 : i32
        %mul3A_2259 = arith.muli %scan3A_517, %mul3A_2258 : i32
        %add3A_2260 = arith.constant 18 : i32
        %add3A_2261 = arith.addi %mul3A_2259, %add3A_2260 : i32
        %get3A_2262 = arith.index_cast %rem3A_501 : i32 to index
        %get3A_2263 = arith.index_cast %add3A_2261 : i32 to index
        %get3A_2264 = arith.constant 32 : index
        %get3A_2265 = tpu.vector_load %arg9[%get3A_2262, %get3A_2263, %get3A_2264] {strides = array<i32>} : memref<2x512x80xf32, #tpu.memory_space<vmem>>, vector<1x1x16xf32>,
        %get3A_2266 = vector.shape_cast %get3A_2265 : vector<1x1x16xf32> to vector<16xf32>
        %mul3A_2267 = arith.constant 26 : i32
        %mul3A_2268 = arith.muli %scan3A_517, %mul3A_2267 : i32
        %add3A_2269 = arith.constant 18 : i32
        %add3A_2270 = arith.addi %mul3A_2268, %add3A_2269 : i32
        %get3A_2271 = arith.index_cast %rem3A_501 : i32 to index
        %get3A_2272 = arith.index_cast %add3A_2270 : i32 to index
        %get3A_2273 = arith.constant 48 : index
        %get3A_2274 = tpu.vector_load %arg9[%get3A_2271, %get3A_2272, %get3A_2273] {strides = array<i32>} : memref<2x512x80xf32, #tpu.memory_space<vmem>>, vector<1x1x16xf32>,
        %get3A_2275 = vector.shape_cast %get3A_2274 : vector<1x1x16xf32> to vector<16xf32>
        %mul3A_2276 = arith.constant 26 : i32
        %mul3A_2277 = arith.muli %scan3A_517, %mul3A_2276 : i32
        %add3A_2278 = arith.constant 18 : i32
        %add3A_2279 = arith.addi %mul3A_2277, %add3A_2278 : i32
        %get3A_2280 = arith.index_cast %rem3A_501 : i32 to index
        %get3A_2281 = arith.index_cast %add3A_2279 : i32 to index
        %get3A_2282 = arith.constant 61 : index
        %get3A_2283 = tpu.vector_load %arg9[%get3A_2280, %get3A_2281, %get3A_2282] {strides = array<i32>} : memref<2x512x80xf32, #tpu.memory_space<vmem>>, vector<1x1x16xf32>,
        %get3A_2284 = vector.shape_cast %get3A_2283 : vector<1x1x16xf32> to vector<16xf32>
        %mul3A_2285 = arith.constant 26 : i32
        %mul3A_2286 = arith.muli %scan3A_517, %mul3A_2285 : i32
        %add3A_2287 = arith.constant 19 : i32
        %add3A_2288 = arith.addi %mul3A_2286, %add3A_2287 : i32
        %get3A_2289 = arith.index_cast %rem3A_501 : i32 to index
        %get3A_2290 = arith.index_cast %add3A_2288 : i32 to index
        %get3A_2291 = arith.constant 0 : index
        %get3A_2292 = tpu.vector_load %arg9[%get3A_2289, %get3A_2290, %get3A_2291] {strides = array<i32>} : memref<2x512x80xf32, #tpu.memory_space<vmem>>, vector<1x1x16xf32>,
        %get3A_2293 = vector.shape_cast %get3A_2292 : vector<1x1x16xf32> to vector<16xf32>
        %mul3A_2294 = arith.constant 26 : i32
        %mul3A_2295 = arith.muli %scan3A_517, %mul3A_2294 : i32
        %add3A_2296 = arith.constant 19 : i32
        %add3A_2297 = arith.addi %mul3A_2295, %add3A_2296 : i32
        %get3A_2298 = arith.index_cast %rem3A_501 : i32 to index
        %get3A_2299 = arith.index_cast %add3A_2297 : i32 to index
        %get3A_2300 = arith.constant 16 : index
        %get3A_2301 = tpu.vector_load %arg9[%get3A_2298, %get3A_2299, %get3A_2300] {strides = array<i32>} : memref<2x512x80xf32, #tpu.memory_space<vmem>>, vector<1x1x16xf32>,
        %get3A_2302 = vector.shape_cast %get3A_2301 : vector<1x1x16xf32> to vector<16xf32>
        %mul3A_2303 = arith.constant 26 : i32
        %mul3A_2304 = arith.muli %scan3A_517, %mul3A_2303 : i32
        %add3A_2305 = arith.constant 19 : i32
        %add3A_2306 = arith.addi %mul3A_2304, %add3A_2305 : i32
        %get3A_2307 = arith.index_cast %rem3A_501 : i32 to index
        %get3A_2308 = arith.index_cast %add3A_2306 : i32 to index
        %get3A_2309 = arith.constant 32 : index
        %get3A_2310 = tpu.vector_load %arg9[%get3A_2307, %get3A_2308, %get3A_2309] {strides = array<i32>} : memref<2x512x80xf32, #tpu.memory_space<vmem>>, vector<1x1x16xf32>,
        %get3A_2311 = vector.shape_cast %get3A_2310 : vector<1x1x16xf32> to vector<16xf32>
        %mul3A_2312 = arith.constant 26 : i32
        %mul3A_2313 = arith.muli %scan3A_517, %mul3A_2312 : i32
        %add3A_2314 = arith.constant 19 : i32
        %add3A_2315 = arith.addi %mul3A_2313, %add3A_2314 : i32
        %get3A_2316 = arith.index_cast %rem3A_501 : i32 to index
        %get3A_2317 = arith.index_cast %add3A_2315 : i32 to index
        %get3A_2318 = arith.constant 48 : index
        %get3A_2319 = tpu.vector_load %arg9[%get3A_2316, %get3A_2317, %get3A_2318] {strides = array<i32>} : memref<2x512x80xf32, #tpu.memory_space<vmem>>, vector<1x1x16xf32>,
        %get3A_2320 = vector.shape_cast %get3A_2319 : vector<1x1x16xf32> to vector<16xf32>
        %mul3A_2321 = arith.constant 26 : i32
        %mul3A_2322 = arith.muli %scan3A_517, %mul3A_2321 : i32
        %add3A_2323 = arith.constant 19 : i32
        %add3A_2324 = arith.addi %mul3A_2322, %add3A_2323 : i32
        %get3A_2325 = arith.index_cast %rem3A_501 : i32 to index
        %get3A_2326 = arith.index_cast %add3A_2324 : i32 to index
        %get3A_2327 = arith.constant 61 : index
        %get3A_2328 = tpu.vector_load %arg9[%get3A_2325, %get3A_2326, %get3A_2327] {strides = array<i32>} : memref<2x512x80xf32, #tpu.memory_space<vmem>>, vector<1x1x16xf32>,
        %get3A_2329 = vector.shape_cast %get3A_2328 : vector<1x1x16xf32> to vector<16xf32>
        %add3A_2330 = arith.constant 13 : i32
        %add3A_2331 = arith.addi %mul3A_519, %add3A_2330 : i32
        %add3A_2332 = arith.constant 1386 : i32
        %add3A_2333 = arith.addi %add3A_2331, %add3A_2332 : i32
        %add3A_2334 = arith.constant 0 : i32
        %add3A_2335 = arith.addi %add3A_2333, %add3A_2334 : i32
        %swap3A_2336 = arith.index_cast %add3A_2335 : i32 to index
        %swap3A_2337 = tpu.vector_load %arg11[%swap3A_2336] {strides = array<i32>} : memref<32240xf32, #tpu.memory_space<vmem>>, vector<16xf32>,
        %swap3A_2338 = vector.shape_cast %swap3A_2337 : vector<16xf32> to vector<16xf32>
        %swap3A_2339 = vector.shape_cast %get3A_2248 : vector<16xf32> to vector<16xf32>
        tpu.vector_store %arg11[%swap3A_2336], %swap3A_2339 {strides = array<i32>} : memref<32240xf32, #tpu.memory_space<vmem>>, vector<16xf32>,
        %add3A_2340 = arith.constant 13 : i32
        %add3A_2341 = arith.addi %mul3A_519, %add3A_2340 : i32
        %add3A_2342 = arith.constant 1386 : i32
        %add3A_2343 = arith.addi %add3A_2341, %add3A_2342 : i32
        %add3A_2344 = arith.constant 16 : i32
        %add3A_2345 = arith.addi %add3A_2343, %add3A_2344 : i32
        %swap3A_2346 = arith.index_cast %add3A_2345 : i32 to index
        %swap3A_2347 = tpu.vector_load %arg11[%swap3A_2346] {strides = array<i32>} : memref<32240xf32, #tpu.memory_space<vmem>>, vector<16xf32>,
        %swap3A_2348 = vector.shape_cast %swap3A_2347 : vector<16xf32> to vector<16xf32>
        %swap3A_2349 = vector.shape_cast %get3A_2257 : vector<16xf32> to vector<16xf32>
        tpu.vector_store %arg11[%swap3A_2346], %swap3A_2349 {strides = array<i32>} : memref<32240xf32, #tpu.memory_space<vmem>>, vector<16xf32>,
        %add3A_2350 = arith.constant 13 : i32
        %add3A_2351 = arith.addi %mul3A_519, %add3A_2350 : i32
        %add3A_2352 = arith.constant 1386 : i32
        %add3A_2353 = arith.addi %add3A_2351, %add3A_2352 : i32
        %add3A_2354 = arith.constant 32 : i32
        %add3A_2355 = arith.addi %add3A_2353, %add3A_2354 : i32
        %swap3A_2356 = arith.index_cast %add3A_2355 : i32 to index
        %swap3A_2357 = tpu.vector_load %arg11[%swap3A_2356] {strides = array<i32>} : memref<32240xf32, #tpu.memory_space<vmem>>, vector<16xf32>,
        %swap3A_2358 = vector.shape_cast %swap3A_2357 : vector<16xf32> to vector<16xf32>
        %swap3A_2359 = vector.shape_cast %get3A_2266 : vector<16xf32> to vector<16xf32>
        tpu.vector_store %arg11[%swap3A_2356], %swap3A_2359 {strides = array<i32>} : memref<32240xf32, #tpu.memory_space<vmem>>, vector<16xf32>,
        %add3A_2360 = arith.constant 13 : i32
        %add3A_2361 = arith.addi %mul3A_519, %add3A_2360 : i32
        %add3A_2362 = arith.constant 1386 : i32
        %add3A_2363 = arith.addi %add3A_2361, %add3A_2362 : i32
        %add3A_2364 = arith.constant 48 : i32
        %add3A_2365 = arith.addi %add3A_2363, %add3A_2364 : i32
        %swap3A_2366 = arith.index_cast %add3A_2365 : i32 to index
        %swap3A_2367 = tpu.vector_load %arg11[%swap3A_2366] {strides = array<i32>} : memref<32240xf32, #tpu.memory_space<vmem>>, vector<16xf32>,
        %swap3A_2368 = vector.shape_cast %swap3A_2367 : vector<16xf32> to vector<16xf32>
        %swap3A_2369 = vector.shape_cast %get3A_2275 : vector<16xf32> to vector<16xf32>
        tpu.vector_store %arg11[%swap3A_2366], %swap3A_2369 {strides = array<i32>} : memref<32240xf32, #tpu.memory_space<vmem>>, vector<16xf32>,
        %add3A_2370 = arith.constant 13 : i32
        %add3A_2371 = arith.addi %mul3A_519, %add3A_2370 : i32
        %add3A_2372 = arith.constant 1386 : i32
        %add3A_2373 = arith.addi %add3A_2371, %add3A_2372 : i32
        %add3A_2374 = arith.constant 61 : i32
        %add3A_2375 = arith.addi %add3A_2373, %add3A_2374 : i32
        %swap3A_2376 = arith.index_cast %add3A_2375 : i32 to index
        %swap3A_2377 = tpu.vector_load %arg11[%swap3A_2376] {strides = array<i32>} : memref<32240xf32, #tpu.memory_space<vmem>>, vector<16xf32>,
        %swap3A_2378 = vector.shape_cast %swap3A_2377 : vector<16xf32> to vector<16xf32>
        %swap3A_2379 = vector.shape_cast %get3A_2284 : vector<16xf32> to vector<16xf32>
        tpu.vector_store %arg11[%swap3A_2376], %swap3A_2379 {strides = array<i32>} : memref<32240xf32, #tpu.memory_space<vmem>>, vector<16xf32>,
        %add3A_2380 = arith.constant 13 : i32
        %add3A_2381 = arith.addi %mul3A_519, %add3A_2380 : i32
        %add3A_2382 = arith.constant 1463 : i32
        %add3A_2383 = arith.addi %add3A_2381, %add3A_2382 : i32
        %add3A_2384 = arith.constant 0 : i32
        %add3A_2385 = arith.addi %add3A_2383, %add3A_2384 : i32
        %swap3A_2386 = arith.index_cast %add3A_2385 : i32 to index
        %swap3A_2387 = tpu.vector_load %arg11[%swap3A_2386] {strides = array<i32>} : memref<32240xf32, #tpu.memory_space<vmem>>, vector<16xf32>,
        %swap3A_2388 = vector.shape_cast %swap3A_2387 : vector<16xf32> to vector<16xf32>
        %swap3A_2389 = vector.shape_cast %get3A_2293 : vector<16xf32> to vector<16xf32>
        tpu.vector_store %arg11[%swap3A_2386], %swap3A_2389 {strides = array<i32>} : memref<32240xf32, #tpu.memory_space<vmem>>, vector<16xf32>,
        %add3A_2390 = arith.constant 13 : i32
        %add3A_2391 = arith.addi %mul3A_519, %add3A_2390 : i32
        %add3A_2392 = arith.constant 1463 : i32
        %add3A_2393 = arith.addi %add3A_2391, %add3A_2392 : i32
        %add3A_2394 = arith.constant 16 : i32
        %add3A_2395 = arith.addi %add3A_2393, %add3A_2394 : i32
        %swap3A_2396 = arith.index_cast %add3A_2395 : i32 to index
        %swap3A_2397 = tpu.vector_load %arg11[%swap3A_2396] {strides = array<i32>} : memref<32240xf32, #tpu.memory_space<vmem>>, vector<16xf32>,
        %swap3A_2398 = vector.shape_cast %swap3A_2397 : vector<16xf32> to vector<16xf32>
        %swap3A_2399 = vector.shape_cast %get3A_2302 : vector<16xf32> to vector<16xf32>
        tpu.vector_store %arg11[%swap3A_2396], %swap3A_2399 {strides = array<i32>} : memref<32240xf32, #tpu.memory_space<vmem>>, vector<16xf32>,
        %add3A_2400 = arith.constant 13 : i32
        %add3A_2401 = arith.addi %mul3A_519, %add3A_2400 : i32
        %add3A_2402 = arith.constant 1463 : i32
        %add3A_2403 = arith.addi %add3A_2401, %add3A_2402 : i32
        %add3A_2404 = arith.constant 32 : i32
        %add3A_2405 = arith.addi %add3A_2403, %add3A_2404 : i32
        %swap3A_2406 = arith.index_cast %add3A_2405 : i32 to index
        %swap3A_2407 = tpu.vector_load %arg11[%swap3A_2406] {strides = array<i32>} : memref<32240xf32, #tpu.memory_space<vmem>>, vector<16xf32>,
        %swap3A_2408 = vector.shape_cast %swap3A_2407 : vector<16xf32> to vector<16xf32>
        %swap3A_2409 = vector.shape_cast %get3A_2311 : vector<16xf32> to vector<16xf32>
        tpu.vector_store %arg11[%swap3A_2406], %swap3A_2409 {strides = array<i32>} : memref<32240xf32, #tpu.memory_space<vmem>>, vector<16xf32>,
        %add3A_2410 = arith.constant 13 : i32
        %add3A_2411 = arith.addi %mul3A_519, %add3A_2410 : i32
        %add3A_2412 = arith.constant 1463 : i32
        %add3A_2413 = arith.addi %add3A_2411, %add3A_2412 : i32
        %add3A_2414 = arith.constant 48 : i32
        %add3A_2415 = arith.addi %add3A_2413, %add3A_2414 : i32
        %swap3A_2416 = arith.index_cast %add3A_2415 : i32 to index
        %swap3A_2417 = tpu.vector_load %arg11[%swap3A_2416] {strides = array<i32>} : memref<32240xf32, #tpu.memory_space<vmem>>, vector<16xf32>,
        %swap3A_2418 = vector.shape_cast %swap3A_2417 : vector<16xf32> to vector<16xf32>
        %swap3A_2419 = vector.shape_cast %get3A_2320 : vector<16xf32> to vector<16xf32>
        tpu.vector_store %arg11[%swap3A_2416], %swap3A_2419 {strides = array<i32>} : memref<32240xf32, #tpu.memory_space<vmem>>, vector<16xf32>,
        %add3A_2420 = arith.constant 13 : i32
        %add3A_2421 = arith.addi %mul3A_519, %add3A_2420 : i32
        %add3A_2422 = arith.constant 1463 : i32
        %add3A_2423 = arith.addi %add3A_2421, %add3A_2422 : i32
        %add3A_2424 = arith.constant 61 : i32
        %add3A_2425 = arith.addi %add3A_2423, %add3A_2424 : i32
        %swap3A_2426 = arith.index_cast %add3A_2425 : i32 to index
        %swap3A_2427 = tpu.vector_load %arg11[%swap3A_2426] {strides = array<i32>} : memref<32240xf32, #tpu.memory_space<vmem>>, vector<16xf32>,
        %swap3A_2428 = vector.shape_cast %swap3A_2427 : vector<16xf32> to vector<16xf32>
        %swap3A_2429 = vector.shape_cast %get3A_2329 : vector<16xf32> to vector<16xf32>
        tpu.vector_store %arg11[%swap3A_2426], %swap3A_2429 {strides = array<i32>} : memref<32240xf32, #tpu.memory_space<vmem>>, vector<16xf32>,
        %mul3A_2430 = arith.constant 26 : i32
        %mul3A_2431 = arith.muli %scan3A_517, %mul3A_2430 : i32
        %add3A_2432 = arith.constant 20 : i32
        %add3A_2433 = arith.addi %mul3A_2431, %add3A_2432 : i32
        %get3A_2434 = arith.index_cast %rem3A_501 : i32 to index
        %get3A_2435 = arith.index_cast %add3A_2433 : i32 to index
        %get3A_2436 = arith.constant 0 : index
        %get3A_2437 = tpu.vector_load %arg9[%get3A_2434, %get3A_2435, %get3A_2436] {strides = array<i32>} : memref<2x512x80xf32, #tpu.memory_space<vmem>>, vector<1x1x16xf32>,
        %get3A_2438 = vector.shape_cast %get3A_2437 : vector<1x1x16xf32> to vector<16xf32>
        %mul3A_2439 = arith.constant 26 : i32
        %mul3A_2440 = arith.muli %scan3A_517, %mul3A_2439 : i32
        %add3A_2441 = arith.constant 20 : i32
        %add3A_2442 = arith.addi %mul3A_2440, %add3A_2441 : i32
        %get3A_2443 = arith.index_cast %rem3A_501 : i32 to index
        %get3A_2444 = arith.index_cast %add3A_2442 : i32 to index
        %get3A_2445 = arith.constant 16 : index
        %get3A_2446 = tpu.vector_load %arg9[%get3A_2443, %get3A_2444, %get3A_2445] {strides = array<i32>} : memref<2x512x80xf32, #tpu.memory_space<vmem>>, vector<1x1x16xf32>,
        %get3A_2447 = vector.shape_cast %get3A_2446 : vector<1x1x16xf32> to vector<16xf32>
        %mul3A_2448 = arith.constant 26 : i32
        %mul3A_2449 = arith.muli %scan3A_517, %mul3A_2448 : i32
        %add3A_2450 = arith.constant 20 : i32
        %add3A_2451 = arith.addi %mul3A_2449, %add3A_2450 : i32
        %get3A_2452 = arith.index_cast %rem3A_501 : i32 to index
        %get3A_2453 = arith.index_cast %add3A_2451 : i32 to index
        %get3A_2454 = arith.constant 32 : index
        %get3A_2455 = tpu.vector_load %arg9[%get3A_2452, %get3A_2453, %get3A_2454] {strides = array<i32>} : memref<2x512x80xf32, #tpu.memory_space<vmem>>, vector<1x1x16xf32>,
        %get3A_2456 = vector.shape_cast %get3A_2455 : vector<1x1x16xf32> to vector<16xf32>
        %mul3A_2457 = arith.constant 26 : i32
        %mul3A_2458 = arith.muli %scan3A_517, %mul3A_2457 : i32
        %add3A_2459 = arith.constant 20 : i32
        %add3A_2460 = arith.addi %mul3A_2458, %add3A_2459 : i32
        %get3A_2461 = arith.index_cast %rem3A_501 : i32 to index
        %get3A_2462 = arith.index_cast %add3A_2460 : i32 to index
        %get3A_2463 = arith.constant 48 : index
        %get3A_2464 = tpu.vector_load %arg9[%get3A_2461, %get3A_2462, %get3A_2463] {strides = array<i32>} : memref<2x512x80xf32, #tpu.memory_space<vmem>>, vector<1x1x16xf32>,
        %get3A_2465 = vector.shape_cast %get3A_2464 : vector<1x1x16xf32> to vector<16xf32>
        %mul3A_2466 = arith.constant 26 : i32
        %mul3A_2467 = arith.muli %scan3A_517, %mul3A_2466 : i32
        %add3A_2468 = arith.constant 20 : i32
        %add3A_2469 = arith.addi %mul3A_2467, %add3A_2468 : i32
        %get3A_2470 = arith.index_cast %rem3A_501 : i32 to index
        %get3A_2471 = arith.index_cast %add3A_2469 : i32 to index
        %get3A_2472 = arith.constant 61 : index
        %get3A_2473 = tpu.vector_load %arg9[%get3A_2470, %get3A_2471, %get3A_2472] {strides = array<i32>} : memref<2x512x80xf32, #tpu.memory_space<vmem>>, vector<1x1x16xf32>,
        %get3A_2474 = vector.shape_cast %get3A_2473 : vector<1x1x16xf32> to vector<16xf32>
        %mul3A_2475 = arith.constant 26 : i32
        %mul3A_2476 = arith.muli %scan3A_517, %mul3A_2475 : i32
        %add3A_2477 = arith.constant 21 : i32
        %add3A_2478 = arith.addi %mul3A_2476, %add3A_2477 : i32
        %get3A_2479 = arith.index_cast %rem3A_501 : i32 to index
        %get3A_2480 = arith.index_cast %add3A_2478 : i32 to index
        %get3A_2481 = arith.constant 0 : index
        %get3A_2482 = tpu.vector_load %arg9[%get3A_2479, %get3A_2480, %get3A_2481] {strides = array<i32>} : memref<2x512x80xf32, #tpu.memory_space<vmem>>, vector<1x1x16xf32>,
        %get3A_2483 = vector.shape_cast %get3A_2482 : vector<1x1x16xf32> to vector<16xf32>
        %mul3A_2484 = arith.constant 26 : i32
        %mul3A_2485 = arith.muli %scan3A_517, %mul3A_2484 : i32
        %add3A_2486 = arith.constant 21 : i32
        %add3A_2487 = arith.addi %mul3A_2485, %add3A_2486 : i32
        %get3A_2488 = arith.index_cast %rem3A_501 : i32 to index
        %get3A_2489 = arith.index_cast %add3A_2487 : i32 to index
        %get3A_2490 = arith.constant 16 : index
        %get3A_2491 = tpu.vector_load %arg9[%get3A_2488, %get3A_2489, %get3A_2490] {strides = array<i32>} : memref<2x512x80xf32, #tpu.memory_space<vmem>>, vector<1x1x16xf32>,
        %get3A_2492 = vector.shape_cast %get3A_2491 : vector<1x1x16xf32> to vector<16xf32>
        %mul3A_2493 = arith.constant 26 : i32
        %mul3A_2494 = arith.muli %scan3A_517, %mul3A_2493 : i32
        %add3A_2495 = arith.constant 21 : i32
        %add3A_2496 = arith.addi %mul3A_2494, %add3A_2495 : i32
        %get3A_2497 = arith.index_cast %rem3A_501 : i32 to index
        %get3A_2498 = arith.index_cast %add3A_2496 : i32 to index
        %get3A_2499 = arith.constant 32 : index
        %get3A_2500 = tpu.vector_load %arg9[%get3A_2497, %get3A_2498, %get3A_2499] {strides = array<i32>} : memref<2x512x80xf32, #tpu.memory_space<vmem>>, vector<1x1x16xf32>,
        %get3A_2501 = vector.shape_cast %get3A_2500 : vector<1x1x16xf32> to vector<16xf32>
        %mul3A_2502 = arith.constant 26 : i32
        %mul3A_2503 = arith.muli %scan3A_517, %mul3A_2502 : i32
        %add3A_2504 = arith.constant 21 : i32
        %add3A_2505 = arith.addi %mul3A_2503, %add3A_2504 : i32
        %get3A_2506 = arith.index_cast %rem3A_501 : i32 to index
        %get3A_2507 = arith.index_cast %add3A_2505 : i32 to index
        %get3A_2508 = arith.constant 48 : index
        %get3A_2509 = tpu.vector_load %arg9[%get3A_2506, %get3A_2507, %get3A_2508] {strides = array<i32>} : memref<2x512x80xf32, #tpu.memory_space<vmem>>, vector<1x1x16xf32>,
        %get3A_2510 = vector.shape_cast %get3A_2509 : vector<1x1x16xf32> to vector<16xf32>
        %mul3A_2511 = arith.constant 26 : i32
        %mul3A_2512 = arith.muli %scan3A_517, %mul3A_2511 : i32
        %add3A_2513 = arith.constant 21 : i32
        %add3A_2514 = arith.addi %mul3A_2512, %add3A_2513 : i32
        %get3A_2515 = arith.index_cast %rem3A_501 : i32 to index
        %get3A_2516 = arith.index_cast %add3A_2514 : i32 to index
        %get3A_2517 = arith.constant 61 : index
        %get3A_2518 = tpu.vector_load %arg9[%get3A_2515, %get3A_2516, %get3A_2517] {strides = array<i32>} : memref<2x512x80xf32, #tpu.memory_space<vmem>>, vector<1x1x16xf32>,
        %get3A_2519 = vector.shape_cast %get3A_2518 : vector<1x1x16xf32> to vector<16xf32>
        %add3A_2520 = arith.constant 13 : i32
        %add3A_2521 = arith.addi %mul3A_519, %add3A_2520 : i32
        %add3A_2522 = arith.constant 1540 : i32
        %add3A_2523 = arith.addi %add3A_2521, %add3A_2522 : i32
        %add3A_2524 = arith.constant 0 : i32
        %add3A_2525 = arith.addi %add3A_2523, %add3A_2524 : i32
        %swap3A_2526 = arith.index_cast %add3A_2525 : i32 to index
        %swap3A_2527 = tpu.vector_load %arg11[%swap3A_2526] {strides = array<i32>} : memref<32240xf32, #tpu.memory_space<vmem>>, vector<16xf32>,
        %swap3A_2528 = vector.shape_cast %swap3A_2527 : vector<16xf32> to vector<16xf32>
        %swap3A_2529 = vector.shape_cast %get3A_2438 : vector<16xf32> to vector<16xf32>
        tpu.vector_store %arg11[%swap3A_2526], %swap3A_2529 {strides = array<i32>} : memref<32240xf32, #tpu.memory_space<vmem>>, vector<16xf32>,
        %add3A_2530 = arith.constant 13 : i32
        %add3A_2531 = arith.addi %mul3A_519, %add3A_2530 : i32
        %add3A_2532 = arith.constant 1540 : i32
        %add3A_2533 = arith.addi %add3A_2531, %add3A_2532 : i32
        %add3A_2534 = arith.constant 16 : i32
        %add3A_2535 = arith.addi %add3A_2533, %add3A_2534 : i32
        %swap3A_2536 = arith.index_cast %add3A_2535 : i32 to index
        %swap3A_2537 = tpu.vector_load %arg11[%swap3A_2536] {strides = array<i32>} : memref<32240xf32, #tpu.memory_space<vmem>>, vector<16xf32>,
        %swap3A_2538 = vector.shape_cast %swap3A_2537 : vector<16xf32> to vector<16xf32>
        %swap3A_2539 = vector.shape_cast %get3A_2447 : vector<16xf32> to vector<16xf32>
        tpu.vector_store %arg11[%swap3A_2536], %swap3A_2539 {strides = array<i32>} : memref<32240xf32, #tpu.memory_space<vmem>>, vector<16xf32>,
        %add3A_2540 = arith.constant 13 : i32
        %add3A_2541 = arith.addi %mul3A_519, %add3A_2540 : i32
        %add3A_2542 = arith.constant 1540 : i32
        %add3A_2543 = arith.addi %add3A_2541, %add3A_2542 : i32
        %add3A_2544 = arith.constant 32 : i32
        %add3A_2545 = arith.addi %add3A_2543, %add3A_2544 : i32
        %swap3A_2546 = arith.index_cast %add3A_2545 : i32 to index
        %swap3A_2547 = tpu.vector_load %arg11[%swap3A_2546] {strides = array<i32>} : memref<32240xf32, #tpu.memory_space<vmem>>, vector<16xf32>,
        %swap3A_2548 = vector.shape_cast %swap3A_2547 : vector<16xf32> to vector<16xf32>
        %swap3A_2549 = vector.shape_cast %get3A_2456 : vector<16xf32> to vector<16xf32>
        tpu.vector_store %arg11[%swap3A_2546], %swap3A_2549 {strides = array<i32>} : memref<32240xf32, #tpu.memory_space<vmem>>, vector<16xf32>,
        %add3A_2550 = arith.constant 13 : i32
        %add3A_2551 = arith.addi %mul3A_519, %add3A_2550 : i32
        %add3A_2552 = arith.constant 1540 : i32
        %add3A_2553 = arith.addi %add3A_2551, %add3A_2552 : i32
        %add3A_2554 = arith.constant 48 : i32
        %add3A_2555 = arith.addi %add3A_2553, %add3A_2554 : i32
        %swap3A_2556 = arith.index_cast %add3A_2555 : i32 to index
        %swap3A_2557 = tpu.vector_load %arg11[%swap3A_2556] {strides = array<i32>} : memref<32240xf32, #tpu.memory_space<vmem>>, vector<16xf32>,
        %swap3A_2558 = vector.shape_cast %swap3A_2557 : vector<16xf32> to vector<16xf32>
        %swap3A_2559 = vector.shape_cast %get3A_2465 : vector<16xf32> to vector<16xf32>
        tpu.vector_store %arg11[%swap3A_2556], %swap3A_2559 {strides = array<i32>} : memref<32240xf32, #tpu.memory_space<vmem>>, vector<16xf32>,
        %add3A_2560 = arith.constant 13 : i32
        %add3A_2561 = arith.addi %mul3A_519, %add3A_2560 : i32
        %add3A_2562 = arith.constant 1540 : i32
        %add3A_2563 = arith.addi %add3A_2561, %add3A_2562 : i32
        %add3A_2564 = arith.constant 61 : i32
        %add3A_2565 = arith.addi %add3A_2563, %add3A_2564 : i32
        %swap3A_2566 = arith.index_cast %add3A_2565 : i32 to index
        %swap3A_2567 = tpu.vector_load %arg11[%swap3A_2566] {strides = array<i32>} : memref<32240xf32, #tpu.memory_space<vmem>>, vector<16xf32>,
        %swap3A_2568 = vector.shape_cast %swap3A_2567 : vector<16xf32> to vector<16xf32>
        %swap3A_2569 = vector.shape_cast %get3A_2474 : vector<16xf32> to vector<16xf32>
        tpu.vector_store %arg11[%swap3A_2566], %swap3A_2569 {strides = array<i32>} : memref<32240xf32, #tpu.memory_space<vmem>>, vector<16xf32>,
        %add3A_2570 = arith.constant 13 : i32
        %add3A_2571 = arith.addi %mul3A_519, %add3A_2570 : i32
        %add3A_2572 = arith.constant 1617 : i32
        %add3A_2573 = arith.addi %add3A_2571, %add3A_2572 : i32
        %add3A_2574 = arith.constant 0 : i32
        %add3A_2575 = arith.addi %add3A_2573, %add3A_2574 : i32
        %swap3A_2576 = arith.index_cast %add3A_2575 : i32 to index
        %swap3A_2577 = tpu.vector_load %arg11[%swap3A_2576] {strides = array<i32>} : memref<32240xf32, #tpu.memory_space<vmem>>, vector<16xf32>,
        %swap3A_2578 = vector.shape_cast %swap3A_2577 : vector<16xf32> to vector<16xf32>
        %swap3A_2579 = vector.shape_cast %get3A_2483 : vector<16xf32> to vector<16xf32>
        tpu.vector_store %arg11[%swap3A_2576], %swap3A_2579 {strides = array<i32>} : memref<32240xf32, #tpu.memory_space<vmem>>, vector<16xf32>,
        %add3A_2580 = arith.constant 13 : i32
        %add3A_2581 = arith.addi %mul3A_519, %add3A_2580 : i32
        %add3A_2582 = arith.constant 1617 : i32
        %add3A_2583 = arith.addi %add3A_2581, %add3A_2582 : i32
        %add3A_2584 = arith.constant 16 : i32
        %add3A_2585 = arith.addi %add3A_2583, %add3A_2584 : i32
        %swap3A_2586 = arith.index_cast %add3A_2585 : i32 to index
        %swap3A_2587 = tpu.vector_load %arg11[%swap3A_2586] {strides = array<i32>} : memref<32240xf32, #tpu.memory_space<vmem>>, vector<16xf32>,
        %swap3A_2588 = vector.shape_cast %swap3A_2587 : vector<16xf32> to vector<16xf32>
        %swap3A_2589 = vector.shape_cast %get3A_2492 : vector<16xf32> to vector<16xf32>
        tpu.vector_store %arg11[%swap3A_2586], %swap3A_2589 {strides = array<i32>} : memref<32240xf32, #tpu.memory_space<vmem>>, vector<16xf32>,
        %add3A_2590 = arith.constant 13 : i32
        %add3A_2591 = arith.addi %mul3A_519, %add3A_2590 : i32
        %add3A_2592 = arith.constant 1617 : i32
        %add3A_2593 = arith.addi %add3A_2591, %add3A_2592 : i32
        %add3A_2594 = arith.constant 32 : i32
        %add3A_2595 = arith.addi %add3A_2593, %add3A_2594 : i32
        %swap3A_2596 = arith.index_cast %add3A_2595 : i32 to index
        %swap3A_2597 = tpu.vector_load %arg11[%swap3A_2596] {strides = array<i32>} : memref<32240xf32, #tpu.memory_space<vmem>>, vector<16xf32>,
        %swap3A_2598 = vector.shape_cast %swap3A_2597 : vector<16xf32> to vector<16xf32>
        %swap3A_2599 = vector.shape_cast %get3A_2501 : vector<16xf32> to vector<16xf32>
        tpu.vector_store %arg11[%swap3A_2596], %swap3A_2599 {strides = array<i32>} : memref<32240xf32, #tpu.memory_space<vmem>>, vector<16xf32>,
        %add3A_2600 = arith.constant 13 : i32
        %add3A_2601 = arith.addi %mul3A_519, %add3A_2600 : i32
        %add3A_2602 = arith.constant 1617 : i32
        %add3A_2603 = arith.addi %add3A_2601, %add3A_2602 : i32
        %add3A_2604 = arith.constant 48 : i32
        %add3A_2605 = arith.addi %add3A_2603, %add3A_2604 : i32
        %swap3A_2606 = arith.index_cast %add3A_2605 : i32 to index
        %swap3A_2607 = tpu.vector_load %arg11[%swap3A_2606] {strides = array<i32>} : memref<32240xf32, #tpu.memory_space<vmem>>, vector<16xf32>,
        %swap3A_2608 = vector.shape_cast %swap3A_2607 : vector<16xf32> to vector<16xf32>
        %swap3A_2609 = vector.shape_cast %get3A_2510 : vector<16xf32> to vector<16xf32>
        tpu.vector_store %arg11[%swap3A_2606], %swap3A_2609 {strides = array<i32>} : memref<32240xf32, #tpu.memory_space<vmem>>, vector<16xf32>,
        %add3A_2610 = arith.constant 13 : i32
        %add3A_2611 = arith.addi %mul3A_519, %add3A_2610 : i32
        %add3A_2612 = arith.constant 1617 : i32
        %add3A_2613 = arith.addi %add3A_2611, %add3A_2612 : i32
        %add3A_2614 = arith.constant 61 : i32
        %add3A_2615 = arith.addi %add3A_2613, %add3A_2614 : i32
        %swap3A_2616 = arith.index_cast %add3A_2615 : i32 to index
        %swap3A_2617 = tpu.vector_load %arg11[%swap3A_2616] {strides = array<i32>} : memref<32240xf32, #tpu.memory_space<vmem>>, vector<16xf32>,
        %swap3A_2618 = vector.shape_cast %swap3A_2617 : vector<16xf32> to vector<16xf32>
        %swap3A_2619 = vector.shape_cast %get3A_2519 : vector<16xf32> to vector<16xf32>
        tpu.vector_store %arg11[%swap3A_2616], %swap3A_2619 {strides = array<i32>} : memref<32240xf32, #tpu.memory_space<vmem>>, vector<16xf32>,
        %mul3A_2620 = arith.constant 26 : i32
        %mul3A_2621 = arith.muli %scan3A_517, %mul3A_2620 : i32
        %add3A_2622 = arith.constant 22 : i32
        %add3A_2623 = arith.addi %mul3A_2621, %add3A_2622 : i32
        %get3A_2624 = arith.index_cast %rem3A_501 : i32 to index
        %get3A_2625 = arith.index_cast %add3A_2623 : i32 to index
        %get3A_2626 = arith.constant 0 : index
        %get3A_2627 = tpu.vector_load %arg9[%get3A_2624, %get3A_2625, %get3A_2626] {strides = array<i32>} : memref<2x512x80xf32, #tpu.memory_space<vmem>>, vector<1x1x16xf32>,
        %get3A_2628 = vector.shape_cast %get3A_2627 : vector<1x1x16xf32> to vector<16xf32>
        %mul3A_2629 = arith.constant 26 : i32
        %mul3A_2630 = arith.muli %scan3A_517, %mul3A_2629 : i32
        %add3A_2631 = arith.constant 22 : i32
        %add3A_2632 = arith.addi %mul3A_2630, %add3A_2631 : i32
        %get3A_2633 = arith.index_cast %rem3A_501 : i32 to index
        %get3A_2634 = arith.index_cast %add3A_2632 : i32 to index
        %get3A_2635 = arith.constant 16 : index
        %get3A_2636 = tpu.vector_load %arg9[%get3A_2633, %get3A_2634, %get3A_2635] {strides = array<i32>} : memref<2x512x80xf32, #tpu.memory_space<vmem>>, vector<1x1x16xf32>,
        %get3A_2637 = vector.shape_cast %get3A_2636 : vector<1x1x16xf32> to vector<16xf32>
        %mul3A_2638 = arith.constant 26 : i32
        %mul3A_2639 = arith.muli %scan3A_517, %mul3A_2638 : i32
        %add3A_2640 = arith.constant 22 : i32
        %add3A_2641 = arith.addi %mul3A_2639, %add3A_2640 : i32
        %get3A_2642 = arith.index_cast %rem3A_501 : i32 to index
        %get3A_2643 = arith.index_cast %add3A_2641 : i32 to index
        %get3A_2644 = arith.constant 32 : index
        %get3A_2645 = tpu.vector_load %arg9[%get3A_2642, %get3A_2643, %get3A_2644] {strides = array<i32>} : memref<2x512x80xf32, #tpu.memory_space<vmem>>, vector<1x1x16xf32>,
        %get3A_2646 = vector.shape_cast %get3A_2645 : vector<1x1x16xf32> to vector<16xf32>
        %mul3A_2647 = arith.constant 26 : i32
        %mul3A_2648 = arith.muli %scan3A_517, %mul3A_2647 : i32
        %add3A_2649 = arith.constant 22 : i32
        %add3A_2650 = arith.addi %mul3A_2648, %add3A_2649 : i32
        %get3A_2651 = arith.index_cast %rem3A_501 : i32 to index
        %get3A_2652 = arith.index_cast %add3A_2650 : i32 to index
        %get3A_2653 = arith.constant 48 : index
        %get3A_2654 = tpu.vector_load %arg9[%get3A_2651, %get3A_2652, %get3A_2653] {strides = array<i32>} : memref<2x512x80xf32, #tpu.memory_space<vmem>>, vector<1x1x16xf32>,
        %get3A_2655 = vector.shape_cast %get3A_2654 : vector<1x1x16xf32> to vector<16xf32>
        %mul3A_2656 = arith.constant 26 : i32
        %mul3A_2657 = arith.muli %scan3A_517, %mul3A_2656 : i32
        %add3A_2658 = arith.constant 22 : i32
        %add3A_2659 = arith.addi %mul3A_2657, %add3A_2658 : i32
        %get3A_2660 = arith.index_cast %rem3A_501 : i32 to index
        %get3A_2661 = arith.index_cast %add3A_2659 : i32 to index
        %get3A_2662 = arith.constant 61 : index
        %get3A_2663 = tpu.vector_load %arg9[%get3A_2660, %get3A_2661, %get3A_2662] {strides = array<i32>} : memref<2x512x80xf32, #tpu.memory_space<vmem>>, vector<1x1x16xf32>,
        %get3A_2664 = vector.shape_cast %get3A_2663 : vector<1x1x16xf32> to vector<16xf32>
        %mul3A_2665 = arith.constant 26 : i32
        %mul3A_2666 = arith.muli %scan3A_517, %mul3A_2665 : i32
        %add3A_2667 = arith.constant 23 : i32
        %add3A_2668 = arith.addi %mul3A_2666, %add3A_2667 : i32
        %get3A_2669 = arith.index_cast %rem3A_501 : i32 to index
        %get3A_2670 = arith.index_cast %add3A_2668 : i32 to index
        %get3A_2671 = arith.constant 0 : index
        %get3A_2672 = tpu.vector_load %arg9[%get3A_2669, %get3A_2670, %get3A_2671] {strides = array<i32>} : memref<2x512x80xf32, #tpu.memory_space<vmem>>, vector<1x1x16xf32>,
        %get3A_2673 = vector.shape_cast %get3A_2672 : vector<1x1x16xf32> to vector<16xf32>
        %mul3A_2674 = arith.constant 26 : i32
        %mul3A_2675 = arith.muli %scan3A_517, %mul3A_2674 : i32
        %add3A_2676 = arith.constant 23 : i32
        %add3A_2677 = arith.addi %mul3A_2675, %add3A_2676 : i32
        %get3A_2678 = arith.index_cast %rem3A_501 : i32 to index
        %get3A_2679 = arith.index_cast %add3A_2677 : i32 to index
        %get3A_2680 = arith.constant 16 : index
        %get3A_2681 = tpu.vector_load %arg9[%get3A_2678, %get3A_2679, %get3A_2680] {strides = array<i32>} : memref<2x512x80xf32, #tpu.memory_space<vmem>>, vector<1x1x16xf32>,
        %get3A_2682 = vector.shape_cast %get3A_2681 : vector<1x1x16xf32> to vector<16xf32>
        %mul3A_2683 = arith.constant 26 : i32
        %mul3A_2684 = arith.muli %scan3A_517, %mul3A_2683 : i32
        %add3A_2685 = arith.constant 23 : i32
        %add3A_2686 = arith.addi %mul3A_2684, %add3A_2685 : i32
        %get3A_2687 = arith.index_cast %rem3A_501 : i32 to index
        %get3A_2688 = arith.index_cast %add3A_2686 : i32 to index
        %get3A_2689 = arith.constant 32 : index
        %get3A_2690 = tpu.vector_load %arg9[%get3A_2687, %get3A_2688, %get3A_2689] {strides = array<i32>} : memref<2x512x80xf32, #tpu.memory_space<vmem>>, vector<1x1x16xf32>,
        %get3A_2691 = vector.shape_cast %get3A_2690 : vector<1x1x16xf32> to vector<16xf32>
        %mul3A_2692 = arith.constant 26 : i32
        %mul3A_2693 = arith.muli %scan3A_517, %mul3A_2692 : i32
        %add3A_2694 = arith.constant 23 : i32
        %add3A_2695 = arith.addi %mul3A_2693, %add3A_2694 : i32
        %get3A_2696 = arith.index_cast %rem3A_501 : i32 to index
        %get3A_2697 = arith.index_cast %add3A_2695 : i32 to index
        %get3A_2698 = arith.constant 48 : index
        %get3A_2699 = tpu.vector_load %arg9[%get3A_2696, %get3A_2697, %get3A_2698] {strides = array<i32>} : memref<2x512x80xf32, #tpu.memory_space<vmem>>, vector<1x1x16xf32>,
        %get3A_2700 = vector.shape_cast %get3A_2699 : vector<1x1x16xf32> to vector<16xf32>
        %mul3A_2701 = arith.constant 26 : i32
        %mul3A_2702 = arith.muli %scan3A_517, %mul3A_2701 : i32
        %add3A_2703 = arith.constant 23 : i32
        %add3A_2704 = arith.addi %mul3A_2702, %add3A_2703 : i32
        %get3A_2705 = arith.index_cast %rem3A_501 : i32 to index
        %get3A_2706 = arith.index_cast %add3A_2704 : i32 to index
        %get3A_2707 = arith.constant 61 : index
        %get3A_2708 = tpu.vector_load %arg9[%get3A_2705, %get3A_2706, %get3A_2707] {strides = array<i32>} : memref<2x512x80xf32, #tpu.memory_space<vmem>>, vector<1x1x16xf32>,
        %get3A_2709 = vector.shape_cast %get3A_2708 : vector<1x1x16xf32> to vector<16xf32>
        %add3A_2710 = arith.constant 13 : i32
        %add3A_2711 = arith.addi %mul3A_519, %add3A_2710 : i32
        %add3A_2712 = arith.constant 1694 : i32
        %add3A_2713 = arith.addi %add3A_2711, %add3A_2712 : i32
        %add3A_2714 = arith.constant 0 : i32
        %add3A_2715 = arith.addi %add3A_2713, %add3A_2714 : i32
        %swap3A_2716 = arith.index_cast %add3A_2715 : i32 to index
        %swap3A_2717 = tpu.vector_load %arg11[%swap3A_2716] {strides = array<i32>} : memref<32240xf32, #tpu.memory_space<vmem>>, vector<16xf32>,
        %swap3A_2718 = vector.shape_cast %swap3A_2717 : vector<16xf32> to vector<16xf32>
        %swap3A_2719 = vector.shape_cast %get3A_2628 : vector<16xf32> to vector<16xf32>
        tpu.vector_store %arg11[%swap3A_2716], %swap3A_2719 {strides = array<i32>} : memref<32240xf32, #tpu.memory_space<vmem>>, vector<16xf32>,
        %add3A_2720 = arith.constant 13 : i32
        %add3A_2721 = arith.addi %mul3A_519, %add3A_2720 : i32
        %add3A_2722 = arith.constant 1694 : i32
        %add3A_2723 = arith.addi %add3A_2721, %add3A_2722 : i32
        %add3A_2724 = arith.constant 16 : i32
        %add3A_2725 = arith.addi %add3A_2723, %add3A_2724 : i32
        %swap3A_2726 = arith.index_cast %add3A_2725 : i32 to index
        %swap3A_2727 = tpu.vector_load %arg11[%swap3A_2726] {strides = array<i32>} : memref<32240xf32, #tpu.memory_space<vmem>>, vector<16xf32>,
        %swap3A_2728 = vector.shape_cast %swap3A_2727 : vector<16xf32> to vector<16xf32>
        %swap3A_2729 = vector.shape_cast %get3A_2637 : vector<16xf32> to vector<16xf32>
        tpu.vector_store %arg11[%swap3A_2726], %swap3A_2729 {strides = array<i32>} : memref<32240xf32, #tpu.memory_space<vmem>>, vector<16xf32>,
        %add3A_2730 = arith.constant 13 : i32
        %add3A_2731 = arith.addi %mul3A_519, %add3A_2730 : i32
        %add3A_2732 = arith.constant 1694 : i32
        %add3A_2733 = arith.addi %add3A_2731, %add3A_2732 : i32
        %add3A_2734 = arith.constant 32 : i32
        %add3A_2735 = arith.addi %add3A_2733, %add3A_2734 : i32
        %swap3A_2736 = arith.index_cast %add3A_2735 : i32 to index
        %swap3A_2737 = tpu.vector_load %arg11[%swap3A_2736] {strides = array<i32>} : memref<32240xf32, #tpu.memory_space<vmem>>, vector<16xf32>,
        %swap3A_2738 = vector.shape_cast %swap3A_2737 : vector<16xf32> to vector<16xf32>
        %swap3A_2739 = vector.shape_cast %get3A_2646 : vector<16xf32> to vector<16xf32>
        tpu.vector_store %arg11[%swap3A_2736], %swap3A_2739 {strides = array<i32>} : memref<32240xf32, #tpu.memory_space<vmem>>, vector<16xf32>,
        %add3A_2740 = arith.constant 13 : i32
        %add3A_2741 = arith.addi %mul3A_519, %add3A_2740 : i32
        %add3A_2742 = arith.constant 1694 : i32
        %add3A_2743 = arith.addi %add3A_2741, %add3A_2742 : i32
        %add3A_2744 = arith.constant 48 : i32
        %add3A_2745 = arith.addi %add3A_2743, %add3A_2744 : i32
        %swap3A_2746 = arith.index_cast %add3A_2745 : i32 to index
        %swap3A_2747 = tpu.vector_load %arg11[%swap3A_2746] {strides = array<i32>} : memref<32240xf32, #tpu.memory_space<vmem>>, vector<16xf32>,
        %swap3A_2748 = vector.shape_cast %swap3A_2747 : vector<16xf32> to vector<16xf32>
        %swap3A_2749 = vector.shape_cast %get3A_2655 : vector<16xf32> to vector<16xf32>
        tpu.vector_store %arg11[%swap3A_2746], %swap3A_2749 {strides = array<i32>} : memref<32240xf32, #tpu.memory_space<vmem>>, vector<16xf32>,
        %add3A_2750 = arith.constant 13 : i32
        %add3A_2751 = arith.addi %mul3A_519, %add3A_2750 : i32
        %add3A_2752 = arith.constant 1694 : i32
        %add3A_2753 = arith.addi %add3A_2751, %add3A_2752 : i32
        %add3A_2754 = arith.constant 61 : i32
        %add3A_2755 = arith.addi %add3A_2753, %add3A_2754 : i32
        %swap3A_2756 = arith.index_cast %add3A_2755 : i32 to index
        %swap3A_2757 = tpu.vector_load %arg11[%swap3A_2756] {strides = array<i32>} : memref<32240xf32, #tpu.memory_space<vmem>>, vector<16xf32>,
        %swap3A_2758 = vector.shape_cast %swap3A_2757 : vector<16xf32> to vector<16xf32>
        %swap3A_2759 = vector.shape_cast %get3A_2664 : vector<16xf32> to vector<16xf32>
        tpu.vector_store %arg11[%swap3A_2756], %swap3A_2759 {strides = array<i32>} : memref<32240xf32, #tpu.memory_space<vmem>>, vector<16xf32>,
        %add3A_2760 = arith.constant 13 : i32
        %add3A_2761 = arith.addi %mul3A_519, %add3A_2760 : i32
        %add3A_2762 = arith.constant 1771 : i32
        %add3A_2763 = arith.addi %add3A_2761, %add3A_2762 : i32
        %add3A_2764 = arith.constant 0 : i32
        %add3A_2765 = arith.addi %add3A_2763, %add3A_2764 : i32
        %swap3A_2766 = arith.index_cast %add3A_2765 : i32 to index
        %swap3A_2767 = tpu.vector_load %arg11[%swap3A_2766] {strides = array<i32>} : memref<32240xf32, #tpu.memory_space<vmem>>, vector<16xf32>,
        %swap3A_2768 = vector.shape_cast %swap3A_2767 : vector<16xf32> to vector<16xf32>
        %swap3A_2769 = vector.shape_cast %get3A_2673 : vector<16xf32> to vector<16xf32>
        tpu.vector_store %arg11[%swap3A_2766], %swap3A_2769 {strides = array<i32>} : memref<32240xf32, #tpu.memory_space<vmem>>, vector<16xf32>,
        %add3A_2770 = arith.constant 13 : i32
        %add3A_2771 = arith.addi %mul3A_519, %add3A_2770 : i32
        %add3A_2772 = arith.constant 1771 : i32
        %add3A_2773 = arith.addi %add3A_2771, %add3A_2772 : i32
        %add3A_2774 = arith.constant 16 : i32
        %add3A_2775 = arith.addi %add3A_2773, %add3A_2774 : i32
        %swap3A_2776 = arith.index_cast %add3A_2775 : i32 to index
        %swap3A_2777 = tpu.vector_load %arg11[%swap3A_2776] {strides = array<i32>} : memref<32240xf32, #tpu.memory_space<vmem>>, vector<16xf32>,
        %swap3A_2778 = vector.shape_cast %swap3A_2777 : vector<16xf32> to vector<16xf32>
        %swap3A_2779 = vector.shape_cast %get3A_2682 : vector<16xf32> to vector<16xf32>
        tpu.vector_store %arg11[%swap3A_2776], %swap3A_2779 {strides = array<i32>} : memref<32240xf32, #tpu.memory_space<vmem>>, vector<16xf32>,
        %add3A_2780 = arith.constant 13 : i32
        %add3A_2781 = arith.addi %mul3A_519, %add3A_2780 : i32
        %add3A_2782 = arith.constant 1771 : i32
        %add3A_2783 = arith.addi %add3A_2781, %add3A_2782 : i32
        %add3A_2784 = arith.constant 32 : i32
        %add3A_2785 = arith.addi %add3A_2783, %add3A_2784 : i32
        %swap3A_2786 = arith.index_cast %add3A_2785 : i32 to index
        %swap3A_2787 = tpu.vector_load %arg11[%swap3A_2786] {strides = array<i32>} : memref<32240xf32, #tpu.memory_space<vmem>>, vector<16xf32>,
        %swap3A_2788 = vector.shape_cast %swap3A_2787 : vector<16xf32> to vector<16xf32>
        %swap3A_2789 = vector.shape_cast %get3A_2691 : vector<16xf32> to vector<16xf32>
        tpu.vector_store %arg11[%swap3A_2786], %swap3A_2789 {strides = array<i32>} : memref<32240xf32, #tpu.memory_space<vmem>>, vector<16xf32>,
        %add3A_2790 = arith.constant 13 : i32
        %add3A_2791 = arith.addi %mul3A_519, %add3A_2790 : i32
        %add3A_2792 = arith.constant 1771 : i32
        %add3A_2793 = arith.addi %add3A_2791, %add3A_2792 : i32
        %add3A_2794 = arith.constant 48 : i32
        %add3A_2795 = arith.addi %add3A_2793, %add3A_2794 : i32
        %swap3A_2796 = arith.index_cast %add3A_2795 : i32 to index
        %swap3A_2797 = tpu.vector_load %arg11[%swap3A_2796] {strides = array<i32>} : memref<32240xf32, #tpu.memory_space<vmem>>, vector<16xf32>,
        %swap3A_2798 = vector.shape_cast %swap3A_2797 : vector<16xf32> to vector<16xf32>
        %swap3A_2799 = vector.shape_cast %get3A_2700 : vector<16xf32> to vector<16xf32>
        tpu.vector_store %arg11[%swap3A_2796], %swap3A_2799 {strides = array<i32>} : memref<32240xf32, #tpu.memory_space<vmem>>, vector<16xf32>,
        %add3A_2800 = arith.constant 13 : i32
        %add3A_2801 = arith.addi %mul3A_519, %add3A_2800 : i32
        %add3A_2802 = arith.constant 1771 : i32
        %add3A_2803 = arith.addi %add3A_2801, %add3A_2802 : i32
        %add3A_2804 = arith.constant 61 : i32
        %add3A_2805 = arith.addi %add3A_2803, %add3A_2804 : i32
        %swap3A_2806 = arith.index_cast %add3A_2805 : i32 to index
        %swap3A_2807 = tpu.vector_load %arg11[%swap3A_2806] {strides = array<i32>} : memref<32240xf32, #tpu.memory_space<vmem>>, vector<16xf32>,
        %swap3A_2808 = vector.shape_cast %swap3A_2807 : vector<16xf32> to vector<16xf32>
        %swap3A_2809 = vector.shape_cast %get3A_2709 : vector<16xf32> to vector<16xf32>
        tpu.vector_store %arg11[%swap3A_2806], %swap3A_2809 {strides = array<i32>} : memref<32240xf32, #tpu.memory_space<vmem>>, vector<16xf32>,
        %mul3A_2810 = arith.constant 26 : i32
        %mul3A_2811 = arith.muli %scan3A_517, %mul3A_2810 : i32
        %add3A_2812 = arith.constant 24 : i32
        %add3A_2813 = arith.addi %mul3A_2811, %add3A_2812 : i32
        %get3A_2814 = arith.index_cast %rem3A_501 : i32 to index
        %get3A_2815 = arith.index_cast %add3A_2813 : i32 to index
        %get3A_2816 = arith.constant 0 : index
        %get3A_2817 = tpu.vector_load %arg9[%get3A_2814, %get3A_2815, %get3A_2816] {strides = array<i32>} : memref<2x512x80xf32, #tpu.memory_space<vmem>>, vector<1x1x16xf32>,
        %get3A_2818 = vector.shape_cast %get3A_2817 : vector<1x1x16xf32> to vector<16xf32>
        %mul3A_2819 = arith.constant 26 : i32
        %mul3A_2820 = arith.muli %scan3A_517, %mul3A_2819 : i32
        %add3A_2821 = arith.constant 24 : i32
        %add3A_2822 = arith.addi %mul3A_2820, %add3A_2821 : i32
        %get3A_2823 = arith.index_cast %rem3A_501 : i32 to index
        %get3A_2824 = arith.index_cast %add3A_2822 : i32 to index
        %get3A_2825 = arith.constant 16 : index
        %get3A_2826 = tpu.vector_load %arg9[%get3A_2823, %get3A_2824, %get3A_2825] {strides = array<i32>} : memref<2x512x80xf32, #tpu.memory_space<vmem>>, vector<1x1x16xf32>,
        %get3A_2827 = vector.shape_cast %get3A_2826 : vector<1x1x16xf32> to vector<16xf32>
        %mul3A_2828 = arith.constant 26 : i32
        %mul3A_2829 = arith.muli %scan3A_517, %mul3A_2828 : i32
        %add3A_2830 = arith.constant 24 : i32
        %add3A_2831 = arith.addi %mul3A_2829, %add3A_2830 : i32
        %get3A_2832 = arith.index_cast %rem3A_501 : i32 to index
        %get3A_2833 = arith.index_cast %add3A_2831 : i32 to index
        %get3A_2834 = arith.constant 32 : index
        %get3A_2835 = tpu.vector_load %arg9[%get3A_2832, %get3A_2833, %get3A_2834] {strides = array<i32>} : memref<2x512x80xf32, #tpu.memory_space<vmem>>, vector<1x1x16xf32>,
        %get3A_2836 = vector.shape_cast %get3A_2835 : vector<1x1x16xf32> to vector<16xf32>
        %mul3A_2837 = arith.constant 26 : i32
        %mul3A_2838 = arith.muli %scan3A_517, %mul3A_2837 : i32
        %add3A_2839 = arith.constant 24 : i32
        %add3A_2840 = arith.addi %mul3A_2838, %add3A_2839 : i32
        %get3A_2841 = arith.index_cast %rem3A_501 : i32 to index
        %get3A_2842 = arith.index_cast %add3A_2840 : i32 to index
        %get3A_2843 = arith.constant 48 : index
        %get3A_2844 = tpu.vector_load %arg9[%get3A_2841, %get3A_2842, %get3A_2843] {strides = array<i32>} : memref<2x512x80xf32, #tpu.memory_space<vmem>>, vector<1x1x16xf32>,
        %get3A_2845 = vector.shape_cast %get3A_2844 : vector<1x1x16xf32> to vector<16xf32>
        %mul3A_2846 = arith.constant 26 : i32
        %mul3A_2847 = arith.muli %scan3A_517, %mul3A_2846 : i32
        %add3A_2848 = arith.constant 24 : i32
        %add3A_2849 = arith.addi %mul3A_2847, %add3A_2848 : i32
        %get3A_2850 = arith.index_cast %rem3A_501 : i32 to index
        %get3A_2851 = arith.index_cast %add3A_2849 : i32 to index
        %get3A_2852 = arith.constant 61 : index
        %get3A_2853 = tpu.vector_load %arg9[%get3A_2850, %get3A_2851, %get3A_2852] {strides = array<i32>} : memref<2x512x80xf32, #tpu.memory_space<vmem>>, vector<1x1x16xf32>,
        %get3A_2854 = vector.shape_cast %get3A_2853 : vector<1x1x16xf32> to vector<16xf32>
        %mul3A_2855 = arith.constant 26 : i32
        %mul3A_2856 = arith.muli %scan3A_517, %mul3A_2855 : i32
        %add3A_2857 = arith.constant 25 : i32
        %add3A_2858 = arith.addi %mul3A_2856, %add3A_2857 : i32
        %get3A_2859 = arith.index_cast %rem3A_501 : i32 to index
        %get3A_2860 = arith.index_cast %add3A_2858 : i32 to index
        %get3A_2861 = arith.constant 0 : index
        %get3A_2862 = tpu.vector_load %arg9[%get3A_2859, %get3A_2860, %get3A_2861] {strides = array<i32>} : memref<2x512x80xf32, #tpu.memory_space<vmem>>, vector<1x1x16xf32>,
        %get3A_2863 = vector.shape_cast %get3A_2862 : vector<1x1x16xf32> to vector<16xf32>
        %mul3A_2864 = arith.constant 26 : i32
        %mul3A_2865 = arith.muli %scan3A_517, %mul3A_2864 : i32
        %add3A_2866 = arith.constant 25 : i32
        %add3A_2867 = arith.addi %mul3A_2865, %add3A_2866 : i32
        %get3A_2868 = arith.index_cast %rem3A_501 : i32 to index
        %get3A_2869 = arith.index_cast %add3A_2867 : i32 to index
        %get3A_2870 = arith.constant 16 : index
        %get3A_2871 = tpu.vector_load %arg9[%get3A_2868, %get3A_2869, %get3A_2870] {strides = array<i32>} : memref<2x512x80xf32, #tpu.memory_space<vmem>>, vector<1x1x16xf32>,
        %get3A_2872 = vector.shape_cast %get3A_2871 : vector<1x1x16xf32> to vector<16xf32>
        %mul3A_2873 = arith.constant 26 : i32
        %mul3A_2874 = arith.muli %scan3A_517, %mul3A_2873 : i32
        %add3A_2875 = arith.constant 25 : i32
        %add3A_2876 = arith.addi %mul3A_2874, %add3A_2875 : i32
        %get3A_2877 = arith.index_cast %rem3A_501 : i32 to index
        %get3A_2878 = arith.index_cast %add3A_2876 : i32 to index
        %get3A_2879 = arith.constant 32 : index
        %get3A_2880 = tpu.vector_load %arg9[%get3A_2877, %get3A_2878, %get3A_2879] {strides = array<i32>} : memref<2x512x80xf32, #tpu.memory_space<vmem>>, vector<1x1x16xf32>,
        %get3A_2881 = vector.shape_cast %get3A_2880 : vector<1x1x16xf32> to vector<16xf32>
        %mul3A_2882 = arith.constant 26 : i32
        %mul3A_2883 = arith.muli %scan3A_517, %mul3A_2882 : i32
        %add3A_2884 = arith.constant 25 : i32
        %add3A_2885 = arith.addi %mul3A_2883, %add3A_2884 : i32
        %get3A_2886 = arith.index_cast %rem3A_501 : i32 to index
        %get3A_2887 = arith.index_cast %add3A_2885 : i32 to index
        %get3A_2888 = arith.constant 48 : index
        %get3A_2889 = tpu.vector_load %arg9[%get3A_2886, %get3A_2887, %get3A_2888] {strides = array<i32>} : memref<2x512x80xf32, #tpu.memory_space<vmem>>, vector<1x1x16xf32>,
        %get3A_2890 = vector.shape_cast %get3A_2889 : vector<1x1x16xf32> to vector<16xf32>
        %mul3A_2891 = arith.constant 26 : i32
        %mul3A_2892 = arith.muli %scan3A_517, %mul3A_2891 : i32
        %add3A_2893 = arith.constant 25 : i32
        %add3A_2894 = arith.addi %mul3A_2892, %add3A_2893 : i32
        %get3A_2895 = arith.index_cast %rem3A_501 : i32 to index
        %get3A_2896 = arith.index_cast %add3A_2894 : i32 to index
        %get3A_2897 = arith.constant 61 : index
        %get3A_2898 = tpu.vector_load %arg9[%get3A_2895, %get3A_2896, %get3A_2897] {strides = array<i32>} : memref<2x512x80xf32, #tpu.memory_space<vmem>>, vector<1x1x16xf32>,
        %get3A_2899 = vector.shape_cast %get3A_2898 : vector<1x1x16xf32> to vector<16xf32>
        %add3A_2900 = arith.constant 13 : i32
        %add3A_2901 = arith.addi %mul3A_519, %add3A_2900 : i32
        %add3A_2902 = arith.constant 1848 : i32
        %add3A_2903 = arith.addi %add3A_2901, %add3A_2902 : i32
        %add3A_2904 = arith.constant 0 : i32
        %add3A_2905 = arith.addi %add3A_2903, %add3A_2904 : i32
        %swap3A_2906 = arith.index_cast %add3A_2905 : i32 to index
        %swap3A_2907 = tpu.vector_load %arg11[%swap3A_2906] {strides = array<i32>} : memref<32240xf32, #tpu.memory_space<vmem>>, vector<16xf32>,
        %swap3A_2908 = vector.shape_cast %swap3A_2907 : vector<16xf32> to vector<16xf32>
        %swap3A_2909 = vector.shape_cast %get3A_2818 : vector<16xf32> to vector<16xf32>
        tpu.vector_store %arg11[%swap3A_2906], %swap3A_2909 {strides = array<i32>} : memref<32240xf32, #tpu.memory_space<vmem>>, vector<16xf32>,
        %add3A_2910 = arith.constant 13 : i32
        %add3A_2911 = arith.addi %mul3A_519, %add3A_2910 : i32
        %add3A_2912 = arith.constant 1848 : i32
        %add3A_2913 = arith.addi %add3A_2911, %add3A_2912 : i32
        %add3A_2914 = arith.constant 16 : i32
        %add3A_2915 = arith.addi %add3A_2913, %add3A_2914 : i32
        %swap3A_2916 = arith.index_cast %add3A_2915 : i32 to index
        %swap3A_2917 = tpu.vector_load %arg11[%swap3A_2916] {strides = array<i32>} : memref<32240xf32, #tpu.memory_space<vmem>>, vector<16xf32>,
        %swap3A_2918 = vector.shape_cast %swap3A_2917 : vector<16xf32> to vector<16xf32>
        %swap3A_2919 = vector.shape_cast %get3A_2827 : vector<16xf32> to vector<16xf32>
        tpu.vector_store %arg11[%swap3A_2916], %swap3A_2919 {strides = array<i32>} : memref<32240xf32, #tpu.memory_space<vmem>>, vector<16xf32>,
        %add3A_2920 = arith.constant 13 : i32
        %add3A_2921 = arith.addi %mul3A_519, %add3A_2920 : i32
        %add3A_2922 = arith.constant 1848 : i32
        %add3A_2923 = arith.addi %add3A_2921, %add3A_2922 : i32
        %add3A_2924 = arith.constant 32 : i32
        %add3A_2925 = arith.addi %add3A_2923, %add3A_2924 : i32
        %swap3A_2926 = arith.index_cast %add3A_2925 : i32 to index
        %swap3A_2927 = tpu.vector_load %arg11[%swap3A_2926] {strides = array<i32>} : memref<32240xf32, #tpu.memory_space<vmem>>, vector<16xf32>,
        %swap3A_2928 = vector.shape_cast %swap3A_2927 : vector<16xf32> to vector<16xf32>
        %swap3A_2929 = vector.shape_cast %get3A_2836 : vector<16xf32> to vector<16xf32>
        tpu.vector_store %arg11[%swap3A_2926], %swap3A_2929 {strides = array<i32>} : memref<32240xf32, #tpu.memory_space<vmem>>, vector<16xf32>,
        %add3A_2930 = arith.constant 13 : i32
        %add3A_2931 = arith.addi %mul3A_519, %add3A_2930 : i32
        %add3A_2932 = arith.constant 1848 : i32
        %add3A_2933 = arith.addi %add3A_2931, %add3A_2932 : i32
        %add3A_2934 = arith.constant 48 : i32
        %add3A_2935 = arith.addi %add3A_2933, %add3A_2934 : i32
        %swap3A_2936 = arith.index_cast %add3A_2935 : i32 to index
        %swap3A_2937 = tpu.vector_load %arg11[%swap3A_2936] {strides = array<i32>} : memref<32240xf32, #tpu.memory_space<vmem>>, vector<16xf32>,
        %swap3A_2938 = vector.shape_cast %swap3A_2937 : vector<16xf32> to vector<16xf32>
        %swap3A_2939 = vector.shape_cast %get3A_2845 : vector<16xf32> to vector<16xf32>
        tpu.vector_store %arg11[%swap3A_2936], %swap3A_2939 {strides = array<i32>} : memref<32240xf32, #tpu.memory_space<vmem>>, vector<16xf32>,
        %add3A_2940 = arith.constant 13 : i32
        %add3A_2941 = arith.addi %mul3A_519, %add3A_2940 : i32
        %add3A_2942 = arith.constant 1848 : i32
        %add3A_2943 = arith.addi %add3A_2941, %add3A_2942 : i32
        %add3A_2944 = arith.constant 61 : i32
        %add3A_2945 = arith.addi %add3A_2943, %add3A_2944 : i32
        %swap3A_2946 = arith.index_cast %add3A_2945 : i32 to index
        %swap3A_2947 = tpu.vector_load %arg11[%swap3A_2946] {strides = array<i32>} : memref<32240xf32, #tpu.memory_space<vmem>>, vector<16xf32>,
        %swap3A_2948 = vector.shape_cast %swap3A_2947 : vector<16xf32> to vector<16xf32>
        %swap3A_2949 = vector.shape_cast %get3A_2854 : vector<16xf32> to vector<16xf32>
        tpu.vector_store %arg11[%swap3A_2946], %swap3A_2949 {strides = array<i32>} : memref<32240xf32, #tpu.memory_space<vmem>>, vector<16xf32>,
        %add3A_2950 = arith.constant 13 : i32
        %add3A_2951 = arith.addi %mul3A_519, %add3A_2950 : i32
        %add3A_2952 = arith.constant 1925 : i32
        %add3A_2953 = arith.addi %add3A_2951, %add3A_2952 : i32
        %add3A_2954 = arith.constant 0 : i32
        %add3A_2955 = arith.addi %add3A_2953, %add3A_2954 : i32
        %swap3A_2956 = arith.index_cast %add3A_2955 : i32 to index
        %swap3A_2957 = tpu.vector_load %arg11[%swap3A_2956] {strides = array<i32>} : memref<32240xf32, #tpu.memory_space<vmem>>, vector<16xf32>,
        %swap3A_2958 = vector.shape_cast %swap3A_2957 : vector<16xf32> to vector<16xf32>
        %swap3A_2959 = vector.shape_cast %get3A_2863 : vector<16xf32> to vector<16xf32>
        tpu.vector_store %arg11[%swap3A_2956], %swap3A_2959 {strides = array<i32>} : memref<32240xf32, #tpu.memory_space<vmem>>, vector<16xf32>,
        %add3A_2960 = arith.constant 13 : i32
        %add3A_2961 = arith.addi %mul3A_519, %add3A_2960 : i32
        %add3A_2962 = arith.constant 1925 : i32
        %add3A_2963 = arith.addi %add3A_2961, %add3A_2962 : i32
        %add3A_2964 = arith.constant 16 : i32
        %add3A_2965 = arith.addi %add3A_2963, %add3A_2964 : i32
        %swap3A_2966 = arith.index_cast %add3A_2965 : i32 to index
        %swap3A_2967 = tpu.vector_load %arg11[%swap3A_2966] {strides = array<i32>} : memref<32240xf32, #tpu.memory_space<vmem>>, vector<16xf32>,
        %swap3A_2968 = vector.shape_cast %swap3A_2967 : vector<16xf32> to vector<16xf32>
        %swap3A_2969 = vector.shape_cast %get3A_2872 : vector<16xf32> to vector<16xf32>
        tpu.vector_store %arg11[%swap3A_2966], %swap3A_2969 {strides = array<i32>} : memref<32240xf32, #tpu.memory_space<vmem>>, vector<16xf32>,
        %add3A_2970 = arith.constant 13 : i32
        %add3A_2971 = arith.addi %mul3A_519, %add3A_2970 : i32
        %add3A_2972 = arith.constant 1925 : i32
        %add3A_2973 = arith.addi %add3A_2971, %add3A_2972 : i32
        %add3A_2974 = arith.constant 32 : i32
        %add3A_2975 = arith.addi %add3A_2973, %add3A_2974 : i32
        %swap3A_2976 = arith.index_cast %add3A_2975 : i32 to index
        %swap3A_2977 = tpu.vector_load %arg11[%swap3A_2976] {strides = array<i32>} : memref<32240xf32, #tpu.memory_space<vmem>>, vector<16xf32>,
        %swap3A_2978 = vector.shape_cast %swap3A_2977 : vector<16xf32> to vector<16xf32>
        %swap3A_2979 = vector.shape_cast %get3A_2881 : vector<16xf32> to vector<16xf32>
        tpu.vector_store %arg11[%swap3A_2976], %swap3A_2979 {strides = array<i32>} : memref<32240xf32, #tpu.memory_space<vmem>>, vector<16xf32>,
        %add3A_2980 = arith.constant 13 : i32
        %add3A_2981 = arith.addi %mul3A_519, %add3A_2980 : i32
        %add3A_2982 = arith.constant 1925 : i32
        %add3A_2983 = arith.addi %add3A_2981, %add3A_2982 : i32
        %add3A_2984 = arith.constant 48 : i32
        %add3A_2985 = arith.addi %add3A_2983, %add3A_2984 : i32
        %swap3A_2986 = arith.index_cast %add3A_2985 : i32 to index
        %swap3A_2987 = tpu.vector_load %arg11[%swap3A_2986] {strides = array<i32>} : memref<32240xf32, #tpu.memory_space<vmem>>, vector<16xf32>,
        %swap3A_2988 = vector.shape_cast %swap3A_2987 : vector<16xf32> to vector<16xf32>
        %swap3A_2989 = vector.shape_cast %get3A_2890 : vector<16xf32> to vector<16xf32>
        tpu.vector_store %arg11[%swap3A_2986], %swap3A_2989 {strides = array<i32>} : memref<32240xf32, #tpu.memory_space<vmem>>, vector<16xf32>,
        %add3A_2990 = arith.constant 13 : i32
        %add3A_2991 = arith.addi %mul3A_519, %add3A_2990 : i32
        %add3A_2992 = arith.constant 1925 : i32
        %add3A_2993 = arith.addi %add3A_2991, %add3A_2992 : i32
        %add3A_2994 = arith.constant 61 : i32
        %add3A_2995 = arith.addi %add3A_2993, %add3A_2994 : i32
        %swap3A_2996 = arith.index_cast %add3A_2995 : i32 to index
        %swap3A_2997 = tpu.vector_load %arg11[%swap3A_2996] {strides = array<i32>} : memref<32240xf32, #tpu.memory_space<vmem>>, vector<16xf32>,
        %swap3A_2998 = vector.shape_cast %swap3A_2997 : vector<16xf32> to vector<16xf32>
        %swap3A_2999 = vector.shape_cast %get3A_2899 : vector<16xf32> to vector<16xf32>
        tpu.vector_store %arg11[%swap3A_2996], %swap3A_2999 {strides = array<i32>} : memref<32240xf32, #tpu.memory_space<vmem>>, vector<16xf32>,
      }
      %scan3A_509 = arith.constant 16 : i32
      %mul3A_510 = arith.constant 16 : i32
      %mul3A_511 = arith.muli %scan3A_438, %mul3A_510 : i32
      %add3A_512 = arith.addi %mul3A_2, %mul3A_511 : i32
      %mul3A_513 = arith.constant 2015 : i32
      %mul3A_514 = arith.muli %add3A_512, %mul3A_513 : i32
      %dma_start3A_515 = tpu.memref_slice %arg5[%mul3A_514] : memref<33013760xf32, #tpu.memory_space<hbm>> -> memref<32240xf32, #tpu.memory_space<hbm>>
      %dma_start3A_516 = tpu.memref_slice %arg5[%mul3A_514] : memref<33013760xf32, #tpu.memory_space<hbm>> -> memref<32240xf32, #tpu.memory_space<hbm>>
      tpu.enqueue_dma source(%arg11 : memref<32240xf32, #tpu.memory_space<vmem>>) target(%dma_start3A_516 : memref<32240xf32, #tpu.memory_space<hbm>>) target_semaphore(%arg14 : memref<!tpu.dma_semaphore, #tpu.memory_space<semaphore_mem>>)
    }
    %scan3A_431 = arith.constant 32 : i32
    %add3A_432 = arith.constant 496 : i32
    %add3A_433 = arith.addi %mul3A_2, %add3A_432 : i32
    %mul3A_434 = arith.constant 2015 : i32
    %mul3A_435 = arith.muli %add3A_433, %mul3A_434 : i32
    %dma_wait3A_436 = tpu.memref_slice %arg5[%mul3A_435] : memref<33013760xf32, #tpu.memory_space<hbm>> -> memref<32240xf32, #tpu.memory_space<hbm>>
    %dma_wait3A_437 = tpu.memref_slice %arg5[%mul3A_435] : memref<33013760xf32, #tpu.memory_space<hbm>> -> memref<32240xf32, #tpu.memory_space<hbm>>
    tpu.wait_dma2 semaphore(%arg14 : memref<!tpu.dma_semaphore, #tpu.memory_space<semaphore_mem>>) src(%arg11 : memref<32240xf32, #tpu.memory_space<vmem>>) dst(%dma_wait3A_437 : memref<32240xf32, #tpu.memory_space<hbm>>)
    return
  }
}

</mosaic_0001>

<sc_bundles>
// kernel: _sc_concat_embed.3.cloned.1.call-start
scs
__scs_entry_jumppad:
0x0: {  	(pc) =	sbr.rel $0x88, $3  }
0x1: {  	(tag) =	ssettag $0x0;
	lr =	simm.s32 $0x1  }
0x2: {  	[smem:$0x3F9E] =	sst lr;
	_ =	strace $0xD0000000  }
0x3: {  	_ = 	snop  }
0x4: {  	_ = 	snop  }
0x5: {  	_ = 	snop  }
0x6: {  	_ = 	snop  }
0x7: {  	_ = 	snop  }
__scs_overlays_trampoline_lowered:
0x8: {  	[smem:$0x3FAD] =	sst s0  }
0x9: {  	[smem:$0x3FAE] =	sst s1  }
0xa: {  	[smem:$0x3FAF] =	sst s2  }
0xb: {  	[smem:$0x3FB0] =	sst s3  }
0xc: {  	[smem:$0x3FB1] =	sst s4  }
0xd: {  	[smem:$0x3FB2] =	sst s5  }
0xe: {  	[smem:$0x3FB3] =	sst s6  }
0xf: {  	[smem:$0x3FB4] =	sst s7  }
0x10: {  	[smem:$0x3FB5] =	sst s8  }
0x11: {  	[smem:$0x3FB6] =	sst s9;
	s0 =	simm.s32 @!p0 $0x0  }
0x12: {  	s1 =	sld [smem:$0x3F9C];
	s0 =	simm.s32 @p0 $0x1  }
0x13: {  	[smem:$0x3FB7] =	sst s0;
	s0 =	simm.s32 @!p1 $0x0  }
0x14: {  	s2 =	sld [smem:$0x3F9B];
	s0 =	simm.s32 @p1 $0x1  }
0x15: {  	[smem:$0x3FB8] =	sst s0;
	s0 =	simm.s32 @!p2 $0x0  }
0x16: {  	s3 =	sld [smem:$0x3FDB];
	s0 =	simm.s32 @p2 $0x1  }
0x17: {  	s4 =	simm.s32 $0x1BF5;
	[smem:$0x3FBA] =	sst s0  }
0x18: {  	s0 =	sld [smem:$0x3F9D];
	_ =	swait.ge [sflag:s4], $0x0  }
0x19: {  	s7 =	sld [smem:$0x3F9E]  }
0x1a: {  	s8 =	sadd.s32 $0xFFFFE003, lr  }
0x1b: {  	s9 =	sadd.s32 $0xFFFFFEF7, lr;
	s5 =	simm.s32 $0xFFFFFFFF;
	p2 =	slt.u32 s8, $0xFFFFF086  }
0x1c: {  	p1 =	slt.u32 s9, $0xF7A;
	s5 =	simm.s32 @!p2 $0x0  }
0x1d: {  	s5 =	simm.s32 @p1 $0x1;
	p0 =	seq.s32 s7, s2  }
0x1e: {  	s7 =	smul.u32 @!p0 $0xF7A, s2;
	p2 =	seq.s32 @!p0 s5, $0x0  }
0x1f: {  	s9 =	smul.u32 $0xF7A, s1;
	s8 =	simm.s32 @!p0 $0x1BF5;
	p2 =	por !p2, p0  }
0x20: {  	[sflag:s8] =	ssyncset.s32 @!p0 $0xFFFFF086;
	s6 =	sadd.s32 @!p0 s3, s7;
	s7 =	simm.s32 @!p0 $0x108  }
0x21: {  	s3 =	sadd.s32 s3, s9;
	s6 =	sadd.s32 @!p0 $0x88, s6;
	s7 =	simm.s32 @p2 $0x1082  }
0x22: {  	[simem:s7], [sflag:s8] =	dma.local @!p0 [hbm:s6], $0xF7A  }
0x23: {  	s9 =	sor.u32 $0xD0000000, s2;
	s6 =	simm.s32 $0x108;
	_ =	swait.ge @!p0 [sflag:s8], $0x0  }
0x24: {  	s3 =	sadd.s32 $0x88, s3;
	s6 =	simm.s32 @!p1 $0x1082;
	[sflag:s4] =	ssyncset.s32 $0xFFFFF086  }
0x25: {  	[simem:s6], [sflag:s4] =	dma.local [hbm:s3], $0xF7A  }
0x26: {  	[smem:$0x3F9E] =	sst s1;
	(tag) =	ssettag s2;
	_ =	strace s9  }
0x27: {  	s1 =	sld [smem:$0x3FAE]  }
0x28: {  	s2 =	sld [smem:$0x3FAF]  }
0x29: {  	s4 =	sld [smem:$0x3FB1]  }
0x2a: {  	p0 =	seq.s32 s5, $0x0;
	s5 =	sld [smem:$0x3FB2]  }
0x2b: {  	s6 =	sld [smem:$0x3FB3]  }
0x2c: {  	s7 =	sld [smem:$0x3FB4]  }
0x2d: {  	s3 =	simm.s32 $0x108;
	s8 =	sld [smem:$0x3FB5]  }
0x2e: {  	s3 =	simm.s32 @!p0 $0x1082;
	s9 =	sld [smem:$0x3FB6]  }
0x2f: {  	lr =	sadd.s32 s0, s3;
	s0 =	sld [smem:$0x3FAD]  }
0x30: {  	s3 =	sld [smem:$0x3FB0]  }
0x31: {  	[smem:$0x3FB9] =	sst s10  }
0x32: {  	s10 =	sld [smem:$0x3FB7];
	_ =	sdelay $0x3  }
0x33: {  	p0 =	seq.s32 s10, $0x1;
	s10 =	sld [smem:$0x3FB9];
	_ =	sdelay $0x3  }
0x34: {  	[smem:$0x3FB9] =	sst s10  }
0x35: {  	s10 =	sld [smem:$0x3FB8];
	_ =	sdelay $0x3  }
0x36: {  	p1 =	seq.s32 s10, $0x1;
	s10 =	sld [smem:$0x3FB9];
	_ =	sdelay $0x3  }
0x37: {  	[smem:$0x3FB9] =	sst s10  }
0x38: {  	s10 =	sld [smem:$0x3FBA]  }
0x39: {  	_ = 	snop;
	(pc) =	sbr.ind lr, $3  }
0x3a: {  	_ = 	snop  }
0x3b: {  	_ = 	snop  }
0x3c: {  	p2 =	seq.s32 s10, $0x1;
	s10 =	sld [smem:$0x3FB9]  }
0x3d: {  	_ =	shalt  }
0x3e: {  	_ =	shalt  }
0x3f: {  	_ =	shalt  }
0x40: {  	_ =	shalt  }
0x41: {  	_ =	shalt  }
0x42: {  	_ =	shalt  }
0x43: {  	_ =	shalt  }
0x44: {  	_ =	shalt  }
0x45: {  	_ =	shalt  }
0x46: {  	_ =	shalt  }
0x47: {  	_ =	shalt  }
0x48: {  	_ =	shalt  }
0x49: {  	_ =	shalt  }
0x4a: {  	_ =	shalt  }
0x4b: {  	_ =	shalt  }
0x4c: {  	_ =	shalt  }
0x4d: {  	_ =	shalt  }
0x4e: {  	_ =	shalt  }
0x4f: {  	_ =	shalt  }
0x50: {  	_ =	shalt  }
0x51: {  	_ =	shalt  }
0x52: {  	_ =	shalt  }
0x53: {  	_ =	shalt  }
0x54: {  	_ =	shalt  }
0x55: {  	_ =	shalt  }
0x56: {  	_ =	shalt  }
0x57: {  	_ =	shalt  }
0x58: {  	_ =	shalt  }
0x59: {  	_ =	shalt  }
0x5a: {  	_ =	shalt  }
0x5b: {  	_ =	shalt  }
0x5c: {  	_ =	shalt  }
0x5d: {  	_ =	shalt  }
0x5e: {  	_ =	shalt  }
0x5f: {  	_ =	shalt  }
0x60: {  	_ =	shalt  }
0x61: {  	_ =	shalt  }
0x62: {  	_ =	shalt  }
0x63: {  	_ =	shalt  }
0x64: {  	_ =	shalt  }
0x65: {  	_ =	shalt  }
0x66: {  	_ =	shalt  }
0x67: {  	_ =	shalt  }
0x68: {  	_ =	shalt  }
0x69: {  	_ =	shalt  }
0x6a: {  	_ =	shalt  }
0x6b: {  	_ =	shalt  }
0x6c: {  	_ =	shalt  }
0x6d: {  	_ =	shalt  }
0x6e: {  	_ =	shalt  }
0x6f: {  	_ =	shalt  }
0x70: {  	_ =	shalt  }
0x71: {  	_ =	shalt  }
0x72: {  	_ =	shalt  }
0x73: {  	_ =	shalt  }
0x74: {  	_ =	shalt  }
0x75: {  	_ =	shalt  }
0x76: {  	_ =	shalt  }
0x77: {  	_ =	shalt  }
0x78: {  	_ =	shalt  }
0x79: {  	_ =	shalt  }
0x7a: {  	_ =	shalt  }
0x7b: {  	_ =	shalt  }
0x7c: {  	_ =	shalt  }
0x7d: {  	_ =	shalt  }
0x7e: {  	_ =	shalt  }
0x7f: {  	_ =	shalt  }
0x80: {  	_ =	shalt  }
0x81: {  	_ =	shalt  }
0x82: {  	_ =	shalt  }
0x83: {  	_ =	shalt  }
0x84: {  	_ =	shalt  }
0x85: {  	_ =	shalt  }
0x86: {  	_ =	shalt  }
0x87: {  	_ =	shalt  }
.Lfunc_end0:
.L_simem_size_0:
called_computation_lowered:
.L_overlay_start_0:
0x88: {  	s2 =	sld [smem:$0x3FD9]  }
0x89: {  	s3 =	sld [smem:$0x3FFE];
	_ =	sdelay $0x1  }
0x8a: {  	s1 =	srdreg.scid  }
0x8b: {  	s0 =	sand.u32 $0x1, s1  }
0x8c: {  	s17 =	sshll.u32 s0, $0xA;
	s2 =	sadd.s32 s3, s2  }
0x8d: {  	s2 =	sadd.s32 s2, s17  }
0x8e: {  	[smem:$0x3FC5] =	sst s2  }
0x8f: {  	_ = 	snop  }
0x90: {  	s2 =	sld [smem:$0x3FC9]  }
0x91: {  	s18 =	sld [smem:$0x3FC8]  }
0x92: {  	s4 =	sld [smem:$0x3FD0];
	(tm) =	ssettm $0x1  }
0x93: {  	s5 =	sld [smem:$0x3FFB];
	_ =	sdelay $0x3  }
0x94: {  	_ =	strace s5  }
0x95: {  	s5 =	sld [smem:$0x3FFC];
	_ =	sdelay $0x3  }
0x96: {  	_ =	strace s5  }
0x97: {  	s5 =	sld [smem:$0x3FFD];
	_ =	sdelay $0x3  }
0x98: {  	_ =	strace s5  }
0x99: {  	_ =	strace $0x8FFFFFFF  }
0x9a: {  	s19 =	sld [smem:$0x3FDB];
	_ =	sdelay $0x1  }
0x9b: {  	s6 =	simm.s32 $_scs_section_size  }
0x9c: {  	s7 =	simm.s32 $_size__tile_overlayer_lowered;
	s8 =	simm.s32 $_tile_overlayer_lowered  }
0x9d: {  	s22 =	simm.s32 $0x1BFF;
	s21 =	sshll.u32 s8, $0x1;
	s5 =	sadd.s32 s6, s19  }
0x9e: {  	s9 =	simm.s32 $0x0;
	s20 =	sshll.u32 s7, $0x1;
	s7 =	sadd.s32 s21, s5  }
0x9f: {  	[timem:s9], [sflag:s22] =	dma.local [hbm:s7], s20  }
0xa0: {  	_ =	swait.ge [sflag:s22], s20  }
0xa1: {  	s6 =	ssub.s32 $0x0, s20;
	[sflag:s22] =	ssyncset.done $0x0  }
0xa2: {  	[sflag:s22] =	ssyncadd.s32 s6;
	_ =	sdelay $0x1  }
0xa3: {  	s23 =	simm.s32 $0x1B8B  }
0xa4: {  	_ =	swait.ge [sflag:s23], $0x1  }
0xa5: {  	[sflag:s23] =	ssyncset.done $0x0  }
0xa6: {  	s25 =	simm.s32 $0x1B8E;
	s24 =	sld [smem:$0x3FFE];
	[sflag:s23] =	ssyncadd.s32 $0xFFFFFFFF  }
0xa7: {  	s26 =	simm.s32 $execute0_lowered;
	[smem:$0x3FD2] =	sst s25  }
0xa8: {  	s7 =	sshll.u32 s26, $0x1;
	_ =	strace $0x80000046;
	[dreg:$0x1] =	wrdreg $0xFFFFFFFF  }
0xa9: {  	s28 =	simm.s32 $_size_execute0_lowered;
	s5 =	sadd.s32 s5, s7;
	[dreg:$0x0] =	wrdreg $0x0  }
0xaa: {  	s7 =	sshll.u32 s28, $0x1;
	[dreg:$0x2] =	wrdreg s5  }
0xab: {  	[dreg:$0x3] =	wrdreg s7  }
0xac: {  	[dreg:$0x4] =	wrdreg $0xC0  }
0xad: {  	_ =	task [dreg:s9], $0x5FFFF  }
0xae: {  	[dreg:$0x1] =	wrdreg $0xFFFFFFFF  }
0xaf: {  	[dreg:$0x0] =	wrdreg $0x60  }
0xb0: {  	[dreg:$0x2] =	wrdreg s2  }
0xb1: {  	[dreg:$0x3] =	wrdreg s18  }
0xb2: {  	[dreg:$0x4] =	wrdreg s24  }
0xb3: {  	[dreg:$0x5] =	wrdreg s4  }
0xb4: {  	[dreg:$0x6] =	wrdreg $0x9  }
0xb5: {  	_ =	task.clear_ibuf [dreg:s9], $0x7FFFF;
	_ =	strace $0x90000046  }
0xb6: {  	s29 =	simm.s32 $0x9;
	_ =	strace $0x80000048  }
0xb7: {  	_ =	swait.ge [sflag:s29], $0x1  }
0xb8: {  	[sflag:s29] =	ssyncadd.s32 $0xFFFFFFFF  }
0xb9: {  	_ =	strace $0x90000048  }
0xba: {  	_ =	sfence  }
0xbb: {  	s30 =	sld [smem:$0x0];
	_ =	sdelay $0x2  }
0xbc: {  	s31 =	sshll.u32 s1, $0xD;
	s1 =	sshrl.u32 s1, $0x2  }
0xbd: {  	s3 =	sand.u32 $0x4000, s31;
	s1 =	sadd.s32 s1, s30  }
0xbe: {  	s0 =	sor.u32 s3, s0;
	s1 =	sshll.u32 s1, $0x11  }
0xbf: {  	s0 =	sor.u32 s1, s0  }
0xc0: {  	s0 =	sadd.s32 $0x8F2B, s0  }
0xc1: {  	[sflag:s0] =	ssyncadd.remote.s32 $0x1  }
0xc2: {  	_ =	sfence.sel $0xFFFF  }
0xc3: {  	[dreg:$0x0] =	wrdreg $0xFFFFFFFF;
	(pc) =	sbr.abs _section_cstart, $3  }
0xc4: {  	[dreg:$0x1] =	wrdreg $0xFFFFFFFF  }
0xc5: {  	_ =	task.clear_ibuf [dreg:s9], $0x2FFFF;
	_ =	strace $0x9FFFFFFF  }
0xc6: {  	(tm) =	ssettm $0x7FFFFFFF  }
0xc7: {  	_ =	shalt  }
tec
execute0_lowered:
.L_overlay_start_1:
0x0: {  	(tag) =	ssettag $0x1  }
0x1: {  	s1 =	rddreg [dreg:$0x0]  }
0x2: {  	s2 =	rddreg [dreg:$0x1]  }
0x3: {  	s0 =	rddreg [dreg:$0x2]  }
0x4: {  	s4 =	rddreg [dreg:$0x3];
	s3 =	srdreg.scid  }
0x5: {  	s6 =	stileid.u32;
	s5 =	simm.s32 $0x0;
	s14 =	simm.s32 $0x1  }
0x6: {  	s15 =	simm.s32 $0x80;
	s22 =	simm.s32 $0x20;
	s28 =	simm.s32 $0x2  }
0x7: {  	s29 =	simm.s32 $0x3;
	s30 =	simm.s32 $0x15A20;
	s31 =	simm.s32 $0x0  }
0x8: {  	s3 =	sand.u32 $0x1, s3;
	s6 =	sshll.u32 s6, $0x1;
	[smem:$0x7FF] =	sst s5  }
0x9: {  	s7 =	sor.u32 s3, s6;
	_ =	strace $0x80000047;
	s3 =	ssub.s32 $0x2, s3  }
0xa: {  	s6 =	sshll.u32 s7, $0x9;
	s9 =	smul.u32 $0x340, s7;
	s8 =	sshrl.u32 s3, $0x1  }
0xb: {  	s11 =	sshll.u32 s7, $0xD;
	s7 =	sadd.s32 $0x400, s0;
	s10 =	sor.u32 $0x10, s6  }
0xc: {  	s24 =	ssub.s32 s3, s8;
	s12 =	smul.u32 $0xD, s10;
	s25 =	sshll.u32 s10, $0x4  }
0xd: {  	s8 =	sadd.s32 s2, s11;
	s9 =	sadd.s32 s1, s9;
	s10 =	sadd.s32 s2, s25  }
0xe: {  	s25 =	simm.s32 $0x800;
	s26 =	sshrl.u32 s12, $0x3;
	s12 =	smax.u32 s24, $0x1  }
0xf: {  	s24 =	simm.s32 $0x8F80;
	s11 =	sadd.s32 s1, s26;
	s26 =	simm.s32 $0x15860  }
.LBB2_1:
0x10: {  	[tilespmem:s5], [sflag:$0x1] =	stream.linear.gather [hbm4b:s8+s5], $0x800, $0x38;
	[tilespmem:$0x1D810] =	vst v63  }
0x11: {  	s0 =	simm.s32 $0x15780  }
0x12: {  	[tilespmem:s0], [sflag:$0x1] =	stream.linear.gather [hbm4b:s9+s5], $0xD0, $0x38;
	[tilespmem:$0x1D810] =	vst v63  }
0x13: {  	_ =	swait.ge [sflag:s14], $0x800  }
0x14: {  	[sflag:s14] =	ssyncset.done $0x0  }
0x15: {  	[sflag:s14] =	ssyncadd.s32 $0xFFFFF800  }
0x16: {  	_ =	swait.ge [sflag:s14], $0xD0  }
0x17: {  	[sflag:s14] =	ssyncset.done $0x0  }
0x18: {  	s3 =	simm.s32 $0x10;
	[sflag:s14] =	ssyncadd.s32 $0xFFFFFF30  }
0x19: {  	v0 =	vld [tilespmem:s3+$0xFFFFFFF0];
	_ =	sdelay $0x3  }
0x1a: {  	s0 =	simm.s32 $0x1000  }
0x1b: {  	[tilespmem:s0+$0x0] =	vst v0  }
0x1c: {  	v0 =	vld [tilespmem:s3+$0x0];
	_ =	sdelay $0x3  }
0x1d: {  	s23 =	sand.u32 $0x1FE, s5  }
0x1e: {  	s3 =	simm.s32 $0x90;
	[tilespmem:s23+$0x1010] =	vst v0  }
0x1f: {  	s13 =	simm.s32 $0x1A;
	s16 =	simm.s32 $0x34;
	v0 =	vld [tilespmem:s3+$0xFFFFFFF0]  }
.LBB2_2:
0x20: {  	p0 =	sne.s32 s16, $0x186;
	_ =	sdelay $0x2  }
0x21: {  	s0 =	sadd.s32 $0x1A, s0  }
0x22: {  	[tilespmem:s0+$0x0] =	vst v0  }
0x23: {  	v0 =	vld [tilespmem:s3+$0x0];
	_ =	sdelay $0x1  }
.Ltmp0:
0x24: {  	(pc) =	sbr.rel @p0 .LBB2_2-.Ltmp0, $4  }
0x25: {  	_ = 	snop  }
0x26: {  	s17 =	sand.u32 $0x1FE, s13;
	s13 =	smov.u32 s16  }
0x27: {  	s3 =	sadd.s32 $0x80, s3;
	[tilespmem:s17+$0x1010] =	vst v0  }
0x28: {  	s16 =	sadd.s32 $0x1A, s16;
	v0 =	vld [tilespmem:s3+$0xFFFFFFF0]  }
0x29: {  	_ =	sdelay $0x2  }
0x2a: {  	s0 =	sadd.s32 $0x1A, s0  }
0x2b: {  	[tilespmem:s0+$0x0] =	vst v0  }
0x2c: {  	v0 =	vld [tilespmem:s3+$0x0];
	_ =	sdelay $0x3  }
0x2d: {  	s13 =	sand.u32 $0x1FE, s13  }
0x2e: {  	[tilespmem:s13+$0x1010] =	vst v0  }
0x2f: {  	v0 =	vld [tilespmem:$0x1000]  }
0x30: {  	v1 =	vld [tilespmem:$0x1010]  }
0x31: {  	v2 =	vld [tilespmem:$0x1020]  }
0x32: {  	v3 =	vld [tilespmem:$0x1030]  }
0x33: {  	v4 =	vld [tilespmem:$0x1040]  }
0x34: {  	v43 =	vld [tilespmem:$0x1050];
	[tilespmem:$0x1380] =	vst v0  }
0x35: {  	v44 =	vld [tilespmem:$0x1060];
	[tilespmem:$0x1390] =	vst v1  }
0x36: {  	v45 =	vld [tilespmem:$0x1070];
	[tilespmem:$0x13A0] =	vst v2  }
0x37: {  	v46 =	vld [tilespmem:$0x1080];
	[tilespmem:$0x13B0] =	vst v3  }
0x38: {  	v47 =	vld [tilespmem:$0x1090];
	[tilespmem:$0x13C0] =	vst v4  }
0x39: {  	v48 =	vld [tilespmem:$0x10A0];
	[tilespmem:$0x13D0] =	vst v43  }
0x3a: {  	v49 =	vld [tilespmem:$0x10B0];
	[tilespmem:$0x13E0] =	vst v44  }
0x3b: {  	v50 =	vld [tilespmem:$0x10C0];
	[tilespmem:$0x13F0] =	vst v45  }
0x3c: {  	v51 =	vld [tilespmem:$0x10D0];
	[tilespmem:$0x1400] =	vst v46  }
0x3d: {  	v52 =	vld [tilespmem:$0x10E0];
	[tilespmem:$0x1410] =	vst v47  }
0x3e: {  	v53 =	vld [tilespmem:$0x10F0];
	[tilespmem:$0x1420] =	vst v48  }
0x3f: {  	v54 =	vld [tilespmem:$0x1100];
	[tilespmem:$0x1430] =	vst v49  }
0x40: {  	v55 =	vld [tilespmem:$0x1110];
	[tilespmem:$0x1440] =	vst v50  }
0x41: {  	v56 =	vld [tilespmem:$0x1120];
	[tilespmem:$0x1450] =	vst v51  }
0x42: {  	v57 =	vld [tilespmem:$0x1130];
	[tilespmem:$0x1460] =	vst v52  }
0x43: {  	v58 =	vld [tilespmem:$0x1140];
	[tilespmem:$0x1470] =	vst v53  }
0x44: {  	v59 =	vld [tilespmem:$0x1150];
	[tilespmem:$0x1480] =	vst v54  }
0x45: {  	v60 =	vld [tilespmem:$0x1160];
	[tilespmem:$0x1490] =	vst v55  }
0x46: {  	v61 =	vld [tilespmem:$0x1170];
	[tilespmem:$0x14A0] =	vst v56  }
0x47: {  	v62 =	vld [tilespmem:$0x1180];
	[tilespmem:$0x14B0] =	vst v57  }
0x48: {  	v63 =	vld [tilespmem:$0x1190];
	[tilespmem:$0x14C0] =	vst v58  }
0x49: {  	[tilespmem:$0x14D0] =	vst v59  }
0x4a: {  	[tilespmem:$0x14E0] =	vst v60  }
0x4b: {  	[tilespmem:$0x14F0] =	vst v61  }
0x4c: {  	[tilespmem:$0x1500] =	vst v62  }
0x4d: {  	s16 =	simm.s32 $0x1380;
	s17 =	simm.s32 $0x1780;
	[tilespmem:$0x1510] =	vst v63  }
0x4e: {  	[tilespmem:s17], [sflag:$0x2] =	stream.indirect.gather [hbm4b:s7+s15], $0x50, s16, s15, $0xb8;
	[tilespmem:$0x1D810] =	vst v63  }
0x4f: {  	s18 =	simm.s32 $0x1400;
	s19 =	simm.s32 $0x3F80  }
0x50: {  	[tilespmem:s19], [sflag:$0x2] =	stream.indirect.gather [hbm4b:s7+s15], $0x50, s18, s15, $0xb8;
	[tilespmem:$0x1D810] =	vst v63  }
0x51: {  	s20 =	simm.s32 $0x1480;
	s21 =	simm.s32 $0x6780  }
0x52: {  	[tilespmem:s21], [sflag:$0x2] =	stream.indirect.gather [hbm4b:s7+s15], $0x50, s20, s15, $0xb8;
	[tilespmem:$0x1D810] =	vst v63  }
0x53: {  	s23 =	simm.s32 $0x1500  }
0x54: {  	[tilespmem:s24], [sflag:$0x2] =	stream.indirect.gather [hbm4b:s7+s22], $0x50, s23, s22, $0xb8;
	[tilespmem:$0x1D810] =	vst v63  }
0x55: {  	s0 =	simm.s32 $0x0  }
0x56: {  	[tilespmem:s25], [sflag:$0x1] =	stream.linear.gather [hbm4b:s10+s0], $0x800, $0x38;
	[tilespmem:$0x1D810] =	vst v63  }
0x57: {  	p0 =	por $0x1, $0x1  }
0x58: {  	[tilespmem:s26], [sflag:$0x1] =	stream.linear.gather [hbm4b:s11+s0], $0xD0, $0x38;
	[tilespmem:$0x1D810] =	vst v63  }
.LBB2_4:
0x59: {  	_ =	swait.ge [sflag:s28], $0x2800  }
0x5a: {  	[sflag:s28] =	ssyncset.done $0x0  }
0x5b: {  	[sflag:s28] =	ssyncadd.s32 $0xFFFFD800  }
0x5c: {  	_ =	swait.ge [sflag:s28], $0x2800  }
0x5d: {  	[sflag:s28] =	ssyncset.done $0x0  }
0x5e: {  	[sflag:s28] =	ssyncadd.s32 $0xFFFFD800  }
0x5f: {  	p1 =	seq.s32 s0, $0x1F;
	_ =	swait.ge [sflag:s28], $0x2800  }
.Ltmp1:
0x60: {  	[sflag:s28] =	ssyncset.done $0x0;
	(pc) =	sbr.rel @p1 .LBB2_8-.Ltmp1, $4  }
0x61: {  	[sflag:s28] =	ssyncadd.s32 $0xFFFFD800  }
0x62: {  	_ =	swait.ge [sflag:s28], $0xA00  }
0x63: {  	[sflag:s28] =	ssyncset.done $0x0  }
0x64: {  	s3 =	sadd.s32 $0x1, s0;
	[sflag:s28] =	ssyncadd.s32 $0xFFFFF600  }
0x65: {  	_ =	swait.ge [sflag:s14], $0x800  }
0x66: {  	[sflag:s14] =	ssyncset.done $0x0  }
0x67: {  	s16 =	simm.s32 $0x1;
	s13 =	sand.u32 $0x1, s3;
	[sflag:s14] =	ssyncadd.s32 $0xFFFFF800  }
0x68: {  	s16 =	simm.s32 @!p0 $0x0;
	s18 =	smul.u32 $0x700, s13;
	_ =	swait.ge [sflag:s14], $0xD0  }
0x69: {  	s16 =	sshll.u32 s16, $0xB;
	[sflag:s14] =	ssyncset.done $0x0  }
0x6a: {  	s17 =	sor.u32 $0x10, s16;
	s16 =	sshrl.u32 s18, $0x2;
	[sflag:s14] =	ssyncadd.s32 $0xFFFFFF30  }
0x6b: {  	s19 =	simm.s32 $0x0;
	s20 =	simm.s32 $0x1A;
	s18 =	sor.u32 $0x1000, s16;
	v0 =	vld [tilespmem:s17+$0xFFFFFFF0]  }
.LBB2_6:
0x6c: {  	p1 =	sne.s32 s20, $0x186  }
0x6d: {  	s21 =	sand.u32 $0x1F8, s19  }
0x6e: {  	s23 =	sand.u32 $0x6, s19;
	s19 =	smov.u32 s20;
	s21 =	sadd.s32 s21, s18  }
0x6f: {  	s21 =	sadd.s32 s23, s21  }
0x70: {  	[tilespmem:s21+$0x0] =	vst v0  }
0x71: {  	v0 =	vld [tilespmem:s17+$0x0];
	_ =	sdelay $0x1  }
.Ltmp2:
0x72: {  	(pc) =	sbr.rel @p1 .LBB2_6-.Ltmp2, $3  }
0x73: {  	_ =	sdelay $0x1  }
0x74: {  	s17 =	sadd.s32 $0x80, s17;
	[tilespmem:s21+$0x10] =	vst v0  }
0x75: {  	s20 =	sadd.s32 $0x1A, s20;
	v0 =	vld [tilespmem:s17+$0xFFFFFFF0]  }
0x76: {  	_ = 	snop  }
0x77: {  	s20 =	sand.u32 $0x1F8, s19  }
0x78: {  	s23 =	sand.u32 $0x6, s19;
	s18 =	sadd.s32 s20, s18  }
0x79: {  	s18 =	sadd.s32 s23, s18  }
0x7a: {  	[tilespmem:s18+$0x0] =	vst v0  }
0x7b: {  	v0 =	vld [tilespmem:s17+$0x0];
	_ =	sdelay $0x4  }
0x7c: {  	[tilespmem:s18+$0x10] =	vst v0  }
0x7d: {  	v0 =	vld [tilespmem:s16+$0x1000];
	_ =	sdelay $0x3  }
0x7e: {  	s17 =	sshll.u32 s13, $0x9  }
0x7f: {  	[tilespmem:s17+$0x1380] =	vst v0  }
0x80: {  	v0 =	vld [tilespmem:s16+$0x1010];
	_ =	sdelay $0x4  }
0x81: {  	[tilespmem:s17+$0x1390] =	vst v0  }
0x82: {  	v0 =	vld [tilespmem:s16+$0x1020];
	_ =	sdelay $0x4  }
0x83: {  	[tilespmem:s17+$0x13A0] =	vst v0  }
0x84: {  	v0 =	vld [tilespmem:s16+$0x1030];
	_ =	sdelay $0x4  }
0x85: {  	[tilespmem:s17+$0x13B0] =	vst v0  }
0x86: {  	v0 =	vld [tilespmem:s16+$0x1040];
	_ =	sdelay $0x4  }
0x87: {  	[tilespmem:s17+$0x13C0] =	vst v0  }
0x88: {  	v0 =	vld [tilespmem:s16+$0x1050];
	_ =	sdelay $0x4  }
0x89: {  	[tilespmem:s17+$0x13D0] =	vst v0  }
0x8a: {  	v0 =	vld [tilespmem:s16+$0x1060];
	_ =	sdelay $0x4  }
0x8b: {  	[tilespmem:s17+$0x13E0] =	vst v0  }
0x8c: {  	v0 =	vld [tilespmem:s16+$0x1070];
	_ =	sdelay $0x4  }
0x8d: {  	[tilespmem:s17+$0x13F0] =	vst v0  }
0x8e: {  	v0 =	vld [tilespmem:s16+$0x1080];
	_ =	sdelay $0x4  }
0x8f: {  	[tilespmem:s17+$0x1400] =	vst v0  }
0x90: {  	v0 =	vld [tilespmem:s16+$0x1090];
	_ =	sdelay $0x4  }
0x91: {  	[tilespmem:s17+$0x1410] =	vst v0  }
0x92: {  	v0 =	vld [tilespmem:s16+$0x10A0];
	_ =	sdelay $0x4  }
0x93: {  	[tilespmem:s17+$0x1420] =	vst v0  }
0x94: {  	v0 =	vld [tilespmem:s16+$0x10B0];
	_ =	sdelay $0x4  }
0x95: {  	[tilespmem:s17+$0x1430] =	vst v0  }
0x96: {  	v0 =	vld [tilespmem:s16+$0x10C0];
	_ =	sdelay $0x4  }
0x97: {  	[tilespmem:s17+$0x1440] =	vst v0  }
0x98: {  	v0 =	vld [tilespmem:s16+$0x10D0];
	_ =	sdelay $0x4  }
0x99: {  	[tilespmem:s17+$0x1450] =	vst v0  }
0x9a: {  	v0 =	vld [tilespmem:s16+$0x10E0];
	_ =	sdelay $0x4  }
0x9b: {  	[tilespmem:s17+$0x1460] =	vst v0  }
0x9c: {  	v0 =	vld [tilespmem:s16+$0x10F0];
	_ =	sdelay $0x4  }
0x9d: {  	[tilespmem:s17+$0x1470] =	vst v0  }
0x9e: {  	v0 =	vld [tilespmem:s16+$0x1100];
	_ =	sdelay $0x4  }
0x9f: {  	[tilespmem:s17+$0x1480] =	vst v0  }
0xa0: {  	v0 =	vld [tilespmem:s16+$0x1110];
	_ =	sdelay $0x4  }
0xa1: {  	[tilespmem:s17+$0x1490] =	vst v0  }
0xa2: {  	v0 =	vld [tilespmem:s16+$0x1120];
	_ =	sdelay $0x4  }
0xa3: {  	[tilespmem:s17+$0x14A0] =	vst v0  }
0xa4: {  	v0 =	vld [tilespmem:s16+$0x1130];
	_ =	sdelay $0x4  }
0xa5: {  	[tilespmem:s17+$0x14B0] =	vst v0  }
0xa6: {  	v0 =	vld [tilespmem:s16+$0x1140];
	_ =	sdelay $0x4  }
0xa7: {  	[tilespmem:s17+$0x14C0] =	vst v0  }
0xa8: {  	v0 =	vld [tilespmem:s16+$0x1150];
	_ =	sdelay $0x4  }
0xa9: {  	[tilespmem:s17+$0x14D0] =	vst v0  }
0xaa: {  	v0 =	vld [tilespmem:s16+$0x1160];
	_ =	sdelay $0x4  }
0xab: {  	[tilespmem:s17+$0x14E0] =	vst v0  }
0xac: {  	v0 =	vld [tilespmem:s16+$0x1170];
	_ =	sdelay $0x4  }
0xad: {  	[tilespmem:s17+$0x14F0] =	vst v0  }
0xae: {  	v0 =	vld [tilespmem:s16+$0x1180];
	_ =	sdelay $0x4  }
0xaf: {  	[tilespmem:s17+$0x1500] =	vst v0  }
0xb0: {  	v0 =	vld [tilespmem:s16+$0x1190];
	_ =	sdelay $0x1  }
0xb1: {  	s20 =	smul.u32 $0x28000, s13;
	_ =	sdelay $0x1  }
0xb2: {  	s13 =	sshrl.u32 s20, $0x2  }
0xb3: {  	s21 =	sadd.s32 $0x1380, s17;
	s23 =	sor.u32 $0x1780, s13;
	[tilespmem:s17+$0x1510] =	vst v0  }
0xb4: {  	[tilespmem:s23], [sflag:$0x2] =	stream.indirect.gather [hbm4b:s7+s15], $0x50, s21, s15, $0xb8;
	[tilespmem:$0x1D810] =	vst v63  }
0xb5: {  	p1 =	sgt.u32 s0, $0x1D;
	s19 =	sor.u32 $0x1400, s17;
	s20 =	sadd.s32 $0x3F80, s13  }
0xb6: {  	[tilespmem:s20], [sflag:$0x2] =	stream.indirect.gather [hbm4b:s7+s15], $0x50, s19, s15, $0xb8;
	[tilespmem:$0x1D810] =	vst v63  }
0xb7: {  	s16 =	sadd.s32 @!p1 $0x2, s0;
	s21 =	sor.u32 $0x1480, s17;
	s23 =	sadd.s32 $0x6780, s13  }
0xb8: {  	[tilespmem:s23], [sflag:$0x2] =	stream.indirect.gather [hbm4b:s7+s15], $0x50, s21, s15, $0xb8;
	[tilespmem:$0x1D810] =	vst v63  }
0xb9: {  	s18 =	smul.u32 @!p1 $0xAB, s16;
	s17 =	sor.u32 $0x1500, s17;
	s13 =	sadd.s32 $0x8F80, s13  }
0xba: {  	[tilespmem:s13], [sflag:$0x2] =	stream.indirect.gather [hbm4b:s7+s22], $0x50, s17, s22, $0xb8;
	[tilespmem:$0x1D810] =	vst v63  }
0xbb: {  	s13 =	sshrl.u32 @!p1 s18, $0x9  }
0xbc: {  	s13 =	sand.u32 @!p1 $0x7F, s13  }
0xbd: {  	s17 =	sshll.u32 @!p1 s16, $0x4;
	s13 =	smul.u32 @!p1 $0x3, s13  }
0xbe: {  	s19 =	sshll.u32 @!p1 s0, $0xB;
	s17 =	sadd.s32 @!p1 s6, s17  }
0xbf: {  	s18 =	smul.u32 @!p1 $0xD, s17;
	s17 =	sshll.u32 @!p1 s17, $0x4;
	s13 =	ssub.s32 @!p1 s16, s13  }
0xc0: {  	s17 =	sand.u32 @!p1 $0x1FFFFF00, s17;
	s16 =	sand.u32 @!p1 $0x800, s19;
	s13 =	sand.u32 @!p1 $0xFF, s13  }
0xc1: {  	s17 =	sadd.s32 @!p1 s2, s17;
	s19 =	simm.s32 @!p1 $0x0;
	s13 =	smul.u32 @!p1 $0x380, s13  }
0xc2: {  	[tilespmem:s16], [sflag:$0x1] =	stream.linear.gather @!p1 [hbm4b:s17+s19], $0x800, $0x38;
	[tilespmem:$0x1D810] =	vst v63  }
0xc3: {  	s16 =	sshrl.u32 @!p1 s18, $0x3;
	s13 =	sshrl.u32 @!p1 s13, $0x2  }
0xc4: {  	p2 =	seq.s32 @!p1 s0, $0x0;
	s16 =	sadd.s32 @!p1 s1, s16;
	s13 =	sadd.s32 @!p1 $0x15780, s13  }
0xc5: {  	[tilespmem:s13], [sflag:$0x1] =	stream.linear.gather @!p1 [hbm4b:s16+s19], $0xD0, $0x38;
	[tilespmem:$0x1D810] =	vst v63  }
0xc6: {  	p1 =	por p1, !p2  }
.Ltmp3:
0xc7: {  	_ = 	snop;
	(pc) =	sbr.rel @!p1 .LBB2_9-.Ltmp3, $1  }
0xc8: {  	_ =	sdelay $0x3  }
.LBB2_8:
0xc9: {  	_ =	swait.ge [sflag:s29], $0x7DF0  }
0xca: {  	[sflag:s29] =	ssyncset.done $0x0  }
0xcb: {  	[sflag:s29] =	ssyncadd.s32 $0xFFFF8210  }
.LBB2_9:
0xcc: {  	s13 =	smulhi.u32 $0xAAAAAAAB, s0;
	_ =	sdelay $0x1  }
0xcd: {  	s13 =	sshrl.u32 s13, $0x1  }
0xce: {  	s13 =	smul.u32 $0x3, s13;
	_ =	sdelay $0x1  }
0xcf: {  	s13 =	ssub.s32 s0, s13  }
0xd0: {  	s16 =	sand.u32 $0x1, s0;
	s13 =	smul.u32 $0x380, s13  }
0xd1: {  	s17 =	simm.s32 $0xB780;
	p1 =	seq.s32 s16, $0x1  }
0xd2: {  	s17 =	simm.s32 @!p1 $0x1780;
	s13 =	sshrl.u32 s13, $0x2  }
0xd3: {  	s16 =	simm.s32 $0x0;
	v0 =	vmov s17;
	s13 =	sadd.s32 $0x15780, s13  }
.LBB2_10:
0xd4: {  	s17 =	smul.u32 $0xD, s16;
	_ =	sdelay $0x1  }
0xd5: {  	s18 =	sand.u32 $0xF8, s17  }
0xd6: {  	s17 =	sand.u32 $0x7, s17;
	s18 =	sadd.s32 s18, s13  }
0xd7: {  	s17 =	sadd.s32 s17, s18  }
0xd8: {  	v1 =	vld [tilespmem:s17+$0x0];
	_ =	sdelay $0x1  }
0xd9: {  	s21 =	smul.u32 $0x7DF, s16  }
0xda: {  	s23 =	smul.u32 $0x2080, s16;
	_ =	sdelay $0x1  }
0xdb: {  	s18 =	sshra.s32 s23, $0x2;
	[tilespmem:s21+$0x15A20] =	vst v1  }
0xdc: {  	v1 =	vld.idx.msk [tilespmem:v0+s18+$0x0 ss:$0x1], $0xffff  }
0xdd: {  	v2 =	vld.idx.msk [tilespmem:v0+s18+$0x10 ss:$0x1], $0xffff  }
0xde: {  	v3 =	vld.idx.msk [tilespmem:v0+s18+$0x20 ss:$0x1], $0xffff  }
0xdf: {  	v4 =	vld.idx.msk [tilespmem:v0+s18+$0x30 ss:$0x1], $0xffff  }
0xe0: {  	v5 =	vld.idx.msk [tilespmem:v0+s18+$0x3D ss:$0x1], $0xffff  }
0xe1: {  	v6 =	vld.idx.msk [tilespmem:v0+s18+$0x50 ss:$0x1], $0xffff  }
0xe2: {  	v7 =	vld.idx.msk [tilespmem:v0+s18+$0x60 ss:$0x1], $0xffff  }
0xe3: {  	v8 =	vld.idx.msk [tilespmem:v0+s18+$0x70 ss:$0x1], $0xffff  }
0xe4: {  	v9 =	vld.idx.msk [tilespmem:v0+s18+$0x80 ss:$0x1], $0xffff  }
0xe5: {  	v10 =	vld.idx.msk [tilespmem:v0+s18+$0x8D ss:$0x1], $0xffff;
	[tilespmem:s21+$0x15A2D] =	vst v1  }
0xe6: {  	[tilespmem:s21+$0x15A3D] =	vst v2  }
0xe7: {  	[tilespmem:s21+$0x15A4D] =	vst v3  }
0xe8: {  	[tilespmem:s21+$0x15A5D] =	vst v4  }
0xe9: {  	[tilespmem:s21+$0x15A7A] =	vst v6  }
0xea: {  	[tilespmem:s21+$0x15A8A] =	vst v7  }
0xeb: {  	[tilespmem:s21+$0x15A9A] =	vst v8  }
0xec: {  	[tilespmem:s21+$0x15AAA] =	vst v9  }
0xed: {  	[tilespmem:s21+$0x15A6A] =	vst v5  }
0xee: {  	[tilespmem:s21+$0x15AB7] =	vst v10  }
0xef: {  	v1 =	vld.idx.msk [tilespmem:v0+s18+$0xA0 ss:$0x1], $0xffff  }
0xf0: {  	v2 =	vld.idx.msk [tilespmem:v0+s18+$0xB0 ss:$0x1], $0xffff  }
0xf1: {  	v3 =	vld.idx.msk [tilespmem:v0+s18+$0xC0 ss:$0x1], $0xffff  }
0xf2: {  	v4 =	vld.idx.msk [tilespmem:v0+s18+$0xD0 ss:$0x1], $0xffff  }
0xf3: {  	v5 =	vld.idx.msk [tilespmem:v0+s18+$0xDD ss:$0x1], $0xffff  }
0xf4: {  	v6 =	vld.idx.msk [tilespmem:v0+s18+$0xF0 ss:$0x1], $0xffff  }
0xf5: {  	v7 =	vld.idx.msk [tilespmem:v0+s18+$0x100 ss:$0x1], $0xffff  }
0xf6: {  	v8 =	vld.idx.msk [tilespmem:v0+s18+$0x110 ss:$0x1], $0xffff  }
0xf7: {  	v9 =	vld.idx.msk [tilespmem:v0+s18+$0x120 ss:$0x1], $0xffff  }
0xf8: {  	v10 =	vld.idx.msk [tilespmem:v0+s18+$0x12D ss:$0x1], $0xffff;
	[tilespmem:s21+$0x15AC7] =	vst v1  }
0xf9: {  	[tilespmem:s21+$0x15AD7] =	vst v2  }
0xfa: {  	[tilespmem:s21+$0x15AE7] =	vst v3  }
0xfb: {  	[tilespmem:s21+$0x15AF7] =	vst v4  }
0xfc: {  	[tilespmem:s21+$0x15B14] =	vst v6  }
0xfd: {  	[tilespmem:s21+$0x15B24] =	vst v7  }
0xfe: {  	[tilespmem:s21+$0x15B34] =	vst v8  }
0xff: {  	[tilespmem:s21+$0x15B44] =	vst v9  }
0x100: {  	[tilespmem:s21+$0x15B04] =	vst v5  }
0x101: {  	[tilespmem:s21+$0x15B51] =	vst v10  }
0x102: {  	v1 =	vld.idx.msk [tilespmem:v0+s18+$0x140 ss:$0x1], $0xffff  }
0x103: {  	v2 =	vld.idx.msk [tilespmem:v0+s18+$0x150 ss:$0x1], $0xffff  }
0x104: {  	v3 =	vld.idx.msk [tilespmem:v0+s18+$0x160 ss:$0x1], $0xffff  }
0x105: {  	v4 =	vld.idx.msk [tilespmem:v0+s18+$0x170 ss:$0x1], $0xffff  }
0x106: {  	v5 =	vld.idx.msk [tilespmem:v0+s18+$0x17D ss:$0x1], $0xffff  }
0x107: {  	v6 =	vld.idx.msk [tilespmem:v0+s18+$0x190 ss:$0x1], $0xffff  }
0x108: {  	v7 =	vld.idx.msk [tilespmem:v0+s18+$0x1A0 ss:$0x1], $0xffff  }
0x109: {  	v8 =	vld.idx.msk [tilespmem:v0+s18+$0x1B0 ss:$0x1], $0xffff  }
0x10a: {  	v9 =	vld.idx.msk [tilespmem:v0+s18+$0x1C0 ss:$0x1], $0xffff  }
0x10b: {  	v10 =	vld.idx.msk [tilespmem:v0+s18+$0x1CD ss:$0x1], $0xffff;
	[tilespmem:s21+$0x15B61] =	vst v1  }
0x10c: {  	[tilespmem:s21+$0x15B71] =	vst v2  }
0x10d: {  	[tilespmem:s21+$0x15B81] =	vst v3  }
0x10e: {  	[tilespmem:s21+$0x15B91] =	vst v4  }
0x10f: {  	[tilespmem:s21+$0x15BAE] =	vst v6  }
0x110: {  	[tilespmem:s21+$0x15BBE] =	vst v7  }
0x111: {  	[tilespmem:s21+$0x15BCE] =	vst v8  }
0x112: {  	[tilespmem:s21+$0x15BDE] =	vst v9  }
0x113: {  	[tilespmem:s21+$0x15B9E] =	vst v5  }
0x114: {  	[tilespmem:s21+$0x15BEB] =	vst v10  }
0x115: {  	v1 =	vld.idx.msk [tilespmem:v0+s18+$0x1E0 ss:$0x1], $0xffff  }
0x116: {  	v2 =	vld.idx.msk [tilespmem:v0+s18+$0x1F0 ss:$0x1], $0xffff  }
0x117: {  	v3 =	vld.idx.msk [tilespmem:v0+s18+$0x200 ss:$0x1], $0xffff  }
0x118: {  	v4 =	vld.idx.msk [tilespmem:v0+s18+$0x210 ss:$0x1], $0xffff  }
0x119: {  	v5 =	vld.idx.msk [tilespmem:v0+s18+$0x21D ss:$0x1], $0xffff  }
0x11a: {  	v6 =	vld.idx.msk [tilespmem:v0+s18+$0x230 ss:$0x1], $0xffff  }
0x11b: {  	v7 =	vld.idx.msk [tilespmem:v0+s18+$0x240 ss:$0x1], $0xffff  }
0x11c: {  	v8 =	vld.idx.msk [tilespmem:v0+s18+$0x250 ss:$0x1], $0xffff  }
0x11d: {  	v9 =	vld.idx.msk [tilespmem:v0+s18+$0x260 ss:$0x1], $0xffff  }
0x11e: {  	v10 =	vld.idx.msk [tilespmem:v0+s18+$0x26D ss:$0x1], $0xffff;
	[tilespmem:s21+$0x15BFB] =	vst v1  }
0x11f: {  	[tilespmem:s21+$0x15C0B] =	vst v2  }
0x120: {  	[tilespmem:s21+$0x15C1B] =	vst v3  }
0x121: {  	s19 =	sand.u32 $0x7FFF, s21;
	[tilespmem:s21+$0x15C2B] =	vst v4  }
0x122: {  	[tilespmem:s19+$0x15C38] =	vst v5  }
0x123: {  	[tilespmem:s19+$0x15C48] =	vst v6  }
0x124: {  	[tilespmem:s19+$0x15C58] =	vst v7  }
0x125: {  	[tilespmem:s19+$0x15C68] =	vst v8  }
0x126: {  	[tilespmem:s19+$0x15C78] =	vst v9  }
0x127: {  	[tilespmem:s21+$0x15C85] =	vst v10  }
0x128: {  	v1 =	vld.idx.msk [tilespmem:v0+s18+$0x280 ss:$0x1], $0xffff  }
0x129: {  	v2 =	vld.idx.msk [tilespmem:v0+s18+$0x290 ss:$0x1], $0xffff  }
0x12a: {  	v3 =	vld.idx.msk [tilespmem:v0+s18+$0x2A0 ss:$0x1], $0xffff  }
0x12b: {  	v4 =	vld.idx.msk [tilespmem:v0+s18+$0x2B0 ss:$0x1], $0xffff  }
0x12c: {  	v5 =	vld.idx.msk [tilespmem:v0+s18+$0x2BD ss:$0x1], $0xffff  }
0x12d: {  	v6 =	vld.idx.msk [tilespmem:v0+s18+$0x2D0 ss:$0x1], $0xffff  }
0x12e: {  	v7 =	vld.idx.msk [tilespmem:v0+s18+$0x2E0 ss:$0x1], $0xffff  }
0x12f: {  	v8 =	vld.idx.msk [tilespmem:v0+s18+$0x2F0 ss:$0x1], $0xffff  }
0x130: {  	v9 =	vld.idx.msk [tilespmem:v0+s18+$0x300 ss:$0x1], $0xffff  }
0x131: {  	v10 =	vld.idx.msk [tilespmem:v0+s18+$0x30D ss:$0x1], $0xffff;
	[tilespmem:s21+$0x15C95] =	vst v1  }
0x132: {  	[tilespmem:s21+$0x15CA5] =	vst v2  }
0x133: {  	[tilespmem:s21+$0x15CB5] =	vst v3  }
0x134: {  	[tilespmem:s21+$0x15CC5] =	vst v4  }
0x135: {  	[tilespmem:s21+$0x15CE2] =	vst v6  }
0x136: {  	[tilespmem:s21+$0x15CF2] =	vst v7  }
0x137: {  	[tilespmem:s21+$0x15D02] =	vst v8  }
0x138: {  	[tilespmem:s21+$0x15D12] =	vst v9  }
0x139: {  	[tilespmem:s21+$0x15CD2] =	vst v5  }
0x13a: {  	[tilespmem:s21+$0x15D1F] =	vst v10  }
0x13b: {  	v1 =	vld.idx.msk [tilespmem:v0+s18+$0x320 ss:$0x1], $0xffff  }
0x13c: {  	v2 =	vld.idx.msk [tilespmem:v0+s18+$0x330 ss:$0x1], $0xffff  }
0x13d: {  	v3 =	vld.idx.msk [tilespmem:v0+s18+$0x340 ss:$0x1], $0xffff  }
0x13e: {  	v4 =	vld.idx.msk [tilespmem:v0+s18+$0x350 ss:$0x1], $0xffff  }
0x13f: {  	v5 =	vld.idx.msk [tilespmem:v0+s18+$0x35D ss:$0x1], $0xffff  }
0x140: {  	v6 =	vld.idx.msk [tilespmem:v0+s18+$0x370 ss:$0x1], $0xffff  }
0x141: {  	v7 =	vld.idx.msk [tilespmem:v0+s18+$0x380 ss:$0x1], $0xffff  }
0x142: {  	v8 =	vld.idx.msk [tilespmem:v0+s18+$0x390 ss:$0x1], $0xffff  }
0x143: {  	v9 =	vld.idx.msk [tilespmem:v0+s18+$0x3A0 ss:$0x1], $0xffff  }
0x144: {  	v10 =	vld.idx.msk [tilespmem:v0+s18+$0x3AD ss:$0x1], $0xffff;
	[tilespmem:s21+$0x15D2F] =	vst v1  }
0x145: {  	[tilespmem:s21+$0x15D3F] =	vst v2  }
0x146: {  	[tilespmem:s21+$0x15D4F] =	vst v3  }
0x147: {  	[tilespmem:s21+$0x15D5F] =	vst v4  }
0x148: {  	[tilespmem:s21+$0x15D7C] =	vst v6  }
0x149: {  	[tilespmem:s21+$0x15D8C] =	vst v7  }
0x14a: {  	[tilespmem:s21+$0x15D9C] =	vst v8  }
0x14b: {  	[tilespmem:s21+$0x15DAC] =	vst v9  }
0x14c: {  	[tilespmem:s21+$0x15D6C] =	vst v5  }
0x14d: {  	[tilespmem:s21+$0x15DB9] =	vst v10  }
0x14e: {  	v1 =	vld.idx.msk [tilespmem:v0+s18+$0x3C0 ss:$0x1], $0xffff  }
0x14f: {  	v2 =	vld.idx.msk [tilespmem:v0+s18+$0x3D0 ss:$0x1], $0xffff  }
0x150: {  	v3 =	vld.idx.msk [tilespmem:v0+s18+$0x3E0 ss:$0x1], $0xffff  }
0x151: {  	v4 =	vld.idx.msk [tilespmem:v0+s18+$0x3F0 ss:$0x1], $0xffff  }
0x152: {  	v5 =	vld.idx.msk [tilespmem:v0+s18+$0x3FD ss:$0x1], $0xffff  }
0x153: {  	v6 =	vld.idx.msk [tilespmem:v0+s18+$0x410 ss:$0x1], $0xffff  }
0x154: {  	v7 =	vld.idx.msk [tilespmem:v0+s18+$0x420 ss:$0x1], $0xffff  }
0x155: {  	v8 =	vld.idx.msk [tilespmem:v0+s18+$0x430 ss:$0x1], $0xffff  }
0x156: {  	v9 =	vld.idx.msk [tilespmem:v0+s18+$0x440 ss:$0x1], $0xffff  }
0x157: {  	v10 =	vld.idx.msk [tilespmem:v0+s18+$0x44D ss:$0x1], $0xffff;
	[tilespmem:s21+$0x15DC9] =	vst v1  }
0x158: {  	[tilespmem:s21+$0x15DD9] =	vst v2  }
0x159: {  	[tilespmem:s21+$0x15DE9] =	vst v3  }
0x15a: {  	[tilespmem:s21+$0x15DF9] =	vst v4  }
0x15b: {  	[tilespmem:s21+$0x15E16] =	vst v6  }
0x15c: {  	[tilespmem:s21+$0x15E26] =	vst v7  }
0x15d: {  	[tilespmem:s21+$0x15E36] =	vst v8  }
0x15e: {  	[tilespmem:s21+$0x15E46] =	vst v9  }
0x15f: {  	[tilespmem:s21+$0x15E06] =	vst v5  }
0x160: {  	[tilespmem:s21+$0x15E53] =	vst v10  }
0x161: {  	v1 =	vld.idx.msk [tilespmem:v0+s18+$0x460 ss:$0x1], $0xffff  }
0x162: {  	v2 =	vld.idx.msk [tilespmem:v0+s18+$0x470 ss:$0x1], $0xffff  }
0x163: {  	v3 =	vld.idx.msk [tilespmem:v0+s18+$0x480 ss:$0x1], $0xffff  }
0x164: {  	v4 =	vld.idx.msk [tilespmem:v0+s18+$0x490 ss:$0x1], $0xffff  }
0x165: {  	v5 =	vld.idx.msk [tilespmem:v0+s18+$0x49D ss:$0x1], $0xffff  }
0x166: {  	v6 =	vld.idx.msk [tilespmem:v0+s18+$0x4B0 ss:$0x1], $0xffff  }
0x167: {  	v7 =	vld.idx.msk [tilespmem:v0+s18+$0x4C0 ss:$0x1], $0xffff  }
0x168: {  	v8 =	vld.idx.msk [tilespmem:v0+s18+$0x4D0 ss:$0x1], $0xffff  }
0x169: {  	v9 =	vld.idx.msk [tilespmem:v0+s18+$0x4E0 ss:$0x1], $0xffff  }
0x16a: {  	v10 =	vld.idx.msk [tilespmem:v0+s18+$0x4ED ss:$0x1], $0xffff;
	[tilespmem:s21+$0x15E63] =	vst v1  }
0x16b: {  	[tilespmem:s21+$0x15E73] =	vst v2  }
0x16c: {  	[tilespmem:s21+$0x15E83] =	vst v3  }
0x16d: {  	[tilespmem:s21+$0x15E93] =	vst v4  }
0x16e: {  	[tilespmem:s19+$0x15EA0] =	vst v5  }
0x16f: {  	[tilespmem:s19+$0x15EB0] =	vst v6  }
0x170: {  	[tilespmem:s19+$0x15EC0] =	vst v7  }
0x171: {  	[tilespmem:s19+$0x15ED0] =	vst v8  }
0x172: {  	[tilespmem:s19+$0x15EE0] =	vst v9  }
0x173: {  	[tilespmem:s21+$0x15EED] =	vst v10  }
0x174: {  	v1 =	vld.idx.msk [tilespmem:v0+s18+$0x500 ss:$0x1], $0xffff  }
0x175: {  	v2 =	vld.idx.msk [tilespmem:v0+s18+$0x510 ss:$0x1], $0xffff  }
0x176: {  	v3 =	vld.idx.msk [tilespmem:v0+s18+$0x520 ss:$0x1], $0xffff  }
0x177: {  	v4 =	vld.idx.msk [tilespmem:v0+s18+$0x530 ss:$0x1], $0xffff  }
0x178: {  	v5 =	vld.idx.msk [tilespmem:v0+s18+$0x53D ss:$0x1], $0xffff  }
0x179: {  	v6 =	vld.idx.msk [tilespmem:v0+s18+$0x550 ss:$0x1], $0xffff  }
0x17a: {  	v7 =	vld.idx.msk [tilespmem:v0+s18+$0x560 ss:$0x1], $0xffff  }
0x17b: {  	v8 =	vld.idx.msk [tilespmem:v0+s18+$0x570 ss:$0x1], $0xffff  }
0x17c: {  	v9 =	vld.idx.msk [tilespmem:v0+s18+$0x580 ss:$0x1], $0xffff  }
0x17d: {  	v10 =	vld.idx.msk [tilespmem:v0+s18+$0x58D ss:$0x1], $0xffff;
	[tilespmem:s21+$0x15EFD] =	vst v1  }
0x17e: {  	[tilespmem:s21+$0x15F0D] =	vst v2  }
0x17f: {  	[tilespmem:s21+$0x15F1D] =	vst v3  }
0x180: {  	[tilespmem:s21+$0x15F2D] =	vst v4  }
0x181: {  	[tilespmem:s21+$0x15F4A] =	vst v6  }
0x182: {  	[tilespmem:s21+$0x15F5A] =	vst v7  }
0x183: {  	[tilespmem:s21+$0x15F6A] =	vst v8  }
0x184: {  	[tilespmem:s21+$0x15F7A] =	vst v9  }
0x185: {  	[tilespmem:s21+$0x15F3A] =	vst v5  }
0x186: {  	[tilespmem:s21+$0x15F87] =	vst v10  }
0x187: {  	v1 =	vld.idx.msk [tilespmem:v0+s18+$0x5A0 ss:$0x1], $0xffff  }
0x188: {  	v2 =	vld.idx.msk [tilespmem:v0+s18+$0x5B0 ss:$0x1], $0xffff  }
0x189: {  	v3 =	vld.idx.msk [tilespmem:v0+s18+$0x5C0 ss:$0x1], $0xffff  }
0x18a: {  	v4 =	vld.idx.msk [tilespmem:v0+s18+$0x5D0 ss:$0x1], $0xffff  }
0x18b: {  	v5 =	vld.idx.msk [tilespmem:v0+s18+$0x5DD ss:$0x1], $0xffff  }
0x18c: {  	v6 =	vld.idx.msk [tilespmem:v0+s18+$0x5F0 ss:$0x1], $0xffff  }
0x18d: {  	v7 =	vld.idx.msk [tilespmem:v0+s18+$0x600 ss:$0x1], $0xffff  }
0x18e: {  	v8 =	vld.idx.msk [tilespmem:v0+s18+$0x610 ss:$0x1], $0xffff  }
0x18f: {  	v9 =	vld.idx.msk [tilespmem:v0+s18+$0x620 ss:$0x1], $0xffff  }
0x190: {  	v10 =	vld.idx.msk [tilespmem:v0+s18+$0x62D ss:$0x1], $0xffff;
	[tilespmem:s21+$0x15F97] =	vst v1  }
0x191: {  	[tilespmem:s21+$0x15FA7] =	vst v2  }
0x192: {  	[tilespmem:s21+$0x15FB7] =	vst v3  }
0x193: {  	[tilespmem:s21+$0x15FC7] =	vst v4  }
0x194: {  	[tilespmem:s21+$0x15FE4] =	vst v6  }
0x195: {  	[tilespmem:s21+$0x15FF4] =	vst v7  }
0x196: {  	[tilespmem:s21+$0x16004] =	vst v8  }
0x197: {  	[tilespmem:s21+$0x16014] =	vst v9  }
0x198: {  	[tilespmem:s21+$0x15FD4] =	vst v5  }
0x199: {  	[tilespmem:s21+$0x16021] =	vst v10  }
0x19a: {  	v1 =	vld.idx.msk [tilespmem:v0+s18+$0x640 ss:$0x1], $0xffff  }
0x19b: {  	v2 =	vld.idx.msk [tilespmem:v0+s18+$0x650 ss:$0x1], $0xffff  }
0x19c: {  	v3 =	vld.idx.msk [tilespmem:v0+s18+$0x660 ss:$0x1], $0xffff  }
0x19d: {  	v4 =	vld.idx.msk [tilespmem:v0+s18+$0x670 ss:$0x1], $0xffff  }
0x19e: {  	v5 =	vld.idx.msk [tilespmem:v0+s18+$0x67D ss:$0x1], $0xffff  }
0x19f: {  	v6 =	vld.idx.msk [tilespmem:v0+s18+$0x690 ss:$0x1], $0xffff  }
0x1a0: {  	v7 =	vld.idx.msk [tilespmem:v0+s18+$0x6A0 ss:$0x1], $0xffff  }
0x1a1: {  	v8 =	vld.idx.msk [tilespmem:v0+s18+$0x6B0 ss:$0x1], $0xffff  }
0x1a2: {  	v9 =	vld.idx.msk [tilespmem:v0+s18+$0x6C0 ss:$0x1], $0xffff  }
0x1a3: {  	v10 =	vld.idx.msk [tilespmem:v0+s18+$0x6CD ss:$0x1], $0xffff;
	[tilespmem:s21+$0x16031] =	vst v1  }
0x1a4: {  	[tilespmem:s21+$0x16041] =	vst v2  }
0x1a5: {  	[tilespmem:s21+$0x16051] =	vst v3  }
0x1a6: {  	[tilespmem:s21+$0x16061] =	vst v4  }
0x1a7: {  	[tilespmem:s21+$0x1607E] =	vst v6  }
0x1a8: {  	[tilespmem:s21+$0x1608E] =	vst v7  }
0x1a9: {  	[tilespmem:s21+$0x1609E] =	vst v8  }
0x1aa: {  	[tilespmem:s21+$0x160AE] =	vst v9  }
0x1ab: {  	[tilespmem:s21+$0x1606E] =	vst v5  }
0x1ac: {  	[tilespmem:s21+$0x160BB] =	vst v10  }
0x1ad: {  	v1 =	vld.idx.msk [tilespmem:v0+s18+$0x6E0 ss:$0x1], $0xffff  }
0x1ae: {  	v2 =	vld.idx.msk [tilespmem:v0+s18+$0x6F0 ss:$0x1], $0xffff  }
0x1af: {  	v3 =	vld.idx.msk [tilespmem:v0+s18+$0x700 ss:$0x1], $0xffff  }
0x1b0: {  	v4 =	vld.idx.msk [tilespmem:v0+s18+$0x710 ss:$0x1], $0xffff  }
0x1b1: {  	v5 =	vld.idx.msk [tilespmem:v0+s18+$0x71D ss:$0x1], $0xffff  }
0x1b2: {  	v6 =	vld.idx.msk [tilespmem:v0+s18+$0x730 ss:$0x1], $0xffff  }
0x1b3: {  	v7 =	vld.idx.msk [tilespmem:v0+s18+$0x740 ss:$0x1], $0xffff  }
0x1b4: {  	v8 =	vld.idx.msk [tilespmem:v0+s18+$0x750 ss:$0x1], $0xffff  }
0x1b5: {  	v9 =	vld.idx.msk [tilespmem:v0+s18+$0x760 ss:$0x1], $0xffff  }
0x1b6: {  	v10 =	vld.idx.msk [tilespmem:v0+s18+$0x76D ss:$0x1], $0xffff;
	[tilespmem:s21+$0x160CB] =	vst v1  }
0x1b7: {  	[tilespmem:s21+$0x160DB] =	vst v2  }
0x1b8: {  	[tilespmem:s21+$0x160EB] =	vst v3  }
0x1b9: {  	[tilespmem:s21+$0x160FB] =	vst v4  }
0x1ba: {  	[tilespmem:s19+$0x16108] =	vst v5  }
0x1bb: {  	[tilespmem:s19+$0x16118] =	vst v6  }
0x1bc: {  	[tilespmem:s19+$0x16128] =	vst v7  }
0x1bd: {  	[tilespmem:s19+$0x16138] =	vst v8  }
0x1be: {  	[tilespmem:s19+$0x16148] =	vst v9  }
0x1bf: {  	[tilespmem:s21+$0x16155] =	vst v10  }
0x1c0: {  	v1 =	vld.idx.msk [tilespmem:v0+s18+$0x780 ss:$0x1], $0xffff  }
0x1c1: {  	v2 =	vld.idx.msk [tilespmem:v0+s18+$0x790 ss:$0x1], $0xffff  }
0x1c2: {  	v3 =	vld.idx.msk [tilespmem:v0+s18+$0x7A0 ss:$0x1], $0xffff  }
0x1c3: {  	v4 =	vld.idx.msk [tilespmem:v0+s18+$0x7B0 ss:$0x1], $0xffff  }
0x1c4: {  	v5 =	vld.idx.msk [tilespmem:v0+s18+$0x7BD ss:$0x1], $0xffff  }
0x1c5: {  	v6 =	vld.idx.msk [tilespmem:v0+s18+$0x7D0 ss:$0x1], $0xffff  }
0x1c6: {  	v7 =	vld.idx.msk [tilespmem:v0+s18+$0x7E0 ss:$0x1], $0xffff  }
0x1c7: {  	v8 =	vld.idx.msk [tilespmem:v0+s18+$0x7F0 ss:$0x1], $0xffff  }
0x1c8: {  	v9 =	vld.idx.msk [tilespmem:v0+s18+$0x800 ss:$0x1], $0xffff  }
0x1c9: {  	v10 =	vld.idx.msk [tilespmem:v0+s18+$0x80D ss:$0x1], $0xffff;
	[tilespmem:s21+$0x16165] =	vst v1  }
0x1ca: {  	[tilespmem:s21+$0x16175] =	vst v2  }
0x1cb: {  	[tilespmem:s21+$0x16185] =	vst v3  }
0x1cc: {  	[tilespmem:s21+$0x16195] =	vst v4  }
0x1cd: {  	p1 =	sne.s32 s16, $0xF;
	[tilespmem:s21+$0x161B2] =	vst v6  }
.Ltmp4:
0x1ce: {  	[tilespmem:s21+$0x161C2] =	vst v7;
	(pc) =	sbr.rel @p1 .LBB2_10-.Ltmp4, $4  }
0x1cf: {  	[tilespmem:s21+$0x161D2] =	vst v8  }
0x1d0: {  	[tilespmem:s21+$0x161E2] =	vst v9  }
0x1d1: {  	[tilespmem:s21+$0x161A2] =	vst v5  }
0x1d2: {  	s16 =	sadd.s32 $0x1, s16;
	[tilespmem:s21+$0x161EF] =	vst v10  }
0x1d3: {  	s0 =	sshll.u32 s0, $0x4  }
0x1d4: {  	s0 =	sadd.s32 s6, s0  }
0x1d5: {  	p1 =	sne.s32 s3, $0x20;
	s0 =	smul.u32 $0x7DF, s0  }
.Ltmp5:
0x1d6: {  	_ = 	snop;
	(pc) =	sbr.rel @p1 .LBB2_4-.Ltmp5, $4  }
0x1d7: {  	s0 =	sshrl.u32 s0, $0x3  }
0x1d8: {  	s0 =	sadd.s32 s4, s0  }
0x1d9: {  	[hbm4b:s0+s5] =	stream.linear.scatter [tilespmem:s30], [sflag:$0x3], $0x7DF0, $0x38;
	[tilespmem:$0x1D810] =	vst v63  }
0x1da: {  	p0 =	por !p0, !p0;
	s0 =	smov.u32 s3  }
0x1db: {  	s31 =	sadd.s32 $0x1, s31  }
0x1dc: {  	p0 =	sne.s32 s31, s12  }
.Ltmp6:
0x1dd: {  	_ = 	snop;
	(pc) =	sbr.rel @p0 .LBB2_1-.Ltmp6, $4  }
0x1de: {  	_ = 	snop  }
0x1df: {  	_ =	swait.ge [sflag:s29], $0x7DF0  }
0x1e0: {  	[sflag:s29] =	ssyncset.done $0x0  }
0x1e1: {  	[sflag:s29] =	ssyncadd.s32 $0xFFFF8210  }
0x1e2: {  	_ =	sfence.sel $0x180000  }
0x1e3: {  	[bflag:$0x0] =	sbarrier.arrive $0xFFFF  }
0x1e4: {  	_ =	strace $0x90000047  }
0x1e5: {  	s0 =	stileid.u32;
	[bflag:$0x2] =	sbarrier.arrive $0xFFFF  }
0x1e6: {  	p0 =	sne.s32 s0, $0x0;
	s0 =	rddreg [dreg:$0x4]  }
0x1e7: {  	s0 =	sadd.s32 @!p0 $0x100000, s0  }
0x1e8: {  	[sflag:s0] =	ssyncadd.tile.s32 @!p0 $0x1;
	_ =	shalt  }
.Lfunc_end2:
_tile_overlayer_lowered:
.L_overlay_start_2:
0x1e9: {  	(tag) =	ssettag $0x2  }
0x1ea: {  	s0 =	rddreg [dreg:$0x0];
	s2 =	stileid.u32  }
0x1eb: {  	s1 =	rddreg [dreg:$0x1];
	p0 =	sne.s32 s2, $0x0  }
0x1ec: {  	s3 =	rddreg [dreg:$0x2];
	[bflag:$0x3] =	sbarrier.arrive $0xFFFF;
	s2 =	simm.s32 @!p0 $0x1C04  }
0x1ed: {  	[timem:s3], [sflag:s2] =	dma.local @!p0 [hbm:s0], s1  }
0x1ee: {  	s0 =	simm.s32 @!p0 $0x4  }
0x1ef: {  	_ =	swait.ge @!p0 [sflag:s0], s1  }
0x1f0: {  	s1 =	ssub.s32 @!p0 $0x0, s1;
	[sflag:s0] =	ssyncset.done @!p0 $0x0  }
0x1f1: {  	[sflag:s0] =	ssyncadd.s32 @!p0 s1  }
0x1f2: {  	[bflag:$0x3] =	sbarrier.arrive $0xFFFF  }
0x1f3: {  	_ =	shalt  }

</sc_bundles>
